<compile_context>
chip_gen: v7x
topology: tpu7x:2x2x1
jax: 0.10.2.dev20260603
libtpu: 0.0.44.dev20260713+nightly
codegen_flags: <defaults>
</compile_context>

<pallas_src>
import functools

import jax
import jax.numpy as jnp
from jax import lax
from jax.experimental import pallas as pl
from jax.experimental.pallas import tpu as pltpu
from jax.experimental.pallas import tpu_sc as plsc

THRESH = 0.5
MARGIN = 1.0
WEIGHT = 1.0
PULL_W = 1.0
PUSH_W = 1.0

_NC = 2
_NS = 16
_NW = _NC * _NS
_L = 16

_B_SC = 32
_ROWS = 64
_G_TC = 16


def _sc_body(adj_hbm, pull_hbm, push_hbm, out_hbm,
             a0, a1, p0, p1, q0, q1, sem0, sem1):
    g = lax.axis_index("s") * _NC + lax.axis_index("c")
    n = adj_hbm.shape[1]
    nn = n * n
    nchunk = n // _ROWS
    abuf, pbuf, qbuf = (a0, a1), (p0, p1), (q0, q1)
    sems = (sem0, sem1)

    def start(c, par):
        r0 = c * _ROWS
        return (
            pltpu.async_copy(adj_hbm.at[g, pl.ds(r0, _ROWS), :], abuf[par], sems[par]),
            pltpu.async_copy(pull_hbm.at[0, g, pl.ds(r0, _ROWS), :], pbuf[par], sems[par]),
            pltpu.async_copy(push_hbm.at[0, g, pl.ds(r0, _ROWS), :], qbuf[par], sems[par]),
        )

    pull_acc = jnp.zeros((_L,), jnp.float32)
    push_acc = jnp.zeros((_L,), jnp.float32)
    pending = start(0, 0)
    for c in range(nchunk):
        par = c & 1
        nxt = start(c + 1, 1 - par) if c + 1 < nchunk else None
        for h in pending:
            h.wait()
        av, pv, qv = abuf[par], pbuf[par], qbuf[par]

        def inner(r, carry, av=av, pv=pv, qv=qv):
            pa, sa = carry
            for j in range(n // _L):
                sl = pl.ds(j * _L, _L)
                a = jnp.where(av[r, sl] > THRESH, 1.0, 0.0)
                dp = a - pv[r, sl]
                dq = a - qv[r, sl]
                pa = pa + dp * dp
                sa = sa + dq * dq
            return pa, sa

        pull_acc, push_acc = lax.fori_loop(
            0, _ROWS, inner, (pull_acc, push_acc))
        pending = nxt

    pull_sum, push_sum = 0.0, 0.0
    for i in range(_L):
        pull_sum += pull_acc[i]
        push_sum += push_acc[i]
    inv = 1.0 / nn
    pull_mse = pull_sum * inv
    push_mse = push_sum * inv
    contrib = PULL_W * pull_mse + PUSH_W * jnp.maximum(MARGIN - push_mse, 0.0)
    a0[0, pl.ds(0, _L)] = jnp.full((_L,), contrib, jnp.float32)
    pltpu.sync_copy(a0.at[0, pl.ds(0, _L)], out_hbm.at[pl.ds(g * _L, _L)])


def _sc_contribs(adj, ref_pull, ref_push):
    n = adj.shape[1]
    mesh = plsc.VectorSubcoreMesh(
        core_axis_name="c", subcore_axis_name="s",
        num_cores=_NC, num_subcores=_NS)
    vbuf = pltpu.VMEM((_ROWS, n), jnp.float32)
    return pl.kernel(
        _sc_body,
        out_type=jax.ShapeDtypeStruct((_NW * _L,), jnp.float32),
        mesh=mesh,
        scratch_types=[vbuf, vbuf, vbuf, vbuf, vbuf, vbuf,
                       pltpu.SemaphoreType.DMA, pltpu.SemaphoreType.DMA],
    )(adj, ref_pull, ref_push)


def _tc_body(adj_ref, pull_ref, push_ref, out_ref, acc_ref, *, g, n, nsteps):
    i = pl.program_id(0)
    inv_nn = 1.0 / (n * n)

    @pl.when(i == 0)
    def _init():
        acc_ref[0] = 0.0

    contrib = 0.0
    for gg in range(g):
        a = (adj_ref[gg] > THRESH).astype(jnp.float32)
        dp = a - pull_ref[0, gg]
        ds = a - push_ref[0, gg]
        pull_mse = jnp.sum(dp * dp) * inv_nn
        push_mse = jnp.sum(ds * ds) * inv_nn
        contrib += PULL_W * pull_mse + PUSH_W * jnp.maximum(MARGIN - push_mse, 0.0)
    acc_ref[0] += contrib

    @pl.when(i == nsteps - 1)
    def _fin():
        out_ref[0, 0] = acc_ref[0]


def _tc_sum(adj, ref_pull, ref_push):
    B, N, _ = adj.shape
    b_tc = B - _B_SC
    off = _B_SC // _G_TC
    nsteps = b_tc // _G_TC
    out = pl.pallas_call(
        functools.partial(_tc_body, g=_G_TC, n=N, nsteps=nsteps),
        grid=(nsteps,),
        in_specs=[
            pl.BlockSpec((_G_TC, N, N), lambda i: (i + off, 0, 0)),
            pl.BlockSpec((1, _G_TC, N, N), lambda i: (0, i + off, 0, 0)),
            pl.BlockSpec((1, _G_TC, N, N), lambda i: (0, i + off, 0, 0)),
        ],
        out_specs=pl.BlockSpec((1, 1), lambda i: (0, 0), memory_space=pltpu.SMEM),
        out_shape=jax.ShapeDtypeStruct((1, 1), jnp.float32),
        scratch_shapes=[pltpu.SMEM((1,), jnp.float32)],
    )(adj, ref_pull, ref_push)
    return out[0, 0]


def kernel(adj, ref_pull, ref_push):
    B, N, _ = adj.shape
    sc = _sc_contribs(adj, ref_pull, ref_push)
    tc = _tc_sum(adj, ref_pull, ref_push)
    return (tc + jnp.sum(sc.reshape(_NW, _L)[:, 0])) * (WEIGHT / B)

# --- scband reference (transcript-rebuilt; emitter-appended) ---
"""Pipeline reference for scband-graph-distance-contrastive-loss-84318797955116 (READ-ONLY COPY).

The authoritative reference and input builder live on the scoring server;
editing this copy changes nothing except your own understanding.
"""

import jax, jax.numpy as jnp
import numpy as np

THRESH = 0.5
MARGIN = 1.0
WEIGHT = 1.0
PULL_W = 1.0
PUSH_W = 1.0


def _straight_through_binary(p, thresh=THRESH):
    hard = (p > thresh).astype(p.dtype)
    return jax.lax.stop_gradient(hard) + p - jax.lax.stop_gradient(p)


def _adjacency_distance(a_gen, ref_stack):
    # a_gen: [B, N, N]; ref_stack: [S, B, N, N]
    diff = a_gen[None, ...] - ref_stack
    S, B = diff.shape[0], diff.shape[1]
    return jnp.mean(diff.reshape(S, B, -1) ** 2, axis=-1)  # [S, B] per-graph Frobenius MSE


def setup_inputs(seed: int = 0) -> dict:
    key = jax.random.key(seed)
    k1, k2, k3 = jax.random.split(key, 3)
    B, N, S = 128, 256, 1
    adj = jax.random.uniform(k1, (B, N, N), dtype=jnp.float32)
    ref_pull = (jax.random.uniform(k2, (S, B, N, N), dtype=jnp.float32) > 0.5).astype(jnp.float32)
    ref_push = (jax.random.uniform(k3, (S, B, N, N), dtype=jnp.float32) > 0.5).astype(jnp.float32)
    return {"adj": adj, "ref_pull": ref_pull, "ref_push": ref_push}


def reference(adj, ref_pull, ref_push):
    # Straight-through binarization of generated dense adjacency
    a_ste = _straight_through_binary(adj, THRESH)
    # Pull term: distance to same-class reference graphs (sample_size stack)
    pull_stack = _adjacency_distance(a_ste, ref_pull)  # [S, B]
    pull_mean = pull_stack.mean()
    # Push term: margin penalty against other-class reference graphs
    push_stack = _adjacency_distance(a_ste, ref_push)  # [S, B]
    push_penalty = jax.nn.relu(MARGIN - push_stack).mean()
    pull_component = WEIGHT * PULL_W * pull_mean
    push_component = WEIGHT * PUSH_W * push_penalty
    total = pull_component + push_component
    return total

if __name__ == "__main__":
    import jax
    _d = setup_inputs()
    print(jax.jit(kernel)(*tuple(_d.values())))

</pallas_src>

<mosaic_0001>
#map = affine_map<(d0, d1) -> (0, 0, 0)>
#map1 = affine_map<(d0, d1) -> (0, 0, 0, 0)>
#map2 = affine_map<(d0, d1) -> (0)>
module attributes {stable_mosaic.version = 14 : i64} {
  func.func @_sc_body(%arg0: i32, %arg1: i32, %arg2: memref<128x256x256xf32, #tpu.memory_space<hbm>>, %arg3: memref<1x128x256x256xf32, #tpu.memory_space<hbm>>, %arg4: memref<1x128x256x256xf32, #tpu.memory_space<hbm>>, %arg5: memref<512xf32, #tpu.memory_space<hbm>>, %arg6: memref<64x256xf32, #tpu.memory_space<vmem>>, %arg7: memref<64x256xf32, #tpu.memory_space<vmem>>, %arg8: memref<64x256xf32, #tpu.memory_space<vmem>>, %arg9: memref<64x256xf32, #tpu.memory_space<vmem>>, %arg10: memref<64x256xf32, #tpu.memory_space<vmem>>, %arg11: memref<64x256xf32, #tpu.memory_space<vmem>>, %arg12: memref<!tpu.dma_semaphore, #tpu.memory_space<semaphore_mem>>, %arg13: memref<!tpu.dma_semaphore, #tpu.memory_space<semaphore_mem>>) attributes {dimension_semantics = [#tpu.dimension_semantics<core_parallel>, #tpu.dimension_semantics<subcore_parallel>], iteration_bounds = array<i64: 2, 16>, scalar_prefetch = 0 : i64, scratch_operands = 8 : i64, tpu.core_type = #tpu.core_type<sc_vector_subcore>, window_params = [{transform_indices = #map}, {transform_indices = #map1}, {transform_indices = #map1}, {transform_indices = #map2}]} {
    %mul3A = arith.constant 2 : i32
    %mul3A_0 = arith.muli %arg1, %mul3A : i32
    %add3A = arith.addi %mul3A_0, %arg0 : i32
    %broadcast_in_dim3A = arith.constant 0.000000e+00 : f32
    %broadcast_in_dim3A_1 = vector.broadcast %broadcast_in_dim3A : f32 to vector<16xf32>
    %broadcast_in_dim3A_2 = arith.constant 0.000000e+00 : f32
    %broadcast_in_dim3A_3 = vector.broadcast %broadcast_in_dim3A_2 : f32 to vector<16xf32>
    %dma_start3A = arith.constant 0 : i32
    %dma_start3A_4 = arith.constant 0 : i32
    %dma_start3A_5 = tpu.memref_slice %arg2[%add3A, %dma_start3A, %dma_start3A_4] : memref<128x256x256xf32, #tpu.memory_space<hbm>> -> memref<1x64x256xf32, #tpu.memory_space<hbm>>
    %dma_start3A_6 = tpu.memref_squeeze %dma_start3A_5 : memref<1x64x256xf32, #tpu.memory_space<hbm>> -> memref<64x256xf32, #tpu.memory_space<hbm>>
    %dma_start3A_7 = arith.constant 0 : i32
    %dma_start3A_8 = arith.constant 0 : i32
    %dma_start3A_9 = tpu.memref_slice %arg2[%add3A, %dma_start3A_7, %dma_start3A_8] : memref<128x256x256xf32, #tpu.memory_space<hbm>> -> memref<1x64x256xf32, #tpu.memory_space<hbm>>
    %dma_start3A_10 = tpu.memref_squeeze %dma_start3A_9 : memref<1x64x256xf32, #tpu.memory_space<hbm>> -> memref<64x256xf32, #tpu.memory_space<hbm>>
    tpu.enqueue_dma source(%dma_start3A_10 : memref<64x256xf32, #tpu.memory_space<hbm>>) target(%arg6 : memref<64x256xf32, #tpu.memory_space<vmem>>) target_semaphore(%arg12 : memref<!tpu.dma_semaphore, #tpu.memory_space<semaphore_mem>>)
    %dma_start3A_11 = arith.constant 0 : i32
    %dma_start3A_12 = arith.constant 0 : i32
    %dma_start3A_13 = arith.constant 0 : i32
    %dma_start3A_14 = tpu.memref_slice %arg3[%dma_start3A_11, %add3A, %dma_start3A_12, %dma_start3A_13] : memref<1x128x256x256xf32, #tpu.memory_space<hbm>> -> memref<1x1x64x256xf32, #tpu.memory_space<hbm>>
    %dma_start3A_15 = tpu.memref_squeeze %dma_start3A_14 : memref<1x1x64x256xf32, #tpu.memory_space<hbm>> -> memref<64x256xf32, #tpu.memory_space<hbm>>
    %dma_start3A_16 = arith.constant 0 : i32
    %dma_start3A_17 = arith.constant 0 : i32
    %dma_start3A_18 = tpu.memref_slice %arg3[%dma_start3A_11, %add3A, %dma_start3A_16, %dma_start3A_17] : memref<1x128x256x256xf32, #tpu.memory_space<hbm>> -> memref<1x1x64x256xf32, #tpu.memory_space<hbm>>
    %dma_start3A_19 = tpu.memref_squeeze %dma_start3A_18 : memref<1x1x64x256xf32, #tpu.memory_space<hbm>> -> memref<64x256xf32, #tpu.memory_space<hbm>>
    tpu.enqueue_dma source(%dma_start3A_19 : memref<64x256xf32, #tpu.memory_space<hbm>>) target(%arg8 : memref<64x256xf32, #tpu.memory_space<vmem>>) target_semaphore(%arg12 : memref<!tpu.dma_semaphore, #tpu.memory_space<semaphore_mem>>)
    %dma_start3A_20 = arith.constant 0 : i32
    %dma_start3A_21 = arith.constant 0 : i32
    %dma_start3A_22 = arith.constant 0 : i32
    %dma_start3A_23 = tpu.memref_slice %arg4[%dma_start3A_20, %add3A, %dma_start3A_21, %dma_start3A_22] : memref<1x128x256x256xf32, #tpu.memory_space<hbm>> -> memref<1x1x64x256xf32, #tpu.memory_space<hbm>>
    %dma_start3A_24 = tpu.memref_squeeze %dma_start3A_23 : memref<1x1x64x256xf32, #tpu.memory_space<hbm>> -> memref<64x256xf32, #tpu.memory_space<hbm>>
    %dma_start3A_25 = arith.constant 0 : i32
    %dma_start3A_26 = arith.constant 0 : i32
    %dma_start3A_27 = tpu.memref_slice %arg4[%dma_start3A_20, %add3A, %dma_start3A_25, %dma_start3A_26] : memref<1x128x256x256xf32, #tpu.memory_space<hbm>> -> memref<1x1x64x256xf32, #tpu.memory_space<hbm>>
    %dma_start3A_28 = tpu.memref_squeeze %dma_start3A_27 : memref<1x1x64x256xf32, #tpu.memory_space<hbm>> -> memref<64x256xf32, #tpu.memory_space<hbm>>
    tpu.enqueue_dma source(%dma_start3A_28 : memref<64x256xf32, #tpu.memory_space<hbm>>) target(%arg10 : memref<64x256xf32, #tpu.memory_space<vmem>>) target_semaphore(%arg12 : memref<!tpu.dma_semaphore, #tpu.memory_space<semaphore_mem>>)
    %dma_start3A_29 = arith.constant 64 : i32
    %dma_start3A_30 = arith.constant 0 : i32
    %dma_start3A_31 = tpu.memref_slice %arg2[%add3A, %dma_start3A_29, %dma_start3A_30] : memref<128x256x256xf32, #tpu.memory_space<hbm>> -> memref<1x64x256xf32, #tpu.memory_space<hbm>>
    %dma_start3A_32 = tpu.memref_squeeze %dma_start3A_31 : memref<1x64x256xf32, #tpu.memory_space<hbm>> -> memref<64x256xf32, #tpu.memory_space<hbm>>
    %dma_start3A_33 = arith.constant 64 : i32
    %dma_start3A_34 = arith.constant 0 : i32
    %dma_start3A_35 = tpu.memref_slice %arg2[%add3A, %dma_start3A_33, %dma_start3A_34] : memref<128x256x256xf32, #tpu.memory_space<hbm>> -> memref<1x64x256xf32, #tpu.memory_space<hbm>>
    %dma_start3A_36 = tpu.memref_squeeze %dma_start3A_35 : memref<1x64x256xf32, #tpu.memory_space<hbm>> -> memref<64x256xf32, #tpu.memory_space<hbm>>
    tpu.enqueue_dma source(%dma_start3A_36 : memref<64x256xf32, #tpu.memory_space<hbm>>) target(%arg7 : memref<64x256xf32, #tpu.memory_space<vmem>>) target_semaphore(%arg13 : memref<!tpu.dma_semaphore, #tpu.memory_space<semaphore_mem>>)
    %dma_start3A_37 = arith.constant 0 : i32
    %dma_start3A_38 = arith.constant 64 : i32
    %dma_start3A_39 = arith.constant 0 : i32
    %dma_start3A_40 = tpu.memref_slice %arg3[%dma_start3A_37, %add3A, %dma_start3A_38, %dma_start3A_39] : memref<1x128x256x256xf32, #tpu.memory_space<hbm>> -> memref<1x1x64x256xf32, #tpu.memory_space<hbm>>
    %dma_start3A_41 = tpu.memref_squeeze %dma_start3A_40 : memref<1x1x64x256xf32, #tpu.memory_space<hbm>> -> memref<64x256xf32, #tpu.memory_space<hbm>>
    %dma_start3A_42 = arith.constant 64 : i32
    %dma_start3A_43 = arith.constant 0 : i32
    %dma_start3A_44 = tpu.memref_slice %arg3[%dma_start3A_37, %add3A, %dma_start3A_42, %dma_start3A_43] : memref<1x128x256x256xf32, #tpu.memory_space<hbm>> -> memref<1x1x64x256xf32, #tpu.memory_space<hbm>>
    %dma_start3A_45 = tpu.memref_squeeze %dma_start3A_44 : memref<1x1x64x256xf32, #tpu.memory_space<hbm>> -> memref<64x256xf32, #tpu.memory_space<hbm>>
    tpu.enqueue_dma source(%dma_start3A_45 : memref<64x256xf32, #tpu.memory_space<hbm>>) target(%arg9 : memref<64x256xf32, #tpu.memory_space<vmem>>) target_semaphore(%arg13 : memref<!tpu.dma_semaphore, #tpu.memory_space<semaphore_mem>>)
    %dma_start3A_46 = arith.constant 0 : i32
    %dma_start3A_47 = arith.constant 64 : i32
    %dma_start3A_48 = arith.constant 0 : i32
    %dma_start3A_49 = tpu.memref_slice %arg4[%dma_start3A_46, %add3A, %dma_start3A_47, %dma_start3A_48] : memref<1x128x256x256xf32, #tpu.memory_space<hbm>> -> memref<1x1x64x256xf32, #tpu.memory_space<hbm>>
    %dma_start3A_50 = tpu.memref_squeeze %dma_start3A_49 : memref<1x1x64x256xf32, #tpu.memory_space<hbm>> -> memref<64x256xf32, #tpu.memory_space<hbm>>
    %dma_start3A_51 = arith.constant 64 : i32
    %dma_start3A_52 = arith.constant 0 : i32
    %dma_start3A_53 = tpu.memref_slice %arg4[%dma_start3A_46, %add3A, %dma_start3A_51, %dma_start3A_52] : memref<1x128x256x256xf32, #tpu.memory_space<hbm>> -> memref<1x1x64x256xf32, #tpu.memory_space<hbm>>
    %dma_start3A_54 = tpu.memref_squeeze %dma_start3A_53 : memref<1x1x64x256xf32, #tpu.memory_space<hbm>> -> memref<64x256xf32, #tpu.memory_space<hbm>>
    tpu.enqueue_dma source(%dma_start3A_54 : memref<64x256xf32, #tpu.memory_space<hbm>>) target(%arg11 : memref<64x256xf32, #tpu.memory_space<vmem>>) target_semaphore(%arg13 : memref<!tpu.dma_semaphore, #tpu.memory_space<semaphore_mem>>)
    %dma_wait3A = arith.constant 0 : i32
    %dma_wait3A_55 = arith.constant 0 : i32
    %dma_wait3A_56 = tpu.memref_slice %arg2[%add3A, %dma_wait3A, %dma_wait3A_55] : memref<128x256x256xf32, #tpu.memory_space<hbm>> -> memref<1x64x256xf32, #tpu.memory_space<hbm>>
    %dma_wait3A_57 = tpu.memref_squeeze %dma_wait3A_56 : memref<1x64x256xf32, #tpu.memory_space<hbm>> -> memref<64x256xf32, #tpu.memory_space<hbm>>
    %dma_wait3A_58 = arith.constant 0 : i32
    %dma_wait3A_59 = arith.constant 0 : i32
    %dma_wait3A_60 = tpu.memref_slice %arg2[%add3A, %dma_wait3A_58, %dma_wait3A_59] : memref<128x256x256xf32, #tpu.memory_space<hbm>> -> memref<1x64x256xf32, #tpu.memory_space<hbm>>
    %dma_wait3A_61 = tpu.memref_squeeze %dma_wait3A_60 : memref<1x64x256xf32, #tpu.memory_space<hbm>> -> memref<64x256xf32, #tpu.memory_space<hbm>>
    tpu.wait_dma2 semaphore(%arg12 : memref<!tpu.dma_semaphore, #tpu.memory_space<semaphore_mem>>) src(%dma_wait3A_61 : memref<64x256xf32, #tpu.memory_space<hbm>>) dst(%arg6 : memref<64x256xf32, #tpu.memory_space<vmem>>)
    %dma_wait3A_62 = arith.constant 0 : i32
    %dma_wait3A_63 = arith.constant 0 : i32
    %dma_wait3A_64 = arith.constant 0 : i32
    %dma_wait3A_65 = tpu.memref_slice %arg3[%dma_wait3A_62, %add3A, %dma_wait3A_63, %dma_wait3A_64] : memref<1x128x256x256xf32, #tpu.memory_space<hbm>> -> memref<1x1x64x256xf32, #tpu.memory_space<hbm>>
    %dma_wait3A_66 = tpu.memref_squeeze %dma_wait3A_65 : memref<1x1x64x256xf32, #tpu.memory_space<hbm>> -> memref<64x256xf32, #tpu.memory_space<hbm>>
    %dma_wait3A_67 = arith.constant 0 : i32
    %dma_wait3A_68 = arith.constant 0 : i32
    %dma_wait3A_69 = tpu.memref_slice %arg3[%dma_wait3A_62, %add3A, %dma_wait3A_67, %dma_wait3A_68] : memref<1x128x256x256xf32, #tpu.memory_space<hbm>> -> memref<1x1x64x256xf32, #tpu.memory_space<hbm>>
    %dma_wait3A_70 = tpu.memref_squeeze %dma_wait3A_69 : memref<1x1x64x256xf32, #tpu.memory_space<hbm>> -> memref<64x256xf32, #tpu.memory_space<hbm>>
    tpu.wait_dma2 semaphore(%arg12 : memref<!tpu.dma_semaphore, #tpu.memory_space<semaphore_mem>>) src(%dma_wait3A_70 : memref<64x256xf32, #tpu.memory_space<hbm>>) dst(%arg8 : memref<64x256xf32, #tpu.memory_space<vmem>>)
    %dma_wait3A_71 = arith.constant 0 : i32
    %dma_wait3A_72 = arith.constant 0 : i32
    %dma_wait3A_73 = arith.constant 0 : i32
    %dma_wait3A_74 = tpu.memref_slice %arg4[%dma_wait3A_71, %add3A, %dma_wait3A_72, %dma_wait3A_73] : memref<1x128x256x256xf32, #tpu.memory_space<hbm>> -> memref<1x1x64x256xf32, #tpu.memory_space<hbm>>
    %dma_wait3A_75 = tpu.memref_squeeze %dma_wait3A_74 : memref<1x1x64x256xf32, #tpu.memory_space<hbm>> -> memref<64x256xf32, #tpu.memory_space<hbm>>
    %dma_wait3A_76 = arith.constant 0 : i32
    %dma_wait3A_77 = arith.constant 0 : i32
    %dma_wait3A_78 = tpu.memref_slice %arg4[%dma_wait3A_71, %add3A, %dma_wait3A_76, %dma_wait3A_77] : memref<1x128x256x256xf32, #tpu.memory_space<hbm>> -> memref<1x1x64x256xf32, #tpu.memory_space<hbm>>
    %dma_wait3A_79 = tpu.memref_squeeze %dma_wait3A_78 : memref<1x1x64x256xf32, #tpu.memory_space<hbm>> -> memref<64x256xf32, #tpu.memory_space<hbm>>
    tpu.wait_dma2 semaphore(%arg12 : memref<!tpu.dma_semaphore, #tpu.memory_space<semaphore_mem>>) src(%dma_wait3A_79 : memref<64x256xf32, #tpu.memory_space<hbm>>) dst(%arg10 : memref<64x256xf32, #tpu.memory_space<vmem>>)
    %scan3A = arith.constant 0 : i32
    %scan3A_80 = arith.constant 64 : i32
    %scan3A_81 = arith.addi %scan3A, %scan3A_80 : i32
    %scan3A_82 = arith.constant 1 : i32
    %scan3A_83:2 = scf.for %scan3A_348 = %scan3A to %scan3A_81 step %scan3A_82 iter_args(%scan3A_349 = %broadcast_in_dim3A_1, %scan3A_350 = %broadcast_in_dim3A_3) -> (vector<16xf32>, vector<16xf32>)  : i32 {
      %get3A = arith.index_cast %scan3A_348 : i32 to index
      %get3A_351 = arith.constant 0 : index
      %get3A_352 = tpu.vector_load %arg6[%get3A, %get3A_351] {strides = array<i32>} : memref<64x256xf32, #tpu.memory_space<vmem>>, vector<1x16xf32>,
      %get3A_353 = vector.shape_cast %get3A_352 : vector<1x16xf32> to vector<16xf32>
      %gt3A = arith.constant 5.000000e-01 : f32
      %gt3A_354 = vector.broadcast %gt3A : f32 to vector<16xf32>
      %gt3A_355 = arith.cmpf ogt, %get3A_353, %gt3A_354 : vector<16xf32>
      %jit3A = arith.constant 1.000000e+00 : f32
      %jit3A_356 = arith.constant 0.000000e+00 : f32
      %broadcast_in_dim3A_357 = vector.broadcast %jit3A : f32 to vector<16xf32>
      %broadcast_in_dim3A_358 = vector.broadcast %jit3A_356 : f32 to vector<16xf32>
      %select_n3A = arith.select %gt3A_355, %broadcast_in_dim3A_357, %broadcast_in_dim3A_358 : vector<16xi1>, vector<16xf32>
      %get3A_359 = arith.index_cast %scan3A_348 : i32 to index
      %get3A_360 = arith.constant 0 : index
      %get3A_361 = tpu.vector_load %arg8[%get3A_359, %get3A_360] {strides = array<i32>} : memref<64x256xf32, #tpu.memory_space<vmem>>, vector<1x16xf32>,
      %get3A_362 = vector.shape_cast %get3A_361 : vector<1x16xf32> to vector<16xf32>
      %sub3A_363 = arith.subf %select_n3A, %get3A_362 : vector<16xf32>
      %get3A_364 = arith.index_cast %scan3A_348 : i32 to index
      %get3A_365 = arith.constant 0 : index
      %get3A_366 = tpu.vector_load %arg10[%get3A_364, %get3A_365] {strides = array<i32>} : memref<64x256xf32, #tpu.memory_space<vmem>>, vector<1x16xf32>,
      %get3A_367 = vector.shape_cast %get3A_366 : vector<1x16xf32> to vector<16xf32>
      %sub3A_368 = arith.subf %select_n3A, %get3A_367 : vector<16xf32>
      %mul3A_369 = arith.mulf %sub3A_363, %sub3A_363 : vector<16xf32>
      %add3A_370 = arith.addf %scan3A_349, %mul3A_369 : vector<16xf32>
      %mul3A_371 = arith.mulf %sub3A_368, %sub3A_368 : vector<16xf32>
      %add3A_372 = arith.addf %scan3A_350, %mul3A_371 : vector<16xf32>
      %get3A_373 = arith.index_cast %scan3A_348 : i32 to index
      %get3A_374 = arith.constant 16 : index
      %get3A_375 = tpu.vector_load %arg6[%get3A_373, %get3A_374] {strides = array<i32>} : memref<64x256xf32, #tpu.memory_space<vmem>>, vector<1x16xf32>,
      %get3A_376 = vector.shape_cast %get3A_375 : vector<1x16xf32> to vector<16xf32>
      %gt3A_377 = arith.constant 5.000000e-01 : f32
      %gt3A_378 = vector.broadcast %gt3A_377 : f32 to vector<16xf32>
      %gt3A_379 = arith.cmpf ogt, %get3A_376, %gt3A_378 : vector<16xf32>
      %jit3A_380 = arith.constant 1.000000e+00 : f32
      %jit3A_381 = arith.constant 0.000000e+00 : f32
      %broadcast_in_dim3A_382 = vector.broadcast %jit3A_380 : f32 to vector<16xf32>
      %broadcast_in_dim3A_383 = vector.broadcast %jit3A_381 : f32 to vector<16xf32>
      %select_n3A_384 = arith.select %gt3A_379, %broadcast_in_dim3A_382, %broadcast_in_dim3A_383 : vector<16xi1>, vector<16xf32>
      %get3A_385 = arith.index_cast %scan3A_348 : i32 to index
      %get3A_386 = arith.constant 16 : index
      %get3A_387 = tpu.vector_load %arg8[%get3A_385, %get3A_386] {strides = array<i32>} : memref<64x256xf32, #tpu.memory_space<vmem>>, vector<1x16xf32>,
      %get3A_388 = vector.shape_cast %get3A_387 : vector<1x16xf32> to vector<16xf32>
      %sub3A_389 = arith.subf %select_n3A_384, %get3A_388 : vector<16xf32>
      %get3A_390 = arith.index_cast %scan3A_348 : i32 to index
      %get3A_391 = arith.constant 16 : index
      %get3A_392 = tpu.vector_load %arg10[%get3A_390, %get3A_391] {strides = array<i32>} : memref<64x256xf32, #tpu.memory_space<vmem>>, vector<1x16xf32>,
      %get3A_393 = vector.shape_cast %get3A_392 : vector<1x16xf32> to vector<16xf32>
      %sub3A_394 = arith.subf %select_n3A_384, %get3A_393 : vector<16xf32>
      %mul3A_395 = arith.mulf %sub3A_389, %sub3A_389 : vector<16xf32>
      %add3A_396 = arith.addf %add3A_370, %mul3A_395 : vector<16xf32>
      %mul3A_397 = arith.mulf %sub3A_394, %sub3A_394 : vector<16xf32>
      %add3A_398 = arith.addf %add3A_372, %mul3A_397 : vector<16xf32>
      %get3A_399 = arith.index_cast %scan3A_348 : i32 to index
      %get3A_400 = arith.constant 32 : index
      %get3A_401 = tpu.vector_load %arg6[%get3A_399, %get3A_400] {strides = array<i32>} : memref<64x256xf32, #tpu.memory_space<vmem>>, vector<1x16xf32>,
      %get3A_402 = vector.shape_cast %get3A_401 : vector<1x16xf32> to vector<16xf32>
      %gt3A_403 = arith.constant 5.000000e-01 : f32
      %gt3A_404 = vector.broadcast %gt3A_403 : f32 to vector<16xf32>
      %gt3A_405 = arith.cmpf ogt, %get3A_402, %gt3A_404 : vector<16xf32>
      %jit3A_406 = arith.constant 1.000000e+00 : f32
      %jit3A_407 = arith.constant 0.000000e+00 : f32
      %broadcast_in_dim3A_408 = vector.broadcast %jit3A_406 : f32 to vector<16xf32>
      %broadcast_in_dim3A_409 = vector.broadcast %jit3A_407 : f32 to vector<16xf32>
      %select_n3A_410 = arith.select %gt3A_405, %broadcast_in_dim3A_408, %broadcast_in_dim3A_409 : vector<16xi1>, vector<16xf32>
      %get3A_411 = arith.index_cast %scan3A_348 : i32 to index
      %get3A_412 = arith.constant 32 : index
      %get3A_413 = tpu.vector_load %arg8[%get3A_411, %get3A_412] {strides = array<i32>} : memref<64x256xf32, #tpu.memory_space<vmem>>, vector<1x16xf32>,
      %get3A_414 = vector.shape_cast %get3A_413 : vector<1x16xf32> to vector<16xf32>
      %sub3A_415 = arith.subf %select_n3A_410, %get3A_414 : vector<16xf32>
      %get3A_416 = arith.index_cast %scan3A_348 : i32 to index
      %get3A_417 = arith.constant 32 : index
      %get3A_418 = tpu.vector_load %arg10[%get3A_416, %get3A_417] {strides = array<i32>} : memref<64x256xf32, #tpu.memory_space<vmem>>, vector<1x16xf32>,
      %get3A_419 = vector.shape_cast %get3A_418 : vector<1x16xf32> to vector<16xf32>
      %sub3A_420 = arith.subf %select_n3A_410, %get3A_419 : vector<16xf32>
      %mul3A_421 = arith.mulf %sub3A_415, %sub3A_415 : vector<16xf32>
      %add3A_422 = arith.addf %add3A_396, %mul3A_421 : vector<16xf32>
      %mul3A_423 = arith.mulf %sub3A_420, %sub3A_420 : vector<16xf32>
      %add3A_424 = arith.addf %add3A_398, %mul3A_423 : vector<16xf32>
      %get3A_425 = arith.index_cast %scan3A_348 : i32 to index
      %get3A_426 = arith.constant 48 : index
      %get3A_427 = tpu.vector_load %arg6[%get3A_425, %get3A_426] {strides = array<i32>} : memref<64x256xf32, #tpu.memory_space<vmem>>, vector<1x16xf32>,
      %get3A_428 = vector.shape_cast %get3A_427 : vector<1x16xf32> to vector<16xf32>
      %gt3A_429 = arith.constant 5.000000e-01 : f32
      %gt3A_430 = vector.broadcast %gt3A_429 : f32 to vector<16xf32>
      %gt3A_431 = arith.cmpf ogt, %get3A_428, %gt3A_430 : vector<16xf32>
      %jit3A_432 = arith.constant 1.000000e+00 : f32
      %jit3A_433 = arith.constant 0.000000e+00 : f32
      %broadcast_in_dim3A_434 = vector.broadcast %jit3A_432 : f32 to vector<16xf32>
      %broadcast_in_dim3A_435 = vector.broadcast %jit3A_433 : f32 to vector<16xf32>
      %select_n3A_436 = arith.select %gt3A_431, %broadcast_in_dim3A_434, %broadcast_in_dim3A_435 : vector<16xi1>, vector<16xf32>
      %get3A_437 = arith.index_cast %scan3A_348 : i32 to index
      %get3A_438 = arith.constant 48 : index
      %get3A_439 = tpu.vector_load %arg8[%get3A_437, %get3A_438] {strides = array<i32>} : memref<64x256xf32, #tpu.memory_space<vmem>>, vector<1x16xf32>,
      %get3A_440 = vector.shape_cast %get3A_439 : vector<1x16xf32> to vector<16xf32>
      %sub3A_441 = arith.subf %select_n3A_436, %get3A_440 : vector<16xf32>
      %get3A_442 = arith.index_cast %scan3A_348 : i32 to index
      %get3A_443 = arith.constant 48 : index
      %get3A_444 = tpu.vector_load %arg10[%get3A_442, %get3A_443] {strides = array<i32>} : memref<64x256xf32, #tpu.memory_space<vmem>>, vector<1x16xf32>,
      %get3A_445 = vector.shape_cast %get3A_444 : vector<1x16xf32> to vector<16xf32>
      %sub3A_446 = arith.subf %select_n3A_436, %get3A_445 : vector<16xf32>
      %mul3A_447 = arith.mulf %sub3A_441, %sub3A_441 : vector<16xf32>
      %add3A_448 = arith.addf %add3A_422, %mul3A_447 : vector<16xf32>
      %mul3A_449 = arith.mulf %sub3A_446, %sub3A_446 : vector<16xf32>
      %add3A_450 = arith.addf %add3A_424, %mul3A_449 : vector<16xf32>
      %get3A_451 = arith.index_cast %scan3A_348 : i32 to index
      %get3A_452 = arith.constant 64 : index
      %get3A_453 = tpu.vector_load %arg6[%get3A_451, %get3A_452] {strides = array<i32>} : memref<64x256xf32, #tpu.memory_space<vmem>>, vector<1x16xf32>,
      %get3A_454 = vector.shape_cast %get3A_453 : vector<1x16xf32> to vector<16xf32>
      %gt3A_455 = arith.constant 5.000000e-01 : f32
      %gt3A_456 = vector.broadcast %gt3A_455 : f32 to vector<16xf32>
      %gt3A_457 = arith.cmpf ogt, %get3A_454, %gt3A_456 : vector<16xf32>
      %jit3A_458 = arith.constant 1.000000e+00 : f32
      %jit3A_459 = arith.constant 0.000000e+00 : f32
      %broadcast_in_dim3A_460 = vector.broadcast %jit3A_458 : f32 to vector<16xf32>
      %broadcast_in_dim3A_461 = vector.broadcast %jit3A_459 : f32 to vector<16xf32>
      %select_n3A_462 = arith.select %gt3A_457, %broadcast_in_dim3A_460, %broadcast_in_dim3A_461 : vector<16xi1>, vector<16xf32>
      %get3A_463 = arith.index_cast %scan3A_348 : i32 to index
      %get3A_464 = arith.constant 64 : index
      %get3A_465 = tpu.vector_load %arg8[%get3A_463, %get3A_464] {strides = array<i32>} : memref<64x256xf32, #tpu.memory_space<vmem>>, vector<1x16xf32>,
      %get3A_466 = vector.shape_cast %get3A_465 : vector<1x16xf32> to vector<16xf32>
      %sub3A_467 = arith.subf %select_n3A_462, %get3A_466 : vector<16xf32>
      %get3A_468 = arith.index_cast %scan3A_348 : i32 to index
      %get3A_469 = arith.constant 64 : index
      %get3A_470 = tpu.vector_load %arg10[%get3A_468, %get3A_469] {strides = array<i32>} : memref<64x256xf32, #tpu.memory_space<vmem>>, vector<1x16xf32>,
      %get3A_471 = vector.shape_cast %get3A_470 : vector<1x16xf32> to vector<16xf32>
      %sub3A_472 = arith.subf %select_n3A_462, %get3A_471 : vector<16xf32>
      %mul3A_473 = arith.mulf %sub3A_467, %sub3A_467 : vector<16xf32>
      %add3A_474 = arith.addf %add3A_448, %mul3A_473 : vector<16xf32>
      %mul3A_475 = arith.mulf %sub3A_472, %sub3A_472 : vector<16xf32>
      %add3A_476 = arith.addf %add3A_450, %mul3A_475 : vector<16xf32>
      %get3A_477 = arith.index_cast %scan3A_348 : i32 to index
      %get3A_478 = arith.constant 80 : index
      %get3A_479 = tpu.vector_load %arg6[%get3A_477, %get3A_478] {strides = array<i32>} : memref<64x256xf32, #tpu.memory_space<vmem>>, vector<1x16xf32>,
      %get3A_480 = vector.shape_cast %get3A_479 : vector<1x16xf32> to vector<16xf32>
      %gt3A_481 = arith.constant 5.000000e-01 : f32
      %gt3A_482 = vector.broadcast %gt3A_481 : f32 to vector<16xf32>
      %gt3A_483 = arith.cmpf ogt, %get3A_480, %gt3A_482 : vector<16xf32>
      %jit3A_484 = arith.constant 1.000000e+00 : f32
      %jit3A_485 = arith.constant 0.000000e+00 : f32
      %broadcast_in_dim3A_486 = vector.broadcast %jit3A_484 : f32 to vector<16xf32>
      %broadcast_in_dim3A_487 = vector.broadcast %jit3A_485 : f32 to vector<16xf32>
      %select_n3A_488 = arith.select %gt3A_483, %broadcast_in_dim3A_486, %broadcast_in_dim3A_487 : vector<16xi1>, vector<16xf32>
      %get3A_489 = arith.index_cast %scan3A_348 : i32 to index
      %get3A_490 = arith.constant 80 : index
      %get3A_491 = tpu.vector_load %arg8[%get3A_489, %get3A_490] {strides = array<i32>} : memref<64x256xf32, #tpu.memory_space<vmem>>, vector<1x16xf32>,
      %get3A_492 = vector.shape_cast %get3A_491 : vector<1x16xf32> to vector<16xf32>
      %sub3A_493 = arith.subf %select_n3A_488, %get3A_492 : vector<16xf32>
      %get3A_494 = arith.index_cast %scan3A_348 : i32 to index
      %get3A_495 = arith.constant 80 : index
      %get3A_496 = tpu.vector_load %arg10[%get3A_494, %get3A_495] {strides = array<i32>} : memref<64x256xf32, #tpu.memory_space<vmem>>, vector<1x16xf32>,
      %get3A_497 = vector.shape_cast %get3A_496 : vector<1x16xf32> to vector<16xf32>
      %sub3A_498 = arith.subf %select_n3A_488, %get3A_497 : vector<16xf32>
      %mul3A_499 = arith.mulf %sub3A_493, %sub3A_493 : vector<16xf32>
      %add3A_500 = arith.addf %add3A_474, %mul3A_499 : vector<16xf32>
      %mul3A_501 = arith.mulf %sub3A_498, %sub3A_498 : vector<16xf32>
      %add3A_502 = arith.addf %add3A_476, %mul3A_501 : vector<16xf32>
      %get3A_503 = arith.index_cast %scan3A_348 : i32 to index
      %get3A_504 = arith.constant 96 : index
      %get3A_505 = tpu.vector_load %arg6[%get3A_503, %get3A_504] {strides = array<i32>} : memref<64x256xf32, #tpu.memory_space<vmem>>, vector<1x16xf32>,
      %get3A_506 = vector.shape_cast %get3A_505 : vector<1x16xf32> to vector<16xf32>
      %gt3A_507 = arith.constant 5.000000e-01 : f32
      %gt3A_508 = vector.broadcast %gt3A_507 : f32 to vector<16xf32>
      %gt3A_509 = arith.cmpf ogt, %get3A_506, %gt3A_508 : vector<16xf32>
      %jit3A_510 = arith.constant 1.000000e+00 : f32
      %jit3A_511 = arith.constant 0.000000e+00 : f32
      %broadcast_in_dim3A_512 = vector.broadcast %jit3A_510 : f32 to vector<16xf32>
      %broadcast_in_dim3A_513 = vector.broadcast %jit3A_511 : f32 to vector<16xf32>
      %select_n3A_514 = arith.select %gt3A_509, %broadcast_in_dim3A_512, %broadcast_in_dim3A_513 : vector<16xi1>, vector<16xf32>
      %get3A_515 = arith.index_cast %scan3A_348 : i32 to index
      %get3A_516 = arith.constant 96 : index
      %get3A_517 = tpu.vector_load %arg8[%get3A_515, %get3A_516] {strides = array<i32>} : memref<64x256xf32, #tpu.memory_space<vmem>>, vector<1x16xf32>,
      %get3A_518 = vector.shape_cast %get3A_517 : vector<1x16xf32> to vector<16xf32>
      %sub3A_519 = arith.subf %select_n3A_514, %get3A_518 : vector<16xf32>
      %get3A_520 = arith.index_cast %scan3A_348 : i32 to index
      %get3A_521 = arith.constant 96 : index
      %get3A_522 = tpu.vector_load %arg10[%get3A_520, %get3A_521] {strides = array<i32>} : memref<64x256xf32, #tpu.memory_space<vmem>>, vector<1x16xf32>,
      %get3A_523 = vector.shape_cast %get3A_522 : vector<1x16xf32> to vector<16xf32>
      %sub3A_524 = arith.subf %select_n3A_514, %get3A_523 : vector<16xf32>
      %mul3A_525 = arith.mulf %sub3A_519, %sub3A_519 : vector<16xf32>
      %add3A_526 = arith.addf %add3A_500, %mul3A_525 : vector<16xf32>
      %mul3A_527 = arith.mulf %sub3A_524, %sub3A_524 : vector<16xf32>
      %add3A_528 = arith.addf %add3A_502, %mul3A_527 : vector<16xf32>
      %get3A_529 = arith.index_cast %scan3A_348 : i32 to index
      %get3A_530 = arith.constant 112 : index
      %get3A_531 = tpu.vector_load %arg6[%get3A_529, %get3A_530] {strides = array<i32>} : memref<64x256xf32, #tpu.memory_space<vmem>>, vector<1x16xf32>,
      %get3A_532 = vector.shape_cast %get3A_531 : vector<1x16xf32> to vector<16xf32>
      %gt3A_533 = arith.constant 5.000000e-01 : f32
      %gt3A_534 = vector.broadcast %gt3A_533 : f32 to vector<16xf32>
      %gt3A_535 = arith.cmpf ogt, %get3A_532, %gt3A_534 : vector<16xf32>
      %jit3A_536 = arith.constant 1.000000e+00 : f32
      %jit3A_537 = arith.constant 0.000000e+00 : f32
      %broadcast_in_dim3A_538 = vector.broadcast %jit3A_536 : f32 to vector<16xf32>
      %broadcast_in_dim3A_539 = vector.broadcast %jit3A_537 : f32 to vector<16xf32>
      %select_n3A_540 = arith.select %gt3A_535, %broadcast_in_dim3A_538, %broadcast_in_dim3A_539 : vector<16xi1>, vector<16xf32>
      %get3A_541 = arith.index_cast %scan3A_348 : i32 to index
      %get3A_542 = arith.constant 112 : index
      %get3A_543 = tpu.vector_load %arg8[%get3A_541, %get3A_542] {strides = array<i32>} : memref<64x256xf32, #tpu.memory_space<vmem>>, vector<1x16xf32>,
      %get3A_544 = vector.shape_cast %get3A_543 : vector<1x16xf32> to vector<16xf32>
      %sub3A_545 = arith.subf %select_n3A_540, %get3A_544 : vector<16xf32>
      %get3A_546 = arith.index_cast %scan3A_348 : i32 to index
      %get3A_547 = arith.constant 112 : index
      %get3A_548 = tpu.vector_load %arg10[%get3A_546, %get3A_547] {strides = array<i32>} : memref<64x256xf32, #tpu.memory_space<vmem>>, vector<1x16xf32>,
      %get3A_549 = vector.shape_cast %get3A_548 : vector<1x16xf32> to vector<16xf32>
      %sub3A_550 = arith.subf %select_n3A_540, %get3A_549 : vector<16xf32>
      %mul3A_551 = arith.mulf %sub3A_545, %sub3A_545 : vector<16xf32>
      %add3A_552 = arith.addf %add3A_526, %mul3A_551 : vector<16xf32>
      %mul3A_553 = arith.mulf %sub3A_550, %sub3A_550 : vector<16xf32>
      %add3A_554 = arith.addf %add3A_528, %mul3A_553 : vector<16xf32>
      %get3A_555 = arith.index_cast %scan3A_348 : i32 to index
      %get3A_556 = arith.constant 128 : index
      %get3A_557 = tpu.vector_load %arg6[%get3A_555, %get3A_556] {strides = array<i32>} : memref<64x256xf32, #tpu.memory_space<vmem>>, vector<1x16xf32>,
      %get3A_558 = vector.shape_cast %get3A_557 : vector<1x16xf32> to vector<16xf32>
      %gt3A_559 = arith.constant 5.000000e-01 : f32
      %gt3A_560 = vector.broadcast %gt3A_559 : f32 to vector<16xf32>
      %gt3A_561 = arith.cmpf ogt, %get3A_558, %gt3A_560 : vector<16xf32>
      %jit3A_562 = arith.constant 1.000000e+00 : f32
      %jit3A_563 = arith.constant 0.000000e+00 : f32
      %broadcast_in_dim3A_564 = vector.broadcast %jit3A_562 : f32 to vector<16xf32>
      %broadcast_in_dim3A_565 = vector.broadcast %jit3A_563 : f32 to vector<16xf32>
      %select_n3A_566 = arith.select %gt3A_561, %broadcast_in_dim3A_564, %broadcast_in_dim3A_565 : vector<16xi1>, vector<16xf32>
      %get3A_567 = arith.index_cast %scan3A_348 : i32 to index
      %get3A_568 = arith.constant 128 : index
      %get3A_569 = tpu.vector_load %arg8[%get3A_567, %get3A_568] {strides = array<i32>} : memref<64x256xf32, #tpu.memory_space<vmem>>, vector<1x16xf32>,
      %get3A_570 = vector.shape_cast %get3A_569 : vector<1x16xf32> to vector<16xf32>
      %sub3A_571 = arith.subf %select_n3A_566, %get3A_570 : vector<16xf32>
      %get3A_572 = arith.index_cast %scan3A_348 : i32 to index
      %get3A_573 = arith.constant 128 : index
      %get3A_574 = tpu.vector_load %arg10[%get3A_572, %get3A_573] {strides = array<i32>} : memref<64x256xf32, #tpu.memory_space<vmem>>, vector<1x16xf32>,
      %get3A_575 = vector.shape_cast %get3A_574 : vector<1x16xf32> to vector<16xf32>
      %sub3A_576 = arith.subf %select_n3A_566, %get3A_575 : vector<16xf32>
      %mul3A_577 = arith.mulf %sub3A_571, %sub3A_571 : vector<16xf32>
      %add3A_578 = arith.addf %add3A_552, %mul3A_577 : vector<16xf32>
      %mul3A_579 = arith.mulf %sub3A_576, %sub3A_576 : vector<16xf32>
      %add3A_580 = arith.addf %add3A_554, %mul3A_579 : vector<16xf32>
      %get3A_581 = arith.index_cast %scan3A_348 : i32 to index
      %get3A_582 = arith.constant 144 : index
      %get3A_583 = tpu.vector_load %arg6[%get3A_581, %get3A_582] {strides = array<i32>} : memref<64x256xf32, #tpu.memory_space<vmem>>, vector<1x16xf32>,
      %get3A_584 = vector.shape_cast %get3A_583 : vector<1x16xf32> to vector<16xf32>
      %gt3A_585 = arith.constant 5.000000e-01 : f32
      %gt3A_586 = vector.broadcast %gt3A_585 : f32 to vector<16xf32>
      %gt3A_587 = arith.cmpf ogt, %get3A_584, %gt3A_586 : vector<16xf32>
      %jit3A_588 = arith.constant 1.000000e+00 : f32
      %jit3A_589 = arith.constant 0.000000e+00 : f32
      %broadcast_in_dim3A_590 = vector.broadcast %jit3A_588 : f32 to vector<16xf32>
      %broadcast_in_dim3A_591 = vector.broadcast %jit3A_589 : f32 to vector<16xf32>
      %select_n3A_592 = arith.select %gt3A_587, %broadcast_in_dim3A_590, %broadcast_in_dim3A_591 : vector<16xi1>, vector<16xf32>
      %get3A_593 = arith.index_cast %scan3A_348 : i32 to index
      %get3A_594 = arith.constant 144 : index
      %get3A_595 = tpu.vector_load %arg8[%get3A_593, %get3A_594] {strides = array<i32>} : memref<64x256xf32, #tpu.memory_space<vmem>>, vector<1x16xf32>,
      %get3A_596 = vector.shape_cast %get3A_595 : vector<1x16xf32> to vector<16xf32>
      %sub3A_597 = arith.subf %select_n3A_592, %get3A_596 : vector<16xf32>
      %get3A_598 = arith.index_cast %scan3A_348 : i32 to index
      %get3A_599 = arith.constant 144 : index
      %get3A_600 = tpu.vector_load %arg10[%get3A_598, %get3A_599] {strides = array<i32>} : memref<64x256xf32, #tpu.memory_space<vmem>>, vector<1x16xf32>,
      %get3A_601 = vector.shape_cast %get3A_600 : vector<1x16xf32> to vector<16xf32>
      %sub3A_602 = arith.subf %select_n3A_592, %get3A_601 : vector<16xf32>
      %mul3A_603 = arith.mulf %sub3A_597, %sub3A_597 : vector<16xf32>
      %add3A_604 = arith.addf %add3A_578, %mul3A_603 : vector<16xf32>
      %mul3A_605 = arith.mulf %sub3A_602, %sub3A_602 : vector<16xf32>
      %add3A_606 = arith.addf %add3A_580, %mul3A_605 : vector<16xf32>
      %get3A_607 = arith.index_cast %scan3A_348 : i32 to index
      %get3A_608 = arith.constant 160 : index
      %get3A_609 = tpu.vector_load %arg6[%get3A_607, %get3A_608] {strides = array<i32>} : memref<64x256xf32, #tpu.memory_space<vmem>>, vector<1x16xf32>,
      %get3A_610 = vector.shape_cast %get3A_609 : vector<1x16xf32> to vector<16xf32>
      %gt3A_611 = arith.constant 5.000000e-01 : f32
      %gt3A_612 = vector.broadcast %gt3A_611 : f32 to vector<16xf32>
      %gt3A_613 = arith.cmpf ogt, %get3A_610, %gt3A_612 : vector<16xf32>
      %jit3A_614 = arith.constant 1.000000e+00 : f32
      %jit3A_615 = arith.constant 0.000000e+00 : f32
      %broadcast_in_dim3A_616 = vector.broadcast %jit3A_614 : f32 to vector<16xf32>
      %broadcast_in_dim3A_617 = vector.broadcast %jit3A_615 : f32 to vector<16xf32>
      %select_n3A_618 = arith.select %gt3A_613, %broadcast_in_dim3A_616, %broadcast_in_dim3A_617 : vector<16xi1>, vector<16xf32>
      %get3A_619 = arith.index_cast %scan3A_348 : i32 to index
      %get3A_620 = arith.constant 160 : index
      %get3A_621 = tpu.vector_load %arg8[%get3A_619, %get3A_620] {strides = array<i32>} : memref<64x256xf32, #tpu.memory_space<vmem>>, vector<1x16xf32>,
      %get3A_622 = vector.shape_cast %get3A_621 : vector<1x16xf32> to vector<16xf32>
      %sub3A_623 = arith.subf %select_n3A_618, %get3A_622 : vector<16xf32>
      %get3A_624 = arith.index_cast %scan3A_348 : i32 to index
      %get3A_625 = arith.constant 160 : index
      %get3A_626 = tpu.vector_load %arg10[%get3A_624, %get3A_625] {strides = array<i32>} : memref<64x256xf32, #tpu.memory_space<vmem>>, vector<1x16xf32>,
      %get3A_627 = vector.shape_cast %get3A_626 : vector<1x16xf32> to vector<16xf32>
      %sub3A_628 = arith.subf %select_n3A_618, %get3A_627 : vector<16xf32>
      %mul3A_629 = arith.mulf %sub3A_623, %sub3A_623 : vector<16xf32>
      %add3A_630 = arith.addf %add3A_604, %mul3A_629 : vector<16xf32>
      %mul3A_631 = arith.mulf %sub3A_628, %sub3A_628 : vector<16xf32>
      %add3A_632 = arith.addf %add3A_606, %mul3A_631 : vector<16xf32>
      %get3A_633 = arith.index_cast %scan3A_348 : i32 to index
      %get3A_634 = arith.constant 176 : index
      %get3A_635 = tpu.vector_load %arg6[%get3A_633, %get3A_634] {strides = array<i32>} : memref<64x256xf32, #tpu.memory_space<vmem>>, vector<1x16xf32>,
      %get3A_636 = vector.shape_cast %get3A_635 : vector<1x16xf32> to vector<16xf32>
      %gt3A_637 = arith.constant 5.000000e-01 : f32
      %gt3A_638 = vector.broadcast %gt3A_637 : f32 to vector<16xf32>
      %gt3A_639 = arith.cmpf ogt, %get3A_636, %gt3A_638 : vector<16xf32>
      %jit3A_640 = arith.constant 1.000000e+00 : f32
      %jit3A_641 = arith.constant 0.000000e+00 : f32
      %broadcast_in_dim3A_642 = vector.broadcast %jit3A_640 : f32 to vector<16xf32>
      %broadcast_in_dim3A_643 = vector.broadcast %jit3A_641 : f32 to vector<16xf32>
      %select_n3A_644 = arith.select %gt3A_639, %broadcast_in_dim3A_642, %broadcast_in_dim3A_643 : vector<16xi1>, vector<16xf32>
      %get3A_645 = arith.index_cast %scan3A_348 : i32 to index
      %get3A_646 = arith.constant 176 : index
      %get3A_647 = tpu.vector_load %arg8[%get3A_645, %get3A_646] {strides = array<i32>} : memref<64x256xf32, #tpu.memory_space<vmem>>, vector<1x16xf32>,
      %get3A_648 = vector.shape_cast %get3A_647 : vector<1x16xf32> to vector<16xf32>
      %sub3A_649 = arith.subf %select_n3A_644, %get3A_648 : vector<16xf32>
      %get3A_650 = arith.index_cast %scan3A_348 : i32 to index
      %get3A_651 = arith.constant 176 : index
      %get3A_652 = tpu.vector_load %arg10[%get3A_650, %get3A_651] {strides = array<i32>} : memref<64x256xf32, #tpu.memory_space<vmem>>, vector<1x16xf32>,
      %get3A_653 = vector.shape_cast %get3A_652 : vector<1x16xf32> to vector<16xf32>
      %sub3A_654 = arith.subf %select_n3A_644, %get3A_653 : vector<16xf32>
      %mul3A_655 = arith.mulf %sub3A_649, %sub3A_649 : vector<16xf32>
      %add3A_656 = arith.addf %add3A_630, %mul3A_655 : vector<16xf32>
      %mul3A_657 = arith.mulf %sub3A_654, %sub3A_654 : vector<16xf32>
      %add3A_658 = arith.addf %add3A_632, %mul3A_657 : vector<16xf32>
      %get3A_659 = arith.index_cast %scan3A_348 : i32 to index
      %get3A_660 = arith.constant 192 : index
      %get3A_661 = tpu.vector_load %arg6[%get3A_659, %get3A_660] {strides = array<i32>} : memref<64x256xf32, #tpu.memory_space<vmem>>, vector<1x16xf32>,
      %get3A_662 = vector.shape_cast %get3A_661 : vector<1x16xf32> to vector<16xf32>
      %gt3A_663 = arith.constant 5.000000e-01 : f32
      %gt3A_664 = vector.broadcast %gt3A_663 : f32 to vector<16xf32>
      %gt3A_665 = arith.cmpf ogt, %get3A_662, %gt3A_664 : vector<16xf32>
      %jit3A_666 = arith.constant 1.000000e+00 : f32
      %jit3A_667 = arith.constant 0.000000e+00 : f32
      %broadcast_in_dim3A_668 = vector.broadcast %jit3A_666 : f32 to vector<16xf32>
      %broadcast_in_dim3A_669 = vector.broadcast %jit3A_667 : f32 to vector<16xf32>
      %select_n3A_670 = arith.select %gt3A_665, %broadcast_in_dim3A_668, %broadcast_in_dim3A_669 : vector<16xi1>, vector<16xf32>
      %get3A_671 = arith.index_cast %scan3A_348 : i32 to index
      %get3A_672 = arith.constant 192 : index
      %get3A_673 = tpu.vector_load %arg8[%get3A_671, %get3A_672] {strides = array<i32>} : memref<64x256xf32, #tpu.memory_space<vmem>>, vector<1x16xf32>,
      %get3A_674 = vector.shape_cast %get3A_673 : vector<1x16xf32> to vector<16xf32>
      %sub3A_675 = arith.subf %select_n3A_670, %get3A_674 : vector<16xf32>
      %get3A_676 = arith.index_cast %scan3A_348 : i32 to index
      %get3A_677 = arith.constant 192 : index
      %get3A_678 = tpu.vector_load %arg10[%get3A_676, %get3A_677] {strides = array<i32>} : memref<64x256xf32, #tpu.memory_space<vmem>>, vector<1x16xf32>,
      %get3A_679 = vector.shape_cast %get3A_678 : vector<1x16xf32> to vector<16xf32>
      %sub3A_680 = arith.subf %select_n3A_670, %get3A_679 : vector<16xf32>
      %mul3A_681 = arith.mulf %sub3A_675, %sub3A_675 : vector<16xf32>
      %add3A_682 = arith.addf %add3A_656, %mul3A_681 : vector<16xf32>
      %mul3A_683 = arith.mulf %sub3A_680, %sub3A_680 : vector<16xf32>
      %add3A_684 = arith.addf %add3A_658, %mul3A_683 : vector<16xf32>
      %get3A_685 = arith.index_cast %scan3A_348 : i32 to index
      %get3A_686 = arith.constant 208 : index
      %get3A_687 = tpu.vector_load %arg6[%get3A_685, %get3A_686] {strides = array<i32>} : memref<64x256xf32, #tpu.memory_space<vmem>>, vector<1x16xf32>,
      %get3A_688 = vector.shape_cast %get3A_687 : vector<1x16xf32> to vector<16xf32>
      %gt3A_689 = arith.constant 5.000000e-01 : f32
      %gt3A_690 = vector.broadcast %gt3A_689 : f32 to vector<16xf32>
      %gt3A_691 = arith.cmpf ogt, %get3A_688, %gt3A_690 : vector<16xf32>
      %jit3A_692 = arith.constant 1.000000e+00 : f32
      %jit3A_693 = arith.constant 0.000000e+00 : f32
      %broadcast_in_dim3A_694 = vector.broadcast %jit3A_692 : f32 to vector<16xf32>
      %broadcast_in_dim3A_695 = vector.broadcast %jit3A_693 : f32 to vector<16xf32>
      %select_n3A_696 = arith.select %gt3A_691, %broadcast_in_dim3A_694, %broadcast_in_dim3A_695 : vector<16xi1>, vector<16xf32>
      %get3A_697 = arith.index_cast %scan3A_348 : i32 to index
      %get3A_698 = arith.constant 208 : index
      %get3A_699 = tpu.vector_load %arg8[%get3A_697, %get3A_698] {strides = array<i32>} : memref<64x256xf32, #tpu.memory_space<vmem>>, vector<1x16xf32>,
      %get3A_700 = vector.shape_cast %get3A_699 : vector<1x16xf32> to vector<16xf32>
      %sub3A_701 = arith.subf %select_n3A_696, %get3A_700 : vector<16xf32>
      %get3A_702 = arith.index_cast %scan3A_348 : i32 to index
      %get3A_703 = arith.constant 208 : index
      %get3A_704 = tpu.vector_load %arg10[%get3A_702, %get3A_703] {strides = array<i32>} : memref<64x256xf32, #tpu.memory_space<vmem>>, vector<1x16xf32>,
      %get3A_705 = vector.shape_cast %get3A_704 : vector<1x16xf32> to vector<16xf32>
      %sub3A_706 = arith.subf %select_n3A_696, %get3A_705 : vector<16xf32>
      %mul3A_707 = arith.mulf %sub3A_701, %sub3A_701 : vector<16xf32>
      %add3A_708 = arith.addf %add3A_682, %mul3A_707 : vector<16xf32>
      %mul3A_709 = arith.mulf %sub3A_706, %sub3A_706 : vector<16xf32>
      %add3A_710 = arith.addf %add3A_684, %mul3A_709 : vector<16xf32>
      %get3A_711 = arith.index_cast %scan3A_348 : i32 to index
      %get3A_712 = arith.constant 224 : index
      %get3A_713 = tpu.vector_load %arg6[%get3A_711, %get3A_712] {strides = array<i32>} : memref<64x256xf32, #tpu.memory_space<vmem>>, vector<1x16xf32>,
      %get3A_714 = vector.shape_cast %get3A_713 : vector<1x16xf32> to vector<16xf32>
      %gt3A_715 = arith.constant 5.000000e-01 : f32
      %gt3A_716 = vector.broadcast %gt3A_715 : f32 to vector<16xf32>
      %gt3A_717 = arith.cmpf ogt, %get3A_714, %gt3A_716 : vector<16xf32>
      %jit3A_718 = arith.constant 1.000000e+00 : f32
      %jit3A_719 = arith.constant 0.000000e+00 : f32
      %broadcast_in_dim3A_720 = vector.broadcast %jit3A_718 : f32 to vector<16xf32>
      %broadcast_in_dim3A_721 = vector.broadcast %jit3A_719 : f32 to vector<16xf32>
      %select_n3A_722 = arith.select %gt3A_717, %broadcast_in_dim3A_720, %broadcast_in_dim3A_721 : vector<16xi1>, vector<16xf32>
      %get3A_723 = arith.index_cast %scan3A_348 : i32 to index
      %get3A_724 = arith.constant 224 : index
      %get3A_725 = tpu.vector_load %arg8[%get3A_723, %get3A_724] {strides = array<i32>} : memref<64x256xf32, #tpu.memory_space<vmem>>, vector<1x16xf32>,
      %get3A_726 = vector.shape_cast %get3A_725 : vector<1x16xf32> to vector<16xf32>
      %sub3A_727 = arith.subf %select_n3A_722, %get3A_726 : vector<16xf32>
      %get3A_728 = arith.index_cast %scan3A_348 : i32 to index
      %get3A_729 = arith.constant 224 : index
      %get3A_730 = tpu.vector_load %arg10[%get3A_728, %get3A_729] {strides = array<i32>} : memref<64x256xf32, #tpu.memory_space<vmem>>, vector<1x16xf32>,
      %get3A_731 = vector.shape_cast %get3A_730 : vector<1x16xf32> to vector<16xf32>
      %sub3A_732 = arith.subf %select_n3A_722, %get3A_731 : vector<16xf32>
      %mul3A_733 = arith.mulf %sub3A_727, %sub3A_727 : vector<16xf32>
      %add3A_734 = arith.addf %add3A_708, %mul3A_733 : vector<16xf32>
      %mul3A_735 = arith.mulf %sub3A_732, %sub3A_732 : vector<16xf32>
      %add3A_736 = arith.addf %add3A_710, %mul3A_735 : vector<16xf32>
      %get3A_737 = arith.index_cast %scan3A_348 : i32 to index
      %get3A_738 = arith.constant 240 : index
      %get3A_739 = tpu.vector_load %arg6[%get3A_737, %get3A_738] {strides = array<i32>} : memref<64x256xf32, #tpu.memory_space<vmem>>, vector<1x16xf32>,
      %get3A_740 = vector.shape_cast %get3A_739 : vector<1x16xf32> to vector<16xf32>
      %gt3A_741 = arith.constant 5.000000e-01 : f32
      %gt3A_742 = vector.broadcast %gt3A_741 : f32 to vector<16xf32>
      %gt3A_743 = arith.cmpf ogt, %get3A_740, %gt3A_742 : vector<16xf32>
      %jit3A_744 = arith.constant 1.000000e+00 : f32
      %jit3A_745 = arith.constant 0.000000e+00 : f32
      %broadcast_in_dim3A_746 = vector.broadcast %jit3A_744 : f32 to vector<16xf32>
      %broadcast_in_dim3A_747 = vector.broadcast %jit3A_745 : f32 to vector<16xf32>
      %select_n3A_748 = arith.select %gt3A_743, %broadcast_in_dim3A_746, %broadcast_in_dim3A_747 : vector<16xi1>, vector<16xf32>
      %get3A_749 = arith.index_cast %scan3A_348 : i32 to index
      %get3A_750 = arith.constant 240 : index
      %get3A_751 = tpu.vector_load %arg8[%get3A_749, %get3A_750] {strides = array<i32>} : memref<64x256xf32, #tpu.memory_space<vmem>>, vector<1x16xf32>,
      %get3A_752 = vector.shape_cast %get3A_751 : vector<1x16xf32> to vector<16xf32>
      %sub3A_753 = arith.subf %select_n3A_748, %get3A_752 : vector<16xf32>
      %get3A_754 = arith.index_cast %scan3A_348 : i32 to index
      %get3A_755 = arith.constant 240 : index
      %get3A_756 = tpu.vector_load %arg10[%get3A_754, %get3A_755] {strides = array<i32>} : memref<64x256xf32, #tpu.memory_space<vmem>>, vector<1x16xf32>,
      %get3A_757 = vector.shape_cast %get3A_756 : vector<1x16xf32> to vector<16xf32>
      %sub3A_758 = arith.subf %select_n3A_748, %get3A_757 : vector<16xf32>
      %mul3A_759 = arith.mulf %sub3A_753, %sub3A_753 : vector<16xf32>
      %add3A_760 = arith.addf %add3A_734, %mul3A_759 : vector<16xf32>
      %mul3A_761 = arith.mulf %sub3A_758, %sub3A_758 : vector<16xf32>
      %add3A_762 = arith.addf %add3A_736, %mul3A_761 : vector<16xf32>
      scf.yield %add3A_760, %add3A_762 : vector<16xf32>, vector<16xf32>
    }
    %scan3A_84 = arith.constant 64 : i32
    %dma_start3A_85 = arith.constant 128 : i32
    %dma_start3A_86 = arith.constant 0 : i32
    %dma_start3A_87 = tpu.memref_slice %arg2[%add3A, %dma_start3A_85, %dma_start3A_86] : memref<128x256x256xf32, #tpu.memory_space<hbm>> -> memref<1x64x256xf32, #tpu.memory_space<hbm>>
    %dma_start3A_88 = tpu.memref_squeeze %dma_start3A_87 : memref<1x64x256xf32, #tpu.memory_space<hbm>> -> memref<64x256xf32, #tpu.memory_space<hbm>>
    %dma_start3A_89 = arith.constant 128 : i32
    %dma_start3A_90 = arith.constant 0 : i32
    %dma_start3A_91 = tpu.memref_slice %arg2[%add3A, %dma_start3A_89, %dma_start3A_90] : memref<128x256x256xf32, #tpu.memory_space<hbm>> -> memref<1x64x256xf32, #tpu.memory_space<hbm>>
    %dma_start3A_92 = tpu.memref_squeeze %dma_start3A_91 : memref<1x64x256xf32, #tpu.memory_space<hbm>> -> memref<64x256xf32, #tpu.memory_space<hbm>>
    tpu.enqueue_dma source(%dma_start3A_92 : memref<64x256xf32, #tpu.memory_space<hbm>>) target(%arg6 : memref<64x256xf32, #tpu.memory_space<vmem>>) target_semaphore(%arg12 : memref<!tpu.dma_semaphore, #tpu.memory_space<semaphore_mem>>)
    %dma_start3A_93 = arith.constant 0 : i32
    %dma_start3A_94 = arith.constant 128 : i32
    %dma_start3A_95 = arith.constant 0 : i32
    %dma_start3A_96 = tpu.memref_slice %arg3[%dma_start3A_93, %add3A, %dma_start3A_94, %dma_start3A_95] : memref<1x128x256x256xf32, #tpu.memory_space<hbm>> -> memref<1x1x64x256xf32, #tpu.memory_space<hbm>>
    %dma_start3A_97 = tpu.memref_squeeze %dma_start3A_96 : memref<1x1x64x256xf32, #tpu.memory_space<hbm>> -> memref<64x256xf32, #tpu.memory_space<hbm>>
    %dma_start3A_98 = arith.constant 128 : i32
    %dma_start3A_99 = arith.constant 0 : i32
    %dma_start3A_100 = tpu.memref_slice %arg3[%dma_start3A_93, %add3A, %dma_start3A_98, %dma_start3A_99] : memref<1x128x256x256xf32, #tpu.memory_space<hbm>> -> memref<1x1x64x256xf32, #tpu.memory_space<hbm>>
    %dma_start3A_101 = tpu.memref_squeeze %dma_start3A_100 : memref<1x1x64x256xf32, #tpu.memory_space<hbm>> -> memref<64x256xf32, #tpu.memory_space<hbm>>
    tpu.enqueue_dma source(%dma_start3A_101 : memref<64x256xf32, #tpu.memory_space<hbm>>) target(%arg8 : memref<64x256xf32, #tpu.memory_space<vmem>>) target_semaphore(%arg12 : memref<!tpu.dma_semaphore, #tpu.memory_space<semaphore_mem>>)
    %dma_start3A_102 = arith.constant 0 : i32
    %dma_start3A_103 = arith.constant 128 : i32
    %dma_start3A_104 = arith.constant 0 : i32
    %dma_start3A_105 = tpu.memref_slice %arg4[%dma_start3A_102, %add3A, %dma_start3A_103, %dma_start3A_104] : memref<1x128x256x256xf32, #tpu.memory_space<hbm>> -> memref<1x1x64x256xf32, #tpu.memory_space<hbm>>
    %dma_start3A_106 = tpu.memref_squeeze %dma_start3A_105 : memref<1x1x64x256xf32, #tpu.memory_space<hbm>> -> memref<64x256xf32, #tpu.memory_space<hbm>>
    %dma_start3A_107 = arith.constant 128 : i32
    %dma_start3A_108 = arith.constant 0 : i32
    %dma_start3A_109 = tpu.memref_slice %arg4[%dma_start3A_102, %add3A, %dma_start3A_107, %dma_start3A_108] : memref<1x128x256x256xf32, #tpu.memory_space<hbm>> -> memref<1x1x64x256xf32, #tpu.memory_space<hbm>>
    %dma_start3A_110 = tpu.memref_squeeze %dma_start3A_109 : memref<1x1x64x256xf32, #tpu.memory_space<hbm>> -> memref<64x256xf32, #tpu.memory_space<hbm>>
    tpu.enqueue_dma source(%dma_start3A_110 : memref<64x256xf32, #tpu.memory_space<hbm>>) target(%arg10 : memref<64x256xf32, #tpu.memory_space<vmem>>) target_semaphore(%arg12 : memref<!tpu.dma_semaphore, #tpu.memory_space<semaphore_mem>>)
    %dma_wait3A_111 = arith.constant 64 : i32
    %dma_wait3A_112 = arith.constant 0 : i32
    %dma_wait3A_113 = tpu.memref_slice %arg2[%add3A, %dma_wait3A_111, %dma_wait3A_112] : memref<128x256x256xf32, #tpu.memory_space<hbm>> -> memref<1x64x256xf32, #tpu.memory_space<hbm>>
    %dma_wait3A_114 = tpu.memref_squeeze %dma_wait3A_113 : memref<1x64x256xf32, #tpu.memory_space<hbm>> -> memref<64x256xf32, #tpu.memory_space<hbm>>
    %dma_wait3A_115 = arith.constant 64 : i32
    %dma_wait3A_116 = arith.constant 0 : i32
    %dma_wait3A_117 = tpu.memref_slice %arg2[%add3A, %dma_wait3A_115, %dma_wait3A_116] : memref<128x256x256xf32, #tpu.memory_space<hbm>> -> memref<1x64x256xf32, #tpu.memory_space<hbm>>
    %dma_wait3A_118 = tpu.memref_squeeze %dma_wait3A_117 : memref<1x64x256xf32, #tpu.memory_space<hbm>> -> memref<64x256xf32, #tpu.memory_space<hbm>>
    tpu.wait_dma2 semaphore(%arg13 : memref<!tpu.dma_semaphore, #tpu.memory_space<semaphore_mem>>) src(%dma_wait3A_118 : memref<64x256xf32, #tpu.memory_space<hbm>>) dst(%arg7 : memref<64x256xf32, #tpu.memory_space<vmem>>)
    %dma_wait3A_119 = arith.constant 0 : i32
    %dma_wait3A_120 = arith.constant 64 : i32
    %dma_wait3A_121 = arith.constant 0 : i32
    %dma_wait3A_122 = tpu.memref_slice %arg3[%dma_wait3A_119, %add3A, %dma_wait3A_120, %dma_wait3A_121] : memref<1x128x256x256xf32, #tpu.memory_space<hbm>> -> memref<1x1x64x256xf32, #tpu.memory_space<hbm>>
    %dma_wait3A_123 = tpu.memref_squeeze %dma_wait3A_122 : memref<1x1x64x256xf32, #tpu.memory_space<hbm>> -> memref<64x256xf32, #tpu.memory_space<hbm>>
    %dma_wait3A_124 = arith.constant 64 : i32
    %dma_wait3A_125 = arith.constant 0 : i32
    %dma_wait3A_126 = tpu.memref_slice %arg3[%dma_wait3A_119, %add3A, %dma_wait3A_124, %dma_wait3A_125] : memref<1x128x256x256xf32, #tpu.memory_space<hbm>> -> memref<1x1x64x256xf32, #tpu.memory_space<hbm>>
    %dma_wait3A_127 = tpu.memref_squeeze %dma_wait3A_126 : memref<1x1x64x256xf32, #tpu.memory_space<hbm>> -> memref<64x256xf32, #tpu.memory_space<hbm>>
    tpu.wait_dma2 semaphore(%arg13 : memref<!tpu.dma_semaphore, #tpu.memory_space<semaphore_mem>>) src(%dma_wait3A_127 : memref<64x256xf32, #tpu.memory_space<hbm>>) dst(%arg9 : memref<64x256xf32, #tpu.memory_space<vmem>>)
    %dma_wait3A_128 = arith.constant 0 : i32
    %dma_wait3A_129 = arith.constant 64 : i32
    %dma_wait3A_130 = arith.constant 0 : i32
    %dma_wait3A_131 = tpu.memref_slice %arg4[%dma_wait3A_128, %add3A, %dma_wait3A_129, %dma_wait3A_130] : memref<1x128x256x256xf32, #tpu.memory_space<hbm>> -> memref<1x1x64x256xf32, #tpu.memory_space<hbm>>
    %dma_wait3A_132 = tpu.memref_squeeze %dma_wait3A_131 : memref<1x1x64x256xf32, #tpu.memory_space<hbm>> -> memref<64x256xf32, #tpu.memory_space<hbm>>
    %dma_wait3A_133 = arith.constant 64 : i32
    %dma_wait3A_134 = arith.constant 0 : i32
    %dma_wait3A_135 = tpu.memref_slice %arg4[%dma_wait3A_128, %add3A, %dma_wait3A_133, %dma_wait3A_134] : memref<1x128x256x256xf32, #tpu.memory_space<hbm>> -> memref<1x1x64x256xf32, #tpu.memory_space<hbm>>
    %dma_wait3A_136 = tpu.memref_squeeze %dma_wait3A_135 : memref<1x1x64x256xf32, #tpu.memory_space<hbm>> -> memref<64x256xf32, #tpu.memory_space<hbm>>
    tpu.wait_dma2 semaphore(%arg13 : memref<!tpu.dma_semaphore, #tpu.memory_space<semaphore_mem>>) src(%dma_wait3A_136 : memref<64x256xf32, #tpu.memory_space<hbm>>) dst(%arg11 : memref<64x256xf32, #tpu.memory_space<vmem>>)
    %scan3A_137 = arith.constant 0 : i32
    %scan3A_138 = arith.constant 64 : i32
    %scan3A_139 = arith.addi %scan3A_137, %scan3A_138 : i32
    %scan3A_140 = arith.constant 1 : i32
    %scan3A_141:2 = scf.for %scan3A_348 = %scan3A_137 to %scan3A_139 step %scan3A_140 iter_args(%scan3A_349 = %scan3A_83#0, %scan3A_350 = %scan3A_83#1) -> (vector<16xf32>, vector<16xf32>)  : i32 {
      %get3A = arith.index_cast %scan3A_348 : i32 to index
      %get3A_351 = arith.constant 0 : index
      %get3A_352 = tpu.vector_load %arg7[%get3A, %get3A_351] {strides = array<i32>} : memref<64x256xf32, #tpu.memory_space<vmem>>, vector<1x16xf32>,
      %get3A_353 = vector.shape_cast %get3A_352 : vector<1x16xf32> to vector<16xf32>
      %gt3A = arith.constant 5.000000e-01 : f32
      %gt3A_354 = vector.broadcast %gt3A : f32 to vector<16xf32>
      %gt3A_355 = arith.cmpf ogt, %get3A_353, %gt3A_354 : vector<16xf32>
      %jit3A = arith.constant 1.000000e+00 : f32
      %jit3A_356 = arith.constant 0.000000e+00 : f32
      %broadcast_in_dim3A_357 = vector.broadcast %jit3A : f32 to vector<16xf32>
      %broadcast_in_dim3A_358 = vector.broadcast %jit3A_356 : f32 to vector<16xf32>
      %select_n3A = arith.select %gt3A_355, %broadcast_in_dim3A_357, %broadcast_in_dim3A_358 : vector<16xi1>, vector<16xf32>
      %get3A_359 = arith.index_cast %scan3A_348 : i32 to index
      %get3A_360 = arith.constant 0 : index
      %get3A_361 = tpu.vector_load %arg9[%get3A_359, %get3A_360] {strides = array<i32>} : memref<64x256xf32, #tpu.memory_space<vmem>>, vector<1x16xf32>,
      %get3A_362 = vector.shape_cast %get3A_361 : vector<1x16xf32> to vector<16xf32>
      %sub3A_363 = arith.subf %select_n3A, %get3A_362 : vector<16xf32>
      %get3A_364 = arith.index_cast %scan3A_348 : i32 to index
      %get3A_365 = arith.constant 0 : index
      %get3A_366 = tpu.vector_load %arg11[%get3A_364, %get3A_365] {strides = array<i32>} : memref<64x256xf32, #tpu.memory_space<vmem>>, vector<1x16xf32>,
      %get3A_367 = vector.shape_cast %get3A_366 : vector<1x16xf32> to vector<16xf32>
      %sub3A_368 = arith.subf %select_n3A, %get3A_367 : vector<16xf32>
      %mul3A_369 = arith.mulf %sub3A_363, %sub3A_363 : vector<16xf32>
      %add3A_370 = arith.addf %scan3A_349, %mul3A_369 : vector<16xf32>
      %mul3A_371 = arith.mulf %sub3A_368, %sub3A_368 : vector<16xf32>
      %add3A_372 = arith.addf %scan3A_350, %mul3A_371 : vector<16xf32>
      %get3A_373 = arith.index_cast %scan3A_348 : i32 to index
      %get3A_374 = arith.constant 16 : index
      %get3A_375 = tpu.vector_load %arg7[%get3A_373, %get3A_374] {strides = array<i32>} : memref<64x256xf32, #tpu.memory_space<vmem>>, vector<1x16xf32>,
      %get3A_376 = vector.shape_cast %get3A_375 : vector<1x16xf32> to vector<16xf32>
      %gt3A_377 = arith.constant 5.000000e-01 : f32
      %gt3A_378 = vector.broadcast %gt3A_377 : f32 to vector<16xf32>
      %gt3A_379 = arith.cmpf ogt, %get3A_376, %gt3A_378 : vector<16xf32>
      %jit3A_380 = arith.constant 1.000000e+00 : f32
      %jit3A_381 = arith.constant 0.000000e+00 : f32
      %broadcast_in_dim3A_382 = vector.broadcast %jit3A_380 : f32 to vector<16xf32>
      %broadcast_in_dim3A_383 = vector.broadcast %jit3A_381 : f32 to vector<16xf32>
      %select_n3A_384 = arith.select %gt3A_379, %broadcast_in_dim3A_382, %broadcast_in_dim3A_383 : vector<16xi1>, vector<16xf32>
      %get3A_385 = arith.index_cast %scan3A_348 : i32 to index
      %get3A_386 = arith.constant 16 : index
      %get3A_387 = tpu.vector_load %arg9[%get3A_385, %get3A_386] {strides = array<i32>} : memref<64x256xf32, #tpu.memory_space<vmem>>, vector<1x16xf32>,
      %get3A_388 = vector.shape_cast %get3A_387 : vector<1x16xf32> to vector<16xf32>
      %sub3A_389 = arith.subf %select_n3A_384, %get3A_388 : vector<16xf32>
      %get3A_390 = arith.index_cast %scan3A_348 : i32 to index
      %get3A_391 = arith.constant 16 : index
      %get3A_392 = tpu.vector_load %arg11[%get3A_390, %get3A_391] {strides = array<i32>} : memref<64x256xf32, #tpu.memory_space<vmem>>, vector<1x16xf32>,
      %get3A_393 = vector.shape_cast %get3A_392 : vector<1x16xf32> to vector<16xf32>
      %sub3A_394 = arith.subf %select_n3A_384, %get3A_393 : vector<16xf32>
      %mul3A_395 = arith.mulf %sub3A_389, %sub3A_389 : vector<16xf32>
      %add3A_396 = arith.addf %add3A_370, %mul3A_395 : vector<16xf32>
      %mul3A_397 = arith.mulf %sub3A_394, %sub3A_394 : vector<16xf32>
      %add3A_398 = arith.addf %add3A_372, %mul3A_397 : vector<16xf32>
      %get3A_399 = arith.index_cast %scan3A_348 : i32 to index
      %get3A_400 = arith.constant 32 : index
      %get3A_401 = tpu.vector_load %arg7[%get3A_399, %get3A_400] {strides = array<i32>} : memref<64x256xf32, #tpu.memory_space<vmem>>, vector<1x16xf32>,
      %get3A_402 = vector.shape_cast %get3A_401 : vector<1x16xf32> to vector<16xf32>
      %gt3A_403 = arith.constant 5.000000e-01 : f32
      %gt3A_404 = vector.broadcast %gt3A_403 : f32 to vector<16xf32>
      %gt3A_405 = arith.cmpf ogt, %get3A_402, %gt3A_404 : vector<16xf32>
      %jit3A_406 = arith.constant 1.000000e+00 : f32
      %jit3A_407 = arith.constant 0.000000e+00 : f32
      %broadcast_in_dim3A_408 = vector.broadcast %jit3A_406 : f32 to vector<16xf32>
      %broadcast_in_dim3A_409 = vector.broadcast %jit3A_407 : f32 to vector<16xf32>
      %select_n3A_410 = arith.select %gt3A_405, %broadcast_in_dim3A_408, %broadcast_in_dim3A_409 : vector<16xi1>, vector<16xf32>
      %get3A_411 = arith.index_cast %scan3A_348 : i32 to index
      %get3A_412 = arith.constant 32 : index
      %get3A_413 = tpu.vector_load %arg9[%get3A_411, %get3A_412] {strides = array<i32>} : memref<64x256xf32, #tpu.memory_space<vmem>>, vector<1x16xf32>,
      %get3A_414 = vector.shape_cast %get3A_413 : vector<1x16xf32> to vector<16xf32>
      %sub3A_415 = arith.subf %select_n3A_410, %get3A_414 : vector<16xf32>
      %get3A_416 = arith.index_cast %scan3A_348 : i32 to index
      %get3A_417 = arith.constant 32 : index
      %get3A_418 = tpu.vector_load %arg11[%get3A_416, %get3A_417] {strides = array<i32>} : memref<64x256xf32, #tpu.memory_space<vmem>>, vector<1x16xf32>,
      %get3A_419 = vector.shape_cast %get3A_418 : vector<1x16xf32> to vector<16xf32>
      %sub3A_420 = arith.subf %select_n3A_410, %get3A_419 : vector<16xf32>
      %mul3A_421 = arith.mulf %sub3A_415, %sub3A_415 : vector<16xf32>
      %add3A_422 = arith.addf %add3A_396, %mul3A_421 : vector<16xf32>
      %mul3A_423 = arith.mulf %sub3A_420, %sub3A_420 : vector<16xf32>
      %add3A_424 = arith.addf %add3A_398, %mul3A_423 : vector<16xf32>
      %get3A_425 = arith.index_cast %scan3A_348 : i32 to index
      %get3A_426 = arith.constant 48 : index
      %get3A_427 = tpu.vector_load %arg7[%get3A_425, %get3A_426] {strides = array<i32>} : memref<64x256xf32, #tpu.memory_space<vmem>>, vector<1x16xf32>,
      %get3A_428 = vector.shape_cast %get3A_427 : vector<1x16xf32> to vector<16xf32>
      %gt3A_429 = arith.constant 5.000000e-01 : f32
      %gt3A_430 = vector.broadcast %gt3A_429 : f32 to vector<16xf32>
      %gt3A_431 = arith.cmpf ogt, %get3A_428, %gt3A_430 : vector<16xf32>
      %jit3A_432 = arith.constant 1.000000e+00 : f32
      %jit3A_433 = arith.constant 0.000000e+00 : f32
      %broadcast_in_dim3A_434 = vector.broadcast %jit3A_432 : f32 to vector<16xf32>
      %broadcast_in_dim3A_435 = vector.broadcast %jit3A_433 : f32 to vector<16xf32>
      %select_n3A_436 = arith.select %gt3A_431, %broadcast_in_dim3A_434, %broadcast_in_dim3A_435 : vector<16xi1>, vector<16xf32>
      %get3A_437 = arith.index_cast %scan3A_348 : i32 to index
      %get3A_438 = arith.constant 48 : index
      %get3A_439 = tpu.vector_load %arg9[%get3A_437, %get3A_438] {strides = array<i32>} : memref<64x256xf32, #tpu.memory_space<vmem>>, vector<1x16xf32>,
      %get3A_440 = vector.shape_cast %get3A_439 : vector<1x16xf32> to vector<16xf32>
      %sub3A_441 = arith.subf %select_n3A_436, %get3A_440 : vector<16xf32>
      %get3A_442 = arith.index_cast %scan3A_348 : i32 to index
      %get3A_443 = arith.constant 48 : index
      %get3A_444 = tpu.vector_load %arg11[%get3A_442, %get3A_443] {strides = array<i32>} : memref<64x256xf32, #tpu.memory_space<vmem>>, vector<1x16xf32>,
      %get3A_445 = vector.shape_cast %get3A_444 : vector<1x16xf32> to vector<16xf32>
      %sub3A_446 = arith.subf %select_n3A_436, %get3A_445 : vector<16xf32>
      %mul3A_447 = arith.mulf %sub3A_441, %sub3A_441 : vector<16xf32>
      %add3A_448 = arith.addf %add3A_422, %mul3A_447 : vector<16xf32>
      %mul3A_449 = arith.mulf %sub3A_446, %sub3A_446 : vector<16xf32>
      %add3A_450 = arith.addf %add3A_424, %mul3A_449 : vector<16xf32>
      %get3A_451 = arith.index_cast %scan3A_348 : i32 to index
      %get3A_452 = arith.constant 64 : index
      %get3A_453 = tpu.vector_load %arg7[%get3A_451, %get3A_452] {strides = array<i32>} : memref<64x256xf32, #tpu.memory_space<vmem>>, vector<1x16xf32>,
      %get3A_454 = vector.shape_cast %get3A_453 : vector<1x16xf32> to vector<16xf32>
      %gt3A_455 = arith.constant 5.000000e-01 : f32
      %gt3A_456 = vector.broadcast %gt3A_455 : f32 to vector<16xf32>
      %gt3A_457 = arith.cmpf ogt, %get3A_454, %gt3A_456 : vector<16xf32>
      %jit3A_458 = arith.constant 1.000000e+00 : f32
      %jit3A_459 = arith.constant 0.000000e+00 : f32
      %broadcast_in_dim3A_460 = vector.broadcast %jit3A_458 : f32 to vector<16xf32>
      %broadcast_in_dim3A_461 = vector.broadcast %jit3A_459 : f32 to vector<16xf32>
      %select_n3A_462 = arith.select %gt3A_457, %broadcast_in_dim3A_460, %broadcast_in_dim3A_461 : vector<16xi1>, vector<16xf32>
      %get3A_463 = arith.index_cast %scan3A_348 : i32 to index
      %get3A_464 = arith.constant 64 : index
      %get3A_465 = tpu.vector_load %arg9[%get3A_463, %get3A_464] {strides = array<i32>} : memref<64x256xf32, #tpu.memory_space<vmem>>, vector<1x16xf32>,
      %get3A_466 = vector.shape_cast %get3A_465 : vector<1x16xf32> to vector<16xf32>
      %sub3A_467 = arith.subf %select_n3A_462, %get3A_466 : vector<16xf32>
      %get3A_468 = arith.index_cast %scan3A_348 : i32 to index
      %get3A_469 = arith.constant 64 : index
      %get3A_470 = tpu.vector_load %arg11[%get3A_468, %get3A_469] {strides = array<i32>} : memref<64x256xf32, #tpu.memory_space<vmem>>, vector<1x16xf32>,
      %get3A_471 = vector.shape_cast %get3A_470 : vector<1x16xf32> to vector<16xf32>
      %sub3A_472 = arith.subf %select_n3A_462, %get3A_471 : vector<16xf32>
      %mul3A_473 = arith.mulf %sub3A_467, %sub3A_467 : vector<16xf32>
      %add3A_474 = arith.addf %add3A_448, %mul3A_473 : vector<16xf32>
      %mul3A_475 = arith.mulf %sub3A_472, %sub3A_472 : vector<16xf32>
      %add3A_476 = arith.addf %add3A_450, %mul3A_475 : vector<16xf32>
      %get3A_477 = arith.index_cast %scan3A_348 : i32 to index
      %get3A_478 = arith.constant 80 : index
      %get3A_479 = tpu.vector_load %arg7[%get3A_477, %get3A_478] {strides = array<i32>} : memref<64x256xf32, #tpu.memory_space<vmem>>, vector<1x16xf32>,
      %get3A_480 = vector.shape_cast %get3A_479 : vector<1x16xf32> to vector<16xf32>
      %gt3A_481 = arith.constant 5.000000e-01 : f32
      %gt3A_482 = vector.broadcast %gt3A_481 : f32 to vector<16xf32>
      %gt3A_483 = arith.cmpf ogt, %get3A_480, %gt3A_482 : vector<16xf32>
      %jit3A_484 = arith.constant 1.000000e+00 : f32
      %jit3A_485 = arith.constant 0.000000e+00 : f32
      %broadcast_in_dim3A_486 = vector.broadcast %jit3A_484 : f32 to vector<16xf32>
      %broadcast_in_dim3A_487 = vector.broadcast %jit3A_485 : f32 to vector<16xf32>
      %select_n3A_488 = arith.select %gt3A_483, %broadcast_in_dim3A_486, %broadcast_in_dim3A_487 : vector<16xi1>, vector<16xf32>
      %get3A_489 = arith.index_cast %scan3A_348 : i32 to index
      %get3A_490 = arith.constant 80 : index
      %get3A_491 = tpu.vector_load %arg9[%get3A_489, %get3A_490] {strides = array<i32>} : memref<64x256xf32, #tpu.memory_space<vmem>>, vector<1x16xf32>,
      %get3A_492 = vector.shape_cast %get3A_491 : vector<1x16xf32> to vector<16xf32>
      %sub3A_493 = arith.subf %select_n3A_488, %get3A_492 : vector<16xf32>
      %get3A_494 = arith.index_cast %scan3A_348 : i32 to index
      %get3A_495 = arith.constant 80 : index
      %get3A_496 = tpu.vector_load %arg11[%get3A_494, %get3A_495] {strides = array<i32>} : memref<64x256xf32, #tpu.memory_space<vmem>>, vector<1x16xf32>,
      %get3A_497 = vector.shape_cast %get3A_496 : vector<1x16xf32> to vector<16xf32>
      %sub3A_498 = arith.subf %select_n3A_488, %get3A_497 : vector<16xf32>
      %mul3A_499 = arith.mulf %sub3A_493, %sub3A_493 : vector<16xf32>
      %add3A_500 = arith.addf %add3A_474, %mul3A_499 : vector<16xf32>
      %mul3A_501 = arith.mulf %sub3A_498, %sub3A_498 : vector<16xf32>
      %add3A_502 = arith.addf %add3A_476, %mul3A_501 : vector<16xf32>
      %get3A_503 = arith.index_cast %scan3A_348 : i32 to index
      %get3A_504 = arith.constant 96 : index
      %get3A_505 = tpu.vector_load %arg7[%get3A_503, %get3A_504] {strides = array<i32>} : memref<64x256xf32, #tpu.memory_space<vmem>>, vector<1x16xf32>,
      %get3A_506 = vector.shape_cast %get3A_505 : vector<1x16xf32> to vector<16xf32>
      %gt3A_507 = arith.constant 5.000000e-01 : f32
      %gt3A_508 = vector.broadcast %gt3A_507 : f32 to vector<16xf32>
      %gt3A_509 = arith.cmpf ogt, %get3A_506, %gt3A_508 : vector<16xf32>
      %jit3A_510 = arith.constant 1.000000e+00 : f32
      %jit3A_511 = arith.constant 0.000000e+00 : f32
      %broadcast_in_dim3A_512 = vector.broadcast %jit3A_510 : f32 to vector<16xf32>
      %broadcast_in_dim3A_513 = vector.broadcast %jit3A_511 : f32 to vector<16xf32>
      %select_n3A_514 = arith.select %gt3A_509, %broadcast_in_dim3A_512, %broadcast_in_dim3A_513 : vector<16xi1>, vector<16xf32>
      %get3A_515 = arith.index_cast %scan3A_348 : i32 to index
      %get3A_516 = arith.constant 96 : index
      %get3A_517 = tpu.vector_load %arg9[%get3A_515, %get3A_516] {strides = array<i32>} : memref<64x256xf32, #tpu.memory_space<vmem>>, vector<1x16xf32>,
      %get3A_518 = vector.shape_cast %get3A_517 : vector<1x16xf32> to vector<16xf32>
      %sub3A_519 = arith.subf %select_n3A_514, %get3A_518 : vector<16xf32>
      %get3A_520 = arith.index_cast %scan3A_348 : i32 to index
      %get3A_521 = arith.constant 96 : index
      %get3A_522 = tpu.vector_load %arg11[%get3A_520, %get3A_521] {strides = array<i32>} : memref<64x256xf32, #tpu.memory_space<vmem>>, vector<1x16xf32>,
      %get3A_523 = vector.shape_cast %get3A_522 : vector<1x16xf32> to vector<16xf32>
      %sub3A_524 = arith.subf %select_n3A_514, %get3A_523 : vector<16xf32>
      %mul3A_525 = arith.mulf %sub3A_519, %sub3A_519 : vector<16xf32>
      %add3A_526 = arith.addf %add3A_500, %mul3A_525 : vector<16xf32>
      %mul3A_527 = arith.mulf %sub3A_524, %sub3A_524 : vector<16xf32>
      %add3A_528 = arith.addf %add3A_502, %mul3A_527 : vector<16xf32>
      %get3A_529 = arith.index_cast %scan3A_348 : i32 to index
      %get3A_530 = arith.constant 112 : index
      %get3A_531 = tpu.vector_load %arg7[%get3A_529, %get3A_530] {strides = array<i32>} : memref<64x256xf32, #tpu.memory_space<vmem>>, vector<1x16xf32>,
      %get3A_532 = vector.shape_cast %get3A_531 : vector<1x16xf32> to vector<16xf32>
      %gt3A_533 = arith.constant 5.000000e-01 : f32
      %gt3A_534 = vector.broadcast %gt3A_533 : f32 to vector<16xf32>
      %gt3A_535 = arith.cmpf ogt, %get3A_532, %gt3A_534 : vector<16xf32>
      %jit3A_536 = arith.constant 1.000000e+00 : f32
      %jit3A_537 = arith.constant 0.000000e+00 : f32
      %broadcast_in_dim3A_538 = vector.broadcast %jit3A_536 : f32 to vector<16xf32>
      %broadcast_in_dim3A_539 = vector.broadcast %jit3A_537 : f32 to vector<16xf32>
      %select_n3A_540 = arith.select %gt3A_535, %broadcast_in_dim3A_538, %broadcast_in_dim3A_539 : vector<16xi1>, vector<16xf32>
      %get3A_541 = arith.index_cast %scan3A_348 : i32 to index
      %get3A_542 = arith.constant 112 : index
      %get3A_543 = tpu.vector_load %arg9[%get3A_541, %get3A_542] {strides = array<i32>} : memref<64x256xf32, #tpu.memory_space<vmem>>, vector<1x16xf32>,
      %get3A_544 = vector.shape_cast %get3A_543 : vector<1x16xf32> to vector<16xf32>
      %sub3A_545 = arith.subf %select_n3A_540, %get3A_544 : vector<16xf32>
      %get3A_546 = arith.index_cast %scan3A_348 : i32 to index
      %get3A_547 = arith.constant 112 : index
      %get3A_548 = tpu.vector_load %arg11[%get3A_546, %get3A_547] {strides = array<i32>} : memref<64x256xf32, #tpu.memory_space<vmem>>, vector<1x16xf32>,
      %get3A_549 = vector.shape_cast %get3A_548 : vector<1x16xf32> to vector<16xf32>
      %sub3A_550 = arith.subf %select_n3A_540, %get3A_549 : vector<16xf32>
      %mul3A_551 = arith.mulf %sub3A_545, %sub3A_545 : vector<16xf32>
      %add3A_552 = arith.addf %add3A_526, %mul3A_551 : vector<16xf32>
      %mul3A_553 = arith.mulf %sub3A_550, %sub3A_550 : vector<16xf32>
      %add3A_554 = arith.addf %add3A_528, %mul3A_553 : vector<16xf32>
      %get3A_555 = arith.index_cast %scan3A_348 : i32 to index
      %get3A_556 = arith.constant 128 : index
      %get3A_557 = tpu.vector_load %arg7[%get3A_555, %get3A_556] {strides = array<i32>} : memref<64x256xf32, #tpu.memory_space<vmem>>, vector<1x16xf32>,
      %get3A_558 = vector.shape_cast %get3A_557 : vector<1x16xf32> to vector<16xf32>
      %gt3A_559 = arith.constant 5.000000e-01 : f32
      %gt3A_560 = vector.broadcast %gt3A_559 : f32 to vector<16xf32>
      %gt3A_561 = arith.cmpf ogt, %get3A_558, %gt3A_560 : vector<16xf32>
      %jit3A_562 = arith.constant 1.000000e+00 : f32
      %jit3A_563 = arith.constant 0.000000e+00 : f32
      %broadcast_in_dim3A_564 = vector.broadcast %jit3A_562 : f32 to vector<16xf32>
      %broadcast_in_dim3A_565 = vector.broadcast %jit3A_563 : f32 to vector<16xf32>
      %select_n3A_566 = arith.select %gt3A_561, %broadcast_in_dim3A_564, %broadcast_in_dim3A_565 : vector<16xi1>, vector<16xf32>
      %get3A_567 = arith.index_cast %scan3A_348 : i32 to index
      %get3A_568 = arith.constant 128 : index
      %get3A_569 = tpu.vector_load %arg9[%get3A_567, %get3A_568] {strides = array<i32>} : memref<64x256xf32, #tpu.memory_space<vmem>>, vector<1x16xf32>,
      %get3A_570 = vector.shape_cast %get3A_569 : vector<1x16xf32> to vector<16xf32>
      %sub3A_571 = arith.subf %select_n3A_566, %get3A_570 : vector<16xf32>
      %get3A_572 = arith.index_cast %scan3A_348 : i32 to index
      %get3A_573 = arith.constant 128 : index
      %get3A_574 = tpu.vector_load %arg11[%get3A_572, %get3A_573] {strides = array<i32>} : memref<64x256xf32, #tpu.memory_space<vmem>>, vector<1x16xf32>,
      %get3A_575 = vector.shape_cast %get3A_574 : vector<1x16xf32> to vector<16xf32>
      %sub3A_576 = arith.subf %select_n3A_566, %get3A_575 : vector<16xf32>
      %mul3A_577 = arith.mulf %sub3A_571, %sub3A_571 : vector<16xf32>
      %add3A_578 = arith.addf %add3A_552, %mul3A_577 : vector<16xf32>
      %mul3A_579 = arith.mulf %sub3A_576, %sub3A_576 : vector<16xf32>
      %add3A_580 = arith.addf %add3A_554, %mul3A_579 : vector<16xf32>
      %get3A_581 = arith.index_cast %scan3A_348 : i32 to index
      %get3A_582 = arith.constant 144 : index
      %get3A_583 = tpu.vector_load %arg7[%get3A_581, %get3A_582] {strides = array<i32>} : memref<64x256xf32, #tpu.memory_space<vmem>>, vector<1x16xf32>,
      %get3A_584 = vector.shape_cast %get3A_583 : vector<1x16xf32> to vector<16xf32>
      %gt3A_585 = arith.constant 5.000000e-01 : f32
      %gt3A_586 = vector.broadcast %gt3A_585 : f32 to vector<16xf32>
      %gt3A_587 = arith.cmpf ogt, %get3A_584, %gt3A_586 : vector<16xf32>
      %jit3A_588 = arith.constant 1.000000e+00 : f32
      %jit3A_589 = arith.constant 0.000000e+00 : f32
      %broadcast_in_dim3A_590 = vector.broadcast %jit3A_588 : f32 to vector<16xf32>
      %broadcast_in_dim3A_591 = vector.broadcast %jit3A_589 : f32 to vector<16xf32>
      %select_n3A_592 = arith.select %gt3A_587, %broadcast_in_dim3A_590, %broadcast_in_dim3A_591 : vector<16xi1>, vector<16xf32>
      %get3A_593 = arith.index_cast %scan3A_348 : i32 to index
      %get3A_594 = arith.constant 144 : index
      %get3A_595 = tpu.vector_load %arg9[%get3A_593, %get3A_594] {strides = array<i32>} : memref<64x256xf32, #tpu.memory_space<vmem>>, vector<1x16xf32>,
      %get3A_596 = vector.shape_cast %get3A_595 : vector<1x16xf32> to vector<16xf32>
      %sub3A_597 = arith.subf %select_n3A_592, %get3A_596 : vector<16xf32>
      %get3A_598 = arith.index_cast %scan3A_348 : i32 to index
      %get3A_599 = arith.constant 144 : index
      %get3A_600 = tpu.vector_load %arg11[%get3A_598, %get3A_599] {strides = array<i32>} : memref<64x256xf32, #tpu.memory_space<vmem>>, vector<1x16xf32>,
      %get3A_601 = vector.shape_cast %get3A_600 : vector<1x16xf32> to vector<16xf32>
      %sub3A_602 = arith.subf %select_n3A_592, %get3A_601 : vector<16xf32>
      %mul3A_603 = arith.mulf %sub3A_597, %sub3A_597 : vector<16xf32>
      %add3A_604 = arith.addf %add3A_578, %mul3A_603 : vector<16xf32>
      %mul3A_605 = arith.mulf %sub3A_602, %sub3A_602 : vector<16xf32>
      %add3A_606 = arith.addf %add3A_580, %mul3A_605 : vector<16xf32>
      %get3A_607 = arith.index_cast %scan3A_348 : i32 to index
      %get3A_608 = arith.constant 160 : index
      %get3A_609 = tpu.vector_load %arg7[%get3A_607, %get3A_608] {strides = array<i32>} : memref<64x256xf32, #tpu.memory_space<vmem>>, vector<1x16xf32>,
      %get3A_610 = vector.shape_cast %get3A_609 : vector<1x16xf32> to vector<16xf32>
      %gt3A_611 = arith.constant 5.000000e-01 : f32
      %gt3A_612 = vector.broadcast %gt3A_611 : f32 to vector<16xf32>
      %gt3A_613 = arith.cmpf ogt, %get3A_610, %gt3A_612 : vector<16xf32>
      %jit3A_614 = arith.constant 1.000000e+00 : f32
      %jit3A_615 = arith.constant 0.000000e+00 : f32
      %broadcast_in_dim3A_616 = vector.broadcast %jit3A_614 : f32 to vector<16xf32>
      %broadcast_in_dim3A_617 = vector.broadcast %jit3A_615 : f32 to vector<16xf32>
      %select_n3A_618 = arith.select %gt3A_613, %broadcast_in_dim3A_616, %broadcast_in_dim3A_617 : vector<16xi1>, vector<16xf32>
      %get3A_619 = arith.index_cast %scan3A_348 : i32 to index
      %get3A_620 = arith.constant 160 : index
      %get3A_621 = tpu.vector_load %arg9[%get3A_619, %get3A_620] {strides = array<i32>} : memref<64x256xf32, #tpu.memory_space<vmem>>, vector<1x16xf32>,
      %get3A_622 = vector.shape_cast %get3A_621 : vector<1x16xf32> to vector<16xf32>
      %sub3A_623 = arith.subf %select_n3A_618, %get3A_622 : vector<16xf32>
      %get3A_624 = arith.index_cast %scan3A_348 : i32 to index
      %get3A_625 = arith.constant 160 : index
      %get3A_626 = tpu.vector_load %arg11[%get3A_624, %get3A_625] {strides = array<i32>} : memref<64x256xf32, #tpu.memory_space<vmem>>, vector<1x16xf32>,
      %get3A_627 = vector.shape_cast %get3A_626 : vector<1x16xf32> to vector<16xf32>
      %sub3A_628 = arith.subf %select_n3A_618, %get3A_627 : vector<16xf32>
      %mul3A_629 = arith.mulf %sub3A_623, %sub3A_623 : vector<16xf32>
      %add3A_630 = arith.addf %add3A_604, %mul3A_629 : vector<16xf32>
      %mul3A_631 = arith.mulf %sub3A_628, %sub3A_628 : vector<16xf32>
      %add3A_632 = arith.addf %add3A_606, %mul3A_631 : vector<16xf32>
      %get3A_633 = arith.index_cast %scan3A_348 : i32 to index
      %get3A_634 = arith.constant 176 : index
      %get3A_635 = tpu.vector_load %arg7[%get3A_633, %get3A_634] {strides = array<i32>} : memref<64x256xf32, #tpu.memory_space<vmem>>, vector<1x16xf32>,
      %get3A_636 = vector.shape_cast %get3A_635 : vector<1x16xf32> to vector<16xf32>
      %gt3A_637 = arith.constant 5.000000e-01 : f32
      %gt3A_638 = vector.broadcast %gt3A_637 : f32 to vector<16xf32>
      %gt3A_639 = arith.cmpf ogt, %get3A_636, %gt3A_638 : vector<16xf32>
      %jit3A_640 = arith.constant 1.000000e+00 : f32
      %jit3A_641 = arith.constant 0.000000e+00 : f32
      %broadcast_in_dim3A_642 = vector.broadcast %jit3A_640 : f32 to vector<16xf32>
      %broadcast_in_dim3A_643 = vector.broadcast %jit3A_641 : f32 to vector<16xf32>
      %select_n3A_644 = arith.select %gt3A_639, %broadcast_in_dim3A_642, %broadcast_in_dim3A_643 : vector<16xi1>, vector<16xf32>
      %get3A_645 = arith.index_cast %scan3A_348 : i32 to index
      %get3A_646 = arith.constant 176 : index
      %get3A_647 = tpu.vector_load %arg9[%get3A_645, %get3A_646] {strides = array<i32>} : memref<64x256xf32, #tpu.memory_space<vmem>>, vector<1x16xf32>,
      %get3A_648 = vector.shape_cast %get3A_647 : vector<1x16xf32> to vector<16xf32>
      %sub3A_649 = arith.subf %select_n3A_644, %get3A_648 : vector<16xf32>
      %get3A_650 = arith.index_cast %scan3A_348 : i32 to index
      %get3A_651 = arith.constant 176 : index
      %get3A_652 = tpu.vector_load %arg11[%get3A_650, %get3A_651] {strides = array<i32>} : memref<64x256xf32, #tpu.memory_space<vmem>>, vector<1x16xf32>,
      %get3A_653 = vector.shape_cast %get3A_652 : vector<1x16xf32> to vector<16xf32>
      %sub3A_654 = arith.subf %select_n3A_644, %get3A_653 : vector<16xf32>
      %mul3A_655 = arith.mulf %sub3A_649, %sub3A_649 : vector<16xf32>
      %add3A_656 = arith.addf %add3A_630, %mul3A_655 : vector<16xf32>
      %mul3A_657 = arith.mulf %sub3A_654, %sub3A_654 : vector<16xf32>
      %add3A_658 = arith.addf %add3A_632, %mul3A_657 : vector<16xf32>
      %get3A_659 = arith.index_cast %scan3A_348 : i32 to index
      %get3A_660 = arith.constant 192 : index
      %get3A_661 = tpu.vector_load %arg7[%get3A_659, %get3A_660] {strides = array<i32>} : memref<64x256xf32, #tpu.memory_space<vmem>>, vector<1x16xf32>,
      %get3A_662 = vector.shape_cast %get3A_661 : vector<1x16xf32> to vector<16xf32>
      %gt3A_663 = arith.constant 5.000000e-01 : f32
      %gt3A_664 = vector.broadcast %gt3A_663 : f32 to vector<16xf32>
      %gt3A_665 = arith.cmpf ogt, %get3A_662, %gt3A_664 : vector<16xf32>
      %jit3A_666 = arith.constant 1.000000e+00 : f32
      %jit3A_667 = arith.constant 0.000000e+00 : f32
      %broadcast_in_dim3A_668 = vector.broadcast %jit3A_666 : f32 to vector<16xf32>
      %broadcast_in_dim3A_669 = vector.broadcast %jit3A_667 : f32 to vector<16xf32>
      %select_n3A_670 = arith.select %gt3A_665, %broadcast_in_dim3A_668, %broadcast_in_dim3A_669 : vector<16xi1>, vector<16xf32>
      %get3A_671 = arith.index_cast %scan3A_348 : i32 to index
      %get3A_672 = arith.constant 192 : index
      %get3A_673 = tpu.vector_load %arg9[%get3A_671, %get3A_672] {strides = array<i32>} : memref<64x256xf32, #tpu.memory_space<vmem>>, vector<1x16xf32>,
      %get3A_674 = vector.shape_cast %get3A_673 : vector<1x16xf32> to vector<16xf32>
      %sub3A_675 = arith.subf %select_n3A_670, %get3A_674 : vector<16xf32>
      %get3A_676 = arith.index_cast %scan3A_348 : i32 to index
      %get3A_677 = arith.constant 192 : index
      %get3A_678 = tpu.vector_load %arg11[%get3A_676, %get3A_677] {strides = array<i32>} : memref<64x256xf32, #tpu.memory_space<vmem>>, vector<1x16xf32>,
      %get3A_679 = vector.shape_cast %get3A_678 : vector<1x16xf32> to vector<16xf32>
      %sub3A_680 = arith.subf %select_n3A_670, %get3A_679 : vector<16xf32>
      %mul3A_681 = arith.mulf %sub3A_675, %sub3A_675 : vector<16xf32>
      %add3A_682 = arith.addf %add3A_656, %mul3A_681 : vector<16xf32>
      %mul3A_683 = arith.mulf %sub3A_680, %sub3A_680 : vector<16xf32>
      %add3A_684 = arith.addf %add3A_658, %mul3A_683 : vector<16xf32>
      %get3A_685 = arith.index_cast %scan3A_348 : i32 to index
      %get3A_686 = arith.constant 208 : index
      %get3A_687 = tpu.vector_load %arg7[%get3A_685, %get3A_686] {strides = array<i32>} : memref<64x256xf32, #tpu.memory_space<vmem>>, vector<1x16xf32>,
      %get3A_688 = vector.shape_cast %get3A_687 : vector<1x16xf32> to vector<16xf32>
      %gt3A_689 = arith.constant 5.000000e-01 : f32
      %gt3A_690 = vector.broadcast %gt3A_689 : f32 to vector<16xf32>
      %gt3A_691 = arith.cmpf ogt, %get3A_688, %gt3A_690 : vector<16xf32>
      %jit3A_692 = arith.constant 1.000000e+00 : f32
      %jit3A_693 = arith.constant 0.000000e+00 : f32
      %broadcast_in_dim3A_694 = vector.broadcast %jit3A_692 : f32 to vector<16xf32>
      %broadcast_in_dim3A_695 = vector.broadcast %jit3A_693 : f32 to vector<16xf32>
      %select_n3A_696 = arith.select %gt3A_691, %broadcast_in_dim3A_694, %broadcast_in_dim3A_695 : vector<16xi1>, vector<16xf32>
      %get3A_697 = arith.index_cast %scan3A_348 : i32 to index
      %get3A_698 = arith.constant 208 : index
      %get3A_699 = tpu.vector_load %arg9[%get3A_697, %get3A_698] {strides = array<i32>} : memref<64x256xf32, #tpu.memory_space<vmem>>, vector<1x16xf32>,
      %get3A_700 = vector.shape_cast %get3A_699 : vector<1x16xf32> to vector<16xf32>
      %sub3A_701 = arith.subf %select_n3A_696, %get3A_700 : vector<16xf32>
      %get3A_702 = arith.index_cast %scan3A_348 : i32 to index
      %get3A_703 = arith.constant 208 : index
      %get3A_704 = tpu.vector_load %arg11[%get3A_702, %get3A_703] {strides = array<i32>} : memref<64x256xf32, #tpu.memory_space<vmem>>, vector<1x16xf32>,
      %get3A_705 = vector.shape_cast %get3A_704 : vector<1x16xf32> to vector<16xf32>
      %sub3A_706 = arith.subf %select_n3A_696, %get3A_705 : vector<16xf32>
      %mul3A_707 = arith.mulf %sub3A_701, %sub3A_701 : vector<16xf32>
      %add3A_708 = arith.addf %add3A_682, %mul3A_707 : vector<16xf32>
      %mul3A_709 = arith.mulf %sub3A_706, %sub3A_706 : vector<16xf32>
      %add3A_710 = arith.addf %add3A_684, %mul3A_709 : vector<16xf32>
      %get3A_711 = arith.index_cast %scan3A_348 : i32 to index
      %get3A_712 = arith.constant 224 : index
      %get3A_713 = tpu.vector_load %arg7[%get3A_711, %get3A_712] {strides = array<i32>} : memref<64x256xf32, #tpu.memory_space<vmem>>, vector<1x16xf32>,
      %get3A_714 = vector.shape_cast %get3A_713 : vector<1x16xf32> to vector<16xf32>
      %gt3A_715 = arith.constant 5.000000e-01 : f32
      %gt3A_716 = vector.broadcast %gt3A_715 : f32 to vector<16xf32>
      %gt3A_717 = arith.cmpf ogt, %get3A_714, %gt3A_716 : vector<16xf32>
      %jit3A_718 = arith.constant 1.000000e+00 : f32
      %jit3A_719 = arith.constant 0.000000e+00 : f32
      %broadcast_in_dim3A_720 = vector.broadcast %jit3A_718 : f32 to vector<16xf32>
      %broadcast_in_dim3A_721 = vector.broadcast %jit3A_719 : f32 to vector<16xf32>
      %select_n3A_722 = arith.select %gt3A_717, %broadcast_in_dim3A_720, %broadcast_in_dim3A_721 : vector<16xi1>, vector<16xf32>
      %get3A_723 = arith.index_cast %scan3A_348 : i32 to index
      %get3A_724 = arith.constant 224 : index
      %get3A_725 = tpu.vector_load %arg9[%get3A_723, %get3A_724] {strides = array<i32>} : memref<64x256xf32, #tpu.memory_space<vmem>>, vector<1x16xf32>,
      %get3A_726 = vector.shape_cast %get3A_725 : vector<1x16xf32> to vector<16xf32>
      %sub3A_727 = arith.subf %select_n3A_722, %get3A_726 : vector<16xf32>
      %get3A_728 = arith.index_cast %scan3A_348 : i32 to index
      %get3A_729 = arith.constant 224 : index
      %get3A_730 = tpu.vector_load %arg11[%get3A_728, %get3A_729] {strides = array<i32>} : memref<64x256xf32, #tpu.memory_space<vmem>>, vector<1x16xf32>,
      %get3A_731 = vector.shape_cast %get3A_730 : vector<1x16xf32> to vector<16xf32>
      %sub3A_732 = arith.subf %select_n3A_722, %get3A_731 : vector<16xf32>
      %mul3A_733 = arith.mulf %sub3A_727, %sub3A_727 : vector<16xf32>
      %add3A_734 = arith.addf %add3A_708, %mul3A_733 : vector<16xf32>
      %mul3A_735 = arith.mulf %sub3A_732, %sub3A_732 : vector<16xf32>
      %add3A_736 = arith.addf %add3A_710, %mul3A_735 : vector<16xf32>
      %get3A_737 = arith.index_cast %scan3A_348 : i32 to index
      %get3A_738 = arith.constant 240 : index
      %get3A_739 = tpu.vector_load %arg7[%get3A_737, %get3A_738] {strides = array<i32>} : memref<64x256xf32, #tpu.memory_space<vmem>>, vector<1x16xf32>,
      %get3A_740 = vector.shape_cast %get3A_739 : vector<1x16xf32> to vector<16xf32>
      %gt3A_741 = arith.constant 5.000000e-01 : f32
      %gt3A_742 = vector.broadcast %gt3A_741 : f32 to vector<16xf32>
      %gt3A_743 = arith.cmpf ogt, %get3A_740, %gt3A_742 : vector<16xf32>
      %jit3A_744 = arith.constant 1.000000e+00 : f32
      %jit3A_745 = arith.constant 0.000000e+00 : f32
      %broadcast_in_dim3A_746 = vector.broadcast %jit3A_744 : f32 to vector<16xf32>
      %broadcast_in_dim3A_747 = vector.broadcast %jit3A_745 : f32 to vector<16xf32>
      %select_n3A_748 = arith.select %gt3A_743, %broadcast_in_dim3A_746, %broadcast_in_dim3A_747 : vector<16xi1>, vector<16xf32>
      %get3A_749 = arith.index_cast %scan3A_348 : i32 to index
      %get3A_750 = arith.constant 240 : index
      %get3A_751 = tpu.vector_load %arg9[%get3A_749, %get3A_750] {strides = array<i32>} : memref<64x256xf32, #tpu.memory_space<vmem>>, vector<1x16xf32>,
      %get3A_752 = vector.shape_cast %get3A_751 : vector<1x16xf32> to vector<16xf32>
      %sub3A_753 = arith.subf %select_n3A_748, %get3A_752 : vector<16xf32>
      %get3A_754 = arith.index_cast %scan3A_348 : i32 to index
      %get3A_755 = arith.constant 240 : index
      %get3A_756 = tpu.vector_load %arg11[%get3A_754, %get3A_755] {strides = array<i32>} : memref<64x256xf32, #tpu.memory_space<vmem>>, vector<1x16xf32>,
      %get3A_757 = vector.shape_cast %get3A_756 : vector<1x16xf32> to vector<16xf32>
      %sub3A_758 = arith.subf %select_n3A_748, %get3A_757 : vector<16xf32>
      %mul3A_759 = arith.mulf %sub3A_753, %sub3A_753 : vector<16xf32>
      %add3A_760 = arith.addf %add3A_734, %mul3A_759 : vector<16xf32>
      %mul3A_761 = arith.mulf %sub3A_758, %sub3A_758 : vector<16xf32>
      %add3A_762 = arith.addf %add3A_736, %mul3A_761 : vector<16xf32>
      scf.yield %add3A_760, %add3A_762 : vector<16xf32>, vector<16xf32>
    }
    %scan3A_142 = arith.constant 64 : i32
    %dma_start3A_143 = arith.constant 192 : i32
    %dma_start3A_144 = arith.constant 0 : i32
    %dma_start3A_145 = tpu.memref_slice %arg2[%add3A, %dma_start3A_143, %dma_start3A_144] : memref<128x256x256xf32, #tpu.memory_space<hbm>> -> memref<1x64x256xf32, #tpu.memory_space<hbm>>
    %dma_start3A_146 = tpu.memref_squeeze %dma_start3A_145 : memref<1x64x256xf32, #tpu.memory_space<hbm>> -> memref<64x256xf32, #tpu.memory_space<hbm>>
    %dma_start3A_147 = arith.constant 192 : i32
    %dma_start3A_148 = arith.constant 0 : i32
    %dma_start3A_149 = tpu.memref_slice %arg2[%add3A, %dma_start3A_147, %dma_start3A_148] : memref<128x256x256xf32, #tpu.memory_space<hbm>> -> memref<1x64x256xf32, #tpu.memory_space<hbm>>
    %dma_start3A_150 = tpu.memref_squeeze %dma_start3A_149 : memref<1x64x256xf32, #tpu.memory_space<hbm>> -> memref<64x256xf32, #tpu.memory_space<hbm>>
    tpu.enqueue_dma source(%dma_start3A_150 : memref<64x256xf32, #tpu.memory_space<hbm>>) target(%arg7 : memref<64x256xf32, #tpu.memory_space<vmem>>) target_semaphore(%arg13 : memref<!tpu.dma_semaphore, #tpu.memory_space<semaphore_mem>>)
    %dma_start3A_151 = arith.constant 0 : i32
    %dma_start3A_152 = arith.constant 192 : i32
    %dma_start3A_153 = arith.constant 0 : i32
    %dma_start3A_154 = tpu.memref_slice %arg3[%dma_start3A_151, %add3A, %dma_start3A_152, %dma_start3A_153] : memref<1x128x256x256xf32, #tpu.memory_space<hbm>> -> memref<1x1x64x256xf32, #tpu.memory_space<hbm>>
    %dma_start3A_155 = tpu.memref_squeeze %dma_start3A_154 : memref<1x1x64x256xf32, #tpu.memory_space<hbm>> -> memref<64x256xf32, #tpu.memory_space<hbm>>
    %dma_start3A_156 = arith.constant 192 : i32
    %dma_start3A_157 = arith.constant 0 : i32
    %dma_start3A_158 = tpu.memref_slice %arg3[%dma_start3A_151, %add3A, %dma_start3A_156, %dma_start3A_157] : memref<1x128x256x256xf32, #tpu.memory_space<hbm>> -> memref<1x1x64x256xf32, #tpu.memory_space<hbm>>
    %dma_start3A_159 = tpu.memref_squeeze %dma_start3A_158 : memref<1x1x64x256xf32, #tpu.memory_space<hbm>> -> memref<64x256xf32, #tpu.memory_space<hbm>>
    tpu.enqueue_dma source(%dma_start3A_159 : memref<64x256xf32, #tpu.memory_space<hbm>>) target(%arg9 : memref<64x256xf32, #tpu.memory_space<vmem>>) target_semaphore(%arg13 : memref<!tpu.dma_semaphore, #tpu.memory_space<semaphore_mem>>)
    %dma_start3A_160 = arith.constant 0 : i32
    %dma_start3A_161 = arith.constant 192 : i32
    %dma_start3A_162 = arith.constant 0 : i32
    %dma_start3A_163 = tpu.memref_slice %arg4[%dma_start3A_160, %add3A, %dma_start3A_161, %dma_start3A_162] : memref<1x128x256x256xf32, #tpu.memory_space<hbm>> -> memref<1x1x64x256xf32, #tpu.memory_space<hbm>>
    %dma_start3A_164 = tpu.memref_squeeze %dma_start3A_163 : memref<1x1x64x256xf32, #tpu.memory_space<hbm>> -> memref<64x256xf32, #tpu.memory_space<hbm>>
    %dma_start3A_165 = arith.constant 192 : i32
    %dma_start3A_166 = arith.constant 0 : i32
    %dma_start3A_167 = tpu.memref_slice %arg4[%dma_start3A_160, %add3A, %dma_start3A_165, %dma_start3A_166] : memref<1x128x256x256xf32, #tpu.memory_space<hbm>> -> memref<1x1x64x256xf32, #tpu.memory_space<hbm>>
    %dma_start3A_168 = tpu.memref_squeeze %dma_start3A_167 : memref<1x1x64x256xf32, #tpu.memory_space<hbm>> -> memref<64x256xf32, #tpu.memory_space<hbm>>
    tpu.enqueue_dma source(%dma_start3A_168 : memref<64x256xf32, #tpu.memory_space<hbm>>) target(%arg11 : memref<64x256xf32, #tpu.memory_space<vmem>>) target_semaphore(%arg13 : memref<!tpu.dma_semaphore, #tpu.memory_space<semaphore_mem>>)
    %dma_wait3A_169 = arith.constant 128 : i32
    %dma_wait3A_170 = arith.constant 0 : i32
    %dma_wait3A_171 = tpu.memref_slice %arg2[%add3A, %dma_wait3A_169, %dma_wait3A_170] : memref<128x256x256xf32, #tpu.memory_space<hbm>> -> memref<1x64x256xf32, #tpu.memory_space<hbm>>
    %dma_wait3A_172 = tpu.memref_squeeze %dma_wait3A_171 : memref<1x64x256xf32, #tpu.memory_space<hbm>> -> memref<64x256xf32, #tpu.memory_space<hbm>>
    %dma_wait3A_173 = arith.constant 128 : i32
    %dma_wait3A_174 = arith.constant 0 : i32
    %dma_wait3A_175 = tpu.memref_slice %arg2[%add3A, %dma_wait3A_173, %dma_wait3A_174] : memref<128x256x256xf32, #tpu.memory_space<hbm>> -> memref<1x64x256xf32, #tpu.memory_space<hbm>>
    %dma_wait3A_176 = tpu.memref_squeeze %dma_wait3A_175 : memref<1x64x256xf32, #tpu.memory_space<hbm>> -> memref<64x256xf32, #tpu.memory_space<hbm>>
    tpu.wait_dma2 semaphore(%arg12 : memref<!tpu.dma_semaphore, #tpu.memory_space<semaphore_mem>>) src(%dma_wait3A_176 : memref<64x256xf32, #tpu.memory_space<hbm>>) dst(%arg6 : memref<64x256xf32, #tpu.memory_space<vmem>>)
    %dma_wait3A_177 = arith.constant 0 : i32
    %dma_wait3A_178 = arith.constant 128 : i32
    %dma_wait3A_179 = arith.constant 0 : i32
    %dma_wait3A_180 = tpu.memref_slice %arg3[%dma_wait3A_177, %add3A, %dma_wait3A_178, %dma_wait3A_179] : memref<1x128x256x256xf32, #tpu.memory_space<hbm>> -> memref<1x1x64x256xf32, #tpu.memory_space<hbm>>
    %dma_wait3A_181 = tpu.memref_squeeze %dma_wait3A_180 : memref<1x1x64x256xf32, #tpu.memory_space<hbm>> -> memref<64x256xf32, #tpu.memory_space<hbm>>
    %dma_wait3A_182 = arith.constant 128 : i32
    %dma_wait3A_183 = arith.constant 0 : i32
    %dma_wait3A_184 = tpu.memref_slice %arg3[%dma_wait3A_177, %add3A, %dma_wait3A_182, %dma_wait3A_183] : memref<1x128x256x256xf32, #tpu.memory_space<hbm>> -> memref<1x1x64x256xf32, #tpu.memory_space<hbm>>
    %dma_wait3A_185 = tpu.memref_squeeze %dma_wait3A_184 : memref<1x1x64x256xf32, #tpu.memory_space<hbm>> -> memref<64x256xf32, #tpu.memory_space<hbm>>
    tpu.wait_dma2 semaphore(%arg12 : memref<!tpu.dma_semaphore, #tpu.memory_space<semaphore_mem>>) src(%dma_wait3A_185 : memref<64x256xf32, #tpu.memory_space<hbm>>) dst(%arg8 : memref<64x256xf32, #tpu.memory_space<vmem>>)
    %dma_wait3A_186 = arith.constant 0 : i32
    %dma_wait3A_187 = arith.constant 128 : i32
    %dma_wait3A_188 = arith.constant 0 : i32
    %dma_wait3A_189 = tpu.memref_slice %arg4[%dma_wait3A_186, %add3A, %dma_wait3A_187, %dma_wait3A_188] : memref<1x128x256x256xf32, #tpu.memory_space<hbm>> -> memref<1x1x64x256xf32, #tpu.memory_space<hbm>>
    %dma_wait3A_190 = tpu.memref_squeeze %dma_wait3A_189 : memref<1x1x64x256xf32, #tpu.memory_space<hbm>> -> memref<64x256xf32, #tpu.memory_space<hbm>>
    %dma_wait3A_191 = arith.constant 128 : i32
    %dma_wait3A_192 = arith.constant 0 : i32
    %dma_wait3A_193 = tpu.memref_slice %arg4[%dma_wait3A_186, %add3A, %dma_wait3A_191, %dma_wait3A_192] : memref<1x128x256x256xf32, #tpu.memory_space<hbm>> -> memref<1x1x64x256xf32, #tpu.memory_space<hbm>>
    %dma_wait3A_194 = tpu.memref_squeeze %dma_wait3A_193 : memref<1x1x64x256xf32, #tpu.memory_space<hbm>> -> memref<64x256xf32, #tpu.memory_space<hbm>>
    tpu.wait_dma2 semaphore(%arg12 : memref<!tpu.dma_semaphore, #tpu.memory_space<semaphore_mem>>) src(%dma_wait3A_194 : memref<64x256xf32, #tpu.memory_space<hbm>>) dst(%arg10 : memref<64x256xf32, #tpu.memory_space<vmem>>)
    %scan3A_195 = arith.constant 0 : i32
    %scan3A_196 = arith.constant 64 : i32
    %scan3A_197 = arith.addi %scan3A_195, %scan3A_196 : i32
    %scan3A_198 = arith.constant 1 : i32
    %scan3A_199:2 = scf.for %scan3A_348 = %scan3A_195 to %scan3A_197 step %scan3A_198 iter_args(%scan3A_349 = %scan3A_141#0, %scan3A_350 = %scan3A_141#1) -> (vector<16xf32>, vector<16xf32>)  : i32 {
      %get3A = arith.index_cast %scan3A_348 : i32 to index
      %get3A_351 = arith.constant 0 : index
      %get3A_352 = tpu.vector_load %arg6[%get3A, %get3A_351] {strides = array<i32>} : memref<64x256xf32, #tpu.memory_space<vmem>>, vector<1x16xf32>,
      %get3A_353 = vector.shape_cast %get3A_352 : vector<1x16xf32> to vector<16xf32>
      %gt3A = arith.constant 5.000000e-01 : f32
      %gt3A_354 = vector.broadcast %gt3A : f32 to vector<16xf32>
      %gt3A_355 = arith.cmpf ogt, %get3A_353, %gt3A_354 : vector<16xf32>
      %jit3A = arith.constant 1.000000e+00 : f32
      %jit3A_356 = arith.constant 0.000000e+00 : f32
      %broadcast_in_dim3A_357 = vector.broadcast %jit3A : f32 to vector<16xf32>
      %broadcast_in_dim3A_358 = vector.broadcast %jit3A_356 : f32 to vector<16xf32>
      %select_n3A = arith.select %gt3A_355, %broadcast_in_dim3A_357, %broadcast_in_dim3A_358 : vector<16xi1>, vector<16xf32>
      %get3A_359 = arith.index_cast %scan3A_348 : i32 to index
      %get3A_360 = arith.constant 0 : index
      %get3A_361 = tpu.vector_load %arg8[%get3A_359, %get3A_360] {strides = array<i32>} : memref<64x256xf32, #tpu.memory_space<vmem>>, vector<1x16xf32>,
      %get3A_362 = vector.shape_cast %get3A_361 : vector<1x16xf32> to vector<16xf32>
      %sub3A_363 = arith.subf %select_n3A, %get3A_362 : vector<16xf32>
      %get3A_364 = arith.index_cast %scan3A_348 : i32 to index
      %get3A_365 = arith.constant 0 : index
      %get3A_366 = tpu.vector_load %arg10[%get3A_364, %get3A_365] {strides = array<i32>} : memref<64x256xf32, #tpu.memory_space<vmem>>, vector<1x16xf32>,
      %get3A_367 = vector.shape_cast %get3A_366 : vector<1x16xf32> to vector<16xf32>
      %sub3A_368 = arith.subf %select_n3A, %get3A_367 : vector<16xf32>
      %mul3A_369 = arith.mulf %sub3A_363, %sub3A_363 : vector<16xf32>
      %add3A_370 = arith.addf %scan3A_349, %mul3A_369 : vector<16xf32>
      %mul3A_371 = arith.mulf %sub3A_368, %sub3A_368 : vector<16xf32>
      %add3A_372 = arith.addf %scan3A_350, %mul3A_371 : vector<16xf32>
      %get3A_373 = arith.index_cast %scan3A_348 : i32 to index
      %get3A_374 = arith.constant 16 : index
      %get3A_375 = tpu.vector_load %arg6[%get3A_373, %get3A_374] {strides = array<i32>} : memref<64x256xf32, #tpu.memory_space<vmem>>, vector<1x16xf32>,
      %get3A_376 = vector.shape_cast %get3A_375 : vector<1x16xf32> to vector<16xf32>
      %gt3A_377 = arith.constant 5.000000e-01 : f32
      %gt3A_378 = vector.broadcast %gt3A_377 : f32 to vector<16xf32>
      %gt3A_379 = arith.cmpf ogt, %get3A_376, %gt3A_378 : vector<16xf32>
      %jit3A_380 = arith.constant 1.000000e+00 : f32
      %jit3A_381 = arith.constant 0.000000e+00 : f32
      %broadcast_in_dim3A_382 = vector.broadcast %jit3A_380 : f32 to vector<16xf32>
      %broadcast_in_dim3A_383 = vector.broadcast %jit3A_381 : f32 to vector<16xf32>
      %select_n3A_384 = arith.select %gt3A_379, %broadcast_in_dim3A_382, %broadcast_in_dim3A_383 : vector<16xi1>, vector<16xf32>
      %get3A_385 = arith.index_cast %scan3A_348 : i32 to index
      %get3A_386 = arith.constant 16 : index
      %get3A_387 = tpu.vector_load %arg8[%get3A_385, %get3A_386] {strides = array<i32>} : memref<64x256xf32, #tpu.memory_space<vmem>>, vector<1x16xf32>,
      %get3A_388 = vector.shape_cast %get3A_387 : vector<1x16xf32> to vector<16xf32>
      %sub3A_389 = arith.subf %select_n3A_384, %get3A_388 : vector<16xf32>
      %get3A_390 = arith.index_cast %scan3A_348 : i32 to index
      %get3A_391 = arith.constant 16 : index
      %get3A_392 = tpu.vector_load %arg10[%get3A_390, %get3A_391] {strides = array<i32>} : memref<64x256xf32, #tpu.memory_space<vmem>>, vector<1x16xf32>,
      %get3A_393 = vector.shape_cast %get3A_392 : vector<1x16xf32> to vector<16xf32>
      %sub3A_394 = arith.subf %select_n3A_384, %get3A_393 : vector<16xf32>
      %mul3A_395 = arith.mulf %sub3A_389, %sub3A_389 : vector<16xf32>
      %add3A_396 = arith.addf %add3A_370, %mul3A_395 : vector<16xf32>
      %mul3A_397 = arith.mulf %sub3A_394, %sub3A_394 : vector<16xf32>
      %add3A_398 = arith.addf %add3A_372, %mul3A_397 : vector<16xf32>
      %get3A_399 = arith.index_cast %scan3A_348 : i32 to index
      %get3A_400 = arith.constant 32 : index
      %get3A_401 = tpu.vector_load %arg6[%get3A_399, %get3A_400] {strides = array<i32>} : memref<64x256xf32, #tpu.memory_space<vmem>>, vector<1x16xf32>,
      %get3A_402 = vector.shape_cast %get3A_401 : vector<1x16xf32> to vector<16xf32>
      %gt3A_403 = arith.constant 5.000000e-01 : f32
      %gt3A_404 = vector.broadcast %gt3A_403 : f32 to vector<16xf32>
      %gt3A_405 = arith.cmpf ogt, %get3A_402, %gt3A_404 : vector<16xf32>
      %jit3A_406 = arith.constant 1.000000e+00 : f32
      %jit3A_407 = arith.constant 0.000000e+00 : f32
      %broadcast_in_dim3A_408 = vector.broadcast %jit3A_406 : f32 to vector<16xf32>
      %broadcast_in_dim3A_409 = vector.broadcast %jit3A_407 : f32 to vector<16xf32>
      %select_n3A_410 = arith.select %gt3A_405, %broadcast_in_dim3A_408, %broadcast_in_dim3A_409 : vector<16xi1>, vector<16xf32>
      %get3A_411 = arith.index_cast %scan3A_348 : i32 to index
      %get3A_412 = arith.constant 32 : index
      %get3A_413 = tpu.vector_load %arg8[%get3A_411, %get3A_412] {strides = array<i32>} : memref<64x256xf32, #tpu.memory_space<vmem>>, vector<1x16xf32>,
      %get3A_414 = vector.shape_cast %get3A_413 : vector<1x16xf32> to vector<16xf32>
      %sub3A_415 = arith.subf %select_n3A_410, %get3A_414 : vector<16xf32>
      %get3A_416 = arith.index_cast %scan3A_348 : i32 to index
      %get3A_417 = arith.constant 32 : index
      %get3A_418 = tpu.vector_load %arg10[%get3A_416, %get3A_417] {strides = array<i32>} : memref<64x256xf32, #tpu.memory_space<vmem>>, vector<1x16xf32>,
      %get3A_419 = vector.shape_cast %get3A_418 : vector<1x16xf32> to vector<16xf32>
      %sub3A_420 = arith.subf %select_n3A_410, %get3A_419 : vector<16xf32>
      %mul3A_421 = arith.mulf %sub3A_415, %sub3A_415 : vector<16xf32>
      %add3A_422 = arith.addf %add3A_396, %mul3A_421 : vector<16xf32>
      %mul3A_423 = arith.mulf %sub3A_420, %sub3A_420 : vector<16xf32>
      %add3A_424 = arith.addf %add3A_398, %mul3A_423 : vector<16xf32>
      %get3A_425 = arith.index_cast %scan3A_348 : i32 to index
      %get3A_426 = arith.constant 48 : index
      %get3A_427 = tpu.vector_load %arg6[%get3A_425, %get3A_426] {strides = array<i32>} : memref<64x256xf32, #tpu.memory_space<vmem>>, vector<1x16xf32>,
      %get3A_428 = vector.shape_cast %get3A_427 : vector<1x16xf32> to vector<16xf32>
      %gt3A_429 = arith.constant 5.000000e-01 : f32
      %gt3A_430 = vector.broadcast %gt3A_429 : f32 to vector<16xf32>
      %gt3A_431 = arith.cmpf ogt, %get3A_428, %gt3A_430 : vector<16xf32>
      %jit3A_432 = arith.constant 1.000000e+00 : f32
      %jit3A_433 = arith.constant 0.000000e+00 : f32
      %broadcast_in_dim3A_434 = vector.broadcast %jit3A_432 : f32 to vector<16xf32>
      %broadcast_in_dim3A_435 = vector.broadcast %jit3A_433 : f32 to vector<16xf32>
      %select_n3A_436 = arith.select %gt3A_431, %broadcast_in_dim3A_434, %broadcast_in_dim3A_435 : vector<16xi1>, vector<16xf32>
      %get3A_437 = arith.index_cast %scan3A_348 : i32 to index
      %get3A_438 = arith.constant 48 : index
      %get3A_439 = tpu.vector_load %arg8[%get3A_437, %get3A_438] {strides = array<i32>} : memref<64x256xf32, #tpu.memory_space<vmem>>, vector<1x16xf32>,
      %get3A_440 = vector.shape_cast %get3A_439 : vector<1x16xf32> to vector<16xf32>
      %sub3A_441 = arith.subf %select_n3A_436, %get3A_440 : vector<16xf32>
      %get3A_442 = arith.index_cast %scan3A_348 : i32 to index
      %get3A_443 = arith.constant 48 : index
      %get3A_444 = tpu.vector_load %arg10[%get3A_442, %get3A_443] {strides = array<i32>} : memref<64x256xf32, #tpu.memory_space<vmem>>, vector<1x16xf32>,
      %get3A_445 = vector.shape_cast %get3A_444 : vector<1x16xf32> to vector<16xf32>
      %sub3A_446 = arith.subf %select_n3A_436, %get3A_445 : vector<16xf32>
      %mul3A_447 = arith.mulf %sub3A_441, %sub3A_441 : vector<16xf32>
      %add3A_448 = arith.addf %add3A_422, %mul3A_447 : vector<16xf32>
      %mul3A_449 = arith.mulf %sub3A_446, %sub3A_446 : vector<16xf32>
      %add3A_450 = arith.addf %add3A_424, %mul3A_449 : vector<16xf32>
      %get3A_451 = arith.index_cast %scan3A_348 : i32 to index
      %get3A_452 = arith.constant 64 : index
      %get3A_453 = tpu.vector_load %arg6[%get3A_451, %get3A_452] {strides = array<i32>} : memref<64x256xf32, #tpu.memory_space<vmem>>, vector<1x16xf32>,
      %get3A_454 = vector.shape_cast %get3A_453 : vector<1x16xf32> to vector<16xf32>
      %gt3A_455 = arith.constant 5.000000e-01 : f32
      %gt3A_456 = vector.broadcast %gt3A_455 : f32 to vector<16xf32>
      %gt3A_457 = arith.cmpf ogt, %get3A_454, %gt3A_456 : vector<16xf32>
      %jit3A_458 = arith.constant 1.000000e+00 : f32
      %jit3A_459 = arith.constant 0.000000e+00 : f32
      %broadcast_in_dim3A_460 = vector.broadcast %jit3A_458 : f32 to vector<16xf32>
      %broadcast_in_dim3A_461 = vector.broadcast %jit3A_459 : f32 to vector<16xf32>
      %select_n3A_462 = arith.select %gt3A_457, %broadcast_in_dim3A_460, %broadcast_in_dim3A_461 : vector<16xi1>, vector<16xf32>
      %get3A_463 = arith.index_cast %scan3A_348 : i32 to index
      %get3A_464 = arith.constant 64 : index
      %get3A_465 = tpu.vector_load %arg8[%get3A_463, %get3A_464] {strides = array<i32>} : memref<64x256xf32, #tpu.memory_space<vmem>>, vector<1x16xf32>,
      %get3A_466 = vector.shape_cast %get3A_465 : vector<1x16xf32> to vector<16xf32>
      %sub3A_467 = arith.subf %select_n3A_462, %get3A_466 : vector<16xf32>
      %get3A_468 = arith.index_cast %scan3A_348 : i32 to index
      %get3A_469 = arith.constant 64 : index
      %get3A_470 = tpu.vector_load %arg10[%get3A_468, %get3A_469] {strides = array<i32>} : memref<64x256xf32, #tpu.memory_space<vmem>>, vector<1x16xf32>,
      %get3A_471 = vector.shape_cast %get3A_470 : vector<1x16xf32> to vector<16xf32>
      %sub3A_472 = arith.subf %select_n3A_462, %get3A_471 : vector<16xf32>
      %mul3A_473 = arith.mulf %sub3A_467, %sub3A_467 : vector<16xf32>
      %add3A_474 = arith.addf %add3A_448, %mul3A_473 : vector<16xf32>
      %mul3A_475 = arith.mulf %sub3A_472, %sub3A_472 : vector<16xf32>
      %add3A_476 = arith.addf %add3A_450, %mul3A_475 : vector<16xf32>
      %get3A_477 = arith.index_cast %scan3A_348 : i32 to index
      %get3A_478 = arith.constant 80 : index
      %get3A_479 = tpu.vector_load %arg6[%get3A_477, %get3A_478] {strides = array<i32>} : memref<64x256xf32, #tpu.memory_space<vmem>>, vector<1x16xf32>,
      %get3A_480 = vector.shape_cast %get3A_479 : vector<1x16xf32> to vector<16xf32>
      %gt3A_481 = arith.constant 5.000000e-01 : f32
      %gt3A_482 = vector.broadcast %gt3A_481 : f32 to vector<16xf32>
      %gt3A_483 = arith.cmpf ogt, %get3A_480, %gt3A_482 : vector<16xf32>
      %jit3A_484 = arith.constant 1.000000e+00 : f32
      %jit3A_485 = arith.constant 0.000000e+00 : f32
      %broadcast_in_dim3A_486 = vector.broadcast %jit3A_484 : f32 to vector<16xf32>
      %broadcast_in_dim3A_487 = vector.broadcast %jit3A_485 : f32 to vector<16xf32>
      %select_n3A_488 = arith.select %gt3A_483, %broadcast_in_dim3A_486, %broadcast_in_dim3A_487 : vector<16xi1>, vector<16xf32>
      %get3A_489 = arith.index_cast %scan3A_348 : i32 to index
      %get3A_490 = arith.constant 80 : index
      %get3A_491 = tpu.vector_load %arg8[%get3A_489, %get3A_490] {strides = array<i32>} : memref<64x256xf32, #tpu.memory_space<vmem>>, vector<1x16xf32>,
      %get3A_492 = vector.shape_cast %get3A_491 : vector<1x16xf32> to vector<16xf32>
      %sub3A_493 = arith.subf %select_n3A_488, %get3A_492 : vector<16xf32>
      %get3A_494 = arith.index_cast %scan3A_348 : i32 to index
      %get3A_495 = arith.constant 80 : index
      %get3A_496 = tpu.vector_load %arg10[%get3A_494, %get3A_495] {strides = array<i32>} : memref<64x256xf32, #tpu.memory_space<vmem>>, vector<1x16xf32>,
      %get3A_497 = vector.shape_cast %get3A_496 : vector<1x16xf32> to vector<16xf32>
      %sub3A_498 = arith.subf %select_n3A_488, %get3A_497 : vector<16xf32>
      %mul3A_499 = arith.mulf %sub3A_493, %sub3A_493 : vector<16xf32>
      %add3A_500 = arith.addf %add3A_474, %mul3A_499 : vector<16xf32>
      %mul3A_501 = arith.mulf %sub3A_498, %sub3A_498 : vector<16xf32>
      %add3A_502 = arith.addf %add3A_476, %mul3A_501 : vector<16xf32>
      %get3A_503 = arith.index_cast %scan3A_348 : i32 to index
      %get3A_504 = arith.constant 96 : index
      %get3A_505 = tpu.vector_load %arg6[%get3A_503, %get3A_504] {strides = array<i32>} : memref<64x256xf32, #tpu.memory_space<vmem>>, vector<1x16xf32>,
      %get3A_506 = vector.shape_cast %get3A_505 : vector<1x16xf32> to vector<16xf32>
      %gt3A_507 = arith.constant 5.000000e-01 : f32
      %gt3A_508 = vector.broadcast %gt3A_507 : f32 to vector<16xf32>
      %gt3A_509 = arith.cmpf ogt, %get3A_506, %gt3A_508 : vector<16xf32>
      %jit3A_510 = arith.constant 1.000000e+00 : f32
      %jit3A_511 = arith.constant 0.000000e+00 : f32
      %broadcast_in_dim3A_512 = vector.broadcast %jit3A_510 : f32 to vector<16xf32>
      %broadcast_in_dim3A_513 = vector.broadcast %jit3A_511 : f32 to vector<16xf32>
      %select_n3A_514 = arith.select %gt3A_509, %broadcast_in_dim3A_512, %broadcast_in_dim3A_513 : vector<16xi1>, vector<16xf32>
      %get3A_515 = arith.index_cast %scan3A_348 : i32 to index
      %get3A_516 = arith.constant 96 : index
      %get3A_517 = tpu.vector_load %arg8[%get3A_515, %get3A_516] {strides = array<i32>} : memref<64x256xf32, #tpu.memory_space<vmem>>, vector<1x16xf32>,
      %get3A_518 = vector.shape_cast %get3A_517 : vector<1x16xf32> to vector<16xf32>
      %sub3A_519 = arith.subf %select_n3A_514, %get3A_518 : vector<16xf32>
      %get3A_520 = arith.index_cast %scan3A_348 : i32 to index
      %get3A_521 = arith.constant 96 : index
      %get3A_522 = tpu.vector_load %arg10[%get3A_520, %get3A_521] {strides = array<i32>} : memref<64x256xf32, #tpu.memory_space<vmem>>, vector<1x16xf32>,
      %get3A_523 = vector.shape_cast %get3A_522 : vector<1x16xf32> to vector<16xf32>
      %sub3A_524 = arith.subf %select_n3A_514, %get3A_523 : vector<16xf32>
      %mul3A_525 = arith.mulf %sub3A_519, %sub3A_519 : vector<16xf32>
      %add3A_526 = arith.addf %add3A_500, %mul3A_525 : vector<16xf32>
      %mul3A_527 = arith.mulf %sub3A_524, %sub3A_524 : vector<16xf32>
      %add3A_528 = arith.addf %add3A_502, %mul3A_527 : vector<16xf32>
      %get3A_529 = arith.index_cast %scan3A_348 : i32 to index
      %get3A_530 = arith.constant 112 : index
      %get3A_531 = tpu.vector_load %arg6[%get3A_529, %get3A_530] {strides = array<i32>} : memref<64x256xf32, #tpu.memory_space<vmem>>, vector<1x16xf32>,
      %get3A_532 = vector.shape_cast %get3A_531 : vector<1x16xf32> to vector<16xf32>
      %gt3A_533 = arith.constant 5.000000e-01 : f32
      %gt3A_534 = vector.broadcast %gt3A_533 : f32 to vector<16xf32>
      %gt3A_535 = arith.cmpf ogt, %get3A_532, %gt3A_534 : vector<16xf32>
      %jit3A_536 = arith.constant 1.000000e+00 : f32
      %jit3A_537 = arith.constant 0.000000e+00 : f32
      %broadcast_in_dim3A_538 = vector.broadcast %jit3A_536 : f32 to vector<16xf32>
      %broadcast_in_dim3A_539 = vector.broadcast %jit3A_537 : f32 to vector<16xf32>
      %select_n3A_540 = arith.select %gt3A_535, %broadcast_in_dim3A_538, %broadcast_in_dim3A_539 : vector<16xi1>, vector<16xf32>
      %get3A_541 = arith.index_cast %scan3A_348 : i32 to index
      %get3A_542 = arith.constant 112 : index
      %get3A_543 = tpu.vector_load %arg8[%get3A_541, %get3A_542] {strides = array<i32>} : memref<64x256xf32, #tpu.memory_space<vmem>>, vector<1x16xf32>,
      %get3A_544 = vector.shape_cast %get3A_543 : vector<1x16xf32> to vector<16xf32>
      %sub3A_545 = arith.subf %select_n3A_540, %get3A_544 : vector<16xf32>
      %get3A_546 = arith.index_cast %scan3A_348 : i32 to index
      %get3A_547 = arith.constant 112 : index
      %get3A_548 = tpu.vector_load %arg10[%get3A_546, %get3A_547] {strides = array<i32>} : memref<64x256xf32, #tpu.memory_space<vmem>>, vector<1x16xf32>,
      %get3A_549 = vector.shape_cast %get3A_548 : vector<1x16xf32> to vector<16xf32>
      %sub3A_550 = arith.subf %select_n3A_540, %get3A_549 : vector<16xf32>
      %mul3A_551 = arith.mulf %sub3A_545, %sub3A_545 : vector<16xf32>
      %add3A_552 = arith.addf %add3A_526, %mul3A_551 : vector<16xf32>
      %mul3A_553 = arith.mulf %sub3A_550, %sub3A_550 : vector<16xf32>
      %add3A_554 = arith.addf %add3A_528, %mul3A_553 : vector<16xf32>
      %get3A_555 = arith.index_cast %scan3A_348 : i32 to index
      %get3A_556 = arith.constant 128 : index
      %get3A_557 = tpu.vector_load %arg6[%get3A_555, %get3A_556] {strides = array<i32>} : memref<64x256xf32, #tpu.memory_space<vmem>>, vector<1x16xf32>,
      %get3A_558 = vector.shape_cast %get3A_557 : vector<1x16xf32> to vector<16xf32>
      %gt3A_559 = arith.constant 5.000000e-01 : f32
      %gt3A_560 = vector.broadcast %gt3A_559 : f32 to vector<16xf32>
      %gt3A_561 = arith.cmpf ogt, %get3A_558, %gt3A_560 : vector<16xf32>
      %jit3A_562 = arith.constant 1.000000e+00 : f32
      %jit3A_563 = arith.constant 0.000000e+00 : f32
      %broadcast_in_dim3A_564 = vector.broadcast %jit3A_562 : f32 to vector<16xf32>
      %broadcast_in_dim3A_565 = vector.broadcast %jit3A_563 : f32 to vector<16xf32>
      %select_n3A_566 = arith.select %gt3A_561, %broadcast_in_dim3A_564, %broadcast_in_dim3A_565 : vector<16xi1>, vector<16xf32>
      %get3A_567 = arith.index_cast %scan3A_348 : i32 to index
      %get3A_568 = arith.constant 128 : index
      %get3A_569 = tpu.vector_load %arg8[%get3A_567, %get3A_568] {strides = array<i32>} : memref<64x256xf32, #tpu.memory_space<vmem>>, vector<1x16xf32>,
      %get3A_570 = vector.shape_cast %get3A_569 : vector<1x16xf32> to vector<16xf32>
      %sub3A_571 = arith.subf %select_n3A_566, %get3A_570 : vector<16xf32>
      %get3A_572 = arith.index_cast %scan3A_348 : i32 to index
      %get3A_573 = arith.constant 128 : index
      %get3A_574 = tpu.vector_load %arg10[%get3A_572, %get3A_573] {strides = array<i32>} : memref<64x256xf32, #tpu.memory_space<vmem>>, vector<1x16xf32>,
      %get3A_575 = vector.shape_cast %get3A_574 : vector<1x16xf32> to vector<16xf32>
      %sub3A_576 = arith.subf %select_n3A_566, %get3A_575 : vector<16xf32>
      %mul3A_577 = arith.mulf %sub3A_571, %sub3A_571 : vector<16xf32>
      %add3A_578 = arith.addf %add3A_552, %mul3A_577 : vector<16xf32>
      %mul3A_579 = arith.mulf %sub3A_576, %sub3A_576 : vector<16xf32>
      %add3A_580 = arith.addf %add3A_554, %mul3A_579 : vector<16xf32>
      %get3A_581 = arith.index_cast %scan3A_348 : i32 to index
      %get3A_582 = arith.constant 144 : index
      %get3A_583 = tpu.vector_load %arg6[%get3A_581, %get3A_582] {strides = array<i32>} : memref<64x256xf32, #tpu.memory_space<vmem>>, vector<1x16xf32>,
      %get3A_584 = vector.shape_cast %get3A_583 : vector<1x16xf32> to vector<16xf32>
      %gt3A_585 = arith.constant 5.000000e-01 : f32
      %gt3A_586 = vector.broadcast %gt3A_585 : f32 to vector<16xf32>
      %gt3A_587 = arith.cmpf ogt, %get3A_584, %gt3A_586 : vector<16xf32>
      %jit3A_588 = arith.constant 1.000000e+00 : f32
      %jit3A_589 = arith.constant 0.000000e+00 : f32
      %broadcast_in_dim3A_590 = vector.broadcast %jit3A_588 : f32 to vector<16xf32>
      %broadcast_in_dim3A_591 = vector.broadcast %jit3A_589 : f32 to vector<16xf32>
      %select_n3A_592 = arith.select %gt3A_587, %broadcast_in_dim3A_590, %broadcast_in_dim3A_591 : vector<16xi1>, vector<16xf32>
      %get3A_593 = arith.index_cast %scan3A_348 : i32 to index
      %get3A_594 = arith.constant 144 : index
      %get3A_595 = tpu.vector_load %arg8[%get3A_593, %get3A_594] {strides = array<i32>} : memref<64x256xf32, #tpu.memory_space<vmem>>, vector<1x16xf32>,
      %get3A_596 = vector.shape_cast %get3A_595 : vector<1x16xf32> to vector<16xf32>
      %sub3A_597 = arith.subf %select_n3A_592, %get3A_596 : vector<16xf32>
      %get3A_598 = arith.index_cast %scan3A_348 : i32 to index
      %get3A_599 = arith.constant 144 : index
      %get3A_600 = tpu.vector_load %arg10[%get3A_598, %get3A_599] {strides = array<i32>} : memref<64x256xf32, #tpu.memory_space<vmem>>, vector<1x16xf32>,
      %get3A_601 = vector.shape_cast %get3A_600 : vector<1x16xf32> to vector<16xf32>
      %sub3A_602 = arith.subf %select_n3A_592, %get3A_601 : vector<16xf32>
      %mul3A_603 = arith.mulf %sub3A_597, %sub3A_597 : vector<16xf32>
      %add3A_604 = arith.addf %add3A_578, %mul3A_603 : vector<16xf32>
      %mul3A_605 = arith.mulf %sub3A_602, %sub3A_602 : vector<16xf32>
      %add3A_606 = arith.addf %add3A_580, %mul3A_605 : vector<16xf32>
      %get3A_607 = arith.index_cast %scan3A_348 : i32 to index
      %get3A_608 = arith.constant 160 : index
      %get3A_609 = tpu.vector_load %arg6[%get3A_607, %get3A_608] {strides = array<i32>} : memref<64x256xf32, #tpu.memory_space<vmem>>, vector<1x16xf32>,
      %get3A_610 = vector.shape_cast %get3A_609 : vector<1x16xf32> to vector<16xf32>
      %gt3A_611 = arith.constant 5.000000e-01 : f32
      %gt3A_612 = vector.broadcast %gt3A_611 : f32 to vector<16xf32>
      %gt3A_613 = arith.cmpf ogt, %get3A_610, %gt3A_612 : vector<16xf32>
      %jit3A_614 = arith.constant 1.000000e+00 : f32
      %jit3A_615 = arith.constant 0.000000e+00 : f32
      %broadcast_in_dim3A_616 = vector.broadcast %jit3A_614 : f32 to vector<16xf32>
      %broadcast_in_dim3A_617 = vector.broadcast %jit3A_615 : f32 to vector<16xf32>
      %select_n3A_618 = arith.select %gt3A_613, %broadcast_in_dim3A_616, %broadcast_in_dim3A_617 : vector<16xi1>, vector<16xf32>
      %get3A_619 = arith.index_cast %scan3A_348 : i32 to index
      %get3A_620 = arith.constant 160 : index
      %get3A_621 = tpu.vector_load %arg8[%get3A_619, %get3A_620] {strides = array<i32>} : memref<64x256xf32, #tpu.memory_space<vmem>>, vector<1x16xf32>,
      %get3A_622 = vector.shape_cast %get3A_621 : vector<1x16xf32> to vector<16xf32>
      %sub3A_623 = arith.subf %select_n3A_618, %get3A_622 : vector<16xf32>
      %get3A_624 = arith.index_cast %scan3A_348 : i32 to index
      %get3A_625 = arith.constant 160 : index
      %get3A_626 = tpu.vector_load %arg10[%get3A_624, %get3A_625] {strides = array<i32>} : memref<64x256xf32, #tpu.memory_space<vmem>>, vector<1x16xf32>,
      %get3A_627 = vector.shape_cast %get3A_626 : vector<1x16xf32> to vector<16xf32>
      %sub3A_628 = arith.subf %select_n3A_618, %get3A_627 : vector<16xf32>
      %mul3A_629 = arith.mulf %sub3A_623, %sub3A_623 : vector<16xf32>
      %add3A_630 = arith.addf %add3A_604, %mul3A_629 : vector<16xf32>
      %mul3A_631 = arith.mulf %sub3A_628, %sub3A_628 : vector<16xf32>
      %add3A_632 = arith.addf %add3A_606, %mul3A_631 : vector<16xf32>
      %get3A_633 = arith.index_cast %scan3A_348 : i32 to index
      %get3A_634 = arith.constant 176 : index
      %get3A_635 = tpu.vector_load %arg6[%get3A_633, %get3A_634] {strides = array<i32>} : memref<64x256xf32, #tpu.memory_space<vmem>>, vector<1x16xf32>,
      %get3A_636 = vector.shape_cast %get3A_635 : vector<1x16xf32> to vector<16xf32>
      %gt3A_637 = arith.constant 5.000000e-01 : f32
      %gt3A_638 = vector.broadcast %gt3A_637 : f32 to vector<16xf32>
      %gt3A_639 = arith.cmpf ogt, %get3A_636, %gt3A_638 : vector<16xf32>
      %jit3A_640 = arith.constant 1.000000e+00 : f32
      %jit3A_641 = arith.constant 0.000000e+00 : f32
      %broadcast_in_dim3A_642 = vector.broadcast %jit3A_640 : f32 to vector<16xf32>
      %broadcast_in_dim3A_643 = vector.broadcast %jit3A_641 : f32 to vector<16xf32>
      %select_n3A_644 = arith.select %gt3A_639, %broadcast_in_dim3A_642, %broadcast_in_dim3A_643 : vector<16xi1>, vector<16xf32>
      %get3A_645 = arith.index_cast %scan3A_348 : i32 to index
      %get3A_646 = arith.constant 176 : index
      %get3A_647 = tpu.vector_load %arg8[%get3A_645, %get3A_646] {strides = array<i32>} : memref<64x256xf32, #tpu.memory_space<vmem>>, vector<1x16xf32>,
      %get3A_648 = vector.shape_cast %get3A_647 : vector<1x16xf32> to vector<16xf32>
      %sub3A_649 = arith.subf %select_n3A_644, %get3A_648 : vector<16xf32>
      %get3A_650 = arith.index_cast %scan3A_348 : i32 to index
      %get3A_651 = arith.constant 176 : index
      %get3A_652 = tpu.vector_load %arg10[%get3A_650, %get3A_651] {strides = array<i32>} : memref<64x256xf32, #tpu.memory_space<vmem>>, vector<1x16xf32>,
      %get3A_653 = vector.shape_cast %get3A_652 : vector<1x16xf32> to vector<16xf32>
      %sub3A_654 = arith.subf %select_n3A_644, %get3A_653 : vector<16xf32>
      %mul3A_655 = arith.mulf %sub3A_649, %sub3A_649 : vector<16xf32>
      %add3A_656 = arith.addf %add3A_630, %mul3A_655 : vector<16xf32>
      %mul3A_657 = arith.mulf %sub3A_654, %sub3A_654 : vector<16xf32>
      %add3A_658 = arith.addf %add3A_632, %mul3A_657 : vector<16xf32>
      %get3A_659 = arith.index_cast %scan3A_348 : i32 to index
      %get3A_660 = arith.constant 192 : index
      %get3A_661 = tpu.vector_load %arg6[%get3A_659, %get3A_660] {strides = array<i32>} : memref<64x256xf32, #tpu.memory_space<vmem>>, vector<1x16xf32>,
      %get3A_662 = vector.shape_cast %get3A_661 : vector<1x16xf32> to vector<16xf32>
      %gt3A_663 = arith.constant 5.000000e-01 : f32
      %gt3A_664 = vector.broadcast %gt3A_663 : f32 to vector<16xf32>
      %gt3A_665 = arith.cmpf ogt, %get3A_662, %gt3A_664 : vector<16xf32>
      %jit3A_666 = arith.constant 1.000000e+00 : f32
      %jit3A_667 = arith.constant 0.000000e+00 : f32
      %broadcast_in_dim3A_668 = vector.broadcast %jit3A_666 : f32 to vector<16xf32>
      %broadcast_in_dim3A_669 = vector.broadcast %jit3A_667 : f32 to vector<16xf32>
      %select_n3A_670 = arith.select %gt3A_665, %broadcast_in_dim3A_668, %broadcast_in_dim3A_669 : vector<16xi1>, vector<16xf32>
      %get3A_671 = arith.index_cast %scan3A_348 : i32 to index
      %get3A_672 = arith.constant 192 : index
      %get3A_673 = tpu.vector_load %arg8[%get3A_671, %get3A_672] {strides = array<i32>} : memref<64x256xf32, #tpu.memory_space<vmem>>, vector<1x16xf32>,
      %get3A_674 = vector.shape_cast %get3A_673 : vector<1x16xf32> to vector<16xf32>
      %sub3A_675 = arith.subf %select_n3A_670, %get3A_674 : vector<16xf32>
      %get3A_676 = arith.index_cast %scan3A_348 : i32 to index
      %get3A_677 = arith.constant 192 : index
      %get3A_678 = tpu.vector_load %arg10[%get3A_676, %get3A_677] {strides = array<i32>} : memref<64x256xf32, #tpu.memory_space<vmem>>, vector<1x16xf32>,
      %get3A_679 = vector.shape_cast %get3A_678 : vector<1x16xf32> to vector<16xf32>
      %sub3A_680 = arith.subf %select_n3A_670, %get3A_679 : vector<16xf32>
      %mul3A_681 = arith.mulf %sub3A_675, %sub3A_675 : vector<16xf32>
      %add3A_682 = arith.addf %add3A_656, %mul3A_681 : vector<16xf32>
      %mul3A_683 = arith.mulf %sub3A_680, %sub3A_680 : vector<16xf32>
      %add3A_684 = arith.addf %add3A_658, %mul3A_683 : vector<16xf32>
      %get3A_685 = arith.index_cast %scan3A_348 : i32 to index
      %get3A_686 = arith.constant 208 : index
      %get3A_687 = tpu.vector_load %arg6[%get3A_685, %get3A_686] {strides = array<i32>} : memref<64x256xf32, #tpu.memory_space<vmem>>, vector<1x16xf32>,
      %get3A_688 = vector.shape_cast %get3A_687 : vector<1x16xf32> to vector<16xf32>
      %gt3A_689 = arith.constant 5.000000e-01 : f32
      %gt3A_690 = vector.broadcast %gt3A_689 : f32 to vector<16xf32>
      %gt3A_691 = arith.cmpf ogt, %get3A_688, %gt3A_690 : vector<16xf32>
      %jit3A_692 = arith.constant 1.000000e+00 : f32
      %jit3A_693 = arith.constant 0.000000e+00 : f32
      %broadcast_in_dim3A_694 = vector.broadcast %jit3A_692 : f32 to vector<16xf32>
      %broadcast_in_dim3A_695 = vector.broadcast %jit3A_693 : f32 to vector<16xf32>
      %select_n3A_696 = arith.select %gt3A_691, %broadcast_in_dim3A_694, %broadcast_in_dim3A_695 : vector<16xi1>, vector<16xf32>
      %get3A_697 = arith.index_cast %scan3A_348 : i32 to index
      %get3A_698 = arith.constant 208 : index
      %get3A_699 = tpu.vector_load %arg8[%get3A_697, %get3A_698] {strides = array<i32>} : memref<64x256xf32, #tpu.memory_space<vmem>>, vector<1x16xf32>,
      %get3A_700 = vector.shape_cast %get3A_699 : vector<1x16xf32> to vector<16xf32>
      %sub3A_701 = arith.subf %select_n3A_696, %get3A_700 : vector<16xf32>
      %get3A_702 = arith.index_cast %scan3A_348 : i32 to index
      %get3A_703 = arith.constant 208 : index
      %get3A_704 = tpu.vector_load %arg10[%get3A_702, %get3A_703] {strides = array<i32>} : memref<64x256xf32, #tpu.memory_space<vmem>>, vector<1x16xf32>,
      %get3A_705 = vector.shape_cast %get3A_704 : vector<1x16xf32> to vector<16xf32>
      %sub3A_706 = arith.subf %select_n3A_696, %get3A_705 : vector<16xf32>
      %mul3A_707 = arith.mulf %sub3A_701, %sub3A_701 : vector<16xf32>
      %add3A_708 = arith.addf %add3A_682, %mul3A_707 : vector<16xf32>
      %mul3A_709 = arith.mulf %sub3A_706, %sub3A_706 : vector<16xf32>
      %add3A_710 = arith.addf %add3A_684, %mul3A_709 : vector<16xf32>
      %get3A_711 = arith.index_cast %scan3A_348 : i32 to index
      %get3A_712 = arith.constant 224 : index
      %get3A_713 = tpu.vector_load %arg6[%get3A_711, %get3A_712] {strides = array<i32>} : memref<64x256xf32, #tpu.memory_space<vmem>>, vector<1x16xf32>,
      %get3A_714 = vector.shape_cast %get3A_713 : vector<1x16xf32> to vector<16xf32>
      %gt3A_715 = arith.constant 5.000000e-01 : f32
      %gt3A_716 = vector.broadcast %gt3A_715 : f32 to vector<16xf32>
      %gt3A_717 = arith.cmpf ogt, %get3A_714, %gt3A_716 : vector<16xf32>
      %jit3A_718 = arith.constant 1.000000e+00 : f32
      %jit3A_719 = arith.constant 0.000000e+00 : f32
      %broadcast_in_dim3A_720 = vector.broadcast %jit3A_718 : f32 to vector<16xf32>
      %broadcast_in_dim3A_721 = vector.broadcast %jit3A_719 : f32 to vector<16xf32>
      %select_n3A_722 = arith.select %gt3A_717, %broadcast_in_dim3A_720, %broadcast_in_dim3A_721 : vector<16xi1>, vector<16xf32>
      %get3A_723 = arith.index_cast %scan3A_348 : i32 to index
      %get3A_724 = arith.constant 224 : index
      %get3A_725 = tpu.vector_load %arg8[%get3A_723, %get3A_724] {strides = array<i32>} : memref<64x256xf32, #tpu.memory_space<vmem>>, vector<1x16xf32>,
      %get3A_726 = vector.shape_cast %get3A_725 : vector<1x16xf32> to vector<16xf32>
      %sub3A_727 = arith.subf %select_n3A_722, %get3A_726 : vector<16xf32>
      %get3A_728 = arith.index_cast %scan3A_348 : i32 to index
      %get3A_729 = arith.constant 224 : index
      %get3A_730 = tpu.vector_load %arg10[%get3A_728, %get3A_729] {strides = array<i32>} : memref<64x256xf32, #tpu.memory_space<vmem>>, vector<1x16xf32>,
      %get3A_731 = vector.shape_cast %get3A_730 : vector<1x16xf32> to vector<16xf32>
      %sub3A_732 = arith.subf %select_n3A_722, %get3A_731 : vector<16xf32>
      %mul3A_733 = arith.mulf %sub3A_727, %sub3A_727 : vector<16xf32>
      %add3A_734 = arith.addf %add3A_708, %mul3A_733 : vector<16xf32>
      %mul3A_735 = arith.mulf %sub3A_732, %sub3A_732 : vector<16xf32>
      %add3A_736 = arith.addf %add3A_710, %mul3A_735 : vector<16xf32>
      %get3A_737 = arith.index_cast %scan3A_348 : i32 to index
      %get3A_738 = arith.constant 240 : index
      %get3A_739 = tpu.vector_load %arg6[%get3A_737, %get3A_738] {strides = array<i32>} : memref<64x256xf32, #tpu.memory_space<vmem>>, vector<1x16xf32>,
      %get3A_740 = vector.shape_cast %get3A_739 : vector<1x16xf32> to vector<16xf32>
      %gt3A_741 = arith.constant 5.000000e-01 : f32
      %gt3A_742 = vector.broadcast %gt3A_741 : f32 to vector<16xf32>
      %gt3A_743 = arith.cmpf ogt, %get3A_740, %gt3A_742 : vector<16xf32>
      %jit3A_744 = arith.constant 1.000000e+00 : f32
      %jit3A_745 = arith.constant 0.000000e+00 : f32
      %broadcast_in_dim3A_746 = vector.broadcast %jit3A_744 : f32 to vector<16xf32>
      %broadcast_in_dim3A_747 = vector.broadcast %jit3A_745 : f32 to vector<16xf32>
      %select_n3A_748 = arith.select %gt3A_743, %broadcast_in_dim3A_746, %broadcast_in_dim3A_747 : vector<16xi1>, vector<16xf32>
      %get3A_749 = arith.index_cast %scan3A_348 : i32 to index
      %get3A_750 = arith.constant 240 : index
      %get3A_751 = tpu.vector_load %arg8[%get3A_749, %get3A_750] {strides = array<i32>} : memref<64x256xf32, #tpu.memory_space<vmem>>, vector<1x16xf32>,
      %get3A_752 = vector.shape_cast %get3A_751 : vector<1x16xf32> to vector<16xf32>
      %sub3A_753 = arith.subf %select_n3A_748, %get3A_752 : vector<16xf32>
      %get3A_754 = arith.index_cast %scan3A_348 : i32 to index
      %get3A_755 = arith.constant 240 : index
      %get3A_756 = tpu.vector_load %arg10[%get3A_754, %get3A_755] {strides = array<i32>} : memref<64x256xf32, #tpu.memory_space<vmem>>, vector<1x16xf32>,
      %get3A_757 = vector.shape_cast %get3A_756 : vector<1x16xf32> to vector<16xf32>
      %sub3A_758 = arith.subf %select_n3A_748, %get3A_757 : vector<16xf32>
      %mul3A_759 = arith.mulf %sub3A_753, %sub3A_753 : vector<16xf32>
      %add3A_760 = arith.addf %add3A_734, %mul3A_759 : vector<16xf32>
      %mul3A_761 = arith.mulf %sub3A_758, %sub3A_758 : vector<16xf32>
      %add3A_762 = arith.addf %add3A_736, %mul3A_761 : vector<16xf32>
      scf.yield %add3A_760, %add3A_762 : vector<16xf32>, vector<16xf32>
    }
    %scan3A_200 = arith.constant 64 : i32
    %dma_wait3A_201 = arith.constant 192 : i32
    %dma_wait3A_202 = arith.constant 0 : i32
    %dma_wait3A_203 = tpu.memref_slice %arg2[%add3A, %dma_wait3A_201, %dma_wait3A_202] : memref<128x256x256xf32, #tpu.memory_space<hbm>> -> memref<1x64x256xf32, #tpu.memory_space<hbm>>
    %dma_wait3A_204 = tpu.memref_squeeze %dma_wait3A_203 : memref<1x64x256xf32, #tpu.memory_space<hbm>> -> memref<64x256xf32, #tpu.memory_space<hbm>>
    %dma_wait3A_205 = arith.constant 192 : i32
    %dma_wait3A_206 = arith.constant 0 : i32
    %dma_wait3A_207 = tpu.memref_slice %arg2[%add3A, %dma_wait3A_205, %dma_wait3A_206] : memref<128x256x256xf32, #tpu.memory_space<hbm>> -> memref<1x64x256xf32, #tpu.memory_space<hbm>>
    %dma_wait3A_208 = tpu.memref_squeeze %dma_wait3A_207 : memref<1x64x256xf32, #tpu.memory_space<hbm>> -> memref<64x256xf32, #tpu.memory_space<hbm>>
    tpu.wait_dma2 semaphore(%arg13 : memref<!tpu.dma_semaphore, #tpu.memory_space<semaphore_mem>>) src(%dma_wait3A_208 : memref<64x256xf32, #tpu.memory_space<hbm>>) dst(%arg7 : memref<64x256xf32, #tpu.memory_space<vmem>>)
    %dma_wait3A_209 = arith.constant 0 : i32
    %dma_wait3A_210 = arith.constant 192 : i32
    %dma_wait3A_211 = arith.constant 0 : i32
    %dma_wait3A_212 = tpu.memref_slice %arg3[%dma_wait3A_209, %add3A, %dma_wait3A_210, %dma_wait3A_211] : memref<1x128x256x256xf32, #tpu.memory_space<hbm>> -> memref<1x1x64x256xf32, #tpu.memory_space<hbm>>
    %dma_wait3A_213 = tpu.memref_squeeze %dma_wait3A_212 : memref<1x1x64x256xf32, #tpu.memory_space<hbm>> -> memref<64x256xf32, #tpu.memory_space<hbm>>
    %dma_wait3A_214 = arith.constant 192 : i32
    %dma_wait3A_215 = arith.constant 0 : i32
    %dma_wait3A_216 = tpu.memref_slice %arg3[%dma_wait3A_209, %add3A, %dma_wait3A_214, %dma_wait3A_215] : memref<1x128x256x256xf32, #tpu.memory_space<hbm>> -> memref<1x1x64x256xf32, #tpu.memory_space<hbm>>
    %dma_wait3A_217 = tpu.memref_squeeze %dma_wait3A_216 : memref<1x1x64x256xf32, #tpu.memory_space<hbm>> -> memref<64x256xf32, #tpu.memory_space<hbm>>
    tpu.wait_dma2 semaphore(%arg13 : memref<!tpu.dma_semaphore, #tpu.memory_space<semaphore_mem>>) src(%dma_wait3A_217 : memref<64x256xf32, #tpu.memory_space<hbm>>) dst(%arg9 : memref<64x256xf32, #tpu.memory_space<vmem>>)
    %dma_wait3A_218 = arith.constant 0 : i32
    %dma_wait3A_219 = arith.constant 192 : i32
    %dma_wait3A_220 = arith.constant 0 : i32
    %dma_wait3A_221 = tpu.memref_slice %arg4[%dma_wait3A_218, %add3A, %dma_wait3A_219, %dma_wait3A_220] : memref<1x128x256x256xf32, #tpu.memory_space<hbm>> -> memref<1x1x64x256xf32, #tpu.memory_space<hbm>>
    %dma_wait3A_222 = tpu.memref_squeeze %dma_wait3A_221 : memref<1x1x64x256xf32, #tpu.memory_space<hbm>> -> memref<64x256xf32, #tpu.memory_space<hbm>>
    %dma_wait3A_223 = arith.constant 192 : i32
    %dma_wait3A_224 = arith.constant 0 : i32
    %dma_wait3A_225 = tpu.memref_slice %arg4[%dma_wait3A_218, %add3A, %dma_wait3A_223, %dma_wait3A_224] : memref<1x128x256x256xf32, #tpu.memory_space<hbm>> -> memref<1x1x64x256xf32, #tpu.memory_space<hbm>>
    %dma_wait3A_226 = tpu.memref_squeeze %dma_wait3A_225 : memref<1x1x64x256xf32, #tpu.memory_space<hbm>> -> memref<64x256xf32, #tpu.memory_space<hbm>>
    tpu.wait_dma2 semaphore(%arg13 : memref<!tpu.dma_semaphore, #tpu.memory_space<semaphore_mem>>) src(%dma_wait3A_226 : memref<64x256xf32, #tpu.memory_space<hbm>>) dst(%arg11 : memref<64x256xf32, #tpu.memory_space<vmem>>)
    %scan3A_227 = arith.constant 0 : i32
    %scan3A_228 = arith.constant 64 : i32
    %scan3A_229 = arith.addi %scan3A_227, %scan3A_228 : i32
    %scan3A_230 = arith.constant 1 : i32
    %scan3A_231:2 = scf.for %scan3A_348 = %scan3A_227 to %scan3A_229 step %scan3A_230 iter_args(%scan3A_349 = %scan3A_199#0, %scan3A_350 = %scan3A_199#1) -> (vector<16xf32>, vector<16xf32>)  : i32 {
      %get3A = arith.index_cast %scan3A_348 : i32 to index
      %get3A_351 = arith.constant 0 : index
      %get3A_352 = tpu.vector_load %arg7[%get3A, %get3A_351] {strides = array<i32>} : memref<64x256xf32, #tpu.memory_space<vmem>>, vector<1x16xf32>,
      %get3A_353 = vector.shape_cast %get3A_352 : vector<1x16xf32> to vector<16xf32>
      %gt3A = arith.constant 5.000000e-01 : f32
      %gt3A_354 = vector.broadcast %gt3A : f32 to vector<16xf32>
      %gt3A_355 = arith.cmpf ogt, %get3A_353, %gt3A_354 : vector<16xf32>
      %jit3A = arith.constant 1.000000e+00 : f32
      %jit3A_356 = arith.constant 0.000000e+00 : f32
      %broadcast_in_dim3A_357 = vector.broadcast %jit3A : f32 to vector<16xf32>
      %broadcast_in_dim3A_358 = vector.broadcast %jit3A_356 : f32 to vector<16xf32>
      %select_n3A = arith.select %gt3A_355, %broadcast_in_dim3A_357, %broadcast_in_dim3A_358 : vector<16xi1>, vector<16xf32>
      %get3A_359 = arith.index_cast %scan3A_348 : i32 to index
      %get3A_360 = arith.constant 0 : index
      %get3A_361 = tpu.vector_load %arg9[%get3A_359, %get3A_360] {strides = array<i32>} : memref<64x256xf32, #tpu.memory_space<vmem>>, vector<1x16xf32>,
      %get3A_362 = vector.shape_cast %get3A_361 : vector<1x16xf32> to vector<16xf32>
      %sub3A_363 = arith.subf %select_n3A, %get3A_362 : vector<16xf32>
      %get3A_364 = arith.index_cast %scan3A_348 : i32 to index
      %get3A_365 = arith.constant 0 : index
      %get3A_366 = tpu.vector_load %arg11[%get3A_364, %get3A_365] {strides = array<i32>} : memref<64x256xf32, #tpu.memory_space<vmem>>, vector<1x16xf32>,
      %get3A_367 = vector.shape_cast %get3A_366 : vector<1x16xf32> to vector<16xf32>
      %sub3A_368 = arith.subf %select_n3A, %get3A_367 : vector<16xf32>
      %mul3A_369 = arith.mulf %sub3A_363, %sub3A_363 : vector<16xf32>
      %add3A_370 = arith.addf %scan3A_349, %mul3A_369 : vector<16xf32>
      %mul3A_371 = arith.mulf %sub3A_368, %sub3A_368 : vector<16xf32>
      %add3A_372 = arith.addf %scan3A_350, %mul3A_371 : vector<16xf32>
      %get3A_373 = arith.index_cast %scan3A_348 : i32 to index
      %get3A_374 = arith.constant 16 : index
      %get3A_375 = tpu.vector_load %arg7[%get3A_373, %get3A_374] {strides = array<i32>} : memref<64x256xf32, #tpu.memory_space<vmem>>, vector<1x16xf32>,
      %get3A_376 = vector.shape_cast %get3A_375 : vector<1x16xf32> to vector<16xf32>
      %gt3A_377 = arith.constant 5.000000e-01 : f32
      %gt3A_378 = vector.broadcast %gt3A_377 : f32 to vector<16xf32>
      %gt3A_379 = arith.cmpf ogt, %get3A_376, %gt3A_378 : vector<16xf32>
      %jit3A_380 = arith.constant 1.000000e+00 : f32
      %jit3A_381 = arith.constant 0.000000e+00 : f32
      %broadcast_in_dim3A_382 = vector.broadcast %jit3A_380 : f32 to vector<16xf32>
      %broadcast_in_dim3A_383 = vector.broadcast %jit3A_381 : f32 to vector<16xf32>
      %select_n3A_384 = arith.select %gt3A_379, %broadcast_in_dim3A_382, %broadcast_in_dim3A_383 : vector<16xi1>, vector<16xf32>
      %get3A_385 = arith.index_cast %scan3A_348 : i32 to index
      %get3A_386 = arith.constant 16 : index
      %get3A_387 = tpu.vector_load %arg9[%get3A_385, %get3A_386] {strides = array<i32>} : memref<64x256xf32, #tpu.memory_space<vmem>>, vector<1x16xf32>,
      %get3A_388 = vector.shape_cast %get3A_387 : vector<1x16xf32> to vector<16xf32>
      %sub3A_389 = arith.subf %select_n3A_384, %get3A_388 : vector<16xf32>
      %get3A_390 = arith.index_cast %scan3A_348 : i32 to index
      %get3A_391 = arith.constant 16 : index
      %get3A_392 = tpu.vector_load %arg11[%get3A_390, %get3A_391] {strides = array<i32>} : memref<64x256xf32, #tpu.memory_space<vmem>>, vector<1x16xf32>,
      %get3A_393 = vector.shape_cast %get3A_392 : vector<1x16xf32> to vector<16xf32>
      %sub3A_394 = arith.subf %select_n3A_384, %get3A_393 : vector<16xf32>
      %mul3A_395 = arith.mulf %sub3A_389, %sub3A_389 : vector<16xf32>
      %add3A_396 = arith.addf %add3A_370, %mul3A_395 : vector<16xf32>
      %mul3A_397 = arith.mulf %sub3A_394, %sub3A_394 : vector<16xf32>
      %add3A_398 = arith.addf %add3A_372, %mul3A_397 : vector<16xf32>
      %get3A_399 = arith.index_cast %scan3A_348 : i32 to index
      %get3A_400 = arith.constant 32 : index
      %get3A_401 = tpu.vector_load %arg7[%get3A_399, %get3A_400] {strides = array<i32>} : memref<64x256xf32, #tpu.memory_space<vmem>>, vector<1x16xf32>,
      %get3A_402 = vector.shape_cast %get3A_401 : vector<1x16xf32> to vector<16xf32>
      %gt3A_403 = arith.constant 5.000000e-01 : f32
      %gt3A_404 = vector.broadcast %gt3A_403 : f32 to vector<16xf32>
      %gt3A_405 = arith.cmpf ogt, %get3A_402, %gt3A_404 : vector<16xf32>
      %jit3A_406 = arith.constant 1.000000e+00 : f32
      %jit3A_407 = arith.constant 0.000000e+00 : f32
      %broadcast_in_dim3A_408 = vector.broadcast %jit3A_406 : f32 to vector<16xf32>
      %broadcast_in_dim3A_409 = vector.broadcast %jit3A_407 : f32 to vector<16xf32>
      %select_n3A_410 = arith.select %gt3A_405, %broadcast_in_dim3A_408, %broadcast_in_dim3A_409 : vector<16xi1>, vector<16xf32>
      %get3A_411 = arith.index_cast %scan3A_348 : i32 to index
      %get3A_412 = arith.constant 32 : index
      %get3A_413 = tpu.vector_load %arg9[%get3A_411, %get3A_412] {strides = array<i32>} : memref<64x256xf32, #tpu.memory_space<vmem>>, vector<1x16xf32>,
      %get3A_414 = vector.shape_cast %get3A_413 : vector<1x16xf32> to vector<16xf32>
      %sub3A_415 = arith.subf %select_n3A_410, %get3A_414 : vector<16xf32>
      %get3A_416 = arith.index_cast %scan3A_348 : i32 to index
      %get3A_417 = arith.constant 32 : index
      %get3A_418 = tpu.vector_load %arg11[%get3A_416, %get3A_417] {strides = array<i32>} : memref<64x256xf32, #tpu.memory_space<vmem>>, vector<1x16xf32>,
      %get3A_419 = vector.shape_cast %get3A_418 : vector<1x16xf32> to vector<16xf32>
      %sub3A_420 = arith.subf %select_n3A_410, %get3A_419 : vector<16xf32>
      %mul3A_421 = arith.mulf %sub3A_415, %sub3A_415 : vector<16xf32>
      %add3A_422 = arith.addf %add3A_396, %mul3A_421 : vector<16xf32>
      %mul3A_423 = arith.mulf %sub3A_420, %sub3A_420 : vector<16xf32>
      %add3A_424 = arith.addf %add3A_398, %mul3A_423 : vector<16xf32>
      %get3A_425 = arith.index_cast %scan3A_348 : i32 to index
      %get3A_426 = arith.constant 48 : index
      %get3A_427 = tpu.vector_load %arg7[%get3A_425, %get3A_426] {strides = array<i32>} : memref<64x256xf32, #tpu.memory_space<vmem>>, vector<1x16xf32>,
      %get3A_428 = vector.shape_cast %get3A_427 : vector<1x16xf32> to vector<16xf32>
      %gt3A_429 = arith.constant 5.000000e-01 : f32
      %gt3A_430 = vector.broadcast %gt3A_429 : f32 to vector<16xf32>
      %gt3A_431 = arith.cmpf ogt, %get3A_428, %gt3A_430 : vector<16xf32>
      %jit3A_432 = arith.constant 1.000000e+00 : f32
      %jit3A_433 = arith.constant 0.000000e+00 : f32
      %broadcast_in_dim3A_434 = vector.broadcast %jit3A_432 : f32 to vector<16xf32>
      %broadcast_in_dim3A_435 = vector.broadcast %jit3A_433 : f32 to vector<16xf32>
      %select_n3A_436 = arith.select %gt3A_431, %broadcast_in_dim3A_434, %broadcast_in_dim3A_435 : vector<16xi1>, vector<16xf32>
      %get3A_437 = arith.index_cast %scan3A_348 : i32 to index
      %get3A_438 = arith.constant 48 : index
      %get3A_439 = tpu.vector_load %arg9[%get3A_437, %get3A_438] {strides = array<i32>} : memref<64x256xf32, #tpu.memory_space<vmem>>, vector<1x16xf32>,
      %get3A_440 = vector.shape_cast %get3A_439 : vector<1x16xf32> to vector<16xf32>
      %sub3A_441 = arith.subf %select_n3A_436, %get3A_440 : vector<16xf32>
      %get3A_442 = arith.index_cast %scan3A_348 : i32 to index
      %get3A_443 = arith.constant 48 : index
      %get3A_444 = tpu.vector_load %arg11[%get3A_442, %get3A_443] {strides = array<i32>} : memref<64x256xf32, #tpu.memory_space<vmem>>, vector<1x16xf32>,
      %get3A_445 = vector.shape_cast %get3A_444 : vector<1x16xf32> to vector<16xf32>
      %sub3A_446 = arith.subf %select_n3A_436, %get3A_445 : vector<16xf32>
      %mul3A_447 = arith.mulf %sub3A_441, %sub3A_441 : vector<16xf32>
      %add3A_448 = arith.addf %add3A_422, %mul3A_447 : vector<16xf32>
      %mul3A_449 = arith.mulf %sub3A_446, %sub3A_446 : vector<16xf32>
      %add3A_450 = arith.addf %add3A_424, %mul3A_449 : vector<16xf32>
      %get3A_451 = arith.index_cast %scan3A_348 : i32 to index
      %get3A_452 = arith.constant 64 : index
      %get3A_453 = tpu.vector_load %arg7[%get3A_451, %get3A_452] {strides = array<i32>} : memref<64x256xf32, #tpu.memory_space<vmem>>, vector<1x16xf32>,
      %get3A_454 = vector.shape_cast %get3A_453 : vector<1x16xf32> to vector<16xf32>
      %gt3A_455 = arith.constant 5.000000e-01 : f32
      %gt3A_456 = vector.broadcast %gt3A_455 : f32 to vector<16xf32>
      %gt3A_457 = arith.cmpf ogt, %get3A_454, %gt3A_456 : vector<16xf32>
      %jit3A_458 = arith.constant 1.000000e+00 : f32
      %jit3A_459 = arith.constant 0.000000e+00 : f32
      %broadcast_in_dim3A_460 = vector.broadcast %jit3A_458 : f32 to vector<16xf32>
      %broadcast_in_dim3A_461 = vector.broadcast %jit3A_459 : f32 to vector<16xf32>
      %select_n3A_462 = arith.select %gt3A_457, %broadcast_in_dim3A_460, %broadcast_in_dim3A_461 : vector<16xi1>, vector<16xf32>
      %get3A_463 = arith.index_cast %scan3A_348 : i32 to index
      %get3A_464 = arith.constant 64 : index
      %get3A_465 = tpu.vector_load %arg9[%get3A_463, %get3A_464] {strides = array<i32>} : memref<64x256xf32, #tpu.memory_space<vmem>>, vector<1x16xf32>,
      %get3A_466 = vector.shape_cast %get3A_465 : vector<1x16xf32> to vector<16xf32>
      %sub3A_467 = arith.subf %select_n3A_462, %get3A_466 : vector<16xf32>
      %get3A_468 = arith.index_cast %scan3A_348 : i32 to index
      %get3A_469 = arith.constant 64 : index
      %get3A_470 = tpu.vector_load %arg11[%get3A_468, %get3A_469] {strides = array<i32>} : memref<64x256xf32, #tpu.memory_space<vmem>>, vector<1x16xf32>,
      %get3A_471 = vector.shape_cast %get3A_470 : vector<1x16xf32> to vector<16xf32>
      %sub3A_472 = arith.subf %select_n3A_462, %get3A_471 : vector<16xf32>
      %mul3A_473 = arith.mulf %sub3A_467, %sub3A_467 : vector<16xf32>
      %add3A_474 = arith.addf %add3A_448, %mul3A_473 : vector<16xf32>
      %mul3A_475 = arith.mulf %sub3A_472, %sub3A_472 : vector<16xf32>
      %add3A_476 = arith.addf %add3A_450, %mul3A_475 : vector<16xf32>
      %get3A_477 = arith.index_cast %scan3A_348 : i32 to index
      %get3A_478 = arith.constant 80 : index
      %get3A_479 = tpu.vector_load %arg7[%get3A_477, %get3A_478] {strides = array<i32>} : memref<64x256xf32, #tpu.memory_space<vmem>>, vector<1x16xf32>,
      %get3A_480 = vector.shape_cast %get3A_479 : vector<1x16xf32> to vector<16xf32>
      %gt3A_481 = arith.constant 5.000000e-01 : f32
      %gt3A_482 = vector.broadcast %gt3A_481 : f32 to vector<16xf32>
      %gt3A_483 = arith.cmpf ogt, %get3A_480, %gt3A_482 : vector<16xf32>
      %jit3A_484 = arith.constant 1.000000e+00 : f32
      %jit3A_485 = arith.constant 0.000000e+00 : f32
      %broadcast_in_dim3A_486 = vector.broadcast %jit3A_484 : f32 to vector<16xf32>
      %broadcast_in_dim3A_487 = vector.broadcast %jit3A_485 : f32 to vector<16xf32>
      %select_n3A_488 = arith.select %gt3A_483, %broadcast_in_dim3A_486, %broadcast_in_dim3A_487 : vector<16xi1>, vector<16xf32>
      %get3A_489 = arith.index_cast %scan3A_348 : i32 to index
      %get3A_490 = arith.constant 80 : index
      %get3A_491 = tpu.vector_load %arg9[%get3A_489, %get3A_490] {strides = array<i32>} : memref<64x256xf32, #tpu.memory_space<vmem>>, vector<1x16xf32>,
      %get3A_492 = vector.shape_cast %get3A_491 : vector<1x16xf32> to vector<16xf32>
      %sub3A_493 = arith.subf %select_n3A_488, %get3A_492 : vector<16xf32>
      %get3A_494 = arith.index_cast %scan3A_348 : i32 to index
      %get3A_495 = arith.constant 80 : index
      %get3A_496 = tpu.vector_load %arg11[%get3A_494, %get3A_495] {strides = array<i32>} : memref<64x256xf32, #tpu.memory_space<vmem>>, vector<1x16xf32>,
      %get3A_497 = vector.shape_cast %get3A_496 : vector<1x16xf32> to vector<16xf32>
      %sub3A_498 = arith.subf %select_n3A_488, %get3A_497 : vector<16xf32>
      %mul3A_499 = arith.mulf %sub3A_493, %sub3A_493 : vector<16xf32>
      %add3A_500 = arith.addf %add3A_474, %mul3A_499 : vector<16xf32>
      %mul3A_501 = arith.mulf %sub3A_498, %sub3A_498 : vector<16xf32>
      %add3A_502 = arith.addf %add3A_476, %mul3A_501 : vector<16xf32>
      %get3A_503 = arith.index_cast %scan3A_348 : i32 to index
      %get3A_504 = arith.constant 96 : index
      %get3A_505 = tpu.vector_load %arg7[%get3A_503, %get3A_504] {strides = array<i32>} : memref<64x256xf32, #tpu.memory_space<vmem>>, vector<1x16xf32>,
      %get3A_506 = vector.shape_cast %get3A_505 : vector<1x16xf32> to vector<16xf32>
      %gt3A_507 = arith.constant 5.000000e-01 : f32
      %gt3A_508 = vector.broadcast %gt3A_507 : f32 to vector<16xf32>
      %gt3A_509 = arith.cmpf ogt, %get3A_506, %gt3A_508 : vector<16xf32>
      %jit3A_510 = arith.constant 1.000000e+00 : f32
      %jit3A_511 = arith.constant 0.000000e+00 : f32
      %broadcast_in_dim3A_512 = vector.broadcast %jit3A_510 : f32 to vector<16xf32>
      %broadcast_in_dim3A_513 = vector.broadcast %jit3A_511 : f32 to vector<16xf32>
      %select_n3A_514 = arith.select %gt3A_509, %broadcast_in_dim3A_512, %broadcast_in_dim3A_513 : vector<16xi1>, vector<16xf32>
      %get3A_515 = arith.index_cast %scan3A_348 : i32 to index
      %get3A_516 = arith.constant 96 : index
      %get3A_517 = tpu.vector_load %arg9[%get3A_515, %get3A_516] {strides = array<i32>} : memref<64x256xf32, #tpu.memory_space<vmem>>, vector<1x16xf32>,
      %get3A_518 = vector.shape_cast %get3A_517 : vector<1x16xf32> to vector<16xf32>
      %sub3A_519 = arith.subf %select_n3A_514, %get3A_518 : vector<16xf32>
      %get3A_520 = arith.index_cast %scan3A_348 : i32 to index
      %get3A_521 = arith.constant 96 : index
      %get3A_522 = tpu.vector_load %arg11[%get3A_520, %get3A_521] {strides = array<i32>} : memref<64x256xf32, #tpu.memory_space<vmem>>, vector<1x16xf32>,
      %get3A_523 = vector.shape_cast %get3A_522 : vector<1x16xf32> to vector<16xf32>
      %sub3A_524 = arith.subf %select_n3A_514, %get3A_523 : vector<16xf32>
      %mul3A_525 = arith.mulf %sub3A_519, %sub3A_519 : vector<16xf32>
      %add3A_526 = arith.addf %add3A_500, %mul3A_525 : vector<16xf32>
      %mul3A_527 = arith.mulf %sub3A_524, %sub3A_524 : vector<16xf32>
      %add3A_528 = arith.addf %add3A_502, %mul3A_527 : vector<16xf32>
      %get3A_529 = arith.index_cast %scan3A_348 : i32 to index
      %get3A_530 = arith.constant 112 : index
      %get3A_531 = tpu.vector_load %arg7[%get3A_529, %get3A_530] {strides = array<i32>} : memref<64x256xf32, #tpu.memory_space<vmem>>, vector<1x16xf32>,
      %get3A_532 = vector.shape_cast %get3A_531 : vector<1x16xf32> to vector<16xf32>
      %gt3A_533 = arith.constant 5.000000e-01 : f32
      %gt3A_534 = vector.broadcast %gt3A_533 : f32 to vector<16xf32>
      %gt3A_535 = arith.cmpf ogt, %get3A_532, %gt3A_534 : vector<16xf32>
      %jit3A_536 = arith.constant 1.000000e+00 : f32
      %jit3A_537 = arith.constant 0.000000e+00 : f32
      %broadcast_in_dim3A_538 = vector.broadcast %jit3A_536 : f32 to vector<16xf32>
      %broadcast_in_dim3A_539 = vector.broadcast %jit3A_537 : f32 to vector<16xf32>
      %select_n3A_540 = arith.select %gt3A_535, %broadcast_in_dim3A_538, %broadcast_in_dim3A_539 : vector<16xi1>, vector<16xf32>
      %get3A_541 = arith.index_cast %scan3A_348 : i32 to index
      %get3A_542 = arith.constant 112 : index
      %get3A_543 = tpu.vector_load %arg9[%get3A_541, %get3A_542] {strides = array<i32>} : memref<64x256xf32, #tpu.memory_space<vmem>>, vector<1x16xf32>,
      %get3A_544 = vector.shape_cast %get3A_543 : vector<1x16xf32> to vector<16xf32>
      %sub3A_545 = arith.subf %select_n3A_540, %get3A_544 : vector<16xf32>
      %get3A_546 = arith.index_cast %scan3A_348 : i32 to index
      %get3A_547 = arith.constant 112 : index
      %get3A_548 = tpu.vector_load %arg11[%get3A_546, %get3A_547] {strides = array<i32>} : memref<64x256xf32, #tpu.memory_space<vmem>>, vector<1x16xf32>,
      %get3A_549 = vector.shape_cast %get3A_548 : vector<1x16xf32> to vector<16xf32>
      %sub3A_550 = arith.subf %select_n3A_540, %get3A_549 : vector<16xf32>
      %mul3A_551 = arith.mulf %sub3A_545, %sub3A_545 : vector<16xf32>
      %add3A_552 = arith.addf %add3A_526, %mul3A_551 : vector<16xf32>
      %mul3A_553 = arith.mulf %sub3A_550, %sub3A_550 : vector<16xf32>
      %add3A_554 = arith.addf %add3A_528, %mul3A_553 : vector<16xf32>
      %get3A_555 = arith.index_cast %scan3A_348 : i32 to index
      %get3A_556 = arith.constant 128 : index
      %get3A_557 = tpu.vector_load %arg7[%get3A_555, %get3A_556] {strides = array<i32>} : memref<64x256xf32, #tpu.memory_space<vmem>>, vector<1x16xf32>,
      %get3A_558 = vector.shape_cast %get3A_557 : vector<1x16xf32> to vector<16xf32>
      %gt3A_559 = arith.constant 5.000000e-01 : f32
      %gt3A_560 = vector.broadcast %gt3A_559 : f32 to vector<16xf32>
      %gt3A_561 = arith.cmpf ogt, %get3A_558, %gt3A_560 : vector<16xf32>
      %jit3A_562 = arith.constant 1.000000e+00 : f32
      %jit3A_563 = arith.constant 0.000000e+00 : f32
      %broadcast_in_dim3A_564 = vector.broadcast %jit3A_562 : f32 to vector<16xf32>
      %broadcast_in_dim3A_565 = vector.broadcast %jit3A_563 : f32 to vector<16xf32>
      %select_n3A_566 = arith.select %gt3A_561, %broadcast_in_dim3A_564, %broadcast_in_dim3A_565 : vector<16xi1>, vector<16xf32>
      %get3A_567 = arith.index_cast %scan3A_348 : i32 to index
      %get3A_568 = arith.constant 128 : index
      %get3A_569 = tpu.vector_load %arg9[%get3A_567, %get3A_568] {strides = array<i32>} : memref<64x256xf32, #tpu.memory_space<vmem>>, vector<1x16xf32>,
      %get3A_570 = vector.shape_cast %get3A_569 : vector<1x16xf32> to vector<16xf32>
      %sub3A_571 = arith.subf %select_n3A_566, %get3A_570 : vector<16xf32>
      %get3A_572 = arith.index_cast %scan3A_348 : i32 to index
      %get3A_573 = arith.constant 128 : index
      %get3A_574 = tpu.vector_load %arg11[%get3A_572, %get3A_573] {strides = array<i32>} : memref<64x256xf32, #tpu.memory_space<vmem>>, vector<1x16xf32>,
      %get3A_575 = vector.shape_cast %get3A_574 : vector<1x16xf32> to vector<16xf32>
      %sub3A_576 = arith.subf %select_n3A_566, %get3A_575 : vector<16xf32>
      %mul3A_577 = arith.mulf %sub3A_571, %sub3A_571 : vector<16xf32>
      %add3A_578 = arith.addf %add3A_552, %mul3A_577 : vector<16xf32>
      %mul3A_579 = arith.mulf %sub3A_576, %sub3A_576 : vector<16xf32>
      %add3A_580 = arith.addf %add3A_554, %mul3A_579 : vector<16xf32>
      %get3A_581 = arith.index_cast %scan3A_348 : i32 to index
      %get3A_582 = arith.constant 144 : index
      %get3A_583 = tpu.vector_load %arg7[%get3A_581, %get3A_582] {strides = array<i32>} : memref<64x256xf32, #tpu.memory_space<vmem>>, vector<1x16xf32>,
      %get3A_584 = vector.shape_cast %get3A_583 : vector<1x16xf32> to vector<16xf32>
      %gt3A_585 = arith.constant 5.000000e-01 : f32
      %gt3A_586 = vector.broadcast %gt3A_585 : f32 to vector<16xf32>
      %gt3A_587 = arith.cmpf ogt, %get3A_584, %gt3A_586 : vector<16xf32>
      %jit3A_588 = arith.constant 1.000000e+00 : f32
      %jit3A_589 = arith.constant 0.000000e+00 : f32
      %broadcast_in_dim3A_590 = vector.broadcast %jit3A_588 : f32 to vector<16xf32>
      %broadcast_in_dim3A_591 = vector.broadcast %jit3A_589 : f32 to vector<16xf32>
      %select_n3A_592 = arith.select %gt3A_587, %broadcast_in_dim3A_590, %broadcast_in_dim3A_591 : vector<16xi1>, vector<16xf32>
      %get3A_593 = arith.index_cast %scan3A_348 : i32 to index
      %get3A_594 = arith.constant 144 : index
      %get3A_595 = tpu.vector_load %arg9[%get3A_593, %get3A_594] {strides = array<i32>} : memref<64x256xf32, #tpu.memory_space<vmem>>, vector<1x16xf32>,
      %get3A_596 = vector.shape_cast %get3A_595 : vector<1x16xf32> to vector<16xf32>
      %sub3A_597 = arith.subf %select_n3A_592, %get3A_596 : vector<16xf32>
      %get3A_598 = arith.index_cast %scan3A_348 : i32 to index
      %get3A_599 = arith.constant 144 : index
      %get3A_600 = tpu.vector_load %arg11[%get3A_598, %get3A_599] {strides = array<i32>} : memref<64x256xf32, #tpu.memory_space<vmem>>, vector<1x16xf32>,
      %get3A_601 = vector.shape_cast %get3A_600 : vector<1x16xf32> to vector<16xf32>
      %sub3A_602 = arith.subf %select_n3A_592, %get3A_601 : vector<16xf32>
      %mul3A_603 = arith.mulf %sub3A_597, %sub3A_597 : vector<16xf32>
      %add3A_604 = arith.addf %add3A_578, %mul3A_603 : vector<16xf32>
      %mul3A_605 = arith.mulf %sub3A_602, %sub3A_602 : vector<16xf32>
      %add3A_606 = arith.addf %add3A_580, %mul3A_605 : vector<16xf32>
      %get3A_607 = arith.index_cast %scan3A_348 : i32 to index
      %get3A_608 = arith.constant 160 : index
      %get3A_609 = tpu.vector_load %arg7[%get3A_607, %get3A_608] {strides = array<i32>} : memref<64x256xf32, #tpu.memory_space<vmem>>, vector<1x16xf32>,
      %get3A_610 = vector.shape_cast %get3A_609 : vector<1x16xf32> to vector<16xf32>
      %gt3A_611 = arith.constant 5.000000e-01 : f32
      %gt3A_612 = vector.broadcast %gt3A_611 : f32 to vector<16xf32>
      %gt3A_613 = arith.cmpf ogt, %get3A_610, %gt3A_612 : vector<16xf32>
      %jit3A_614 = arith.constant 1.000000e+00 : f32
      %jit3A_615 = arith.constant 0.000000e+00 : f32
      %broadcast_in_dim3A_616 = vector.broadcast %jit3A_614 : f32 to vector<16xf32>
      %broadcast_in_dim3A_617 = vector.broadcast %jit3A_615 : f32 to vector<16xf32>
      %select_n3A_618 = arith.select %gt3A_613, %broadcast_in_dim3A_616, %broadcast_in_dim3A_617 : vector<16xi1>, vector<16xf32>
      %get3A_619 = arith.index_cast %scan3A_348 : i32 to index
      %get3A_620 = arith.constant 160 : index
      %get3A_621 = tpu.vector_load %arg9[%get3A_619, %get3A_620] {strides = array<i32>} : memref<64x256xf32, #tpu.memory_space<vmem>>, vector<1x16xf32>,
      %get3A_622 = vector.shape_cast %get3A_621 : vector<1x16xf32> to vector<16xf32>
      %sub3A_623 = arith.subf %select_n3A_618, %get3A_622 : vector<16xf32>
      %get3A_624 = arith.index_cast %scan3A_348 : i32 to index
      %get3A_625 = arith.constant 160 : index
      %get3A_626 = tpu.vector_load %arg11[%get3A_624, %get3A_625] {strides = array<i32>} : memref<64x256xf32, #tpu.memory_space<vmem>>, vector<1x16xf32>,
      %get3A_627 = vector.shape_cast %get3A_626 : vector<1x16xf32> to vector<16xf32>
      %sub3A_628 = arith.subf %select_n3A_618, %get3A_627 : vector<16xf32>
      %mul3A_629 = arith.mulf %sub3A_623, %sub3A_623 : vector<16xf32>
      %add3A_630 = arith.addf %add3A_604, %mul3A_629 : vector<16xf32>
      %mul3A_631 = arith.mulf %sub3A_628, %sub3A_628 : vector<16xf32>
      %add3A_632 = arith.addf %add3A_606, %mul3A_631 : vector<16xf32>
      %get3A_633 = arith.index_cast %scan3A_348 : i32 to index
      %get3A_634 = arith.constant 176 : index
      %get3A_635 = tpu.vector_load %arg7[%get3A_633, %get3A_634] {strides = array<i32>} : memref<64x256xf32, #tpu.memory_space<vmem>>, vector<1x16xf32>,
      %get3A_636 = vector.shape_cast %get3A_635 : vector<1x16xf32> to vector<16xf32>
      %gt3A_637 = arith.constant 5.000000e-01 : f32
      %gt3A_638 = vector.broadcast %gt3A_637 : f32 to vector<16xf32>
      %gt3A_639 = arith.cmpf ogt, %get3A_636, %gt3A_638 : vector<16xf32>
      %jit3A_640 = arith.constant 1.000000e+00 : f32
      %jit3A_641 = arith.constant 0.000000e+00 : f32
      %broadcast_in_dim3A_642 = vector.broadcast %jit3A_640 : f32 to vector<16xf32>
      %broadcast_in_dim3A_643 = vector.broadcast %jit3A_641 : f32 to vector<16xf32>
      %select_n3A_644 = arith.select %gt3A_639, %broadcast_in_dim3A_642, %broadcast_in_dim3A_643 : vector<16xi1>, vector<16xf32>
      %get3A_645 = arith.index_cast %scan3A_348 : i32 to index
      %get3A_646 = arith.constant 176 : index
      %get3A_647 = tpu.vector_load %arg9[%get3A_645, %get3A_646] {strides = array<i32>} : memref<64x256xf32, #tpu.memory_space<vmem>>, vector<1x16xf32>,
      %get3A_648 = vector.shape_cast %get3A_647 : vector<1x16xf32> to vector<16xf32>
      %sub3A_649 = arith.subf %select_n3A_644, %get3A_648 : vector<16xf32>
      %get3A_650 = arith.index_cast %scan3A_348 : i32 to index
      %get3A_651 = arith.constant 176 : index
      %get3A_652 = tpu.vector_load %arg11[%get3A_650, %get3A_651] {strides = array<i32>} : memref<64x256xf32, #tpu.memory_space<vmem>>, vector<1x16xf32>,
      %get3A_653 = vector.shape_cast %get3A_652 : vector<1x16xf32> to vector<16xf32>
      %sub3A_654 = arith.subf %select_n3A_644, %get3A_653 : vector<16xf32>
      %mul3A_655 = arith.mulf %sub3A_649, %sub3A_649 : vector<16xf32>
      %add3A_656 = arith.addf %add3A_630, %mul3A_655 : vector<16xf32>
      %mul3A_657 = arith.mulf %sub3A_654, %sub3A_654 : vector<16xf32>
      %add3A_658 = arith.addf %add3A_632, %mul3A_657 : vector<16xf32>
      %get3A_659 = arith.index_cast %scan3A_348 : i32 to index
      %get3A_660 = arith.constant 192 : index
      %get3A_661 = tpu.vector_load %arg7[%get3A_659, %get3A_660] {strides = array<i32>} : memref<64x256xf32, #tpu.memory_space<vmem>>, vector<1x16xf32>,
      %get3A_662 = vector.shape_cast %get3A_661 : vector<1x16xf32> to vector<16xf32>
      %gt3A_663 = arith.constant 5.000000e-01 : f32
      %gt3A_664 = vector.broadcast %gt3A_663 : f32 to vector<16xf32>
      %gt3A_665 = arith.cmpf ogt, %get3A_662, %gt3A_664 : vector<16xf32>
      %jit3A_666 = arith.constant 1.000000e+00 : f32
      %jit3A_667 = arith.constant 0.000000e+00 : f32
      %broadcast_in_dim3A_668 = vector.broadcast %jit3A_666 : f32 to vector<16xf32>
      %broadcast_in_dim3A_669 = vector.broadcast %jit3A_667 : f32 to vector<16xf32>
      %select_n3A_670 = arith.select %gt3A_665, %broadcast_in_dim3A_668, %broadcast_in_dim3A_669 : vector<16xi1>, vector<16xf32>
      %get3A_671 = arith.index_cast %scan3A_348 : i32 to index
      %get3A_672 = arith.constant 192 : index
      %get3A_673 = tpu.vector_load %arg9[%get3A_671, %get3A_672] {strides = array<i32>} : memref<64x256xf32, #tpu.memory_space<vmem>>, vector<1x16xf32>,
      %get3A_674 = vector.shape_cast %get3A_673 : vector<1x16xf32> to vector<16xf32>
      %sub3A_675 = arith.subf %select_n3A_670, %get3A_674 : vector<16xf32>
      %get3A_676 = arith.index_cast %scan3A_348 : i32 to index
      %get3A_677 = arith.constant 192 : index
      %get3A_678 = tpu.vector_load %arg11[%get3A_676, %get3A_677] {strides = array<i32>} : memref<64x256xf32, #tpu.memory_space<vmem>>, vector<1x16xf32>,
      %get3A_679 = vector.shape_cast %get3A_678 : vector<1x16xf32> to vector<16xf32>
      %sub3A_680 = arith.subf %select_n3A_670, %get3A_679 : vector<16xf32>
      %mul3A_681 = arith.mulf %sub3A_675, %sub3A_675 : vector<16xf32>
      %add3A_682 = arith.addf %add3A_656, %mul3A_681 : vector<16xf32>
      %mul3A_683 = arith.mulf %sub3A_680, %sub3A_680 : vector<16xf32>
      %add3A_684 = arith.addf %add3A_658, %mul3A_683 : vector<16xf32>
      %get3A_685 = arith.index_cast %scan3A_348 : i32 to index
      %get3A_686 = arith.constant 208 : index
      %get3A_687 = tpu.vector_load %arg7[%get3A_685, %get3A_686] {strides = array<i32>} : memref<64x256xf32, #tpu.memory_space<vmem>>, vector<1x16xf32>,
      %get3A_688 = vector.shape_cast %get3A_687 : vector<1x16xf32> to vector<16xf32>
      %gt3A_689 = arith.constant 5.000000e-01 : f32
      %gt3A_690 = vector.broadcast %gt3A_689 : f32 to vector<16xf32>
      %gt3A_691 = arith.cmpf ogt, %get3A_688, %gt3A_690 : vector<16xf32>
      %jit3A_692 = arith.constant 1.000000e+00 : f32
      %jit3A_693 = arith.constant 0.000000e+00 : f32
      %broadcast_in_dim3A_694 = vector.broadcast %jit3A_692 : f32 to vector<16xf32>
      %broadcast_in_dim3A_695 = vector.broadcast %jit3A_693 : f32 to vector<16xf32>
      %select_n3A_696 = arith.select %gt3A_691, %broadcast_in_dim3A_694, %broadcast_in_dim3A_695 : vector<16xi1>, vector<16xf32>
      %get3A_697 = arith.index_cast %scan3A_348 : i32 to index
      %get3A_698 = arith.constant 208 : index
      %get3A_699 = tpu.vector_load %arg9[%get3A_697, %get3A_698] {strides = array<i32>} : memref<64x256xf32, #tpu.memory_space<vmem>>, vector<1x16xf32>,
      %get3A_700 = vector.shape_cast %get3A_699 : vector<1x16xf32> to vector<16xf32>
      %sub3A_701 = arith.subf %select_n3A_696, %get3A_700 : vector<16xf32>
      %get3A_702 = arith.index_cast %scan3A_348 : i32 to index
      %get3A_703 = arith.constant 208 : index
      %get3A_704 = tpu.vector_load %arg11[%get3A_702, %get3A_703] {strides = array<i32>} : memref<64x256xf32, #tpu.memory_space<vmem>>, vector<1x16xf32>,
      %get3A_705 = vector.shape_cast %get3A_704 : vector<1x16xf32> to vector<16xf32>
      %sub3A_706 = arith.subf %select_n3A_696, %get3A_705 : vector<16xf32>
      %mul3A_707 = arith.mulf %sub3A_701, %sub3A_701 : vector<16xf32>
      %add3A_708 = arith.addf %add3A_682, %mul3A_707 : vector<16xf32>
      %mul3A_709 = arith.mulf %sub3A_706, %sub3A_706 : vector<16xf32>
      %add3A_710 = arith.addf %add3A_684, %mul3A_709 : vector<16xf32>
      %get3A_711 = arith.index_cast %scan3A_348 : i32 to index
      %get3A_712 = arith.constant 224 : index
      %get3A_713 = tpu.vector_load %arg7[%get3A_711, %get3A_712] {strides = array<i32>} : memref<64x256xf32, #tpu.memory_space<vmem>>, vector<1x16xf32>,
      %get3A_714 = vector.shape_cast %get3A_713 : vector<1x16xf32> to vector<16xf32>
      %gt3A_715 = arith.constant 5.000000e-01 : f32
      %gt3A_716 = vector.broadcast %gt3A_715 : f32 to vector<16xf32>
      %gt3A_717 = arith.cmpf ogt, %get3A_714, %gt3A_716 : vector<16xf32>
      %jit3A_718 = arith.constant 1.000000e+00 : f32
      %jit3A_719 = arith.constant 0.000000e+00 : f32
      %broadcast_in_dim3A_720 = vector.broadcast %jit3A_718 : f32 to vector<16xf32>
      %broadcast_in_dim3A_721 = vector.broadcast %jit3A_719 : f32 to vector<16xf32>
      %select_n3A_722 = arith.select %gt3A_717, %broadcast_in_dim3A_720, %broadcast_in_dim3A_721 : vector<16xi1>, vector<16xf32>
      %get3A_723 = arith.index_cast %scan3A_348 : i32 to index
      %get3A_724 = arith.constant 224 : index
      %get3A_725 = tpu.vector_load %arg9[%get3A_723, %get3A_724] {strides = array<i32>} : memref<64x256xf32, #tpu.memory_space<vmem>>, vector<1x16xf32>,
      %get3A_726 = vector.shape_cast %get3A_725 : vector<1x16xf32> to vector<16xf32>
      %sub3A_727 = arith.subf %select_n3A_722, %get3A_726 : vector<16xf32>
      %get3A_728 = arith.index_cast %scan3A_348 : i32 to index
      %get3A_729 = arith.constant 224 : index
      %get3A_730 = tpu.vector_load %arg11[%get3A_728, %get3A_729] {strides = array<i32>} : memref<64x256xf32, #tpu.memory_space<vmem>>, vector<1x16xf32>,
      %get3A_731 = vector.shape_cast %get3A_730 : vector<1x16xf32> to vector<16xf32>
      %sub3A_732 = arith.subf %select_n3A_722, %get3A_731 : vector<16xf32>
      %mul3A_733 = arith.mulf %sub3A_727, %sub3A_727 : vector<16xf32>
      %add3A_734 = arith.addf %add3A_708, %mul3A_733 : vector<16xf32>
      %mul3A_735 = arith.mulf %sub3A_732, %sub3A_732 : vector<16xf32>
      %add3A_736 = arith.addf %add3A_710, %mul3A_735 : vector<16xf32>
      %get3A_737 = arith.index_cast %scan3A_348 : i32 to index
      %get3A_738 = arith.constant 240 : index
      %get3A_739 = tpu.vector_load %arg7[%get3A_737, %get3A_738] {strides = array<i32>} : memref<64x256xf32, #tpu.memory_space<vmem>>, vector<1x16xf32>,
      %get3A_740 = vector.shape_cast %get3A_739 : vector<1x16xf32> to vector<16xf32>
      %gt3A_741 = arith.constant 5.000000e-01 : f32
      %gt3A_742 = vector.broadcast %gt3A_741 : f32 to vector<16xf32>
      %gt3A_743 = arith.cmpf ogt, %get3A_740, %gt3A_742 : vector<16xf32>
      %jit3A_744 = arith.constant 1.000000e+00 : f32
      %jit3A_745 = arith.constant 0.000000e+00 : f32
      %broadcast_in_dim3A_746 = vector.broadcast %jit3A_744 : f32 to vector<16xf32>
      %broadcast_in_dim3A_747 = vector.broadcast %jit3A_745 : f32 to vector<16xf32>
      %select_n3A_748 = arith.select %gt3A_743, %broadcast_in_dim3A_746, %broadcast_in_dim3A_747 : vector<16xi1>, vector<16xf32>
      %get3A_749 = arith.index_cast %scan3A_348 : i32 to index
      %get3A_750 = arith.constant 240 : index
      %get3A_751 = tpu.vector_load %arg9[%get3A_749, %get3A_750] {strides = array<i32>} : memref<64x256xf32, #tpu.memory_space<vmem>>, vector<1x16xf32>,
      %get3A_752 = vector.shape_cast %get3A_751 : vector<1x16xf32> to vector<16xf32>
      %sub3A_753 = arith.subf %select_n3A_748, %get3A_752 : vector<16xf32>
      %get3A_754 = arith.index_cast %scan3A_348 : i32 to index
      %get3A_755 = arith.constant 240 : index
      %get3A_756 = tpu.vector_load %arg11[%get3A_754, %get3A_755] {strides = array<i32>} : memref<64x256xf32, #tpu.memory_space<vmem>>, vector<1x16xf32>,
      %get3A_757 = vector.shape_cast %get3A_756 : vector<1x16xf32> to vector<16xf32>
      %sub3A_758 = arith.subf %select_n3A_748, %get3A_757 : vector<16xf32>
      %mul3A_759 = arith.mulf %sub3A_753, %sub3A_753 : vector<16xf32>
      %add3A_760 = arith.addf %add3A_734, %mul3A_759 : vector<16xf32>
      %mul3A_761 = arith.mulf %sub3A_758, %sub3A_758 : vector<16xf32>
      %add3A_762 = arith.addf %add3A_736, %mul3A_761 : vector<16xf32>
      scf.yield %add3A_760, %add3A_762 : vector<16xf32>, vector<16xf32>
    }
    %scan3A_232 = arith.constant 64 : i32
    %slice3A = vector.extract_strided_slice %scan3A_231#0 {offsets = [0], sizes = [1], strides = [1]} : vector<16xf32> to vector<1xf32>
    %squeeze3A = vector.extract %slice3A[0] : f32 from vector<1xf32>
    %add3A_233 = arith.constant 0.000000e+00 : f32
    %add3A_234 = arith.addf %add3A_233, %squeeze3A : f32
    %slice3A_235 = vector.extract_strided_slice %scan3A_231#1 {offsets = [0], sizes = [1], strides = [1]} : vector<16xf32> to vector<1xf32>
    %squeeze3A_236 = vector.extract %slice3A_235[0] : f32 from vector<1xf32>
    %add3A_237 = arith.constant 0.000000e+00 : f32
    %add3A_238 = arith.addf %add3A_237, %squeeze3A_236 : f32
    %slice3A_239 = vector.extract_strided_slice %scan3A_231#0 {offsets = [1], sizes = [1], strides = [1]} : vector<16xf32> to vector<1xf32>
    %squeeze3A_240 = vector.extract %slice3A_239[0] : f32 from vector<1xf32>
    %add3A_241 = arith.addf %add3A_234, %squeeze3A_240 : f32
    %slice3A_242 = vector.extract_strided_slice %scan3A_231#1 {offsets = [1], sizes = [1], strides = [1]} : vector<16xf32> to vector<1xf32>
    %squeeze3A_243 = vector.extract %slice3A_242[0] : f32 from vector<1xf32>
    %add3A_244 = arith.addf %add3A_238, %squeeze3A_243 : f32
    %slice3A_245 = vector.extract_strided_slice %scan3A_231#0 {offsets = [2], sizes = [1], strides = [1]} : vector<16xf32> to vector<1xf32>
    %squeeze3A_246 = vector.extract %slice3A_245[0] : f32 from vector<1xf32>
    %add3A_247 = arith.addf %add3A_241, %squeeze3A_246 : f32
    %slice3A_248 = vector.extract_strided_slice %scan3A_231#1 {offsets = [2], sizes = [1], strides = [1]} : vector<16xf32> to vector<1xf32>
    %squeeze3A_249 = vector.extract %slice3A_248[0] : f32 from vector<1xf32>
    %add3A_250 = arith.addf %add3A_244, %squeeze3A_249 : f32
    %slice3A_251 = vector.extract_strided_slice %scan3A_231#0 {offsets = [3], sizes = [1], strides = [1]} : vector<16xf32> to vector<1xf32>
    %squeeze3A_252 = vector.extract %slice3A_251[0] : f32 from vector<1xf32>
    %add3A_253 = arith.addf %add3A_247, %squeeze3A_252 : f32
    %slice3A_254 = vector.extract_strided_slice %scan3A_231#1 {offsets = [3], sizes = [1], strides = [1]} : vector<16xf32> to vector<1xf32>
    %squeeze3A_255 = vector.extract %slice3A_254[0] : f32 from vector<1xf32>
    %add3A_256 = arith.addf %add3A_250, %squeeze3A_255 : f32
    %slice3A_257 = vector.extract_strided_slice %scan3A_231#0 {offsets = [4], sizes = [1], strides = [1]} : vector<16xf32> to vector<1xf32>
    %squeeze3A_258 = vector.extract %slice3A_257[0] : f32 from vector<1xf32>
    %add3A_259 = arith.addf %add3A_253, %squeeze3A_258 : f32
    %slice3A_260 = vector.extract_strided_slice %scan3A_231#1 {offsets = [4], sizes = [1], strides = [1]} : vector<16xf32> to vector<1xf32>
    %squeeze3A_261 = vector.extract %slice3A_260[0] : f32 from vector<1xf32>
    %add3A_262 = arith.addf %add3A_256, %squeeze3A_261 : f32
    %slice3A_263 = vector.extract_strided_slice %scan3A_231#0 {offsets = [5], sizes = [1], strides = [1]} : vector<16xf32> to vector<1xf32>
    %squeeze3A_264 = vector.extract %slice3A_263[0] : f32 from vector<1xf32>
    %add3A_265 = arith.addf %add3A_259, %squeeze3A_264 : f32
    %slice3A_266 = vector.extract_strided_slice %scan3A_231#1 {offsets = [5], sizes = [1], strides = [1]} : vector<16xf32> to vector<1xf32>
    %squeeze3A_267 = vector.extract %slice3A_266[0] : f32 from vector<1xf32>
    %add3A_268 = arith.addf %add3A_262, %squeeze3A_267 : f32
    %slice3A_269 = vector.extract_strided_slice %scan3A_231#0 {offsets = [6], sizes = [1], strides = [1]} : vector<16xf32> to vector<1xf32>
    %squeeze3A_270 = vector.extract %slice3A_269[0] : f32 from vector<1xf32>
    %add3A_271 = arith.addf %add3A_265, %squeeze3A_270 : f32
    %slice3A_272 = vector.extract_strided_slice %scan3A_231#1 {offsets = [6], sizes = [1], strides = [1]} : vector<16xf32> to vector<1xf32>
    %squeeze3A_273 = vector.extract %slice3A_272[0] : f32 from vector<1xf32>
    %add3A_274 = arith.addf %add3A_268, %squeeze3A_273 : f32
    %slice3A_275 = vector.extract_strided_slice %scan3A_231#0 {offsets = [7], sizes = [1], strides = [1]} : vector<16xf32> to vector<1xf32>
    %squeeze3A_276 = vector.extract %slice3A_275[0] : f32 from vector<1xf32>
    %add3A_277 = arith.addf %add3A_271, %squeeze3A_276 : f32
    %slice3A_278 = vector.extract_strided_slice %scan3A_231#1 {offsets = [7], sizes = [1], strides = [1]} : vector<16xf32> to vector<1xf32>
    %squeeze3A_279 = vector.extract %slice3A_278[0] : f32 from vector<1xf32>
    %add3A_280 = arith.addf %add3A_274, %squeeze3A_279 : f32
    %slice3A_281 = vector.extract_strided_slice %scan3A_231#0 {offsets = [8], sizes = [1], strides = [1]} : vector<16xf32> to vector<1xf32>
    %squeeze3A_282 = vector.extract %slice3A_281[0] : f32 from vector<1xf32>
    %add3A_283 = arith.addf %add3A_277, %squeeze3A_282 : f32
    %slice3A_284 = vector.extract_strided_slice %scan3A_231#1 {offsets = [8], sizes = [1], strides = [1]} : vector<16xf32> to vector<1xf32>
    %squeeze3A_285 = vector.extract %slice3A_284[0] : f32 from vector<1xf32>
    %add3A_286 = arith.addf %add3A_280, %squeeze3A_285 : f32
    %slice3A_287 = vector.extract_strided_slice %scan3A_231#0 {offsets = [9], sizes = [1], strides = [1]} : vector<16xf32> to vector<1xf32>
    %squeeze3A_288 = vector.extract %slice3A_287[0] : f32 from vector<1xf32>
    %add3A_289 = arith.addf %add3A_283, %squeeze3A_288 : f32
    %slice3A_290 = vector.extract_strided_slice %scan3A_231#1 {offsets = [9], sizes = [1], strides = [1]} : vector<16xf32> to vector<1xf32>
    %squeeze3A_291 = vector.extract %slice3A_290[0] : f32 from vector<1xf32>
    %add3A_292 = arith.addf %add3A_286, %squeeze3A_291 : f32
    %slice3A_293 = vector.extract_strided_slice %scan3A_231#0 {offsets = [10], sizes = [1], strides = [1]} : vector<16xf32> to vector<1xf32>
    %squeeze3A_294 = vector.extract %slice3A_293[0] : f32 from vector<1xf32>
    %add3A_295 = arith.addf %add3A_289, %squeeze3A_294 : f32
    %slice3A_296 = vector.extract_strided_slice %scan3A_231#1 {offsets = [10], sizes = [1], strides = [1]} : vector<16xf32> to vector<1xf32>
    %squeeze3A_297 = vector.extract %slice3A_296[0] : f32 from vector<1xf32>
    %add3A_298 = arith.addf %add3A_292, %squeeze3A_297 : f32
    %slice3A_299 = vector.extract_strided_slice %scan3A_231#0 {offsets = [11], sizes = [1], strides = [1]} : vector<16xf32> to vector<1xf32>
    %squeeze3A_300 = vector.extract %slice3A_299[0] : f32 from vector<1xf32>
    %add3A_301 = arith.addf %add3A_295, %squeeze3A_300 : f32
    %slice3A_302 = vector.extract_strided_slice %scan3A_231#1 {offsets = [11], sizes = [1], strides = [1]} : vector<16xf32> to vector<1xf32>
    %squeeze3A_303 = vector.extract %slice3A_302[0] : f32 from vector<1xf32>
    %add3A_304 = arith.addf %add3A_298, %squeeze3A_303 : f32
    %slice3A_305 = vector.extract_strided_slice %scan3A_231#0 {offsets = [12], sizes = [1], strides = [1]} : vector<16xf32> to vector<1xf32>
    %squeeze3A_306 = vector.extract %slice3A_305[0] : f32 from vector<1xf32>
    %add3A_307 = arith.addf %add3A_301, %squeeze3A_306 : f32
    %slice3A_308 = vector.extract_strided_slice %scan3A_231#1 {offsets = [12], sizes = [1], strides = [1]} : vector<16xf32> to vector<1xf32>
    %squeeze3A_309 = vector.extract %slice3A_308[0] : f32 from vector<1xf32>
    %add3A_310 = arith.addf %add3A_304, %squeeze3A_309 : f32
    %slice3A_311 = vector.extract_strided_slice %scan3A_231#0 {offsets = [13], sizes = [1], strides = [1]} : vector<16xf32> to vector<1xf32>
    %squeeze3A_312 = vector.extract %slice3A_311[0] : f32 from vector<1xf32>
    %add3A_313 = arith.addf %add3A_307, %squeeze3A_312 : f32
    %slice3A_314 = vector.extract_strided_slice %scan3A_231#1 {offsets = [13], sizes = [1], strides = [1]} : vector<16xf32> to vector<1xf32>
    %squeeze3A_315 = vector.extract %slice3A_314[0] : f32 from vector<1xf32>
    %add3A_316 = arith.addf %add3A_310, %squeeze3A_315 : f32
    %slice3A_317 = vector.extract_strided_slice %scan3A_231#0 {offsets = [14], sizes = [1], strides = [1]} : vector<16xf32> to vector<1xf32>
    %squeeze3A_318 = vector.extract %slice3A_317[0] : f32 from vector<1xf32>
    %add3A_319 = arith.addf %add3A_313, %squeeze3A_318 : f32
    %slice3A_320 = vector.extract_strided_slice %scan3A_231#1 {offsets = [14], sizes = [1], strides = [1]} : vector<16xf32> to vector<1xf32>
    %squeeze3A_321 = vector.extract %slice3A_320[0] : f32 from vector<1xf32>
    %add3A_322 = arith.addf %add3A_316, %squeeze3A_321 : f32
    %slice3A_323 = vector.extract_strided_slice %scan3A_231#0 {offsets = [15], sizes = [1], strides = [1]} : vector<16xf32> to vector<1xf32>
    %squeeze3A_324 = vector.extract %slice3A_323[0] : f32 from vector<1xf32>
    %add3A_325 = arith.addf %add3A_319, %squeeze3A_324 : f32
    %slice3A_326 = vector.extract_strided_slice %scan3A_231#1 {offsets = [15], sizes = [1], strides = [1]} : vector<16xf32> to vector<1xf32>
    %squeeze3A_327 = vector.extract %slice3A_326[0] : f32 from vector<1xf32>
    %add3A_328 = arith.addf %add3A_322, %squeeze3A_327 : f32
    %mul3A_329 = arith.constant 1.52587891E-5 : f32
    %mul3A_330 = arith.mulf %add3A_325, %mul3A_329 : f32
    %mul3A_331 = arith.constant 1.52587891E-5 : f32
    %mul3A_332 = arith.mulf %add3A_328, %mul3A_331 : f32
    %mul3A_333 = arith.constant 1.000000e+00 : f32
    %mul3A_334 = arith.mulf %mul3A_333, %mul3A_330 : f32
    %sub3A = arith.constant 1.000000e+00 : f32
    %sub3A_335 = arith.subf %sub3A, %mul3A_332 : f32
    %max3A = arith.constant 0.000000e+00 : f32
    %max3A_336 = arith.maximumf %sub3A_335, %max3A : f32
    %mul3A_337 = arith.constant 1.000000e+00 : f32
    %mul3A_338 = arith.mulf %mul3A_337, %max3A_336 : f32
    %add3A_339 = arith.addf %mul3A_334, %mul3A_338 : f32
    %broadcast_in_dim3A_340 = vector.broadcast %add3A_339 : f32 to vector<16xf32>
    %swap3A = arith.constant 0 : i32
    %swap3A_341 = arith.index_cast %swap3A : i32 to index
    %swap3A_342 = arith.constant 0 : index
    %swap3A_343 = tpu.vector_load %arg6[%swap3A_341, %swap3A_342] {strides = array<i32>} : memref<64x256xf32, #tpu.memory_space<vmem>>, vector<1x16xf32>,
    %swap3A_344 = vector.shape_cast %swap3A_343 : vector<1x16xf32> to vector<16xf32>
    %swap3A_345 = vector.shape_cast %broadcast_in_dim3A_340 : vector<16xf32> to vector<1x16xf32>
    tpu.vector_store %arg6[%swap3A_341, %swap3A_342], %swap3A_345 {strides = array<i32>} : memref<64x256xf32, #tpu.memory_space<vmem>>, vector<1x16xf32>,
    %mul3A_346 = arith.constant 16 : i32
    %mul3A_347 = arith.muli %add3A, %mul3A_346 : i32
    %run_scoped3A = arith.constant 0 : i32
    "tpu.region"() ({
      %run_scoped3A_348 = tpu.sem_alloc : memref<!tpu.dma_semaphore, #tpu.memory_space<semaphore_mem>>
      %dma_start3A_349 = arith.constant 0 : i32
      %dma_start3A_350 = tpu.memref_slice %arg6[%run_scoped3A, %dma_start3A_349] : memref<64x256xf32, #tpu.memory_space<vmem>> -> memref<1x16xf32, #tpu.memory_space<vmem>>
      %dma_start3A_351 = tpu.memref_squeeze %dma_start3A_350 : memref<1x16xf32, #tpu.memory_space<vmem>> -> memref<16xf32, #tpu.memory_space<vmem>>
      %dma_start3A_352 = tpu.memref_slice %arg5[%mul3A_347] : memref<512xf32, #tpu.memory_space<hbm>> -> memref<16xf32, #tpu.memory_space<hbm>>
      %dma_start3A_353 = tpu.memref_slice %arg5[%mul3A_347] : memref<512xf32, #tpu.memory_space<hbm>> -> memref<16xf32, #tpu.memory_space<hbm>>
      %dma_start3A_354 = arith.constant 0 : i32
      %dma_start3A_355 = tpu.memref_slice %arg6[%run_scoped3A, %dma_start3A_354] : memref<64x256xf32, #tpu.memory_space<vmem>> -> memref<1x16xf32, #tpu.memory_space<vmem>>
      %dma_start3A_356 = tpu.memref_squeeze %dma_start3A_355 : memref<1x16xf32, #tpu.memory_space<vmem>> -> memref<16xf32, #tpu.memory_space<vmem>>
      tpu.enqueue_dma source(%dma_start3A_356 : memref<16xf32, #tpu.memory_space<vmem>>) target(%dma_start3A_353 : memref<16xf32, #tpu.memory_space<hbm>>) target_semaphore(%run_scoped3A_348 : memref<!tpu.dma_semaphore, #tpu.memory_space<semaphore_mem>>)
      %dma_wait3A_357 = arith.constant 0 : i32
      %dma_wait3A_358 = tpu.memref_slice %arg6[%run_scoped3A, %dma_wait3A_357] : memref<64x256xf32, #tpu.memory_space<vmem>> -> memref<1x16xf32, #tpu.memory_space<vmem>>
      %dma_wait3A_359 = tpu.memref_squeeze %dma_wait3A_358 : memref<1x16xf32, #tpu.memory_space<vmem>> -> memref<16xf32, #tpu.memory_space<vmem>>
      %dma_wait3A_360 = tpu.memref_slice %arg5[%mul3A_347] : memref<512xf32, #tpu.memory_space<hbm>> -> memref<16xf32, #tpu.memory_space<hbm>>
      %dma_wait3A_361 = tpu.memref_slice %arg5[%mul3A_347] : memref<512xf32, #tpu.memory_space<hbm>> -> memref<16xf32, #tpu.memory_space<hbm>>
      %dma_wait3A_362 = arith.constant 0 : i32
      %dma_wait3A_363 = tpu.memref_slice %arg6[%run_scoped3A, %dma_wait3A_362] : memref<64x256xf32, #tpu.memory_space<vmem>> -> memref<1x16xf32, #tpu.memory_space<vmem>>
      %dma_wait3A_364 = tpu.memref_squeeze %dma_wait3A_363 : memref<1x16xf32, #tpu.memory_space<vmem>> -> memref<16xf32, #tpu.memory_space<vmem>>
      tpu.wait_dma2 semaphore(%run_scoped3A_348 : memref<!tpu.dma_semaphore, #tpu.memory_space<semaphore_mem>>) src(%dma_wait3A_364 : memref<16xf32, #tpu.memory_space<vmem>>) dst(%dma_wait3A_361 : memref<16xf32, #tpu.memory_space<hbm>>)
      tpu.yield
    }) : () -> ()
    return
  }
}

module attributes {stable_mosaic.version = 14 : i64} {
  func.func @_tc_body(%arg0: i32, %arg1: memref<16x256x256xf32, #tpu.memory_space<vmem>>, %arg2: memref<1x16x256x256xf32, #tpu.memory_space<vmem>>, %arg3: memref<1x16x256x256xf32, #tpu.memory_space<vmem>>, %arg4: memref<1x1xf32, #tpu.memory_space<smem>>, %arg5: memref<1xf32, #tpu.memory_space<smem>>) attributes {dimension_semantics = [#tpu.dimension_semantics<arbitrary>], iteration_bounds = array<i64: 6>, scalar_prefetch = 0 : i64, scratch_operands = 1 : i64, tpu.core_type = #tpu.core_type<tc>, window_params = [{transform_indices = @transform_0, window_bounds = array<i64: 16, 256, 256>}, {transform_indices = @transform_1, window_bounds = array<i64: 1, 16, 256, 256>}, {transform_indices = @transform_2, window_bounds = array<i64: 1, 16, 256, 256>}, {transform_indices = @transform_3, window_bounds = array<i64: 1, 1>}]} {
    %eq3A = arith.constant 0 : i32
    %eq3A_0 = arith.cmpi eq, %arg0, %eq3A : i32
    %convert_element_type3A = arith.extui %eq3A_0 : i1 to i32
    %cond3A = arith.constant 0 : i32
    %cond3A_1 = arith.cmpi ne, %convert_element_type3A, %cond3A : i32
    scf.if %cond3A_1 {
      %swap3A_805 = arith.constant 0.000000e+00 : f32
      %swap3A_806 = arith.constant 0 : index
      %swap3A_807 = memref.load %arg5[%swap3A_806] : memref<1xf32, #tpu.memory_space<smem>>
      memref.store %swap3A_805, %arg5[%swap3A_806] : memref<1xf32, #tpu.memory_space<smem>>
    } else {
    }
    %get3A = arith.constant 0 : index
    %get3A_2 = arith.constant 0 : index
    %get3A_3 = arith.constant 0 : index
    %get3A_4 = vector.load %arg1[%get3A, %get3A_2, %get3A_3] : memref<16x256x256xf32, #tpu.memory_space<vmem>>, vector<1x256x256xf32>
    %get3A_5 = vector.shape_cast %get3A_4 : vector<1x256x256xf32> to vector<256x256xf32>
    %gt3A = arith.constant 5.000000e-01 : f32
    %gt3A_6 = vector.broadcast %gt3A : f32 to vector<256x256xf32>
    %gt3A_7 = arith.cmpf ogt, %get3A_5, %gt3A_6 : vector<256x256xf32>
    %convert_element_type3A_8 = arith.extui %gt3A_7 : vector<256x256xi1> to vector<256x256xi32>
    %convert_element_type3A_9 = arith.sitofp %convert_element_type3A_8 : vector<256x256xi32> to vector<256x256xf32>
    %get3A_10 = arith.constant 0 : index
    %get3A_11 = arith.constant 0 : index
    %get3A_12 = arith.constant 0 : index
    %get3A_13 = arith.constant 0 : index
    %get3A_14 = vector.load %arg2[%get3A_10, %get3A_11, %get3A_12, %get3A_13] : memref<1x16x256x256xf32, #tpu.memory_space<vmem>>, vector<1x1x256x256xf32>
    %get3A_15 = vector.shape_cast %get3A_14 : vector<1x1x256x256xf32> to vector<256x256xf32>
    %sub3A = arith.subf %convert_element_type3A_9, %get3A_15 : vector<256x256xf32>
    %get3A_16 = arith.constant 0 : index
    %get3A_17 = arith.constant 0 : index
    %get3A_18 = arith.constant 0 : index
    %get3A_19 = arith.constant 0 : index
    %get3A_20 = vector.load %arg3[%get3A_16, %get3A_17, %get3A_18, %get3A_19] : memref<1x16x256x256xf32, #tpu.memory_space<vmem>>, vector<1x1x256x256xf32>
    %get3A_21 = vector.shape_cast %get3A_20 : vector<1x1x256x256xf32> to vector<256x256xf32>
    %sub3A_22 = arith.subf %convert_element_type3A_9, %get3A_21 : vector<256x256xf32>
    %mul3A = arith.mulf %sub3A, %sub3A : vector<256x256xf32>
    %reduce_sum3A = vector.shape_cast %mul3A : vector<256x256xf32> to vector<1x256x256xf32>
    %reduce_sum3A_23 = arith.constant dense<0.000000e+00> : vector<1xf32>
    %reduce_sum3A_24 = vector.multi_reduction <add>, %reduce_sum3A, %reduce_sum3A_23 [1, 2] : vector<1x256x256xf32> to vector<1xf32>
    %reduce_sum3A_25 = vector.shape_cast %reduce_sum3A_24 : vector<1xf32> to vector<1x1x1xf32>
    %reduce_sum3A_26 = vector.extract %reduce_sum3A_25[0, 0, 0] : f32 from vector<1x1x1xf32>
    %mul3A_27 = arith.constant 1.52587891E-5 : f32
    %mul3A_28 = arith.mulf %reduce_sum3A_26, %mul3A_27 : f32
    %mul3A_29 = arith.mulf %sub3A_22, %sub3A_22 : vector<256x256xf32>
    %reduce_sum3A_30 = vector.shape_cast %mul3A_29 : vector<256x256xf32> to vector<1x256x256xf32>
    %reduce_sum3A_31 = arith.constant dense<0.000000e+00> : vector<1xf32>
    %reduce_sum3A_32 = vector.multi_reduction <add>, %reduce_sum3A_30, %reduce_sum3A_31 [1, 2] : vector<1x256x256xf32> to vector<1xf32>
    %reduce_sum3A_33 = vector.shape_cast %reduce_sum3A_32 : vector<1xf32> to vector<1x1x1xf32>
    %reduce_sum3A_34 = vector.extract %reduce_sum3A_33[0, 0, 0] : f32 from vector<1x1x1xf32>
    %mul3A_35 = arith.constant 1.52587891E-5 : f32
    %mul3A_36 = arith.mulf %reduce_sum3A_34, %mul3A_35 : f32
    %mul3A_37 = arith.constant 1.000000e+00 : f32
    %mul3A_38 = arith.mulf %mul3A_37, %mul3A_28 : f32
    %sub3A_39 = arith.constant 1.000000e+00 : f32
    %sub3A_40 = arith.subf %sub3A_39, %mul3A_36 : f32
    %max3A = arith.constant 0.000000e+00 : f32
    %max3A_41 = arith.maximumf %sub3A_40, %max3A : f32
    %mul3A_42 = arith.constant 1.000000e+00 : f32
    %mul3A_43 = arith.mulf %mul3A_42, %max3A_41 : f32
    %add3A = arith.addf %mul3A_38, %mul3A_43 : f32
    %add3A_44 = arith.constant 0.000000e+00 : f32
    %add3A_45 = arith.addf %add3A_44, %add3A : f32
    %get3A_46 = arith.constant 1 : index
    %get3A_47 = arith.constant 0 : index
    %get3A_48 = arith.constant 0 : index
    %get3A_49 = vector.load %arg1[%get3A_46, %get3A_47, %get3A_48] : memref<16x256x256xf32, #tpu.memory_space<vmem>>, vector<1x256x256xf32>
    %get3A_50 = vector.shape_cast %get3A_49 : vector<1x256x256xf32> to vector<256x256xf32>
    %gt3A_51 = arith.constant 5.000000e-01 : f32
    %gt3A_52 = vector.broadcast %gt3A_51 : f32 to vector<256x256xf32>
    %gt3A_53 = arith.cmpf ogt, %get3A_50, %gt3A_52 : vector<256x256xf32>
    %convert_element_type3A_54 = arith.extui %gt3A_53 : vector<256x256xi1> to vector<256x256xi32>
    %convert_element_type3A_55 = arith.sitofp %convert_element_type3A_54 : vector<256x256xi32> to vector<256x256xf32>
    %get3A_56 = arith.constant 0 : index
    %get3A_57 = arith.constant 1 : index
    %get3A_58 = arith.constant 0 : index
    %get3A_59 = arith.constant 0 : index
    %get3A_60 = vector.load %arg2[%get3A_56, %get3A_57, %get3A_58, %get3A_59] : memref<1x16x256x256xf32, #tpu.memory_space<vmem>>, vector<1x1x256x256xf32>
    %get3A_61 = vector.shape_cast %get3A_60 : vector<1x1x256x256xf32> to vector<256x256xf32>
    %sub3A_62 = arith.subf %convert_element_type3A_55, %get3A_61 : vector<256x256xf32>
    %get3A_63 = arith.constant 0 : index
    %get3A_64 = arith.constant 1 : index
    %get3A_65 = arith.constant 0 : index
    %get3A_66 = arith.constant 0 : index
    %get3A_67 = vector.load %arg3[%get3A_63, %get3A_64, %get3A_65, %get3A_66] : memref<1x16x256x256xf32, #tpu.memory_space<vmem>>, vector<1x1x256x256xf32>
    %get3A_68 = vector.shape_cast %get3A_67 : vector<1x1x256x256xf32> to vector<256x256xf32>
    %sub3A_69 = arith.subf %convert_element_type3A_55, %get3A_68 : vector<256x256xf32>
    %mul3A_70 = arith.mulf %sub3A_62, %sub3A_62 : vector<256x256xf32>
    %reduce_sum3A_71 = vector.shape_cast %mul3A_70 : vector<256x256xf32> to vector<1x256x256xf32>
    %reduce_sum3A_72 = arith.constant dense<0.000000e+00> : vector<1xf32>
    %reduce_sum3A_73 = vector.multi_reduction <add>, %reduce_sum3A_71, %reduce_sum3A_72 [1, 2] : vector<1x256x256xf32> to vector<1xf32>
    %reduce_sum3A_74 = vector.shape_cast %reduce_sum3A_73 : vector<1xf32> to vector<1x1x1xf32>
    %reduce_sum3A_75 = vector.extract %reduce_sum3A_74[0, 0, 0] : f32 from vector<1x1x1xf32>
    %mul3A_76 = arith.constant 1.52587891E-5 : f32
    %mul3A_77 = arith.mulf %reduce_sum3A_75, %mul3A_76 : f32
    %mul3A_78 = arith.mulf %sub3A_69, %sub3A_69 : vector<256x256xf32>
    %reduce_sum3A_79 = vector.shape_cast %mul3A_78 : vector<256x256xf32> to vector<1x256x256xf32>
    %reduce_sum3A_80 = arith.constant dense<0.000000e+00> : vector<1xf32>
    %reduce_sum3A_81 = vector.multi_reduction <add>, %reduce_sum3A_79, %reduce_sum3A_80 [1, 2] : vector<1x256x256xf32> to vector<1xf32>
    %reduce_sum3A_82 = vector.shape_cast %reduce_sum3A_81 : vector<1xf32> to vector<1x1x1xf32>
    %reduce_sum3A_83 = vector.extract %reduce_sum3A_82[0, 0, 0] : f32 from vector<1x1x1xf32>
    %mul3A_84 = arith.constant 1.52587891E-5 : f32
    %mul3A_85 = arith.mulf %reduce_sum3A_83, %mul3A_84 : f32
    %mul3A_86 = arith.constant 1.000000e+00 : f32
    %mul3A_87 = arith.mulf %mul3A_86, %mul3A_77 : f32
    %sub3A_88 = arith.constant 1.000000e+00 : f32
    %sub3A_89 = arith.subf %sub3A_88, %mul3A_85 : f32
    %max3A_90 = arith.constant 0.000000e+00 : f32
    %max3A_91 = arith.maximumf %sub3A_89, %max3A_90 : f32
    %mul3A_92 = arith.constant 1.000000e+00 : f32
    %mul3A_93 = arith.mulf %mul3A_92, %max3A_91 : f32
    %add3A_94 = arith.addf %mul3A_87, %mul3A_93 : f32
    %add3A_95 = arith.addf %add3A_45, %add3A_94 : f32
    %get3A_96 = arith.constant 2 : index
    %get3A_97 = arith.constant 0 : index
    %get3A_98 = arith.constant 0 : index
    %get3A_99 = vector.load %arg1[%get3A_96, %get3A_97, %get3A_98] : memref<16x256x256xf32, #tpu.memory_space<vmem>>, vector<1x256x256xf32>
    %get3A_100 = vector.shape_cast %get3A_99 : vector<1x256x256xf32> to vector<256x256xf32>
    %gt3A_101 = arith.constant 5.000000e-01 : f32
    %gt3A_102 = vector.broadcast %gt3A_101 : f32 to vector<256x256xf32>
    %gt3A_103 = arith.cmpf ogt, %get3A_100, %gt3A_102 : vector<256x256xf32>
    %convert_element_type3A_104 = arith.extui %gt3A_103 : vector<256x256xi1> to vector<256x256xi32>
    %convert_element_type3A_105 = arith.sitofp %convert_element_type3A_104 : vector<256x256xi32> to vector<256x256xf32>
    %get3A_106 = arith.constant 0 : index
    %get3A_107 = arith.constant 2 : index
    %get3A_108 = arith.constant 0 : index
    %get3A_109 = arith.constant 0 : index
    %get3A_110 = vector.load %arg2[%get3A_106, %get3A_107, %get3A_108, %get3A_109] : memref<1x16x256x256xf32, #tpu.memory_space<vmem>>, vector<1x1x256x256xf32>
    %get3A_111 = vector.shape_cast %get3A_110 : vector<1x1x256x256xf32> to vector<256x256xf32>
    %sub3A_112 = arith.subf %convert_element_type3A_105, %get3A_111 : vector<256x256xf32>
    %get3A_113 = arith.constant 0 : index
    %get3A_114 = arith.constant 2 : index
    %get3A_115 = arith.constant 0 : index
    %get3A_116 = arith.constant 0 : index
    %get3A_117 = vector.load %arg3[%get3A_113, %get3A_114, %get3A_115, %get3A_116] : memref<1x16x256x256xf32, #tpu.memory_space<vmem>>, vector<1x1x256x256xf32>
    %get3A_118 = vector.shape_cast %get3A_117 : vector<1x1x256x256xf32> to vector<256x256xf32>
    %sub3A_119 = arith.subf %convert_element_type3A_105, %get3A_118 : vector<256x256xf32>
    %mul3A_120 = arith.mulf %sub3A_112, %sub3A_112 : vector<256x256xf32>
    %reduce_sum3A_121 = vector.shape_cast %mul3A_120 : vector<256x256xf32> to vector<1x256x256xf32>
    %reduce_sum3A_122 = arith.constant dense<0.000000e+00> : vector<1xf32>
    %reduce_sum3A_123 = vector.multi_reduction <add>, %reduce_sum3A_121, %reduce_sum3A_122 [1, 2] : vector<1x256x256xf32> to vector<1xf32>
    %reduce_sum3A_124 = vector.shape_cast %reduce_sum3A_123 : vector<1xf32> to vector<1x1x1xf32>
    %reduce_sum3A_125 = vector.extract %reduce_sum3A_124[0, 0, 0] : f32 from vector<1x1x1xf32>
    %mul3A_126 = arith.constant 1.52587891E-5 : f32
    %mul3A_127 = arith.mulf %reduce_sum3A_125, %mul3A_126 : f32
    %mul3A_128 = arith.mulf %sub3A_119, %sub3A_119 : vector<256x256xf32>
    %reduce_sum3A_129 = vector.shape_cast %mul3A_128 : vector<256x256xf32> to vector<1x256x256xf32>
    %reduce_sum3A_130 = arith.constant dense<0.000000e+00> : vector<1xf32>
    %reduce_sum3A_131 = vector.multi_reduction <add>, %reduce_sum3A_129, %reduce_sum3A_130 [1, 2] : vector<1x256x256xf32> to vector<1xf32>
    %reduce_sum3A_132 = vector.shape_cast %reduce_sum3A_131 : vector<1xf32> to vector<1x1x1xf32>
    %reduce_sum3A_133 = vector.extract %reduce_sum3A_132[0, 0, 0] : f32 from vector<1x1x1xf32>
    %mul3A_134 = arith.constant 1.52587891E-5 : f32
    %mul3A_135 = arith.mulf %reduce_sum3A_133, %mul3A_134 : f32
    %mul3A_136 = arith.constant 1.000000e+00 : f32
    %mul3A_137 = arith.mulf %mul3A_136, %mul3A_127 : f32
    %sub3A_138 = arith.constant 1.000000e+00 : f32
    %sub3A_139 = arith.subf %sub3A_138, %mul3A_135 : f32
    %max3A_140 = arith.constant 0.000000e+00 : f32
    %max3A_141 = arith.maximumf %sub3A_139, %max3A_140 : f32
    %mul3A_142 = arith.constant 1.000000e+00 : f32
    %mul3A_143 = arith.mulf %mul3A_142, %max3A_141 : f32
    %add3A_144 = arith.addf %mul3A_137, %mul3A_143 : f32
    %add3A_145 = arith.addf %add3A_95, %add3A_144 : f32
    %get3A_146 = arith.constant 3 : index
    %get3A_147 = arith.constant 0 : index
    %get3A_148 = arith.constant 0 : index
    %get3A_149 = vector.load %arg1[%get3A_146, %get3A_147, %get3A_148] : memref<16x256x256xf32, #tpu.memory_space<vmem>>, vector<1x256x256xf32>
    %get3A_150 = vector.shape_cast %get3A_149 : vector<1x256x256xf32> to vector<256x256xf32>
    %gt3A_151 = arith.constant 5.000000e-01 : f32
    %gt3A_152 = vector.broadcast %gt3A_151 : f32 to vector<256x256xf32>
    %gt3A_153 = arith.cmpf ogt, %get3A_150, %gt3A_152 : vector<256x256xf32>
    %convert_element_type3A_154 = arith.extui %gt3A_153 : vector<256x256xi1> to vector<256x256xi32>
    %convert_element_type3A_155 = arith.sitofp %convert_element_type3A_154 : vector<256x256xi32> to vector<256x256xf32>
    %get3A_156 = arith.constant 0 : index
    %get3A_157 = arith.constant 3 : index
    %get3A_158 = arith.constant 0 : index
    %get3A_159 = arith.constant 0 : index
    %get3A_160 = vector.load %arg2[%get3A_156, %get3A_157, %get3A_158, %get3A_159] : memref<1x16x256x256xf32, #tpu.memory_space<vmem>>, vector<1x1x256x256xf32>
    %get3A_161 = vector.shape_cast %get3A_160 : vector<1x1x256x256xf32> to vector<256x256xf32>
    %sub3A_162 = arith.subf %convert_element_type3A_155, %get3A_161 : vector<256x256xf32>
    %get3A_163 = arith.constant 0 : index
    %get3A_164 = arith.constant 3 : index
    %get3A_165 = arith.constant 0 : index
    %get3A_166 = arith.constant 0 : index
    %get3A_167 = vector.load %arg3[%get3A_163, %get3A_164, %get3A_165, %get3A_166] : memref<1x16x256x256xf32, #tpu.memory_space<vmem>>, vector<1x1x256x256xf32>
    %get3A_168 = vector.shape_cast %get3A_167 : vector<1x1x256x256xf32> to vector<256x256xf32>
    %sub3A_169 = arith.subf %convert_element_type3A_155, %get3A_168 : vector<256x256xf32>
    %mul3A_170 = arith.mulf %sub3A_162, %sub3A_162 : vector<256x256xf32>
    %reduce_sum3A_171 = vector.shape_cast %mul3A_170 : vector<256x256xf32> to vector<1x256x256xf32>
    %reduce_sum3A_172 = arith.constant dense<0.000000e+00> : vector<1xf32>
    %reduce_sum3A_173 = vector.multi_reduction <add>, %reduce_sum3A_171, %reduce_sum3A_172 [1, 2] : vector<1x256x256xf32> to vector<1xf32>
    %reduce_sum3A_174 = vector.shape_cast %reduce_sum3A_173 : vector<1xf32> to vector<1x1x1xf32>
    %reduce_sum3A_175 = vector.extract %reduce_sum3A_174[0, 0, 0] : f32 from vector<1x1x1xf32>
    %mul3A_176 = arith.constant 1.52587891E-5 : f32
    %mul3A_177 = arith.mulf %reduce_sum3A_175, %mul3A_176 : f32
    %mul3A_178 = arith.mulf %sub3A_169, %sub3A_169 : vector<256x256xf32>
    %reduce_sum3A_179 = vector.shape_cast %mul3A_178 : vector<256x256xf32> to vector<1x256x256xf32>
    %reduce_sum3A_180 = arith.constant dense<0.000000e+00> : vector<1xf32>
    %reduce_sum3A_181 = vector.multi_reduction <add>, %reduce_sum3A_179, %reduce_sum3A_180 [1, 2] : vector<1x256x256xf32> to vector<1xf32>
    %reduce_sum3A_182 = vector.shape_cast %reduce_sum3A_181 : vector<1xf32> to vector<1x1x1xf32>
    %reduce_sum3A_183 = vector.extract %reduce_sum3A_182[0, 0, 0] : f32 from vector<1x1x1xf32>
    %mul3A_184 = arith.constant 1.52587891E-5 : f32
    %mul3A_185 = arith.mulf %reduce_sum3A_183, %mul3A_184 : f32
    %mul3A_186 = arith.constant 1.000000e+00 : f32
    %mul3A_187 = arith.mulf %mul3A_186, %mul3A_177 : f32
    %sub3A_188 = arith.constant 1.000000e+00 : f32
    %sub3A_189 = arith.subf %sub3A_188, %mul3A_185 : f32
    %max3A_190 = arith.constant 0.000000e+00 : f32
    %max3A_191 = arith.maximumf %sub3A_189, %max3A_190 : f32
    %mul3A_192 = arith.constant 1.000000e+00 : f32
    %mul3A_193 = arith.mulf %mul3A_192, %max3A_191 : f32
    %add3A_194 = arith.addf %mul3A_187, %mul3A_193 : f32
    %add3A_195 = arith.addf %add3A_145, %add3A_194 : f32
    %get3A_196 = arith.constant 4 : index
    %get3A_197 = arith.constant 0 : index
    %get3A_198 = arith.constant 0 : index
    %get3A_199 = vector.load %arg1[%get3A_196, %get3A_197, %get3A_198] : memref<16x256x256xf32, #tpu.memory_space<vmem>>, vector<1x256x256xf32>
    %get3A_200 = vector.shape_cast %get3A_199 : vector<1x256x256xf32> to vector<256x256xf32>
    %gt3A_201 = arith.constant 5.000000e-01 : f32
    %gt3A_202 = vector.broadcast %gt3A_201 : f32 to vector<256x256xf32>
    %gt3A_203 = arith.cmpf ogt, %get3A_200, %gt3A_202 : vector<256x256xf32>
    %convert_element_type3A_204 = arith.extui %gt3A_203 : vector<256x256xi1> to vector<256x256xi32>
    %convert_element_type3A_205 = arith.sitofp %convert_element_type3A_204 : vector<256x256xi32> to vector<256x256xf32>
    %get3A_206 = arith.constant 0 : index
    %get3A_207 = arith.constant 4 : index
    %get3A_208 = arith.constant 0 : index
    %get3A_209 = arith.constant 0 : index
    %get3A_210 = vector.load %arg2[%get3A_206, %get3A_207, %get3A_208, %get3A_209] : memref<1x16x256x256xf32, #tpu.memory_space<vmem>>, vector<1x1x256x256xf32>
    %get3A_211 = vector.shape_cast %get3A_210 : vector<1x1x256x256xf32> to vector<256x256xf32>
    %sub3A_212 = arith.subf %convert_element_type3A_205, %get3A_211 : vector<256x256xf32>
    %get3A_213 = arith.constant 0 : index
    %get3A_214 = arith.constant 4 : index
    %get3A_215 = arith.constant 0 : index
    %get3A_216 = arith.constant 0 : index
    %get3A_217 = vector.load %arg3[%get3A_213, %get3A_214, %get3A_215, %get3A_216] : memref<1x16x256x256xf32, #tpu.memory_space<vmem>>, vector<1x1x256x256xf32>
    %get3A_218 = vector.shape_cast %get3A_217 : vector<1x1x256x256xf32> to vector<256x256xf32>
    %sub3A_219 = arith.subf %convert_element_type3A_205, %get3A_218 : vector<256x256xf32>
    %mul3A_220 = arith.mulf %sub3A_212, %sub3A_212 : vector<256x256xf32>
    %reduce_sum3A_221 = vector.shape_cast %mul3A_220 : vector<256x256xf32> to vector<1x256x256xf32>
    %reduce_sum3A_222 = arith.constant dense<0.000000e+00> : vector<1xf32>
    %reduce_sum3A_223 = vector.multi_reduction <add>, %reduce_sum3A_221, %reduce_sum3A_222 [1, 2] : vector<1x256x256xf32> to vector<1xf32>
    %reduce_sum3A_224 = vector.shape_cast %reduce_sum3A_223 : vector<1xf32> to vector<1x1x1xf32>
    %reduce_sum3A_225 = vector.extract %reduce_sum3A_224[0, 0, 0] : f32 from vector<1x1x1xf32>
    %mul3A_226 = arith.constant 1.52587891E-5 : f32
    %mul3A_227 = arith.mulf %reduce_sum3A_225, %mul3A_226 : f32
    %mul3A_228 = arith.mulf %sub3A_219, %sub3A_219 : vector<256x256xf32>
    %reduce_sum3A_229 = vector.shape_cast %mul3A_228 : vector<256x256xf32> to vector<1x256x256xf32>
    %reduce_sum3A_230 = arith.constant dense<0.000000e+00> : vector<1xf32>
    %reduce_sum3A_231 = vector.multi_reduction <add>, %reduce_sum3A_229, %reduce_sum3A_230 [1, 2] : vector<1x256x256xf32> to vector<1xf32>
    %reduce_sum3A_232 = vector.shape_cast %reduce_sum3A_231 : vector<1xf32> to vector<1x1x1xf32>
    %reduce_sum3A_233 = vector.extract %reduce_sum3A_232[0, 0, 0] : f32 from vector<1x1x1xf32>
    %mul3A_234 = arith.constant 1.52587891E-5 : f32
    %mul3A_235 = arith.mulf %reduce_sum3A_233, %mul3A_234 : f32
    %mul3A_236 = arith.constant 1.000000e+00 : f32
    %mul3A_237 = arith.mulf %mul3A_236, %mul3A_227 : f32
    %sub3A_238 = arith.constant 1.000000e+00 : f32
    %sub3A_239 = arith.subf %sub3A_238, %mul3A_235 : f32
    %max3A_240 = arith.constant 0.000000e+00 : f32
    %max3A_241 = arith.maximumf %sub3A_239, %max3A_240 : f32
    %mul3A_242 = arith.constant 1.000000e+00 : f32
    %mul3A_243 = arith.mulf %mul3A_242, %max3A_241 : f32
    %add3A_244 = arith.addf %mul3A_237, %mul3A_243 : f32
    %add3A_245 = arith.addf %add3A_195, %add3A_244 : f32
    %get3A_246 = arith.constant 5 : index
    %get3A_247 = arith.constant 0 : index
    %get3A_248 = arith.constant 0 : index
    %get3A_249 = vector.load %arg1[%get3A_246, %get3A_247, %get3A_248] : memref<16x256x256xf32, #tpu.memory_space<vmem>>, vector<1x256x256xf32>
    %get3A_250 = vector.shape_cast %get3A_249 : vector<1x256x256xf32> to vector<256x256xf32>
    %gt3A_251 = arith.constant 5.000000e-01 : f32
    %gt3A_252 = vector.broadcast %gt3A_251 : f32 to vector<256x256xf32>
    %gt3A_253 = arith.cmpf ogt, %get3A_250, %gt3A_252 : vector<256x256xf32>
    %convert_element_type3A_254 = arith.extui %gt3A_253 : vector<256x256xi1> to vector<256x256xi32>
    %convert_element_type3A_255 = arith.sitofp %convert_element_type3A_254 : vector<256x256xi32> to vector<256x256xf32>
    %get3A_256 = arith.constant 0 : index
    %get3A_257 = arith.constant 5 : index
    %get3A_258 = arith.constant 0 : index
    %get3A_259 = arith.constant 0 : index
    %get3A_260 = vector.load %arg2[%get3A_256, %get3A_257, %get3A_258, %get3A_259] : memref<1x16x256x256xf32, #tpu.memory_space<vmem>>, vector<1x1x256x256xf32>
    %get3A_261 = vector.shape_cast %get3A_260 : vector<1x1x256x256xf32> to vector<256x256xf32>
    %sub3A_262 = arith.subf %convert_element_type3A_255, %get3A_261 : vector<256x256xf32>
    %get3A_263 = arith.constant 0 : index
    %get3A_264 = arith.constant 5 : index
    %get3A_265 = arith.constant 0 : index
    %get3A_266 = arith.constant 0 : index
    %get3A_267 = vector.load %arg3[%get3A_263, %get3A_264, %get3A_265, %get3A_266] : memref<1x16x256x256xf32, #tpu.memory_space<vmem>>, vector<1x1x256x256xf32>
    %get3A_268 = vector.shape_cast %get3A_267 : vector<1x1x256x256xf32> to vector<256x256xf32>
    %sub3A_269 = arith.subf %convert_element_type3A_255, %get3A_268 : vector<256x256xf32>
    %mul3A_270 = arith.mulf %sub3A_262, %sub3A_262 : vector<256x256xf32>
    %reduce_sum3A_271 = vector.shape_cast %mul3A_270 : vector<256x256xf32> to vector<1x256x256xf32>
    %reduce_sum3A_272 = arith.constant dense<0.000000e+00> : vector<1xf32>
    %reduce_sum3A_273 = vector.multi_reduction <add>, %reduce_sum3A_271, %reduce_sum3A_272 [1, 2] : vector<1x256x256xf32> to vector<1xf32>
    %reduce_sum3A_274 = vector.shape_cast %reduce_sum3A_273 : vector<1xf32> to vector<1x1x1xf32>
    %reduce_sum3A_275 = vector.extract %reduce_sum3A_274[0, 0, 0] : f32 from vector<1x1x1xf32>
    %mul3A_276 = arith.constant 1.52587891E-5 : f32
    %mul3A_277 = arith.mulf %reduce_sum3A_275, %mul3A_276 : f32
    %mul3A_278 = arith.mulf %sub3A_269, %sub3A_269 : vector<256x256xf32>
    %reduce_sum3A_279 = vector.shape_cast %mul3A_278 : vector<256x256xf32> to vector<1x256x256xf32>
    %reduce_sum3A_280 = arith.constant dense<0.000000e+00> : vector<1xf32>
    %reduce_sum3A_281 = vector.multi_reduction <add>, %reduce_sum3A_279, %reduce_sum3A_280 [1, 2] : vector<1x256x256xf32> to vector<1xf32>
    %reduce_sum3A_282 = vector.shape_cast %reduce_sum3A_281 : vector<1xf32> to vector<1x1x1xf32>
    %reduce_sum3A_283 = vector.extract %reduce_sum3A_282[0, 0, 0] : f32 from vector<1x1x1xf32>
    %mul3A_284 = arith.constant 1.52587891E-5 : f32
    %mul3A_285 = arith.mulf %reduce_sum3A_283, %mul3A_284 : f32
    %mul3A_286 = arith.constant 1.000000e+00 : f32
    %mul3A_287 = arith.mulf %mul3A_286, %mul3A_277 : f32
    %sub3A_288 = arith.constant 1.000000e+00 : f32
    %sub3A_289 = arith.subf %sub3A_288, %mul3A_285 : f32
    %max3A_290 = arith.constant 0.000000e+00 : f32
    %max3A_291 = arith.maximumf %sub3A_289, %max3A_290 : f32
    %mul3A_292 = arith.constant 1.000000e+00 : f32
    %mul3A_293 = arith.mulf %mul3A_292, %max3A_291 : f32
    %add3A_294 = arith.addf %mul3A_287, %mul3A_293 : f32
    %add3A_295 = arith.addf %add3A_245, %add3A_294 : f32
    %get3A_296 = arith.constant 6 : index
    %get3A_297 = arith.constant 0 : index
    %get3A_298 = arith.constant 0 : index
    %get3A_299 = vector.load %arg1[%get3A_296, %get3A_297, %get3A_298] : memref<16x256x256xf32, #tpu.memory_space<vmem>>, vector<1x256x256xf32>
    %get3A_300 = vector.shape_cast %get3A_299 : vector<1x256x256xf32> to vector<256x256xf32>
    %gt3A_301 = arith.constant 5.000000e-01 : f32
    %gt3A_302 = vector.broadcast %gt3A_301 : f32 to vector<256x256xf32>
    %gt3A_303 = arith.cmpf ogt, %get3A_300, %gt3A_302 : vector<256x256xf32>
    %convert_element_type3A_304 = arith.extui %gt3A_303 : vector<256x256xi1> to vector<256x256xi32>
    %convert_element_type3A_305 = arith.sitofp %convert_element_type3A_304 : vector<256x256xi32> to vector<256x256xf32>
    %get3A_306 = arith.constant 0 : index
    %get3A_307 = arith.constant 6 : index
    %get3A_308 = arith.constant 0 : index
    %get3A_309 = arith.constant 0 : index
    %get3A_310 = vector.load %arg2[%get3A_306, %get3A_307, %get3A_308, %get3A_309] : memref<1x16x256x256xf32, #tpu.memory_space<vmem>>, vector<1x1x256x256xf32>
    %get3A_311 = vector.shape_cast %get3A_310 : vector<1x1x256x256xf32> to vector<256x256xf32>
    %sub3A_312 = arith.subf %convert_element_type3A_305, %get3A_311 : vector<256x256xf32>
    %get3A_313 = arith.constant 0 : index
    %get3A_314 = arith.constant 6 : index
    %get3A_315 = arith.constant 0 : index
    %get3A_316 = arith.constant 0 : index
    %get3A_317 = vector.load %arg3[%get3A_313, %get3A_314, %get3A_315, %get3A_316] : memref<1x16x256x256xf32, #tpu.memory_space<vmem>>, vector<1x1x256x256xf32>
    %get3A_318 = vector.shape_cast %get3A_317 : vector<1x1x256x256xf32> to vector<256x256xf32>
    %sub3A_319 = arith.subf %convert_element_type3A_305, %get3A_318 : vector<256x256xf32>
    %mul3A_320 = arith.mulf %sub3A_312, %sub3A_312 : vector<256x256xf32>
    %reduce_sum3A_321 = vector.shape_cast %mul3A_320 : vector<256x256xf32> to vector<1x256x256xf32>
    %reduce_sum3A_322 = arith.constant dense<0.000000e+00> : vector<1xf32>
    %reduce_sum3A_323 = vector.multi_reduction <add>, %reduce_sum3A_321, %reduce_sum3A_322 [1, 2] : vector<1x256x256xf32> to vector<1xf32>
    %reduce_sum3A_324 = vector.shape_cast %reduce_sum3A_323 : vector<1xf32> to vector<1x1x1xf32>
    %reduce_sum3A_325 = vector.extract %reduce_sum3A_324[0, 0, 0] : f32 from vector<1x1x1xf32>
    %mul3A_326 = arith.constant 1.52587891E-5 : f32
    %mul3A_327 = arith.mulf %reduce_sum3A_325, %mul3A_326 : f32
    %mul3A_328 = arith.mulf %sub3A_319, %sub3A_319 : vector<256x256xf32>
    %reduce_sum3A_329 = vector.shape_cast %mul3A_328 : vector<256x256xf32> to vector<1x256x256xf32>
    %reduce_sum3A_330 = arith.constant dense<0.000000e+00> : vector<1xf32>
    %reduce_sum3A_331 = vector.multi_reduction <add>, %reduce_sum3A_329, %reduce_sum3A_330 [1, 2] : vector<1x256x256xf32> to vector<1xf32>
    %reduce_sum3A_332 = vector.shape_cast %reduce_sum3A_331 : vector<1xf32> to vector<1x1x1xf32>
    %reduce_sum3A_333 = vector.extract %reduce_sum3A_332[0, 0, 0] : f32 from vector<1x1x1xf32>
    %mul3A_334 = arith.constant 1.52587891E-5 : f32
    %mul3A_335 = arith.mulf %reduce_sum3A_333, %mul3A_334 : f32
    %mul3A_336 = arith.constant 1.000000e+00 : f32
    %mul3A_337 = arith.mulf %mul3A_336, %mul3A_327 : f32
    %sub3A_338 = arith.constant 1.000000e+00 : f32
    %sub3A_339 = arith.subf %sub3A_338, %mul3A_335 : f32
    %max3A_340 = arith.constant 0.000000e+00 : f32
    %max3A_341 = arith.maximumf %sub3A_339, %max3A_340 : f32
    %mul3A_342 = arith.constant 1.000000e+00 : f32
    %mul3A_343 = arith.mulf %mul3A_342, %max3A_341 : f32
    %add3A_344 = arith.addf %mul3A_337, %mul3A_343 : f32
    %add3A_345 = arith.addf %add3A_295, %add3A_344 : f32
    %get3A_346 = arith.constant 7 : index
    %get3A_347 = arith.constant 0 : index
    %get3A_348 = arith.constant 0 : index
    %get3A_349 = vector.load %arg1[%get3A_346, %get3A_347, %get3A_348] : memref<16x256x256xf32, #tpu.memory_space<vmem>>, vector<1x256x256xf32>
    %get3A_350 = vector.shape_cast %get3A_349 : vector<1x256x256xf32> to vector<256x256xf32>
    %gt3A_351 = arith.constant 5.000000e-01 : f32
    %gt3A_352 = vector.broadcast %gt3A_351 : f32 to vector<256x256xf32>
    %gt3A_353 = arith.cmpf ogt, %get3A_350, %gt3A_352 : vector<256x256xf32>
    %convert_element_type3A_354 = arith.extui %gt3A_353 : vector<256x256xi1> to vector<256x256xi32>
    %convert_element_type3A_355 = arith.sitofp %convert_element_type3A_354 : vector<256x256xi32> to vector<256x256xf32>
    %get3A_356 = arith.constant 0 : index
    %get3A_357 = arith.constant 7 : index
    %get3A_358 = arith.constant 0 : index
    %get3A_359 = arith.constant 0 : index
    %get3A_360 = vector.load %arg2[%get3A_356, %get3A_357, %get3A_358, %get3A_359] : memref<1x16x256x256xf32, #tpu.memory_space<vmem>>, vector<1x1x256x256xf32>
    %get3A_361 = vector.shape_cast %get3A_360 : vector<1x1x256x256xf32> to vector<256x256xf32>
    %sub3A_362 = arith.subf %convert_element_type3A_355, %get3A_361 : vector<256x256xf32>
    %get3A_363 = arith.constant 0 : index
    %get3A_364 = arith.constant 7 : index
    %get3A_365 = arith.constant 0 : index
    %get3A_366 = arith.constant 0 : index
    %get3A_367 = vector.load %arg3[%get3A_363, %get3A_364, %get3A_365, %get3A_366] : memref<1x16x256x256xf32, #tpu.memory_space<vmem>>, vector<1x1x256x256xf32>
    %get3A_368 = vector.shape_cast %get3A_367 : vector<1x1x256x256xf32> to vector<256x256xf32>
    %sub3A_369 = arith.subf %convert_element_type3A_355, %get3A_368 : vector<256x256xf32>
    %mul3A_370 = arith.mulf %sub3A_362, %sub3A_362 : vector<256x256xf32>
    %reduce_sum3A_371 = vector.shape_cast %mul3A_370 : vector<256x256xf32> to vector<1x256x256xf32>
    %reduce_sum3A_372 = arith.constant dense<0.000000e+00> : vector<1xf32>
    %reduce_sum3A_373 = vector.multi_reduction <add>, %reduce_sum3A_371, %reduce_sum3A_372 [1, 2] : vector<1x256x256xf32> to vector<1xf32>
    %reduce_sum3A_374 = vector.shape_cast %reduce_sum3A_373 : vector<1xf32> to vector<1x1x1xf32>
    %reduce_sum3A_375 = vector.extract %reduce_sum3A_374[0, 0, 0] : f32 from vector<1x1x1xf32>
    %mul3A_376 = arith.constant 1.52587891E-5 : f32
    %mul3A_377 = arith.mulf %reduce_sum3A_375, %mul3A_376 : f32
    %mul3A_378 = arith.mulf %sub3A_369, %sub3A_369 : vector<256x256xf32>
    %reduce_sum3A_379 = vector.shape_cast %mul3A_378 : vector<256x256xf32> to vector<1x256x256xf32>
    %reduce_sum3A_380 = arith.constant dense<0.000000e+00> : vector<1xf32>
    %reduce_sum3A_381 = vector.multi_reduction <add>, %reduce_sum3A_379, %reduce_sum3A_380 [1, 2] : vector<1x256x256xf32> to vector<1xf32>
    %reduce_sum3A_382 = vector.shape_cast %reduce_sum3A_381 : vector<1xf32> to vector<1x1x1xf32>
    %reduce_sum3A_383 = vector.extract %reduce_sum3A_382[0, 0, 0] : f32 from vector<1x1x1xf32>
    %mul3A_384 = arith.constant 1.52587891E-5 : f32
    %mul3A_385 = arith.mulf %reduce_sum3A_383, %mul3A_384 : f32
    %mul3A_386 = arith.constant 1.000000e+00 : f32
    %mul3A_387 = arith.mulf %mul3A_386, %mul3A_377 : f32
    %sub3A_388 = arith.constant 1.000000e+00 : f32
    %sub3A_389 = arith.subf %sub3A_388, %mul3A_385 : f32
    %max3A_390 = arith.constant 0.000000e+00 : f32
    %max3A_391 = arith.maximumf %sub3A_389, %max3A_390 : f32
    %mul3A_392 = arith.constant 1.000000e+00 : f32
    %mul3A_393 = arith.mulf %mul3A_392, %max3A_391 : f32
    %add3A_394 = arith.addf %mul3A_387, %mul3A_393 : f32
    %add3A_395 = arith.addf %add3A_345, %add3A_394 : f32
    %get3A_396 = arith.constant 8 : index
    %get3A_397 = arith.constant 0 : index
    %get3A_398 = arith.constant 0 : index
    %get3A_399 = vector.load %arg1[%get3A_396, %get3A_397, %get3A_398] : memref<16x256x256xf32, #tpu.memory_space<vmem>>, vector<1x256x256xf32>
    %get3A_400 = vector.shape_cast %get3A_399 : vector<1x256x256xf32> to vector<256x256xf32>
    %gt3A_401 = arith.constant 5.000000e-01 : f32
    %gt3A_402 = vector.broadcast %gt3A_401 : f32 to vector<256x256xf32>
    %gt3A_403 = arith.cmpf ogt, %get3A_400, %gt3A_402 : vector<256x256xf32>
    %convert_element_type3A_404 = arith.extui %gt3A_403 : vector<256x256xi1> to vector<256x256xi32>
    %convert_element_type3A_405 = arith.sitofp %convert_element_type3A_404 : vector<256x256xi32> to vector<256x256xf32>
    %get3A_406 = arith.constant 0 : index
    %get3A_407 = arith.constant 8 : index
    %get3A_408 = arith.constant 0 : index
    %get3A_409 = arith.constant 0 : index
    %get3A_410 = vector.load %arg2[%get3A_406, %get3A_407, %get3A_408, %get3A_409] : memref<1x16x256x256xf32, #tpu.memory_space<vmem>>, vector<1x1x256x256xf32>
    %get3A_411 = vector.shape_cast %get3A_410 : vector<1x1x256x256xf32> to vector<256x256xf32>
    %sub3A_412 = arith.subf %convert_element_type3A_405, %get3A_411 : vector<256x256xf32>
    %get3A_413 = arith.constant 0 : index
    %get3A_414 = arith.constant 8 : index
    %get3A_415 = arith.constant 0 : index
    %get3A_416 = arith.constant 0 : index
    %get3A_417 = vector.load %arg3[%get3A_413, %get3A_414, %get3A_415, %get3A_416] : memref<1x16x256x256xf32, #tpu.memory_space<vmem>>, vector<1x1x256x256xf32>
    %get3A_418 = vector.shape_cast %get3A_417 : vector<1x1x256x256xf32> to vector<256x256xf32>
    %sub3A_419 = arith.subf %convert_element_type3A_405, %get3A_418 : vector<256x256xf32>
    %mul3A_420 = arith.mulf %sub3A_412, %sub3A_412 : vector<256x256xf32>
    %reduce_sum3A_421 = vector.shape_cast %mul3A_420 : vector<256x256xf32> to vector<1x256x256xf32>
    %reduce_sum3A_422 = arith.constant dense<0.000000e+00> : vector<1xf32>
    %reduce_sum3A_423 = vector.multi_reduction <add>, %reduce_sum3A_421, %reduce_sum3A_422 [1, 2] : vector<1x256x256xf32> to vector<1xf32>
    %reduce_sum3A_424 = vector.shape_cast %reduce_sum3A_423 : vector<1xf32> to vector<1x1x1xf32>
    %reduce_sum3A_425 = vector.extract %reduce_sum3A_424[0, 0, 0] : f32 from vector<1x1x1xf32>
    %mul3A_426 = arith.constant 1.52587891E-5 : f32
    %mul3A_427 = arith.mulf %reduce_sum3A_425, %mul3A_426 : f32
    %mul3A_428 = arith.mulf %sub3A_419, %sub3A_419 : vector<256x256xf32>
    %reduce_sum3A_429 = vector.shape_cast %mul3A_428 : vector<256x256xf32> to vector<1x256x256xf32>
    %reduce_sum3A_430 = arith.constant dense<0.000000e+00> : vector<1xf32>
    %reduce_sum3A_431 = vector.multi_reduction <add>, %reduce_sum3A_429, %reduce_sum3A_430 [1, 2] : vector<1x256x256xf32> to vector<1xf32>
    %reduce_sum3A_432 = vector.shape_cast %reduce_sum3A_431 : vector<1xf32> to vector<1x1x1xf32>
    %reduce_sum3A_433 = vector.extract %reduce_sum3A_432[0, 0, 0] : f32 from vector<1x1x1xf32>
    %mul3A_434 = arith.constant 1.52587891E-5 : f32
    %mul3A_435 = arith.mulf %reduce_sum3A_433, %mul3A_434 : f32
    %mul3A_436 = arith.constant 1.000000e+00 : f32
    %mul3A_437 = arith.mulf %mul3A_436, %mul3A_427 : f32
    %sub3A_438 = arith.constant 1.000000e+00 : f32
    %sub3A_439 = arith.subf %sub3A_438, %mul3A_435 : f32
    %max3A_440 = arith.constant 0.000000e+00 : f32
    %max3A_441 = arith.maximumf %sub3A_439, %max3A_440 : f32
    %mul3A_442 = arith.constant 1.000000e+00 : f32
    %mul3A_443 = arith.mulf %mul3A_442, %max3A_441 : f32
    %add3A_444 = arith.addf %mul3A_437, %mul3A_443 : f32
    %add3A_445 = arith.addf %add3A_395, %add3A_444 : f32
    %get3A_446 = arith.constant 9 : index
    %get3A_447 = arith.constant 0 : index
    %get3A_448 = arith.constant 0 : index
    %get3A_449 = vector.load %arg1[%get3A_446, %get3A_447, %get3A_448] : memref<16x256x256xf32, #tpu.memory_space<vmem>>, vector<1x256x256xf32>
    %get3A_450 = vector.shape_cast %get3A_449 : vector<1x256x256xf32> to vector<256x256xf32>
    %gt3A_451 = arith.constant 5.000000e-01 : f32
    %gt3A_452 = vector.broadcast %gt3A_451 : f32 to vector<256x256xf32>
    %gt3A_453 = arith.cmpf ogt, %get3A_450, %gt3A_452 : vector<256x256xf32>
    %convert_element_type3A_454 = arith.extui %gt3A_453 : vector<256x256xi1> to vector<256x256xi32>
    %convert_element_type3A_455 = arith.sitofp %convert_element_type3A_454 : vector<256x256xi32> to vector<256x256xf32>
    %get3A_456 = arith.constant 0 : index
    %get3A_457 = arith.constant 9 : index
    %get3A_458 = arith.constant 0 : index
    %get3A_459 = arith.constant 0 : index
    %get3A_460 = vector.load %arg2[%get3A_456, %get3A_457, %get3A_458, %get3A_459] : memref<1x16x256x256xf32, #tpu.memory_space<vmem>>, vector<1x1x256x256xf32>
    %get3A_461 = vector.shape_cast %get3A_460 : vector<1x1x256x256xf32> to vector<256x256xf32>
    %sub3A_462 = arith.subf %convert_element_type3A_455, %get3A_461 : vector<256x256xf32>
    %get3A_463 = arith.constant 0 : index
    %get3A_464 = arith.constant 9 : index
    %get3A_465 = arith.constant 0 : index
    %get3A_466 = arith.constant 0 : index
    %get3A_467 = vector.load %arg3[%get3A_463, %get3A_464, %get3A_465, %get3A_466] : memref<1x16x256x256xf32, #tpu.memory_space<vmem>>, vector<1x1x256x256xf32>
    %get3A_468 = vector.shape_cast %get3A_467 : vector<1x1x256x256xf32> to vector<256x256xf32>
    %sub3A_469 = arith.subf %convert_element_type3A_455, %get3A_468 : vector<256x256xf32>
    %mul3A_470 = arith.mulf %sub3A_462, %sub3A_462 : vector<256x256xf32>
    %reduce_sum3A_471 = vector.shape_cast %mul3A_470 : vector<256x256xf32> to vector<1x256x256xf32>
    %reduce_sum3A_472 = arith.constant dense<0.000000e+00> : vector<1xf32>
    %reduce_sum3A_473 = vector.multi_reduction <add>, %reduce_sum3A_471, %reduce_sum3A_472 [1, 2] : vector<1x256x256xf32> to vector<1xf32>
    %reduce_sum3A_474 = vector.shape_cast %reduce_sum3A_473 : vector<1xf32> to vector<1x1x1xf32>
    %reduce_sum3A_475 = vector.extract %reduce_sum3A_474[0, 0, 0] : f32 from vector<1x1x1xf32>
    %mul3A_476 = arith.constant 1.52587891E-5 : f32
    %mul3A_477 = arith.mulf %reduce_sum3A_475, %mul3A_476 : f32
    %mul3A_478 = arith.mulf %sub3A_469, %sub3A_469 : vector<256x256xf32>
    %reduce_sum3A_479 = vector.shape_cast %mul3A_478 : vector<256x256xf32> to vector<1x256x256xf32>
    %reduce_sum3A_480 = arith.constant dense<0.000000e+00> : vector<1xf32>
    %reduce_sum3A_481 = vector.multi_reduction <add>, %reduce_sum3A_479, %reduce_sum3A_480 [1, 2] : vector<1x256x256xf32> to vector<1xf32>
    %reduce_sum3A_482 = vector.shape_cast %reduce_sum3A_481 : vector<1xf32> to vector<1x1x1xf32>
    %reduce_sum3A_483 = vector.extract %reduce_sum3A_482[0, 0, 0] : f32 from vector<1x1x1xf32>
    %mul3A_484 = arith.constant 1.52587891E-5 : f32
    %mul3A_485 = arith.mulf %reduce_sum3A_483, %mul3A_484 : f32
    %mul3A_486 = arith.constant 1.000000e+00 : f32
    %mul3A_487 = arith.mulf %mul3A_486, %mul3A_477 : f32
    %sub3A_488 = arith.constant 1.000000e+00 : f32
    %sub3A_489 = arith.subf %sub3A_488, %mul3A_485 : f32
    %max3A_490 = arith.constant 0.000000e+00 : f32
    %max3A_491 = arith.maximumf %sub3A_489, %max3A_490 : f32
    %mul3A_492 = arith.constant 1.000000e+00 : f32
    %mul3A_493 = arith.mulf %mul3A_492, %max3A_491 : f32
    %add3A_494 = arith.addf %mul3A_487, %mul3A_493 : f32
    %add3A_495 = arith.addf %add3A_445, %add3A_494 : f32
    %get3A_496 = arith.constant 10 : index
    %get3A_497 = arith.constant 0 : index
    %get3A_498 = arith.constant 0 : index
    %get3A_499 = vector.load %arg1[%get3A_496, %get3A_497, %get3A_498] : memref<16x256x256xf32, #tpu.memory_space<vmem>>, vector<1x256x256xf32>
    %get3A_500 = vector.shape_cast %get3A_499 : vector<1x256x256xf32> to vector<256x256xf32>
    %gt3A_501 = arith.constant 5.000000e-01 : f32
    %gt3A_502 = vector.broadcast %gt3A_501 : f32 to vector<256x256xf32>
    %gt3A_503 = arith.cmpf ogt, %get3A_500, %gt3A_502 : vector<256x256xf32>
    %convert_element_type3A_504 = arith.extui %gt3A_503 : vector<256x256xi1> to vector<256x256xi32>
    %convert_element_type3A_505 = arith.sitofp %convert_element_type3A_504 : vector<256x256xi32> to vector<256x256xf32>
    %get3A_506 = arith.constant 0 : index
    %get3A_507 = arith.constant 10 : index
    %get3A_508 = arith.constant 0 : index
    %get3A_509 = arith.constant 0 : index
    %get3A_510 = vector.load %arg2[%get3A_506, %get3A_507, %get3A_508, %get3A_509] : memref<1x16x256x256xf32, #tpu.memory_space<vmem>>, vector<1x1x256x256xf32>
    %get3A_511 = vector.shape_cast %get3A_510 : vector<1x1x256x256xf32> to vector<256x256xf32>
    %sub3A_512 = arith.subf %convert_element_type3A_505, %get3A_511 : vector<256x256xf32>
    %get3A_513 = arith.constant 0 : index
    %get3A_514 = arith.constant 10 : index
    %get3A_515 = arith.constant 0 : index
    %get3A_516 = arith.constant 0 : index
    %get3A_517 = vector.load %arg3[%get3A_513, %get3A_514, %get3A_515, %get3A_516] : memref<1x16x256x256xf32, #tpu.memory_space<vmem>>, vector<1x1x256x256xf32>
    %get3A_518 = vector.shape_cast %get3A_517 : vector<1x1x256x256xf32> to vector<256x256xf32>
    %sub3A_519 = arith.subf %convert_element_type3A_505, %get3A_518 : vector<256x256xf32>
    %mul3A_520 = arith.mulf %sub3A_512, %sub3A_512 : vector<256x256xf32>
    %reduce_sum3A_521 = vector.shape_cast %mul3A_520 : vector<256x256xf32> to vector<1x256x256xf32>
    %reduce_sum3A_522 = arith.constant dense<0.000000e+00> : vector<1xf32>
    %reduce_sum3A_523 = vector.multi_reduction <add>, %reduce_sum3A_521, %reduce_sum3A_522 [1, 2] : vector<1x256x256xf32> to vector<1xf32>
    %reduce_sum3A_524 = vector.shape_cast %reduce_sum3A_523 : vector<1xf32> to vector<1x1x1xf32>
    %reduce_sum3A_525 = vector.extract %reduce_sum3A_524[0, 0, 0] : f32 from vector<1x1x1xf32>
    %mul3A_526 = arith.constant 1.52587891E-5 : f32
    %mul3A_527 = arith.mulf %reduce_sum3A_525, %mul3A_526 : f32
    %mul3A_528 = arith.mulf %sub3A_519, %sub3A_519 : vector<256x256xf32>
    %reduce_sum3A_529 = vector.shape_cast %mul3A_528 : vector<256x256xf32> to vector<1x256x256xf32>
    %reduce_sum3A_530 = arith.constant dense<0.000000e+00> : vector<1xf32>
    %reduce_sum3A_531 = vector.multi_reduction <add>, %reduce_sum3A_529, %reduce_sum3A_530 [1, 2] : vector<1x256x256xf32> to vector<1xf32>
    %reduce_sum3A_532 = vector.shape_cast %reduce_sum3A_531 : vector<1xf32> to vector<1x1x1xf32>
    %reduce_sum3A_533 = vector.extract %reduce_sum3A_532[0, 0, 0] : f32 from vector<1x1x1xf32>
    %mul3A_534 = arith.constant 1.52587891E-5 : f32
    %mul3A_535 = arith.mulf %reduce_sum3A_533, %mul3A_534 : f32
    %mul3A_536 = arith.constant 1.000000e+00 : f32
    %mul3A_537 = arith.mulf %mul3A_536, %mul3A_527 : f32
    %sub3A_538 = arith.constant 1.000000e+00 : f32
    %sub3A_539 = arith.subf %sub3A_538, %mul3A_535 : f32
    %max3A_540 = arith.constant 0.000000e+00 : f32
    %max3A_541 = arith.maximumf %sub3A_539, %max3A_540 : f32
    %mul3A_542 = arith.constant 1.000000e+00 : f32
    %mul3A_543 = arith.mulf %mul3A_542, %max3A_541 : f32
    %add3A_544 = arith.addf %mul3A_537, %mul3A_543 : f32
    %add3A_545 = arith.addf %add3A_495, %add3A_544 : f32
    %get3A_546 = arith.constant 11 : index
    %get3A_547 = arith.constant 0 : index
    %get3A_548 = arith.constant 0 : index
    %get3A_549 = vector.load %arg1[%get3A_546, %get3A_547, %get3A_548] : memref<16x256x256xf32, #tpu.memory_space<vmem>>, vector<1x256x256xf32>
    %get3A_550 = vector.shape_cast %get3A_549 : vector<1x256x256xf32> to vector<256x256xf32>
    %gt3A_551 = arith.constant 5.000000e-01 : f32
    %gt3A_552 = vector.broadcast %gt3A_551 : f32 to vector<256x256xf32>
    %gt3A_553 = arith.cmpf ogt, %get3A_550, %gt3A_552 : vector<256x256xf32>
    %convert_element_type3A_554 = arith.extui %gt3A_553 : vector<256x256xi1> to vector<256x256xi32>
    %convert_element_type3A_555 = arith.sitofp %convert_element_type3A_554 : vector<256x256xi32> to vector<256x256xf32>
    %get3A_556 = arith.constant 0 : index
    %get3A_557 = arith.constant 11 : index
    %get3A_558 = arith.constant 0 : index
    %get3A_559 = arith.constant 0 : index
    %get3A_560 = vector.load %arg2[%get3A_556, %get3A_557, %get3A_558, %get3A_559] : memref<1x16x256x256xf32, #tpu.memory_space<vmem>>, vector<1x1x256x256xf32>
    %get3A_561 = vector.shape_cast %get3A_560 : vector<1x1x256x256xf32> to vector<256x256xf32>
    %sub3A_562 = arith.subf %convert_element_type3A_555, %get3A_561 : vector<256x256xf32>
    %get3A_563 = arith.constant 0 : index
    %get3A_564 = arith.constant 11 : index
    %get3A_565 = arith.constant 0 : index
    %get3A_566 = arith.constant 0 : index
    %get3A_567 = vector.load %arg3[%get3A_563, %get3A_564, %get3A_565, %get3A_566] : memref<1x16x256x256xf32, #tpu.memory_space<vmem>>, vector<1x1x256x256xf32>
    %get3A_568 = vector.shape_cast %get3A_567 : vector<1x1x256x256xf32> to vector<256x256xf32>
    %sub3A_569 = arith.subf %convert_element_type3A_555, %get3A_568 : vector<256x256xf32>
    %mul3A_570 = arith.mulf %sub3A_562, %sub3A_562 : vector<256x256xf32>
    %reduce_sum3A_571 = vector.shape_cast %mul3A_570 : vector<256x256xf32> to vector<1x256x256xf32>
    %reduce_sum3A_572 = arith.constant dense<0.000000e+00> : vector<1xf32>
    %reduce_sum3A_573 = vector.multi_reduction <add>, %reduce_sum3A_571, %reduce_sum3A_572 [1, 2] : vector<1x256x256xf32> to vector<1xf32>
    %reduce_sum3A_574 = vector.shape_cast %reduce_sum3A_573 : vector<1xf32> to vector<1x1x1xf32>
    %reduce_sum3A_575 = vector.extract %reduce_sum3A_574[0, 0, 0] : f32 from vector<1x1x1xf32>
    %mul3A_576 = arith.constant 1.52587891E-5 : f32
    %mul3A_577 = arith.mulf %reduce_sum3A_575, %mul3A_576 : f32
    %mul3A_578 = arith.mulf %sub3A_569, %sub3A_569 : vector<256x256xf32>
    %reduce_sum3A_579 = vector.shape_cast %mul3A_578 : vector<256x256xf32> to vector<1x256x256xf32>
    %reduce_sum3A_580 = arith.constant dense<0.000000e+00> : vector<1xf32>
    %reduce_sum3A_581 = vector.multi_reduction <add>, %reduce_sum3A_579, %reduce_sum3A_580 [1, 2] : vector<1x256x256xf32> to vector<1xf32>
    %reduce_sum3A_582 = vector.shape_cast %reduce_sum3A_581 : vector<1xf32> to vector<1x1x1xf32>
    %reduce_sum3A_583 = vector.extract %reduce_sum3A_582[0, 0, 0] : f32 from vector<1x1x1xf32>
    %mul3A_584 = arith.constant 1.52587891E-5 : f32
    %mul3A_585 = arith.mulf %reduce_sum3A_583, %mul3A_584 : f32
    %mul3A_586 = arith.constant 1.000000e+00 : f32
    %mul3A_587 = arith.mulf %mul3A_586, %mul3A_577 : f32
    %sub3A_588 = arith.constant 1.000000e+00 : f32
    %sub3A_589 = arith.subf %sub3A_588, %mul3A_585 : f32
    %max3A_590 = arith.constant 0.000000e+00 : f32
    %max3A_591 = arith.maximumf %sub3A_589, %max3A_590 : f32
    %mul3A_592 = arith.constant 1.000000e+00 : f32
    %mul3A_593 = arith.mulf %mul3A_592, %max3A_591 : f32
    %add3A_594 = arith.addf %mul3A_587, %mul3A_593 : f32
    %add3A_595 = arith.addf %add3A_545, %add3A_594 : f32
    %get3A_596 = arith.constant 12 : index
    %get3A_597 = arith.constant 0 : index
    %get3A_598 = arith.constant 0 : index
    %get3A_599 = vector.load %arg1[%get3A_596, %get3A_597, %get3A_598] : memref<16x256x256xf32, #tpu.memory_space<vmem>>, vector<1x256x256xf32>
    %get3A_600 = vector.shape_cast %get3A_599 : vector<1x256x256xf32> to vector<256x256xf32>
    %gt3A_601 = arith.constant 5.000000e-01 : f32
    %gt3A_602 = vector.broadcast %gt3A_601 : f32 to vector<256x256xf32>
    %gt3A_603 = arith.cmpf ogt, %get3A_600, %gt3A_602 : vector<256x256xf32>
    %convert_element_type3A_604 = arith.extui %gt3A_603 : vector<256x256xi1> to vector<256x256xi32>
    %convert_element_type3A_605 = arith.sitofp %convert_element_type3A_604 : vector<256x256xi32> to vector<256x256xf32>
    %get3A_606 = arith.constant 0 : index
    %get3A_607 = arith.constant 12 : index
    %get3A_608 = arith.constant 0 : index
    %get3A_609 = arith.constant 0 : index
    %get3A_610 = vector.load %arg2[%get3A_606, %get3A_607, %get3A_608, %get3A_609] : memref<1x16x256x256xf32, #tpu.memory_space<vmem>>, vector<1x1x256x256xf32>
    %get3A_611 = vector.shape_cast %get3A_610 : vector<1x1x256x256xf32> to vector<256x256xf32>
    %sub3A_612 = arith.subf %convert_element_type3A_605, %get3A_611 : vector<256x256xf32>
    %get3A_613 = arith.constant 0 : index
    %get3A_614 = arith.constant 12 : index
    %get3A_615 = arith.constant 0 : index
    %get3A_616 = arith.constant 0 : index
    %get3A_617 = vector.load %arg3[%get3A_613, %get3A_614, %get3A_615, %get3A_616] : memref<1x16x256x256xf32, #tpu.memory_space<vmem>>, vector<1x1x256x256xf32>
    %get3A_618 = vector.shape_cast %get3A_617 : vector<1x1x256x256xf32> to vector<256x256xf32>
    %sub3A_619 = arith.subf %convert_element_type3A_605, %get3A_618 : vector<256x256xf32>
    %mul3A_620 = arith.mulf %sub3A_612, %sub3A_612 : vector<256x256xf32>
    %reduce_sum3A_621 = vector.shape_cast %mul3A_620 : vector<256x256xf32> to vector<1x256x256xf32>
    %reduce_sum3A_622 = arith.constant dense<0.000000e+00> : vector<1xf32>
    %reduce_sum3A_623 = vector.multi_reduction <add>, %reduce_sum3A_621, %reduce_sum3A_622 [1, 2] : vector<1x256x256xf32> to vector<1xf32>
    %reduce_sum3A_624 = vector.shape_cast %reduce_sum3A_623 : vector<1xf32> to vector<1x1x1xf32>
    %reduce_sum3A_625 = vector.extract %reduce_sum3A_624[0, 0, 0] : f32 from vector<1x1x1xf32>
    %mul3A_626 = arith.constant 1.52587891E-5 : f32
    %mul3A_627 = arith.mulf %reduce_sum3A_625, %mul3A_626 : f32
    %mul3A_628 = arith.mulf %sub3A_619, %sub3A_619 : vector<256x256xf32>
    %reduce_sum3A_629 = vector.shape_cast %mul3A_628 : vector<256x256xf32> to vector<1x256x256xf32>
    %reduce_sum3A_630 = arith.constant dense<0.000000e+00> : vector<1xf32>
    %reduce_sum3A_631 = vector.multi_reduction <add>, %reduce_sum3A_629, %reduce_sum3A_630 [1, 2] : vector<1x256x256xf32> to vector<1xf32>
    %reduce_sum3A_632 = vector.shape_cast %reduce_sum3A_631 : vector<1xf32> to vector<1x1x1xf32>
    %reduce_sum3A_633 = vector.extract %reduce_sum3A_632[0, 0, 0] : f32 from vector<1x1x1xf32>
    %mul3A_634 = arith.constant 1.52587891E-5 : f32
    %mul3A_635 = arith.mulf %reduce_sum3A_633, %mul3A_634 : f32
    %mul3A_636 = arith.constant 1.000000e+00 : f32
    %mul3A_637 = arith.mulf %mul3A_636, %mul3A_627 : f32
    %sub3A_638 = arith.constant 1.000000e+00 : f32
    %sub3A_639 = arith.subf %sub3A_638, %mul3A_635 : f32
    %max3A_640 = arith.constant 0.000000e+00 : f32
    %max3A_641 = arith.maximumf %sub3A_639, %max3A_640 : f32
    %mul3A_642 = arith.constant 1.000000e+00 : f32
    %mul3A_643 = arith.mulf %mul3A_642, %max3A_641 : f32
    %add3A_644 = arith.addf %mul3A_637, %mul3A_643 : f32
    %add3A_645 = arith.addf %add3A_595, %add3A_644 : f32
    %get3A_646 = arith.constant 13 : index
    %get3A_647 = arith.constant 0 : index
    %get3A_648 = arith.constant 0 : index
    %get3A_649 = vector.load %arg1[%get3A_646, %get3A_647, %get3A_648] : memref<16x256x256xf32, #tpu.memory_space<vmem>>, vector<1x256x256xf32>
    %get3A_650 = vector.shape_cast %get3A_649 : vector<1x256x256xf32> to vector<256x256xf32>
    %gt3A_651 = arith.constant 5.000000e-01 : f32
    %gt3A_652 = vector.broadcast %gt3A_651 : f32 to vector<256x256xf32>
    %gt3A_653 = arith.cmpf ogt, %get3A_650, %gt3A_652 : vector<256x256xf32>
    %convert_element_type3A_654 = arith.extui %gt3A_653 : vector<256x256xi1> to vector<256x256xi32>
    %convert_element_type3A_655 = arith.sitofp %convert_element_type3A_654 : vector<256x256xi32> to vector<256x256xf32>
    %get3A_656 = arith.constant 0 : index
    %get3A_657 = arith.constant 13 : index
    %get3A_658 = arith.constant 0 : index
    %get3A_659 = arith.constant 0 : index
    %get3A_660 = vector.load %arg2[%get3A_656, %get3A_657, %get3A_658, %get3A_659] : memref<1x16x256x256xf32, #tpu.memory_space<vmem>>, vector<1x1x256x256xf32>
    %get3A_661 = vector.shape_cast %get3A_660 : vector<1x1x256x256xf32> to vector<256x256xf32>
    %sub3A_662 = arith.subf %convert_element_type3A_655, %get3A_661 : vector<256x256xf32>
    %get3A_663 = arith.constant 0 : index
    %get3A_664 = arith.constant 13 : index
    %get3A_665 = arith.constant 0 : index
    %get3A_666 = arith.constant 0 : index
    %get3A_667 = vector.load %arg3[%get3A_663, %get3A_664, %get3A_665, %get3A_666] : memref<1x16x256x256xf32, #tpu.memory_space<vmem>>, vector<1x1x256x256xf32>
    %get3A_668 = vector.shape_cast %get3A_667 : vector<1x1x256x256xf32> to vector<256x256xf32>
    %sub3A_669 = arith.subf %convert_element_type3A_655, %get3A_668 : vector<256x256xf32>
    %mul3A_670 = arith.mulf %sub3A_662, %sub3A_662 : vector<256x256xf32>
    %reduce_sum3A_671 = vector.shape_cast %mul3A_670 : vector<256x256xf32> to vector<1x256x256xf32>
    %reduce_sum3A_672 = arith.constant dense<0.000000e+00> : vector<1xf32>
    %reduce_sum3A_673 = vector.multi_reduction <add>, %reduce_sum3A_671, %reduce_sum3A_672 [1, 2] : vector<1x256x256xf32> to vector<1xf32>
    %reduce_sum3A_674 = vector.shape_cast %reduce_sum3A_673 : vector<1xf32> to vector<1x1x1xf32>
    %reduce_sum3A_675 = vector.extract %reduce_sum3A_674[0, 0, 0] : f32 from vector<1x1x1xf32>
    %mul3A_676 = arith.constant 1.52587891E-5 : f32
    %mul3A_677 = arith.mulf %reduce_sum3A_675, %mul3A_676 : f32
    %mul3A_678 = arith.mulf %sub3A_669, %sub3A_669 : vector<256x256xf32>
    %reduce_sum3A_679 = vector.shape_cast %mul3A_678 : vector<256x256xf32> to vector<1x256x256xf32>
    %reduce_sum3A_680 = arith.constant dense<0.000000e+00> : vector<1xf32>
    %reduce_sum3A_681 = vector.multi_reduction <add>, %reduce_sum3A_679, %reduce_sum3A_680 [1, 2] : vector<1x256x256xf32> to vector<1xf32>
    %reduce_sum3A_682 = vector.shape_cast %reduce_sum3A_681 : vector<1xf32> to vector<1x1x1xf32>
    %reduce_sum3A_683 = vector.extract %reduce_sum3A_682[0, 0, 0] : f32 from vector<1x1x1xf32>
    %mul3A_684 = arith.constant 1.52587891E-5 : f32
    %mul3A_685 = arith.mulf %reduce_sum3A_683, %mul3A_684 : f32
    %mul3A_686 = arith.constant 1.000000e+00 : f32
    %mul3A_687 = arith.mulf %mul3A_686, %mul3A_677 : f32
    %sub3A_688 = arith.constant 1.000000e+00 : f32
    %sub3A_689 = arith.subf %sub3A_688, %mul3A_685 : f32
    %max3A_690 = arith.constant 0.000000e+00 : f32
    %max3A_691 = arith.maximumf %sub3A_689, %max3A_690 : f32
    %mul3A_692 = arith.constant 1.000000e+00 : f32
    %mul3A_693 = arith.mulf %mul3A_692, %max3A_691 : f32
    %add3A_694 = arith.addf %mul3A_687, %mul3A_693 : f32
    %add3A_695 = arith.addf %add3A_645, %add3A_694 : f32
    %get3A_696 = arith.constant 14 : index
    %get3A_697 = arith.constant 0 : index
    %get3A_698 = arith.constant 0 : index
    %get3A_699 = vector.load %arg1[%get3A_696, %get3A_697, %get3A_698] : memref<16x256x256xf32, #tpu.memory_space<vmem>>, vector<1x256x256xf32>
    %get3A_700 = vector.shape_cast %get3A_699 : vector<1x256x256xf32> to vector<256x256xf32>
    %gt3A_701 = arith.constant 5.000000e-01 : f32
    %gt3A_702 = vector.broadcast %gt3A_701 : f32 to vector<256x256xf32>
    %gt3A_703 = arith.cmpf ogt, %get3A_700, %gt3A_702 : vector<256x256xf32>
    %convert_element_type3A_704 = arith.extui %gt3A_703 : vector<256x256xi1> to vector<256x256xi32>
    %convert_element_type3A_705 = arith.sitofp %convert_element_type3A_704 : vector<256x256xi32> to vector<256x256xf32>
    %get3A_706 = arith.constant 0 : index
    %get3A_707 = arith.constant 14 : index
    %get3A_708 = arith.constant 0 : index
    %get3A_709 = arith.constant 0 : index
    %get3A_710 = vector.load %arg2[%get3A_706, %get3A_707, %get3A_708, %get3A_709] : memref<1x16x256x256xf32, #tpu.memory_space<vmem>>, vector<1x1x256x256xf32>
    %get3A_711 = vector.shape_cast %get3A_710 : vector<1x1x256x256xf32> to vector<256x256xf32>
    %sub3A_712 = arith.subf %convert_element_type3A_705, %get3A_711 : vector<256x256xf32>
    %get3A_713 = arith.constant 0 : index
    %get3A_714 = arith.constant 14 : index
    %get3A_715 = arith.constant 0 : index
    %get3A_716 = arith.constant 0 : index
    %get3A_717 = vector.load %arg3[%get3A_713, %get3A_714, %get3A_715, %get3A_716] : memref<1x16x256x256xf32, #tpu.memory_space<vmem>>, vector<1x1x256x256xf32>
    %get3A_718 = vector.shape_cast %get3A_717 : vector<1x1x256x256xf32> to vector<256x256xf32>
    %sub3A_719 = arith.subf %convert_element_type3A_705, %get3A_718 : vector<256x256xf32>
    %mul3A_720 = arith.mulf %sub3A_712, %sub3A_712 : vector<256x256xf32>
    %reduce_sum3A_721 = vector.shape_cast %mul3A_720 : vector<256x256xf32> to vector<1x256x256xf32>
    %reduce_sum3A_722 = arith.constant dense<0.000000e+00> : vector<1xf32>
    %reduce_sum3A_723 = vector.multi_reduction <add>, %reduce_sum3A_721, %reduce_sum3A_722 [1, 2] : vector<1x256x256xf32> to vector<1xf32>
    %reduce_sum3A_724 = vector.shape_cast %reduce_sum3A_723 : vector<1xf32> to vector<1x1x1xf32>
    %reduce_sum3A_725 = vector.extract %reduce_sum3A_724[0, 0, 0] : f32 from vector<1x1x1xf32>
    %mul3A_726 = arith.constant 1.52587891E-5 : f32
    %mul3A_727 = arith.mulf %reduce_sum3A_725, %mul3A_726 : f32
    %mul3A_728 = arith.mulf %sub3A_719, %sub3A_719 : vector<256x256xf32>
    %reduce_sum3A_729 = vector.shape_cast %mul3A_728 : vector<256x256xf32> to vector<1x256x256xf32>
    %reduce_sum3A_730 = arith.constant dense<0.000000e+00> : vector<1xf32>
    %reduce_sum3A_731 = vector.multi_reduction <add>, %reduce_sum3A_729, %reduce_sum3A_730 [1, 2] : vector<1x256x256xf32> to vector<1xf32>
    %reduce_sum3A_732 = vector.shape_cast %reduce_sum3A_731 : vector<1xf32> to vector<1x1x1xf32>
    %reduce_sum3A_733 = vector.extract %reduce_sum3A_732[0, 0, 0] : f32 from vector<1x1x1xf32>
    %mul3A_734 = arith.constant 1.52587891E-5 : f32
    %mul3A_735 = arith.mulf %reduce_sum3A_733, %mul3A_734 : f32
    %mul3A_736 = arith.constant 1.000000e+00 : f32
    %mul3A_737 = arith.mulf %mul3A_736, %mul3A_727 : f32
    %sub3A_738 = arith.constant 1.000000e+00 : f32
    %sub3A_739 = arith.subf %sub3A_738, %mul3A_735 : f32
    %max3A_740 = arith.constant 0.000000e+00 : f32
    %max3A_741 = arith.maximumf %sub3A_739, %max3A_740 : f32
    %mul3A_742 = arith.constant 1.000000e+00 : f32
    %mul3A_743 = arith.mulf %mul3A_742, %max3A_741 : f32
    %add3A_744 = arith.addf %mul3A_737, %mul3A_743 : f32
    %add3A_745 = arith.addf %add3A_695, %add3A_744 : f32
    %get3A_746 = arith.constant 15 : index
    %get3A_747 = arith.constant 0 : index
    %get3A_748 = arith.constant 0 : index
    %get3A_749 = vector.load %arg1[%get3A_746, %get3A_747, %get3A_748] : memref<16x256x256xf32, #tpu.memory_space<vmem>>, vector<1x256x256xf32>
    %get3A_750 = vector.shape_cast %get3A_749 : vector<1x256x256xf32> to vector<256x256xf32>
    %gt3A_751 = arith.constant 5.000000e-01 : f32
    %gt3A_752 = vector.broadcast %gt3A_751 : f32 to vector<256x256xf32>
    %gt3A_753 = arith.cmpf ogt, %get3A_750, %gt3A_752 : vector<256x256xf32>
    %convert_element_type3A_754 = arith.extui %gt3A_753 : vector<256x256xi1> to vector<256x256xi32>
    %convert_element_type3A_755 = arith.sitofp %convert_element_type3A_754 : vector<256x256xi32> to vector<256x256xf32>
    %get3A_756 = arith.constant 0 : index
    %get3A_757 = arith.constant 15 : index
    %get3A_758 = arith.constant 0 : index
    %get3A_759 = arith.constant 0 : index
    %get3A_760 = vector.load %arg2[%get3A_756, %get3A_757, %get3A_758, %get3A_759] : memref<1x16x256x256xf32, #tpu.memory_space<vmem>>, vector<1x1x256x256xf32>
    %get3A_761 = vector.shape_cast %get3A_760 : vector<1x1x256x256xf32> to vector<256x256xf32>
    %sub3A_762 = arith.subf %convert_element_type3A_755, %get3A_761 : vector<256x256xf32>
    %get3A_763 = arith.constant 0 : index
    %get3A_764 = arith.constant 15 : index
    %get3A_765 = arith.constant 0 : index
    %get3A_766 = arith.constant 0 : index
    %get3A_767 = vector.load %arg3[%get3A_763, %get3A_764, %get3A_765, %get3A_766] : memref<1x16x256x256xf32, #tpu.memory_space<vmem>>, vector<1x1x256x256xf32>
    %get3A_768 = vector.shape_cast %get3A_767 : vector<1x1x256x256xf32> to vector<256x256xf32>
    %sub3A_769 = arith.subf %convert_element_type3A_755, %get3A_768 : vector<256x256xf32>
    %mul3A_770 = arith.mulf %sub3A_762, %sub3A_762 : vector<256x256xf32>
    %reduce_sum3A_771 = vector.shape_cast %mul3A_770 : vector<256x256xf32> to vector<1x256x256xf32>
    %reduce_sum3A_772 = arith.constant dense<0.000000e+00> : vector<1xf32>
    %reduce_sum3A_773 = vector.multi_reduction <add>, %reduce_sum3A_771, %reduce_sum3A_772 [1, 2] : vector<1x256x256xf32> to vector<1xf32>
    %reduce_sum3A_774 = vector.shape_cast %reduce_sum3A_773 : vector<1xf32> to vector<1x1x1xf32>
    %reduce_sum3A_775 = vector.extract %reduce_sum3A_774[0, 0, 0] : f32 from vector<1x1x1xf32>
    %mul3A_776 = arith.constant 1.52587891E-5 : f32
    %mul3A_777 = arith.mulf %reduce_sum3A_775, %mul3A_776 : f32
    %mul3A_778 = arith.mulf %sub3A_769, %sub3A_769 : vector<256x256xf32>
    %reduce_sum3A_779 = vector.shape_cast %mul3A_778 : vector<256x256xf32> to vector<1x256x256xf32>
    %reduce_sum3A_780 = arith.constant dense<0.000000e+00> : vector<1xf32>
    %reduce_sum3A_781 = vector.multi_reduction <add>, %reduce_sum3A_779, %reduce_sum3A_780 [1, 2] : vector<1x256x256xf32> to vector<1xf32>
    %reduce_sum3A_782 = vector.shape_cast %reduce_sum3A_781 : vector<1xf32> to vector<1x1x1xf32>
    %reduce_sum3A_783 = vector.extract %reduce_sum3A_782[0, 0, 0] : f32 from vector<1x1x1xf32>
    %mul3A_784 = arith.constant 1.52587891E-5 : f32
    %mul3A_785 = arith.mulf %reduce_sum3A_783, %mul3A_784 : f32
    %mul3A_786 = arith.constant 1.000000e+00 : f32
    %mul3A_787 = arith.mulf %mul3A_786, %mul3A_777 : f32
    %sub3A_788 = arith.constant 1.000000e+00 : f32
    %sub3A_789 = arith.subf %sub3A_788, %mul3A_785 : f32
    %max3A_790 = arith.constant 0.000000e+00 : f32
    %max3A_791 = arith.maximumf %sub3A_789, %max3A_790 : f32
    %mul3A_792 = arith.constant 1.000000e+00 : f32
    %mul3A_793 = arith.mulf %mul3A_792, %max3A_791 : f32
    %add3A_794 = arith.addf %mul3A_787, %mul3A_793 : f32
    %add3A_795 = arith.addf %add3A_745, %add3A_794 : f32
    %get3A_796 = arith.constant 0 : index
    %get3A_797 = memref.load %arg5[%get3A_796] : memref<1xf32, #tpu.memory_space<smem>>
    %add3A_798 = arith.addf %get3A_797, %add3A_795 : f32
    %swap3A = arith.constant 0 : index
    %swap3A_799 = memref.load %arg5[%swap3A] : memref<1xf32, #tpu.memory_space<smem>>
    memref.store %add3A_798, %arg5[%swap3A] : memref<1xf32, #tpu.memory_space<smem>>
    %eq3A_800 = arith.constant 5 : i32
    %eq3A_801 = arith.cmpi eq, %arg0, %eq3A_800 : i32
    %convert_element_type3A_802 = arith.extui %eq3A_801 : i1 to i32
    %cond3A_803 = arith.constant 0 : i32
    %cond3A_804 = arith.cmpi ne, %convert_element_type3A_802, %cond3A_803 : i32
    scf.if %cond3A_804 {
      %get3A_805 = arith.constant 0 : index
      %get3A_806 = memref.load %arg5[%get3A_805] : memref<1xf32, #tpu.memory_space<smem>>
      %swap3A_807 = arith.constant 0 : index
      %swap3A_808 = arith.constant 0 : index
      %swap3A_809 = memref.load %arg4[%swap3A_807, %swap3A_808] : memref<1x1xf32, #tpu.memory_space<smem>>
      memref.store %get3A_806, %arg4[%swap3A_807, %swap3A_808] : memref<1x1xf32, #tpu.memory_space<smem>>
    } else {
    }
    return
  }
  func.func @transform_0(%arg0: i32) -> (i32, i32, i32) {
    %add3A = arith.constant 2 : i32
    %add3A_0 = arith.addi %arg0, %add3A : i32
    %c0_i32 = arith.constant 0 : i32
    %c0_i32_1 = arith.constant 0 : i32
    %c0_i32_2 = arith.constant 0 : i32
    return %add3A_0, %c0_i32, %c0_i32_1 : i32, i32, i32
  }
  func.func @transform_1(%arg0: i32) -> (i32, i32, i32, i32) {
    %add3A = arith.constant 2 : i32
    %add3A_0 = arith.addi %arg0, %add3A : i32
    %c0_i32 = arith.constant 0 : i32
    %c0_i32_1 = arith.constant 0 : i32
    %c0_i32_2 = arith.constant 0 : i32
    %c0_i32_3 = arith.constant 0 : i32
    return %c0_i32, %add3A_0, %c0_i32_1, %c0_i32_2 : i32, i32, i32, i32
  }
  func.func @transform_2(%arg0: i32) -> (i32, i32, i32, i32) {
    %add3A = arith.constant 2 : i32
    %add3A_0 = arith.addi %arg0, %add3A : i32
    %c0_i32 = arith.constant 0 : i32
    %c0_i32_1 = arith.constant 0 : i32
    %c0_i32_2 = arith.constant 0 : i32
    %c0_i32_3 = arith.constant 0 : i32
    return %c0_i32, %add3A_0, %c0_i32_1, %c0_i32_2 : i32, i32, i32, i32
  }
  func.func @transform_3(%arg0: i32) -> (i32, i32) {
    %c0_i32 = arith.constant 0 : i32
    %c0_i32_0 = arith.constant 0 : i32
    %c0_i32_1 = arith.constant 0 : i32
    return %c0_i32, %c0_i32_0 : i32, i32
  }
}

</mosaic_0001>

<sc_bundles>
// kernel: kernel.4.cloned.1.call-start
scs
__scs_entry_jumppad:
0x0: {  	(pc) =	sbr.rel $0x88, $3  }
0x1: {  	(tag) =	ssettag $0x0;
	lr =	simm.s32 $0x1  }
0x2: {  	[smem:$0x3F9E] =	sst lr;
	_ =	strace $0xD0000000  }
0x3: {  	_ = 	snop  }
0x4: {  	_ = 	snop  }
0x5: {  	_ = 	snop  }
0x6: {  	_ = 	snop  }
0x7: {  	_ = 	snop  }
__scs_overlays_trampoline_lowered:
0x8: {  	[smem:$0x3FAD] =	sst s0  }
0x9: {  	[smem:$0x3FAE] =	sst s1  }
0xa: {  	[smem:$0x3FAF] =	sst s2  }
0xb: {  	[smem:$0x3FB0] =	sst s3  }
0xc: {  	[smem:$0x3FB1] =	sst s4  }
0xd: {  	[smem:$0x3FB2] =	sst s5  }
0xe: {  	[smem:$0x3FB3] =	sst s6  }
0xf: {  	[smem:$0x3FB4] =	sst s7  }
0x10: {  	[smem:$0x3FB5] =	sst s8  }
0x11: {  	[smem:$0x3FB6] =	sst s9;
	s0 =	simm.s32 @!p0 $0x0  }
0x12: {  	s1 =	sld [smem:$0x3F9C];
	s0 =	simm.s32 @p0 $0x1  }
0x13: {  	[smem:$0x3FB7] =	sst s0;
	s0 =	simm.s32 @!p1 $0x0  }
0x14: {  	s2 =	sld [smem:$0x3F9B];
	s0 =	simm.s32 @p1 $0x1  }
0x15: {  	[smem:$0x3FB8] =	sst s0;
	s0 =	simm.s32 @!p2 $0x0  }
0x16: {  	s3 =	sld [smem:$0x3FDB];
	s0 =	simm.s32 @p2 $0x1  }
0x17: {  	s4 =	simm.s32 $0x1BF5;
	[smem:$0x3FBA] =	sst s0  }
0x18: {  	s0 =	sld [smem:$0x3F9D];
	_ =	swait.ge [sflag:s4], $0x0  }
0x19: {  	s7 =	sld [smem:$0x3F9E]  }
0x1a: {  	s8 =	sadd.s32 $0xFFFFE003, lr  }
0x1b: {  	s9 =	sadd.s32 $0xFFFFFEF7, lr;
	s5 =	simm.s32 $0xFFFFFFFF;
	p2 =	slt.u32 s8, $0xFFFFF086  }
0x1c: {  	p1 =	slt.u32 s9, $0xF7A;
	s5 =	simm.s32 @!p2 $0x0  }
0x1d: {  	s5 =	simm.s32 @p1 $0x1;
	p0 =	seq.s32 s7, s2  }
0x1e: {  	s7 =	smul.u32 @!p0 $0xF7A, s2;
	p2 =	seq.s32 @!p0 s5, $0x0  }
0x1f: {  	s9 =	smul.u32 $0xF7A, s1;
	s8 =	simm.s32 @!p0 $0x1BF5;
	p2 =	por !p2, p0  }
0x20: {  	[sflag:s8] =	ssyncset.s32 @!p0 $0xFFFFF086;
	s6 =	sadd.s32 @!p0 s3, s7;
	s7 =	simm.s32 @!p0 $0x108  }
0x21: {  	s3 =	sadd.s32 s3, s9;
	s6 =	sadd.s32 @!p0 $0x88, s6;
	s7 =	simm.s32 @p2 $0x1082  }
0x22: {  	[simem:s7], [sflag:s8] =	dma.local @!p0 [hbm:s6], $0xF7A  }
0x23: {  	s9 =	sor.u32 $0xD0000000, s2;
	s6 =	simm.s32 $0x108;
	_ =	swait.ge @!p0 [sflag:s8], $0x0  }
0x24: {  	s3 =	sadd.s32 $0x88, s3;
	s6 =	simm.s32 @!p1 $0x1082;
	[sflag:s4] =	ssyncset.s32 $0xFFFFF086  }
0x25: {  	[simem:s6], [sflag:s4] =	dma.local [hbm:s3], $0xF7A  }
0x26: {  	[smem:$0x3F9E] =	sst s1;
	(tag) =	ssettag s2;
	_ =	strace s9  }
0x27: {  	s1 =	sld [smem:$0x3FAE]  }
0x28: {  	s2 =	sld [smem:$0x3FAF]  }
0x29: {  	s4 =	sld [smem:$0x3FB1]  }
0x2a: {  	p0 =	seq.s32 s5, $0x0;
	s5 =	sld [smem:$0x3FB2]  }
0x2b: {  	s6 =	sld [smem:$0x3FB3]  }
0x2c: {  	s7 =	sld [smem:$0x3FB4]  }
0x2d: {  	s3 =	simm.s32 $0x108;
	s8 =	sld [smem:$0x3FB5]  }
0x2e: {  	s3 =	simm.s32 @!p0 $0x1082;
	s9 =	sld [smem:$0x3FB6]  }
0x2f: {  	lr =	sadd.s32 s0, s3;
	s0 =	sld [smem:$0x3FAD]  }
0x30: {  	s3 =	sld [smem:$0x3FB0]  }
0x31: {  	[smem:$0x3FB9] =	sst s10  }
0x32: {  	s10 =	sld [smem:$0x3FB7];
	_ =	sdelay $0x3  }
0x33: {  	p0 =	seq.s32 s10, $0x1;
	s10 =	sld [smem:$0x3FB9];
	_ =	sdelay $0x3  }
0x34: {  	[smem:$0x3FB9] =	sst s10  }
0x35: {  	s10 =	sld [smem:$0x3FB8];
	_ =	sdelay $0x3  }
0x36: {  	p1 =	seq.s32 s10, $0x1;
	s10 =	sld [smem:$0x3FB9];
	_ =	sdelay $0x3  }
0x37: {  	[smem:$0x3FB9] =	sst s10  }
0x38: {  	s10 =	sld [smem:$0x3FBA]  }
0x39: {  	_ = 	snop;
	(pc) =	sbr.ind lr, $3  }
0x3a: {  	_ = 	snop  }
0x3b: {  	_ = 	snop  }
0x3c: {  	p2 =	seq.s32 s10, $0x1;
	s10 =	sld [smem:$0x3FB9]  }
0x3d: {  	_ =	shalt  }
0x3e: {  	_ =	shalt  }
0x3f: {  	_ =	shalt  }
0x40: {  	_ =	shalt  }
0x41: {  	_ =	shalt  }
0x42: {  	_ =	shalt  }
0x43: {  	_ =	shalt  }
0x44: {  	_ =	shalt  }
0x45: {  	_ =	shalt  }
0x46: {  	_ =	shalt  }
0x47: {  	_ =	shalt  }
0x48: {  	_ =	shalt  }
0x49: {  	_ =	shalt  }
0x4a: {  	_ =	shalt  }
0x4b: {  	_ =	shalt  }
0x4c: {  	_ =	shalt  }
0x4d: {  	_ =	shalt  }
0x4e: {  	_ =	shalt  }
0x4f: {  	_ =	shalt  }
0x50: {  	_ =	shalt  }
0x51: {  	_ =	shalt  }
0x52: {  	_ =	shalt  }
0x53: {  	_ =	shalt  }
0x54: {  	_ =	shalt  }
0x55: {  	_ =	shalt  }
0x56: {  	_ =	shalt  }
0x57: {  	_ =	shalt  }
0x58: {  	_ =	shalt  }
0x59: {  	_ =	shalt  }
0x5a: {  	_ =	shalt  }
0x5b: {  	_ =	shalt  }
0x5c: {  	_ =	shalt  }
0x5d: {  	_ =	shalt  }
0x5e: {  	_ =	shalt  }
0x5f: {  	_ =	shalt  }
0x60: {  	_ =	shalt  }
0x61: {  	_ =	shalt  }
0x62: {  	_ =	shalt  }
0x63: {  	_ =	shalt  }
0x64: {  	_ =	shalt  }
0x65: {  	_ =	shalt  }
0x66: {  	_ =	shalt  }
0x67: {  	_ =	shalt  }
0x68: {  	_ =	shalt  }
0x69: {  	_ =	shalt  }
0x6a: {  	_ =	shalt  }
0x6b: {  	_ =	shalt  }
0x6c: {  	_ =	shalt  }
0x6d: {  	_ =	shalt  }
0x6e: {  	_ =	shalt  }
0x6f: {  	_ =	shalt  }
0x70: {  	_ =	shalt  }
0x71: {  	_ =	shalt  }
0x72: {  	_ =	shalt  }
0x73: {  	_ =	shalt  }
0x74: {  	_ =	shalt  }
0x75: {  	_ =	shalt  }
0x76: {  	_ =	shalt  }
0x77: {  	_ =	shalt  }
0x78: {  	_ =	shalt  }
0x79: {  	_ =	shalt  }
0x7a: {  	_ =	shalt  }
0x7b: {  	_ =	shalt  }
0x7c: {  	_ =	shalt  }
0x7d: {  	_ =	shalt  }
0x7e: {  	_ =	shalt  }
0x7f: {  	_ =	shalt  }
0x80: {  	_ =	shalt  }
0x81: {  	_ =	shalt  }
0x82: {  	_ =	shalt  }
0x83: {  	_ =	shalt  }
0x84: {  	_ =	shalt  }
0x85: {  	_ =	shalt  }
0x86: {  	_ =	shalt  }
0x87: {  	_ =	shalt  }
.Lfunc_end0:
.L_simem_size_0:
called_computation_lowered:
.L_overlay_start_0:
0x88: {  	s2 =	sld [smem:$0x3FD9]  }
0x89: {  	s3 =	sld [smem:$0x3FFE];
	_ =	sdelay $0x1  }
0x8a: {  	s1 =	srdreg.scid  }
0x8b: {  	s0 =	sand.u32 $0x1, s1  }
0x8c: {  	s17 =	sshll.u32 s0, $0xA;
	s2 =	sadd.s32 s3, s2  }
0x8d: {  	s2 =	sadd.s32 s2, s17  }
0x8e: {  	[smem:$0x3FC5] =	sst s2  }
0x8f: {  	_ = 	snop  }
0x90: {  	s2 =	sld [smem:$0x3FC9]  }
0x91: {  	s18 =	sld [smem:$0x3FC8]  }
0x92: {  	s4 =	sld [smem:$0x3FC7];
	(tm) =	ssettm $0x1  }
0x93: {  	s5 =	sld [smem:$0x3FFB];
	_ =	sdelay $0x3  }
0x94: {  	_ =	strace s5  }
0x95: {  	s5 =	sld [smem:$0x3FFC];
	_ =	sdelay $0x3  }
0x96: {  	_ =	strace s5  }
0x97: {  	s5 =	sld [smem:$0x3FFD];
	_ =	sdelay $0x3  }
0x98: {  	_ =	strace s5  }
0x99: {  	_ =	strace $0x8FFFFFFF  }
0x9a: {  	s19 =	sld [smem:$0x3FDB];
	_ =	sdelay $0x1  }
0x9b: {  	s6 =	simm.s32 $_scs_section_size  }
0x9c: {  	s7 =	simm.s32 $_size__tile_overlayer_lowered;
	s8 =	simm.s32 $_tile_overlayer_lowered  }
0x9d: {  	s22 =	simm.s32 $0x1BFF;
	s21 =	sshll.u32 s8, $0x1;
	s5 =	sadd.s32 s6, s19  }
0x9e: {  	s9 =	simm.s32 $0x0;
	s20 =	sshll.u32 s7, $0x1;
	s7 =	sadd.s32 s21, s5  }
0x9f: {  	[timem:s9], [sflag:s22] =	dma.local [hbm:s7], s20  }
0xa0: {  	_ =	swait.ge [sflag:s22], s20  }
0xa1: {  	s6 =	ssub.s32 $0x0, s20;
	[sflag:s22] =	ssyncset.done $0x0  }
0xa2: {  	[sflag:s22] =	ssyncadd.s32 s6;
	_ =	sdelay $0x1  }
0xa3: {  	s23 =	simm.s32 $0x1B8B  }
0xa4: {  	_ =	swait.ge [sflag:s23], $0x1  }
0xa5: {  	[sflag:s23] =	ssyncset.done $0x0  }
0xa6: {  	s25 =	simm.s32 $0x1B8E;
	s24 =	sld [smem:$0x3FFE];
	[sflag:s23] =	ssyncadd.s32 $0xFFFFFFFF  }
0xa7: {  	s26 =	simm.s32 $execute0_lowered;
	[smem:$0x3FD2] =	sst s25  }
0xa8: {  	s7 =	sshll.u32 s26, $0x1;
	_ =	strace $0x80000046;
	[dreg:$0x1] =	wrdreg $0xFFFFFFFF  }
0xa9: {  	s28 =	simm.s32 $_size_execute0_lowered;
	s5 =	sadd.s32 s5, s7;
	[dreg:$0x0] =	wrdreg $0x0  }
0xaa: {  	s7 =	sshll.u32 s28, $0x1;
	[dreg:$0x2] =	wrdreg s5  }
0xab: {  	[dreg:$0x3] =	wrdreg s7  }
0xac: {  	[dreg:$0x4] =	wrdreg $0xC0  }
0xad: {  	_ =	task [dreg:s9], $0x5FFFF  }
0xae: {  	[dreg:$0x1] =	wrdreg $0xFFFFFFFF  }
0xaf: {  	[dreg:$0x0] =	wrdreg $0x60  }
0xb0: {  	[dreg:$0x2] =	wrdreg s2  }
0xb1: {  	[dreg:$0x3] =	wrdreg s18  }
0xb2: {  	[dreg:$0x4] =	wrdreg s4  }
0xb3: {  	[dreg:$0x5] =	wrdreg s24  }
0xb4: {  	[dreg:$0x6] =	wrdreg $0x9  }
0xb5: {  	_ =	task.clear_ibuf [dreg:s9], $0x7FFFF;
	_ =	strace $0x90000046  }
0xb6: {  	s29 =	simm.s32 $0x9;
	_ =	strace $0x80000048  }
0xb7: {  	_ =	swait.ge [sflag:s29], $0x1  }
0xb8: {  	[sflag:s29] =	ssyncadd.s32 $0xFFFFFFFF  }
0xb9: {  	_ =	strace $0x90000048  }
0xba: {  	_ =	sfence  }
0xbb: {  	s30 =	sld [smem:$0x0];
	_ =	sdelay $0x2  }
0xbc: {  	s31 =	sshll.u32 s1, $0xD;
	s1 =	sshrl.u32 s1, $0x2  }
0xbd: {  	s3 =	sand.u32 $0x4000, s31;
	s1 =	sadd.s32 s1, s30  }
0xbe: {  	s0 =	sor.u32 s3, s0;
	s1 =	sshll.u32 s1, $0x11  }
0xbf: {  	s0 =	sor.u32 s1, s0  }
0xc0: {  	s0 =	sadd.s32 $0x8F2B, s0  }
0xc1: {  	[sflag:s0] =	ssyncadd.remote.s32 $0x1  }
0xc2: {  	_ =	sfence.sel $0xFFFF  }
0xc3: {  	[dreg:$0x0] =	wrdreg $0xFFFFFFFF;
	(pc) =	sbr.abs _section_cstart, $3  }
0xc4: {  	[dreg:$0x1] =	wrdreg $0xFFFFFFFF  }
0xc5: {  	_ =	task.clear_ibuf [dreg:s9], $0x2FFFF;
	_ =	strace $0x9FFFFFFF  }
0xc6: {  	(tm) =	ssettm $0x7FFFFFFF  }
0xc7: {  	_ =	shalt  }
tec
execute0_lowered:
.L_overlay_start_1:
0x0: {  	(tag) =	ssettag $0x1  }
0x1: {  	s12 =	rddreg [dreg:$0x0]  }
0x2: {  	s13 =	rddreg [dreg:$0x1]  }
0x3: {  	s14 =	rddreg [dreg:$0x2]  }
0x4: {  	s15 =	rddreg [dreg:$0x3];
	s2 =	srdreg.scid  }
0x5: {  	s0 =	rddreg [dreg:$0x4];
	s1 =	stileid.u32;
	s19 =	simm.s32 $0x4000  }
0x6: {  	s20 =	simm.s32 $0xC000;
	s21 =	simm.s32 $0x14000;
	s22 =	simm.s32 $0x1  }
0x7: {  	s23 =	simm.s32 $0x2;
	s24 =	simm.s32 $0x3;
	s25 =	simm.s32 $0x0  }
0x8: {  	s3 =	sand.u32 $0x1, s2;
	s2 =	simm.s32 $0x0;
	s5 =	sshll.u32 s1, $0x1  }
0x9: {  	s4 =	ssub.s32 $0x2, s3;
	[smem:$0x7FF] =	sst s2;
	s16 =	sor.u32 s3, s5  }
0xa: {  	s6 =	sshrl.u32 s4, $0x1;
	_ =	strace $0x80000047;
	s18 =	sshll.u32 s16, $0xD  }
0xb: {  	s16 =	sshll.u32 s16, $0x1;
	s17 =	ssub.s32 s4, s6;
	s3 =	sadd.s32 s12, s18  }
0xc: {  	s4 =	sadd.s32 s13, s18;
	s8 =	sor.u32 $0x800, s18;
	s5 =	sadd.s32 s14, s18  }
0xd: {  	s11 =	sor.u32 $0x1000, s18;
	s18 =	sor.u32 $0x1800, s18;
	s15 =	sadd.s32 s15, s16  }
0xe: {  	s6 =	sadd.s32 s12, s8;
	s7 =	sadd.s32 s13, s8;
	s8 =	sadd.s32 s14, s8  }
0xf: {  	s9 =	sadd.s32 s12, s11;
	s10 =	sadd.s32 s13, s11;
	s11 =	sadd.s32 s14, s11  }
0x10: {  	s12 =	sadd.s32 s12, s18;
	s13 =	sadd.s32 s13, s18;
	s14 =	sadd.s32 s14, s18  }
0x11: {  	v0 =	vimm.f32 $0.0e+00;
	s16 =	smax.u32 s17, $0x1;
	s17 =	simm.s32 $0x8000;
	s18 =	simm.s32 $0x10000  }
.LBB2_1:
0x12: {  	[tilespmem:s2], [sflag:$0x1] =	stream.linear.gather [hbm4b:s3+s2], $0x4000, $0x38;
	[tilespmem:$0x18000] =	vst v63  }
0x13: {  	_ = 	snop  }
0x14: {  	[tilespmem:s17], [sflag:$0x1] =	stream.linear.gather [hbm4b:s4+s2], $0x4000, $0x38;
	[tilespmem:$0x18000] =	vst v63  }
0x15: {  	_ = 	snop  }
0x16: {  	[tilespmem:s18], [sflag:$0x1] =	stream.linear.gather [hbm4b:s5+s2], $0x4000, $0x38;
	[tilespmem:$0x18000] =	vst v63  }
0x17: {  	_ = 	snop  }
0x18: {  	[tilespmem:s19], [sflag:$0x2] =	stream.linear.gather [hbm4b:s6+s2], $0x4000, $0x38;
	[tilespmem:$0x18000] =	vst v63  }
0x19: {  	_ = 	snop  }
0x1a: {  	[tilespmem:s20], [sflag:$0x2] =	stream.linear.gather [hbm4b:s7+s2], $0x4000, $0x38;
	[tilespmem:$0x18000] =	vst v63  }
0x1b: {  	_ = 	snop  }
0x1c: {  	[tilespmem:s21], [sflag:$0x2] =	stream.linear.gather [hbm4b:s8+s2], $0x4000, $0x38;
	[tilespmem:$0x18000] =	vst v63  }
0x1d: {  	_ =	swait.ge [sflag:s22], $0x4000  }
0x1e: {  	[sflag:s22] =	ssyncset.done $0x0  }
0x1f: {  	[sflag:s22] =	ssyncadd.s32 $0xFFFFC000  }
0x20: {  	_ =	swait.ge [sflag:s22], $0x4000  }
0x21: {  	[sflag:s22] =	ssyncset.done $0x0  }
0x22: {  	[sflag:s22] =	ssyncadd.s32 $0xFFFFC000  }
0x23: {  	_ =	swait.ge [sflag:s22], $0x4000  }
0x24: {  	s26 =	sand.u32 $0x3800, s2;
	s28 =	sand.u32 $0x380, s2;
	[sflag:s22] =	ssyncset.done $0x0  }
0x25: {  	s26 =	sor.u32 s28, s26;
	[sflag:s22] =	ssyncadd.s32 $0xFFFFC000  }
0x26: {  	v1 =	vld [tilespmem:s26+$0x470]  }
0x27: {  	v3 =	vld [tilespmem:s26+$0x460]  }
0x28: {  	v7 =	vld [tilespmem:s26+$0x450]  }
0x29: {  	v8 =	vld [tilespmem:s26+$0x440]  }
0x2a: {  	v16 =	vld [tilespmem:s26+$0x430]  }
0x2b: {  	v4 =	vld [tilespmem:s26+$0x420]  }
0x2c: {  	v5 =	vld [tilespmem:s26+$0x410]  }
0x2d: {  	v2 =	vld [tilespmem:s26+$0x400]  }
0x2e: {  	v6 =	vld [tilespmem:s26+$0x70]  }
0x2f: {  	v9 =	vld [tilespmem:s26+$0x60]  }
0x30: {  	v11 =	vld [tilespmem:s26+$0x50]  }
0x31: {  	v10 =	vld [tilespmem:s26+$0x40]  }
0x32: {  	v12 =	vld [tilespmem:s26+$0x30]  }
0x33: {  	v13 =	vld [tilespmem:s26+$0x20]  }
0x34: {  	v14 =	vld [tilespmem:s26+$0x10];
	vm1 =	vgt.f32 v3, $5.000000000e-01  }
0x35: {  	v15 =	vld [tilespmem:s26+$0x0];
	vm2 =	vgt.f32 v1, $5.000000000e-01;
	vm0 =	vgt.f32 v16, $5.000000000e-01;
	vm4 =	vgt.f32 v8, $5.000000000e-01  }
0x36: {  	s29 =	simm.s32 $0x0;
	s28 =	simm.s32 $0x100;
	vm3 =	vgt.f32 v7, $5.000000000e-01;
	v1 =	vld [tilespmem:s26+$0x8470];
	v8 =	vimm.f32 $0.0e+00;
	v7 =	vimm.f32 $0.0e+00  }
.LBB2_2:
0x37: {  	p0 =	sne.s32 s28, $0x3F00;
	vm7 =	vgt.f32 v2, $5.000000000e-01;
	vm8 =	vgt.f32 v5, $5.000000000e-01;
	vm9 =	vgt.f32 v4, $5.000000000e-01;
	v2 =	vld [tilespmem:s26+$0x10470]  }
0x38: {  	vm10 =	vgt.f32 v11, $5.000000000e-01;
	vm11 =	vgt.f32 v9, $5.000000000e-01;
	vm12 =	vgt.f32 v6, $5.000000000e-01;
	v16 =	vld [tilespmem:s26+$0x8020]  }
0x39: {  	vm6 =	vgt.f32 v12, $5.000000000e-01;
	vm13 =	vgt.f32 v10, $5.000000000e-01;
	vm5 =	vgt.f32 v13, $5.000000000e-01;
	v9 =	vld [tilespmem:s26+$0x8000]  }
0x3a: {  	v3 =	vsel vm2, $0x3F800000, v0;
	vm15 =	vgt.f32 v14, $5.000000000e-01;
	vm14 =	vgt.f32 v15, $5.000000000e-01;
	v10 =	vld [tilespmem:s26+$0x10000]  }
0x3b: {  	v6 =	vsel vm4, $0x3F800000, v0;
	v5 =	vsel vm3, $0x3F800000, v0;
	v4 =	vsel vm1, $0x3F800000, v0;
	v11 =	vld [tilespmem:s26+$0x8010]  }
0x3c: {  	v13 =	vsel vm8, $0x3F800000, v0;
	v14 =	vsel vm9, $0x3F800000, v0;
	v15 =	vsel vm0, $0x3F800000, v0;
	v12 =	vld [tilespmem:s26+$0x10010]  }
0x3d: {  	v18 =	vsel vm11, $0x3F800000, v0;
	v19 =	vsel vm12, $0x3F800000, v0;
	v20 =	vsel vm7, $0x3F800000, v0;
	v17 =	vld [tilespmem:s26+$0x10020]  }
0x3e: {  	v23 =	vsel vm13, $0x3F800000, v0;
	v24 =	vsel vm10, $0x3F800000, v0;
	v21 =	vsel vm14, $0x3F800000, v0;
	v22 =	vld [tilespmem:s26+$0x8030]  }
0x3f: {  	v9 =	vsub.f32 v21, v9;
	v10 =	vsub.f32 v21, v10;
	v21 =	vsel vm15, $0x3F800000, v0;
	v25 =	vld [tilespmem:s26+$0x10030]  }
0x40: {  	v27 =	vsel vm6, $0x3F800000, v0;
	v26 =	vsel vm5, $0x3F800000, v0;
	v11 =	vsub.f32 v21, v11;
	v28 =	vld [tilespmem:s26+$0x8040]  }
0x41: {  	v9 =	vmul.f32 v9, v9;
	v10 =	vmul.f32 v10, v10;
	v12 =	vsub.f32 v21, v12;
	v21 =	vld [tilespmem:s26+$0x10040]  }
0x42: {  	v16 =	vsub.f32 v26, v16;
	v11 =	vmul.f32 v11, v11;
	v17 =	vsub.f32 v26, v17;
	v26 =	vld [tilespmem:s26+$0x8050]  }
0x43: {  	v8 =	vadd.f32 v9, v8;
	v7 =	vadd.f32 v10, v7;
	v9 =	vmul.f32 v12, v12;
	v10 =	vld [tilespmem:s26+$0x10050]  }
0x44: {  	v12 =	vmul.f32 v16, v16;
	v16 =	vsub.f32 v27, v22;
	v22 =	vsub.f32 v27, v25;
	v25 =	vld [tilespmem:s26+$0x8060]  }
0x45: {  	v8 =	vadd.f32 v11, v8;
	v7 =	vadd.f32 v9, v7;
	v9 =	vmul.f32 v17, v17;
	v11 =	vld [tilespmem:s26+$0x10060]  }
0x46: {  	v16 =	vmul.f32 v16, v16;
	v17 =	vsub.f32 v23, v28;
	v21 =	vsub.f32 v23, v21;
	v23 =	vld [tilespmem:s26+$0x8070]  }
0x47: {  	v8 =	vadd.f32 v12, v8;
	v7 =	vadd.f32 v9, v7;
	v9 =	vmul.f32 v22, v22;
	v12 =	vld [tilespmem:s26+$0x10070]  }
0x48: {  	v17 =	vmul.f32 v17, v17;
	v22 =	vsub.f32 v24, v26;
	v10 =	vsub.f32 v24, v10;
	v24 =	vld [tilespmem:s26+$0x8400]  }
0x49: {  	v8 =	vadd.f32 v16, v8;
	v7 =	vadd.f32 v9, v7;
	v9 =	vmul.f32 v21, v21;
	v16 =	vld [tilespmem:s26+$0x10400]  }
0x4a: {  	v21 =	vmul.f32 v22, v22;
	v22 =	vsub.f32 v18, v25;
	v11 =	vsub.f32 v18, v11;
	v18 =	vld [tilespmem:s26+$0x8410]  }
0x4b: {  	v8 =	vadd.f32 v17, v8;
	v7 =	vadd.f32 v9, v7;
	v9 =	vmul.f32 v10, v10;
	v10 =	vld [tilespmem:s26+$0x10410]  }
0x4c: {  	v17 =	vmul.f32 v22, v22;
	v22 =	vsub.f32 v19, v23;
	v12 =	vsub.f32 v19, v12;
	v19 =	vld [tilespmem:s26+$0x8420]  }
0x4d: {  	v8 =	vadd.f32 v21, v8;
	v7 =	vadd.f32 v9, v7;
	v9 =	vmul.f32 v11, v11;
	v11 =	vld [tilespmem:s26+$0x10420]  }
0x4e: {  	v21 =	vmul.f32 v22, v22;
	v22 =	vsub.f32 v20, v24;
	v16 =	vsub.f32 v20, v16;
	v20 =	vld [tilespmem:s26+$0x8430]  }
0x4f: {  	v8 =	vadd.f32 v17, v8;
	v7 =	vadd.f32 v9, v7;
	v9 =	vmul.f32 v12, v12;
	v12 =	vld [tilespmem:s26+$0x10430]  }
0x50: {  	v17 =	vmul.f32 v22, v22;
	v18 =	vsub.f32 v13, v18;
	v10 =	vsub.f32 v13, v10;
	v13 =	vld [tilespmem:s26+$0x8440]  }
0x51: {  	v8 =	vadd.f32 v21, v8;
	v7 =	vadd.f32 v9, v7;
	v9 =	vmul.f32 v16, v16;
	v16 =	vld [tilespmem:s26+$0x10440]  }
0x52: {  	v18 =	vmul.f32 v18, v18;
	v19 =	vsub.f32 v14, v19;
	v11 =	vsub.f32 v14, v11;
	v14 =	vld [tilespmem:s26+$0x8450]  }
0x53: {  	s29 =	sadd.s32 $0x80, s29;
	v8 =	vadd.f32 v17, v8;
	v7 =	vadd.f32 v9, v7;
	v9 =	vmul.f32 v10, v10;
	v10 =	vld [tilespmem:s26+$0x10450]  }
0x54: {  	s30 =	sand.u32 $0x3800, s28;
	s31 =	sand.u32 $0x380, s29;
	v17 =	vmul.f32 v19, v19;
	v19 =	vsub.f32 v15, v20;
	v12 =	vsub.f32 v15, v12;
	v15 =	vld [tilespmem:s26+$0x8460]  }
0x55: {  	v8 =	vadd.f32 v18, v8;
	v7 =	vadd.f32 v9, v7;
	v9 =	vmul.f32 v11, v11;
	v11 =	vld [tilespmem:s26+$0x10460];
	s26 =	sor.u32 s31, s30  }
0x56: {  	v19 =	vmul.f32 v19, v19;
	v13 =	vsub.f32 v6, v13;
	v18 =	vld [tilespmem:s26+$0x470];
	v6 =	vsub.f32 v6, v16  }
0x57: {  	v8 =	vadd.f32 v17, v8;
	v16 =	vld [tilespmem:s26+$0x460];
	v7 =	vadd.f32 v9, v7;
	v9 =	vmul.f32 v12, v12  }
0x58: {  	v12 =	vmul.f32 v13, v13;
	v13 =	vsub.f32 v5, v14;
	v17 =	vld [tilespmem:s26+$0x450];
	v5 =	vsub.f32 v5, v10  }
0x59: {  	v8 =	vadd.f32 v19, v8;
	v6 =	vmul.f32 v6, v6;
	v20 =	vld [tilespmem:s26+$0x440];
	v7 =	vadd.f32 v9, v7  }
0x5a: {  	v9 =	vmul.f32 v13, v13;
	v10 =	vsub.f32 v4, v15;
	v19 =	vld [tilespmem:s26+$0x430];
	v11 =	vsub.f32 v4, v11  }
0x5b: {  	v8 =	vadd.f32 v12, v8;
	v4 =	vld [tilespmem:s26+$0x420];
	v6 =	vadd.f32 v6, v7;
	v7 =	vmul.f32 v5, v5  }
0x5c: {  	v1 =	vsub.f32 v3, v1;
	v3 =	vsub.f32 v3, v2;
	v10 =	vmul.f32 v10, v10;
	v5 =	vld [tilespmem:s26+$0x410]  }
0x5d: {  	v8 =	vadd.f32 v9, v8;
	v11 =	vmul.f32 v11, v11;
	v2 =	vld [tilespmem:s26+$0x400];
	v7 =	vadd.f32 v7, v6  }
0x5e: {  	v1 =	vmul.f32 v1, v1;
	v6 =	vld [tilespmem:s26+$0x70]  }
0x5f: {  	v3 =	vmul.f32 v3, v3;
	v8 =	vadd.f32 v10, v8;
	v9 =	vld [tilespmem:s26+$0x60];
	v7 =	vadd.f32 v11, v7  }
0x60: {  	v11 =	vld [tilespmem:s26+$0x50]  }
0x61: {  	v8 =	vadd.f32 v1, v8;
	v10 =	vld [tilespmem:s26+$0x40];
	v7 =	vadd.f32 v3, v7  }
.Ltmp0:
0x62: {  	v12 =	vld [tilespmem:s26+$0x30];
	(pc) =	sbr.rel @p0 .LBB2_2-.Ltmp0, $4  }
0x63: {  	v13 =	vld [tilespmem:s26+$0x20]  }
0x64: {  	v14 =	vld [tilespmem:s26+$0x10]  }
0x65: {  	vm2 =	vgt.f32 v18, $5.000000000e-01;
	vm1 =	vgt.f32 v16, $5.000000000e-01;
	v15 =	vld [tilespmem:s26+$0x0]  }
0x66: {  	s28 =	sadd.s32 $0x100, s28;
	vm3 =	vgt.f32 v17, $5.000000000e-01;
	vm4 =	vgt.f32 v20, $5.000000000e-01;
	vm0 =	vgt.f32 v19, $5.000000000e-01;
	v1 =	vld [tilespmem:s26+$0x8470]  }
0x67: {  	v3 =	vld [tilespmem:s26+$0x10470]  }
0x68: {  	v16 =	vld [tilespmem:s26+$0x8020]  }
0x69: {  	v17 =	vld [tilespmem:s26+$0x8000]  }
0x6a: {  	v18 =	vld [tilespmem:s26+$0x10000]  }
0x6b: {  	v19 =	vld [tilespmem:s26+$0x8010]  }
0x6c: {  	v20 =	vld [tilespmem:s26+$0x10010]  }
0x6d: {  	v21 =	vld [tilespmem:s26+$0x10020]  }
0x6e: {  	v22 =	vld [tilespmem:s26+$0x8030]  }
0x6f: {  	v23 =	vld [tilespmem:s26+$0x10030]  }
0x70: {  	v24 =	vld [tilespmem:s26+$0x8040]  }
0x71: {  	v25 =	vld [tilespmem:s26+$0x10040]  }
0x72: {  	v26 =	vld [tilespmem:s26+$0x8050]  }
0x73: {  	v27 =	vld [tilespmem:s26+$0x10050]  }
0x74: {  	v28 =	vld [tilespmem:s26+$0x8060]  }
0x75: {  	v29 =	vld [tilespmem:s26+$0x10060]  }
0x76: {  	v30 =	vld [tilespmem:s26+$0x8070]  }
0x77: {  	v32 =	vld [tilespmem:s26+$0x8400];
	vm5 =	vgt.f32 v15, $5.000000000e-01  }
0x78: {  	v45 =	vld [tilespmem:s26+$0x8410];
	vm6 =	vgt.f32 v13, $5.000000000e-01;
	v31 =	vsel vm5, $0x3F800000, v0  }
0x79: {  	v34 =	vld [tilespmem:s26+$0x10410];
	v33 =	vsel vm6, $0x3F800000, v0;
	vm5 =	vgt.f32 v14, $5.000000000e-01;
	v14 =	vsub.f32 v31, v17  }
0x7a: {  	v46 =	vld [tilespmem:s26+$0x8420];
	v13 =	vsub.f32 v31, v18;
	v44 =	vsel vm5, $0x3F800000, v0;
	v16 =	vsub.f32 v33, v16  }
0x7b: {  	v47 =	vld [tilespmem:s26+$0x10430];
	v58 =	vsel vm0, $0x3F800000, v0;
	v21 =	vsub.f32 v33, v21;
	v19 =	vsub.f32 v44, v19  }
0x7c: {  	v48 =	vld [tilespmem:s26+$0x10440];
	v18 =	vsub.f32 v44, v20;
	v14 =	vmul.f32 v14, v14;
	v13 =	vmul.f32 v13, v13  }
0x7d: {  	v51 =	vld [tilespmem:s26+$0x8450];
	vm6 =	vgt.f32 v10, $5.000000000e-01;
	v16 =	vmul.f32 v16, v16;
	v49 =	vmul.f32 v21, v21  }
0x7e: {  	v53 =	vld [tilespmem:s26+$0x8460];
	vm5 =	vgt.f32 v12, $5.000000000e-01;
	v19 =	vmul.f32 v19, v19;
	v18 =	vmul.f32 v18, v18  }
0x7f: {  	v54 =	vld [tilespmem:s26+$0x10460];
	v8 =	vadd.f32 v14, v8;
	v14 =	vsel vm5, $0x3F800000, v0;
	v7 =	vadd.f32 v13, v7  }
0x80: {  	v10 =	vld [tilespmem:s26+$0x8440];
	vm5 =	vgt.f32 v11, $5.000000000e-01;
	v11 =	vsel vm6, $0x3F800000, v0;
	v22 =	vsub.f32 v14, v22  }
0x81: {  	v15 =	vld [tilespmem:s26+$0x10070];
	vm6 =	vgt.f32 v6, $5.000000000e-01;
	v14 =	vsub.f32 v14, v23;
	v50 =	vsub.f32 v11, v24  }
0x82: {  	v17 =	vld [tilespmem:s26+$0x10400];
	v11 =	vsub.f32 v11, v25;
	v52 =	vsel vm5, $0x3F800000, v0;
	vm5 =	vgt.f32 v9, $5.000000000e-01  }
0x83: {  	v12 =	vld [tilespmem:s26+$0x10420];
	v55 =	vsel vm6, $0x3F800000, v0;
	vm6 =	vgt.f32 v4, $5.000000000e-01;
	v8 =	vadd.f32 v19, v8  }
0x84: {  	s28 =	simm.s32 $0x0;
	v13 =	vld [tilespmem:s26+$0x8430];
	v4 =	vsel vm4, $0x3F800000, v0;
	v7 =	vadd.f32 v18, v7;
	v9 =	vsub.f32 v52, v26  }
0x85: {  	v25 =	vsub.f32 v52, v27;
	v6 =	vsel vm5, $0x3F800000, v0;
	v8 =	vadd.f32 v16, v8;
	v16 =	vld [tilespmem:s26+$0x10450];
	[tilespmem:s28], [sflag:$0x1] =	stream.linear.gather [hbm4b:s9+s28], $0x4000, $0x38  }
0x86: {  	v15 =	vsub.f32 v55, v15;
	vm5 =	vgt.f32 v2, $5.000000000e-01;
	v57 =	vsel vm6, $0x3F800000, v0  }
0x87: {  	v22 =	vmul.f32 v22, v22;
	v14 =	vmul.f32 v14, v14;
	v7 =	vadd.f32 v49, v7;
	[tilespmem:s17], [sflag:$0x1] =	stream.linear.gather [hbm4b:s10+s28], $0x4000, $0x38;
	[tilespmem:$0x18000] =	vst v63  }
0x88: {  	v10 =	vsub.f32 v4, v10;
	v21 =	vmul.f32 v50, v50;
	v11 =	vmul.f32 v11, v11  }
0x89: {  	v9 =	vmul.f32 v9, v9;
	v8 =	vadd.f32 v22, v8;
	v7 =	vadd.f32 v14, v7;
	[tilespmem:s18], [sflag:$0x1] =	stream.linear.gather [hbm4b:s11+s28], $0x4000, $0x38;
	[tilespmem:$0x18000] =	vst v63  }
0x8a: {  	v2 =	vmul.f32 v25, v25;
	v14 =	vsub.f32 v6, v28;
	v6 =	vsub.f32 v6, v29;
	_ =	swait.ge [sflag:s23], $0x4000  }
0x8b: {  	v10 =	vmul.f32 v10, v10;
	v8 =	vadd.f32 v21, v8;
	v7 =	vadd.f32 v11, v7;
	[sflag:s23] =	ssyncset.done $0x0  }
0x8c: {  	v11 =	vsub.f32 v55, v30;
	v14 =	vmul.f32 v14, v14;
	v6 =	vmul.f32 v6, v6;
	[sflag:s23] =	ssyncadd.s32 $0xFFFFC000  }
0x8d: {  	v8 =	vadd.f32 v9, v8;
	v9 =	vsel vm5, $0x3F800000, v0;
	v2 =	vadd.f32 v2, v7;
	_ =	swait.ge [sflag:s23], $0x4000  }
0x8e: {  	vm5 =	vgt.f32 v5, $5.000000000e-01;
	v5 =	vsel vm3, $0x3F800000, v0;
	v7 =	vsub.f32 v9, v32;
	[sflag:s23] =	ssyncset.done $0x0  }
0x8f: {  	v11 =	vmul.f32 v11, v11;
	v9 =	vsub.f32 v9, v17;
	v8 =	vadd.f32 v14, v8;
	[sflag:s23] =	ssyncadd.s32 $0xFFFFC000  }
0x90: {  	v56 =	vsel vm5, $0x3F800000, v0;
	v2 =	vadd.f32 v6, v2;
	v6 =	vmul.f32 v15, v15;
	_ =	swait.ge [sflag:s23], $0x4000  }
0x91: {  	s31 =	sand.u32 $0x3800, s28;
	s29 =	sand.u32 $0x380, s28;
	v15 =	vsub.f32 v56, v45;
	v7 =	vmul.f32 v7, v7;
	v8 =	vadd.f32 v11, v8;
	[sflag:s23] =	ssyncset.done $0x0  }
0x92: {  	s26 =	sor.u32 s29, s31;
	v11 =	vsub.f32 v56, v34;
	v2 =	vadd.f32 v6, v2;
	v6 =	vmul.f32 v9, v9;
	[sflag:s23] =	ssyncadd.s32 $0xFFFFC000  }
0x93: {  	v9 =	vmul.f32 v15, v15;
	v15 =	vsub.f32 v57, v46;
	v7 =	vadd.f32 v7, v8;
	v59 =	vld [tilespmem:s26+$0x4470]  }
0x94: {  	v8 =	vsub.f32 v57, v12;
	v2 =	vadd.f32 v6, v2;
	v6 =	vmul.f32 v11, v11;
	v60 =	vld [tilespmem:s26+$0x4460]  }
0x95: {  	v11 =	vmul.f32 v15, v15;
	v12 =	vsub.f32 v58, v13;
	v7 =	vadd.f32 v9, v7;
	v61 =	vld [tilespmem:s26+$0x4450]  }
0x96: {  	v9 =	vsub.f32 v58, v47;
	v2 =	vadd.f32 v6, v2;
	v6 =	vmul.f32 v8, v8;
	v62 =	vld [tilespmem:s26+$0x4440]  }
0x97: {  	v17 =	vsel vm1, $0x3F800000, v0;
	v8 =	vmul.f32 v12, v12;
	v63 =	vld [tilespmem:s26+$0x4430];
	v7 =	vadd.f32 v11, v7  }
0x98: {  	v11 =	vsub.f32 v4, v48;
	v6 =	vadd.f32 v6, v2;
	v9 =	vmul.f32 v9, v9;
	v2 =	vld [tilespmem:s26+$0x4420]  }
0x99: {  	v14 =	vsel vm2, $0x3F800000, v0;
	v12 =	vsub.f32 v5, v51;
	v4 =	vld [tilespmem:s26+$0x4410];
	v7 =	vadd.f32 v8, v7  }
0x9a: {  	v8 =	vsub.f32 v5, v16;
	v9 =	vadd.f32 v9, v6;
	v11 =	vmul.f32 v11, v11;
	v5 =	vld [tilespmem:s26+$0x4400]  }
0x9b: {  	v13 =	vsub.f32 v17, v53;
	v12 =	vmul.f32 v12, v12;
	v6 =	vld [tilespmem:s26+$0x4070];
	v7 =	vadd.f32 v10, v7  }
0x9c: {  	v10 =	vsub.f32 v17, v54;
	v15 =	vadd.f32 v11, v9;
	v8 =	vmul.f32 v8, v8;
	v9 =	vld [tilespmem:s26+$0x4060]  }
0x9d: {  	v1 =	vsub.f32 v14, v1;
	v3 =	vsub.f32 v14, v3;
	v13 =	vmul.f32 v13, v13;
	v11 =	vld [tilespmem:s26+$0x4050]  }
0x9e: {  	v7 =	vadd.f32 v12, v7;
	v8 =	vadd.f32 v8, v15;
	v14 =	vmul.f32 v10, v10;
	v10 =	vld [tilespmem:s26+$0x4040]  }
0x9f: {  	v1 =	vmul.f32 v1, v1;
	v12 =	vld [tilespmem:s26+$0x4030]  }
0xa0: {  	v3 =	vmul.f32 v3, v3;
	v7 =	vadd.f32 v13, v7;
	v15 =	vadd.f32 v14, v8;
	v13 =	vld [tilespmem:s26+$0x4020]  }
0xa1: {  	vm1 =	vgt.f32 v60, $5.000000000e-01;
	v14 =	vld [tilespmem:s26+$0x4010]  }
0xa2: {  	vm2 =	vgt.f32 v59, $5.000000000e-01;
	v8 =	vadd.f32 v1, v7;
	v7 =	vadd.f32 v3, v15;
	v15 =	vld [tilespmem:s26+$0x4000]  }
0xa3: {  	s29 =	simm.s32 $0x100;
	vm0 =	vgt.f32 v63, $5.000000000e-01;
	vm4 =	vgt.f32 v62, $5.000000000e-01;
	vm3 =	vgt.f32 v61, $5.000000000e-01;
	v1 =	vld [tilespmem:s26+$0xC470]  }
.LBB2_4:
0xa4: {  	p0 =	sne.s32 s29, $0x3F00;
	vm7 =	vgt.f32 v5, $5.000000000e-01;
	vm8 =	vgt.f32 v4, $5.000000000e-01;
	vm9 =	vgt.f32 v2, $5.000000000e-01;
	v3 =	vld [tilespmem:s26+$0x14470]  }
0xa5: {  	vm10 =	vgt.f32 v11, $5.000000000e-01;
	vm11 =	vgt.f32 v9, $5.000000000e-01;
	vm12 =	vgt.f32 v6, $5.000000000e-01;
	v16 =	vld [tilespmem:s26+$0xC020]  }
0xa6: {  	vm6 =	vgt.f32 v12, $5.000000000e-01;
	vm13 =	vgt.f32 v10, $5.000000000e-01;
	vm5 =	vgt.f32 v13, $5.000000000e-01;
	v9 =	vld [tilespmem:s26+$0xC000]  }
0xa7: {  	v5 =	vsel vm2, $0x3F800000, v0;
	vm15 =	vgt.f32 v14, $5.000000000e-01;
	vm14 =	vgt.f32 v15, $5.000000000e-01;
	v10 =	vld [tilespmem:s26+$0x14000]  }
0xa8: {  	v6 =	vsel vm4, $0x3F800000, v0;
	v4 =	vsel vm3, $0x3F800000, v0;
	v2 =	vsel vm1, $0x3F800000, v0;
	v11 =	vld [tilespmem:s26+$0xC010]  }
0xa9: {  	v13 =	vsel vm8, $0x3F800000, v0;
	v14 =	vsel vm9, $0x3F800000, v0;
	v15 =	vsel vm0, $0x3F800000, v0;
	v12 =	vld [tilespmem:s26+$0x14010]  }
0xaa: {  	v18 =	vsel vm11, $0x3F800000, v0;
	v19 =	vsel vm12, $0x3F800000, v0;
	v20 =	vsel vm7, $0x3F800000, v0;
	v17 =	vld [tilespmem:s26+$0x14020]  }
0xab: {  	v23 =	vsel vm13, $0x3F800000, v0;
	v24 =	vsel vm10, $0x3F800000, v0;
	v21 =	vsel vm14, $0x3F800000, v0;
	v22 =	vld [tilespmem:s26+$0xC030]  }
0xac: {  	v9 =	vsub.f32 v21, v9;
	v10 =	vsub.f32 v21, v10;
	v21 =	vsel vm15, $0x3F800000, v0;
	v25 =	vld [tilespmem:s26+$0x14030]  }
0xad: {  	v27 =	vsel vm6, $0x3F800000, v0;
	v26 =	vsel vm5, $0x3F800000, v0;
	v11 =	vsub.f32 v21, v11;
	v28 =	vld [tilespmem:s26+$0xC040]  }
0xae: {  	v9 =	vmul.f32 v9, v9;
	v10 =	vmul.f32 v10, v10;
	v12 =	vsub.f32 v21, v12;
	v21 =	vld [tilespmem:s26+$0x14040]  }
0xaf: {  	v16 =	vsub.f32 v26, v16;
	v11 =	vmul.f32 v11, v11;
	v17 =	vsub.f32 v26, v17;
	v26 =	vld [tilespmem:s26+$0xC050]  }
0xb0: {  	v8 =	vadd.f32 v9, v8;
	v7 =	vadd.f32 v10, v7;
	v9 =	vmul.f32 v12, v12;
	v10 =	vld [tilespmem:s26+$0x14050]  }
0xb1: {  	v12 =	vmul.f32 v16, v16;
	v16 =	vsub.f32 v27, v22;
	v22 =	vsub.f32 v27, v25;
	v25 =	vld [tilespmem:s26+$0xC060]  }
0xb2: {  	v8 =	vadd.f32 v11, v8;
	v7 =	vadd.f32 v9, v7;
	v9 =	vmul.f32 v17, v17;
	v11 =	vld [tilespmem:s26+$0x14060]  }
0xb3: {  	v16 =	vmul.f32 v16, v16;
	v17 =	vsub.f32 v23, v28;
	v21 =	vsub.f32 v23, v21;
	v23 =	vld [tilespmem:s26+$0xC070]  }
0xb4: {  	v8 =	vadd.f32 v12, v8;
	v7 =	vadd.f32 v9, v7;
	v9 =	vmul.f32 v22, v22;
	v12 =	vld [tilespmem:s26+$0x14070]  }
0xb5: {  	v17 =	vmul.f32 v17, v17;
	v22 =	vsub.f32 v24, v26;
	v10 =	vsub.f32 v24, v10;
	v24 =	vld [tilespmem:s26+$0xC400]  }
0xb6: {  	v8 =	vadd.f32 v16, v8;
	v7 =	vadd.f32 v9, v7;
	v9 =	vmul.f32 v21, v21;
	v16 =	vld [tilespmem:s26+$0x14400]  }
0xb7: {  	v21 =	vmul.f32 v22, v22;
	v22 =	vsub.f32 v18, v25;
	v11 =	vsub.f32 v18, v11;
	v18 =	vld [tilespmem:s26+$0xC410]  }
0xb8: {  	v8 =	vadd.f32 v17, v8;
	v7 =	vadd.f32 v9, v7;
	v9 =	vmul.f32 v10, v10;
	v10 =	vld [tilespmem:s26+$0x14410]  }
0xb9: {  	v17 =	vmul.f32 v22, v22;
	v22 =	vsub.f32 v19, v23;
	v12 =	vsub.f32 v19, v12;
	v19 =	vld [tilespmem:s26+$0xC420]  }
0xba: {  	v8 =	vadd.f32 v21, v8;
	v7 =	vadd.f32 v9, v7;
	v9 =	vmul.f32 v11, v11;
	v11 =	vld [tilespmem:s26+$0x14420]  }
0xbb: {  	v21 =	vmul.f32 v22, v22;
	v22 =	vsub.f32 v20, v24;
	v16 =	vsub.f32 v20, v16;
	v20 =	vld [tilespmem:s26+$0xC430]  }
0xbc: {  	v8 =	vadd.f32 v17, v8;
	v7 =	vadd.f32 v9, v7;
	v9 =	vmul.f32 v12, v12;
	v12 =	vld [tilespmem:s26+$0x14430]  }
0xbd: {  	v17 =	vmul.f32 v22, v22;
	v18 =	vsub.f32 v13, v18;
	v10 =	vsub.f32 v13, v10;
	v13 =	vld [tilespmem:s26+$0xC440]  }
0xbe: {  	v8 =	vadd.f32 v21, v8;
	v7 =	vadd.f32 v9, v7;
	v9 =	vmul.f32 v16, v16;
	v16 =	vld [tilespmem:s26+$0x14440]  }
0xbf: {  	v18 =	vmul.f32 v18, v18;
	v19 =	vsub.f32 v14, v19;
	v11 =	vsub.f32 v14, v11;
	v14 =	vld [tilespmem:s26+$0xC450]  }
0xc0: {  	s28 =	sadd.s32 $0x80, s28;
	v8 =	vadd.f32 v17, v8;
	v7 =	vadd.f32 v9, v7;
	v9 =	vmul.f32 v10, v10;
	v10 =	vld [tilespmem:s26+$0x14450]  }
0xc1: {  	s30 =	sand.u32 $0x3800, s29;
	s31 =	sand.u32 $0x380, s28;
	v17 =	vmul.f32 v19, v19;
	v19 =	vsub.f32 v15, v20;
	v12 =	vsub.f32 v15, v12;
	v15 =	vld [tilespmem:s26+$0xC460]  }
0xc2: {  	v8 =	vadd.f32 v18, v8;
	v7 =	vadd.f32 v9, v7;
	v9 =	vmul.f32 v11, v11;
	v11 =	vld [tilespmem:s26+$0x14460];
	s26 =	sor.u32 s31, s30  }
0xc3: {  	v19 =	vmul.f32 v19, v19;
	v13 =	vsub.f32 v6, v13;
	v18 =	vld [tilespmem:s26+$0x4470];
	v6 =	vsub.f32 v6, v16  }
0xc4: {  	v8 =	vadd.f32 v17, v8;
	v16 =	vld [tilespmem:s26+$0x4460];
	v7 =	vadd.f32 v9, v7;
	v9 =	vmul.f32 v12, v12  }
0xc5: {  	v12 =	vmul.f32 v13, v13;
	v13 =	vsub.f32 v4, v14;
	v17 =	vld [tilespmem:s26+$0x4450];
	v4 =	vsub.f32 v4, v10  }
0xc6: {  	v8 =	vadd.f32 v19, v8;
	v6 =	vmul.f32 v6, v6;
	v20 =	vld [tilespmem:s26+$0x4440];
	v7 =	vadd.f32 v9, v7  }
0xc7: {  	v9 =	vmul.f32 v13, v13;
	v10 =	vsub.f32 v2, v15;
	v19 =	vld [tilespmem:s26+$0x4430];
	v11 =	vsub.f32 v2, v11  }
0xc8: {  	v8 =	vadd.f32 v12, v8;
	v2 =	vld [tilespmem:s26+$0x4420];
	v6 =	vadd.f32 v6, v7;
	v7 =	vmul.f32 v4, v4  }
0xc9: {  	v1 =	vsub.f32 v5, v1;
	v3 =	vsub.f32 v5, v3;
	v10 =	vmul.f32 v10, v10;
	v4 =	vld [tilespmem:s26+$0x4410]  }
0xca: {  	v8 =	vadd.f32 v9, v8;
	v11 =	vmul.f32 v11, v11;
	v5 =	vld [tilespmem:s26+$0x4400];
	v7 =	vadd.f32 v7, v6  }
0xcb: {  	v1 =	vmul.f32 v1, v1;
	v6 =	vld [tilespmem:s26+$0x4070]  }
0xcc: {  	v3 =	vmul.f32 v3, v3;
	v8 =	vadd.f32 v10, v8;
	v9 =	vld [tilespmem:s26+$0x4060];
	v7 =	vadd.f32 v11, v7  }
0xcd: {  	v11 =	vld [tilespmem:s26+$0x4050]  }
0xce: {  	v8 =	vadd.f32 v1, v8;
	v10 =	vld [tilespmem:s26+$0x4040];
	v7 =	vadd.f32 v3, v7  }
.Ltmp1:
0xcf: {  	v12 =	vld [tilespmem:s26+$0x4030];
	(pc) =	sbr.rel @p0 .LBB2_4-.Ltmp1, $4  }
0xd0: {  	v13 =	vld [tilespmem:s26+$0x4020]  }
0xd1: {  	v14 =	vld [tilespmem:s26+$0x4010]  }
0xd2: {  	vm2 =	vgt.f32 v18, $5.000000000e-01;
	vm1 =	vgt.f32 v16, $5.000000000e-01;
	v15 =	vld [tilespmem:s26+$0x4000]  }
0xd3: {  	s29 =	sadd.s32 $0x100, s29;
	vm3 =	vgt.f32 v17, $5.000000000e-01;
	vm4 =	vgt.f32 v20, $5.000000000e-01;
	vm0 =	vgt.f32 v19, $5.000000000e-01;
	v1 =	vld [tilespmem:s26+$0xC470]  }
0xd4: {  	v3 =	vld [tilespmem:s26+$0x14470]  }
0xd5: {  	v16 =	vld [tilespmem:s26+$0xC020]  }
0xd6: {  	v17 =	vld [tilespmem:s26+$0xC000]  }
0xd7: {  	v18 =	vld [tilespmem:s26+$0x14000]  }
0xd8: {  	v19 =	vld [tilespmem:s26+$0xC010]  }
0xd9: {  	v20 =	vld [tilespmem:s26+$0x14010]  }
0xda: {  	v21 =	vld [tilespmem:s26+$0x14020]  }
0xdb: {  	v22 =	vld [tilespmem:s26+$0xC030]  }
0xdc: {  	v23 =	vld [tilespmem:s26+$0x14030]  }
0xdd: {  	v24 =	vld [tilespmem:s26+$0xC040]  }
0xde: {  	v25 =	vld [tilespmem:s26+$0x14040]  }
0xdf: {  	v26 =	vld [tilespmem:s26+$0xC050]  }
0xe0: {  	v27 =	vld [tilespmem:s26+$0x14050]  }
0xe1: {  	v28 =	vld [tilespmem:s26+$0xC060]  }
0xe2: {  	v29 =	vld [tilespmem:s26+$0x14060]  }
0xe3: {  	v30 =	vld [tilespmem:s26+$0xC070]  }
0xe4: {  	v32 =	vld [tilespmem:s26+$0xC400]  }
0xe5: {  	v45 =	vld [tilespmem:s26+$0xC410];
	vm5 =	vgt.f32 v15, $5.000000000e-01  }
0xe6: {  	v34 =	vld [tilespmem:s26+$0x14410];
	v58 =	vsel vm0, $0x3F800000, v0;
	vm6 =	vgt.f32 v13, $5.000000000e-01;
	v31 =	vsel vm5, $0x3F800000, v0  }
0xe7: {  	v46 =	vld [tilespmem:s26+$0xC420];
	v33 =	vsel vm6, $0x3F800000, v0;
	vm5 =	vgt.f32 v14, $5.000000000e-01;
	v14 =	vsub.f32 v31, v17  }
0xe8: {  	v47 =	vld [tilespmem:s26+$0x14430];
	v13 =	vsub.f32 v31, v18;
	v44 =	vsel vm5, $0x3F800000, v0;
	v16 =	vsub.f32 v33, v16  }
0xe9: {  	v48 =	vld [tilespmem:s26+$0x14440];
	vm6 =	vgt.f32 v10, $5.000000000e-01;
	v21 =	vsub.f32 v33, v21;
	v19 =	vsub.f32 v44, v19  }
0xea: {  	v51 =	vld [tilespmem:s26+$0xC450];
	v18 =	vsub.f32 v44, v20;
	v14 =	vmul.f32 v14, v14;
	v13 =	vmul.f32 v13, v13  }
0xeb: {  	v53 =	vld [tilespmem:s26+$0xC460];
	vm5 =	vgt.f32 v12, $5.000000000e-01;
	v16 =	vmul.f32 v16, v16;
	v49 =	vmul.f32 v21, v21  }
0xec: {  	v54 =	vld [tilespmem:s26+$0x14460];
	v19 =	vmul.f32 v19, v19;
	v18 =	vmul.f32 v18, v18;
	v8 =	vadd.f32 v14, v8  }
0xed: {  	v10 =	vld [tilespmem:s26+$0xC440];
	v14 =	vsel vm5, $0x3F800000, v0;
	v7 =	vadd.f32 v13, v7;
	vm5 =	vgt.f32 v11, $5.000000000e-01  }
0xee: {  	v15 =	vld [tilespmem:s26+$0x14070];
	v11 =	vsel vm6, $0x3F800000, v0;
	v22 =	vsub.f32 v14, v22;
	v14 =	vsub.f32 v14, v23  }
0xef: {  	v17 =	vld [tilespmem:s26+$0x14400];
	vm6 =	vgt.f32 v6, $5.000000000e-01;
	v50 =	vsub.f32 v11, v24;
	v11 =	vsub.f32 v11, v25  }
0xf0: {  	v12 =	vld [tilespmem:s26+$0x14420];
	v52 =	vsel vm5, $0x3F800000, v0;
	vm5 =	vgt.f32 v9, $5.000000000e-01;
	v8 =	vadd.f32 v19, v8  }
0xf1: {  	s28 =	simm.s32 $0x0;
	v13 =	vld [tilespmem:s26+$0xC430];
	v55 =	vsel vm6, $0x3F800000, v0;
	vm6 =	vgt.f32 v2, $5.000000000e-01;
	v7 =	vadd.f32 v18, v7  }
0xf2: {  	v2 =	vsel vm4, $0x3F800000, v0;
	v9 =	vsub.f32 v52, v26;
	v8 =	vadd.f32 v16, v8;
	v16 =	vld [tilespmem:s26+$0x14450];
	[tilespmem:s19], [sflag:$0x2] =	stream.linear.gather [hbm4b:s12+s28], $0x4000, $0x38  }
0xf3: {  	v25 =	vsub.f32 v52, v27;
	v6 =	vsel vm5, $0x3F800000, v0;
	v15 =	vsub.f32 v55, v15  }
0xf4: {  	v22 =	vmul.f32 v22, v22;
	v14 =	vmul.f32 v14, v14;
	v7 =	vadd.f32 v49, v7;
	[tilespmem:s20], [sflag:$0x2] =	stream.linear.gather [hbm4b:s13+s28], $0x4000, $0x38;
	[tilespmem:$0x18000] =	vst v63  }
0xf5: {  	vm5 =	vgt.f32 v5, $5.000000000e-01;
	v57 =	vsel vm6, $0x3F800000, v0;
	v21 =	vmul.f32 v50, v50  }
0xf6: {  	v11 =	vmul.f32 v11, v11;
	v8 =	vadd.f32 v22, v8;
	v7 =	vadd.f32 v14, v7;
	[tilespmem:s21], [sflag:$0x2] =	stream.linear.gather [hbm4b:s14+s28], $0x4000, $0x38;
	[tilespmem:$0x18000] =	vst v63  }
0xf7: {  	v10 =	vsub.f32 v2, v10;
	v9 =	vmul.f32 v9, v9;
	v14 =	vsub.f32 v6, v28;
	_ =	swait.ge [sflag:s22], $0x4000  }
0xf8: {  	v5 =	vmul.f32 v25, v25;
	v8 =	vadd.f32 v21, v8;
	v7 =	vadd.f32 v11, v7;
	[sflag:s22] =	ssyncset.done $0x0  }
0xf9: {  	v6 =	vsub.f32 v6, v29;
	v11 =	vsub.f32 v55, v30;
	v14 =	vmul.f32 v14, v14;
	[sflag:s22] =	ssyncadd.s32 $0xFFFFC000  }
0xfa: {  	v8 =	vadd.f32 v9, v8;
	v9 =	vsel vm5, $0x3F800000, v0;
	v5 =	vadd.f32 v5, v7;
	_ =	swait.ge [sflag:s22], $0x4000  }
0xfb: {  	vm5 =	vgt.f32 v4, $5.000000000e-01;
	v4 =	vmul.f32 v6, v6;
	v7 =	vsub.f32 v9, v32;
	[sflag:s22] =	ssyncset.done $0x0  }
0xfc: {  	v11 =	vmul.f32 v11, v11;
	v9 =	vsub.f32 v9, v17;
	v8 =	vadd.f32 v14, v8;
	[sflag:s22] =	ssyncadd.s32 $0xFFFFC000  }
0xfd: {  	v6 =	vsel vm5, $0x3F800000, v0;
	v4 =	vadd.f32 v4, v5;
	v5 =	vmul.f32 v15, v15;
	_ =	swait.ge [sflag:s22], $0x4000  }
0xfe: {  	s31 =	sand.u32 $0x3800, s28;
	s29 =	sand.u32 $0x380, s28;
	v15 =	vsub.f32 v6, v45;
	v7 =	vmul.f32 v7, v7;
	v8 =	vadd.f32 v11, v8;
	[sflag:s22] =	ssyncset.done $0x0  }
0xff: {  	s26 =	sor.u32 s29, s31;
	v6 =	vsub.f32 v6, v34;
	v4 =	vadd.f32 v5, v4;
	v5 =	vmul.f32 v9, v9;
	[sflag:s22] =	ssyncadd.s32 $0xFFFFC000  }
0x100: {  	v9 =	vmul.f32 v15, v15;
	v11 =	vsub.f32 v57, v46;
	v7 =	vadd.f32 v7, v8;
	v59 =	vld [tilespmem:s26+$0x470]  }
0x101: {  	v8 =	vsub.f32 v57, v12;
	v4 =	vadd.f32 v5, v4;
	v5 =	vmul.f32 v6, v6;
	v60 =	vld [tilespmem:s26+$0x460]  }
0x102: {  	v6 =	vmul.f32 v11, v11;
	v11 =	vsub.f32 v58, v13;
	v7 =	vadd.f32 v9, v7;
	v61 =	vld [tilespmem:s26+$0x450]  }
0x103: {  	v9 =	vsub.f32 v58, v47;
	v4 =	vadd.f32 v5, v4;
	v5 =	vmul.f32 v8, v8;
	v62 =	vld [tilespmem:s26+$0x440]  }
0x104: {  	v17 =	vsel vm3, $0x3F800000, v0;
	v8 =	vmul.f32 v11, v11;
	v63 =	vld [tilespmem:s26+$0x430];
	v6 =	vadd.f32 v6, v7  }
0x105: {  	v7 =	vsub.f32 v2, v48;
	v5 =	vadd.f32 v5, v4;
	v9 =	vmul.f32 v9, v9;
	v2 =	vld [tilespmem:s26+$0x420]  }
0x106: {  	v10 =	vmul.f32 v10, v10;
	v11 =	vsub.f32 v17, v51;
	v4 =	vld [tilespmem:s26+$0x410];
	v6 =	vadd.f32 v8, v6  }
0x107: {  	v8 =	vsub.f32 v17, v16;
	v9 =	vadd.f32 v9, v5;
	v7 =	vmul.f32 v7, v7;
	v5 =	vld [tilespmem:s26+$0x400]  }
0x108: {  	v56 =	vsel vm1, $0x3F800000, v0;
	v11 =	vmul.f32 v11, v11;
	v10 =	vadd.f32 v10, v6;
	v6 =	vld [tilespmem:s26+$0x70]  }
0x109: {  	v12 =	vsub.f32 v56, v53;
	v7 =	vadd.f32 v7, v9;
	v9 =	vmul.f32 v8, v8;
	v8 =	vld [tilespmem:s26+$0x60]  }
0x10a: {  	v14 =	vsel vm2, $0x3F800000, v0;
	v13 =	vsub.f32 v56, v54;
	v15 =	vadd.f32 v11, v10;
	v11 =	vld [tilespmem:s26+$0x50]  }
0x10b: {  	v1 =	vsub.f32 v14, v1;
	v12 =	vmul.f32 v12, v12;
	v10 =	vld [tilespmem:s26+$0x40]  }
0x10c: {  	v3 =	vsub.f32 v14, v3;
	v7 =	vadd.f32 v9, v7;
	v9 =	vmul.f32 v13, v13;
	v13 =	vld [tilespmem:s26+$0x20]  }
0x10d: {  	v1 =	vmul.f32 v1, v1;
	v14 =	vadd.f32 v12, v15;
	v12 =	vld [tilespmem:s26+$0x30]  }
0x10e: {  	v3 =	vmul.f32 v3, v3;
	vm1 =	vgt.f32 v60, $5.000000000e-01;
	v7 =	vadd.f32 v9, v7;
	v15 =	vld [tilespmem:s26+$0x0]  }
0x10f: {  	vm2 =	vgt.f32 v59, $5.000000000e-01;
	vm0 =	vgt.f32 v63, $5.000000000e-01;
	v9 =	vadd.f32 v1, v14;
	v14 =	vld [tilespmem:s26+$0x10]  }
0x110: {  	s29 =	simm.s32 $0x100;
	vm4 =	vgt.f32 v62, $5.000000000e-01;
	vm3 =	vgt.f32 v61, $5.000000000e-01;
	v7 =	vadd.f32 v3, v7;
	v1 =	vld [tilespmem:s26+$0x8470]  }
.LBB2_6:
0x111: {  	p0 =	sne.s32 s29, $0x3F00;
	vm7 =	vgt.f32 v5, $5.000000000e-01;
	vm8 =	vgt.f32 v4, $5.000000000e-01;
	vm9 =	vgt.f32 v2, $5.000000000e-01;
	v3 =	vld [tilespmem:s26+$0x10470]  }
0x112: {  	vm10 =	vgt.f32 v11, $5.000000000e-01;
	vm11 =	vgt.f32 v8, $5.000000000e-01;
	vm12 =	vgt.f32 v6, $5.000000000e-01;
	v16 =	vld [tilespmem:s26+$0x8020]  }
0x113: {  	vm6 =	vgt.f32 v12, $5.000000000e-01;
	vm13 =	vgt.f32 v10, $5.000000000e-01;
	vm5 =	vgt.f32 v13, $5.000000000e-01;
	v8 =	vld [tilespmem:s26+$0x8000]  }
0x114: {  	v5 =	vsel vm2, $0x3F800000, v0;
	vm15 =	vgt.f32 v14, $5.000000000e-01;
	vm14 =	vgt.f32 v15, $5.000000000e-01;
	v10 =	vld [tilespmem:s26+$0x10000]  }
0x115: {  	v6 =	vsel vm4, $0x3F800000, v0;
	v4 =	vsel vm3, $0x3F800000, v0;
	v2 =	vsel vm1, $0x3F800000, v0;
	v11 =	vld [tilespmem:s26+$0x8010]  }
0x116: {  	v13 =	vsel vm8, $0x3F800000, v0;
	v14 =	vsel vm9, $0x3F800000, v0;
	v15 =	vsel vm0, $0x3F800000, v0;
	v12 =	vld [tilespmem:s26+$0x10010]  }
0x117: {  	v18 =	vsel vm11, $0x3F800000, v0;
	v19 =	vsel vm12, $0x3F800000, v0;
	v20 =	vsel vm7, $0x3F800000, v0;
	v17 =	vld [tilespmem:s26+$0x10020]  }
0x118: {  	v23 =	vsel vm13, $0x3F800000, v0;
	v24 =	vsel vm10, $0x3F800000, v0;
	v21 =	vsel vm14, $0x3F800000, v0;
	v22 =	vld [tilespmem:s26+$0x8030]  }
0x119: {  	v8 =	vsub.f32 v21, v8;
	v10 =	vsub.f32 v21, v10;
	v21 =	vsel vm15, $0x3F800000, v0;
	v25 =	vld [tilespmem:s26+$0x10030]  }
0x11a: {  	v27 =	vsel vm6, $0x3F800000, v0;
	v26 =	vsel vm5, $0x3F800000, v0;
	v11 =	vsub.f32 v21, v11;
	v28 =	vld [tilespmem:s26+$0x8040]  }
0x11b: {  	v8 =	vmul.f32 v8, v8;
	v10 =	vmul.f32 v10, v10;
	v12 =	vsub.f32 v21, v12;
	v21 =	vld [tilespmem:s26+$0x10040]  }
0x11c: {  	v16 =	vsub.f32 v26, v16;
	v11 =	vmul.f32 v11, v11;
	v17 =	vsub.f32 v26, v17;
	v26 =	vld [tilespmem:s26+$0x8050]  }
0x11d: {  	v8 =	vadd.f32 v8, v9;
	v7 =	vadd.f32 v10, v7;
	v9 =	vmul.f32 v12, v12;
	v10 =	vld [tilespmem:s26+$0x10050]  }
0x11e: {  	v12 =	vmul.f32 v16, v16;
	v16 =	vsub.f32 v27, v22;
	v22 =	vsub.f32 v27, v25;
	v25 =	vld [tilespmem:s26+$0x8060]  }
0x11f: {  	v8 =	vadd.f32 v11, v8;
	v7 =	vadd.f32 v9, v7;
	v9 =	vmul.f32 v17, v17;
	v11 =	vld [tilespmem:s26+$0x10060]  }
0x120: {  	v16 =	vmul.f32 v16, v16;
	v17 =	vsub.f32 v23, v28;
	v21 =	vsub.f32 v23, v21;
	v23 =	vld [tilespmem:s26+$0x8070]  }
0x121: {  	v8 =	vadd.f32 v12, v8;
	v7 =	vadd.f32 v9, v7;
	v9 =	vmul.f32 v22, v22;
	v12 =	vld [tilespmem:s26+$0x10070]  }
0x122: {  	v17 =	vmul.f32 v17, v17;
	v22 =	vsub.f32 v24, v26;
	v10 =	vsub.f32 v24, v10;
	v24 =	vld [tilespmem:s26+$0x8400]  }
0x123: {  	v8 =	vadd.f32 v16, v8;
	v7 =	vadd.f32 v9, v7;
	v9 =	vmul.f32 v21, v21;
	v16 =	vld [tilespmem:s26+$0x10400]  }
0x124: {  	v21 =	vmul.f32 v22, v22;
	v22 =	vsub.f32 v18, v25;
	v11 =	vsub.f32 v18, v11;
	v18 =	vld [tilespmem:s26+$0x8410]  }
0x125: {  	v8 =	vadd.f32 v17, v8;
	v7 =	vadd.f32 v9, v7;
	v9 =	vmul.f32 v10, v10;
	v10 =	vld [tilespmem:s26+$0x10410]  }
0x126: {  	v17 =	vmul.f32 v22, v22;
	v22 =	vsub.f32 v19, v23;
	v12 =	vsub.f32 v19, v12;
	v19 =	vld [tilespmem:s26+$0x8420]  }
0x127: {  	v8 =	vadd.f32 v21, v8;
	v7 =	vadd.f32 v9, v7;
	v9 =	vmul.f32 v11, v11;
	v11 =	vld [tilespmem:s26+$0x10420]  }
0x128: {  	v21 =	vmul.f32 v22, v22;
	v22 =	vsub.f32 v20, v24;
	v16 =	vsub.f32 v20, v16;
	v20 =	vld [tilespmem:s26+$0x8430]  }
0x129: {  	v8 =	vadd.f32 v17, v8;
	v7 =	vadd.f32 v9, v7;
	v9 =	vmul.f32 v12, v12;
	v12 =	vld [tilespmem:s26+$0x10430]  }
0x12a: {  	v17 =	vmul.f32 v22, v22;
	v18 =	vsub.f32 v13, v18;
	v10 =	vsub.f32 v13, v10;
	v13 =	vld [tilespmem:s26+$0x8440]  }
0x12b: {  	v8 =	vadd.f32 v21, v8;
	v7 =	vadd.f32 v9, v7;
	v9 =	vmul.f32 v16, v16;
	v16 =	vld [tilespmem:s26+$0x10440]  }
0x12c: {  	v18 =	vmul.f32 v18, v18;
	v19 =	vsub.f32 v14, v19;
	v11 =	vsub.f32 v14, v11;
	v14 =	vld [tilespmem:s26+$0x8450]  }
0x12d: {  	s28 =	sadd.s32 $0x80, s28;
	v8 =	vadd.f32 v17, v8;
	v7 =	vadd.f32 v9, v7;
	v9 =	vmul.f32 v10, v10;
	v10 =	vld [tilespmem:s26+$0x10450]  }
0x12e: {  	s30 =	sand.u32 $0x3800, s29;
	s31 =	sand.u32 $0x380, s28;
	v17 =	vmul.f32 v19, v19;
	v19 =	vsub.f32 v15, v20;
	v12 =	vsub.f32 v15, v12;
	v15 =	vld [tilespmem:s26+$0x8460]  }
0x12f: {  	v8 =	vadd.f32 v18, v8;
	v7 =	vadd.f32 v9, v7;
	v9 =	vmul.f32 v11, v11;
	v11 =	vld [tilespmem:s26+$0x10460];
	s26 =	sor.u32 s31, s30  }
0x130: {  	v19 =	vmul.f32 v19, v19;
	v13 =	vsub.f32 v6, v13;
	v18 =	vld [tilespmem:s26+$0x470];
	v6 =	vsub.f32 v6, v16  }
0x131: {  	v8 =	vadd.f32 v17, v8;
	v16 =	vld [tilespmem:s26+$0x460];
	v7 =	vadd.f32 v9, v7;
	v9 =	vmul.f32 v12, v12  }
0x132: {  	v12 =	vmul.f32 v13, v13;
	v13 =	vsub.f32 v4, v14;
	v17 =	vld [tilespmem:s26+$0x450];
	v4 =	vsub.f32 v4, v10  }
0x133: {  	v8 =	vadd.f32 v19, v8;
	v6 =	vmul.f32 v6, v6;
	v20 =	vld [tilespmem:s26+$0x440];
	v7 =	vadd.f32 v9, v7  }
0x134: {  	v9 =	vmul.f32 v13, v13;
	v10 =	vsub.f32 v2, v15;
	v19 =	vld [tilespmem:s26+$0x430];
	v11 =	vsub.f32 v2, v11  }
0x135: {  	v8 =	vadd.f32 v12, v8;
	v2 =	vld [tilespmem:s26+$0x420];
	v6 =	vadd.f32 v6, v7;
	v7 =	vmul.f32 v4, v4  }
0x136: {  	v1 =	vsub.f32 v5, v1;
	v3 =	vsub.f32 v5, v3;
	v10 =	vmul.f32 v10, v10;
	v4 =	vld [tilespmem:s26+$0x410]  }
0x137: {  	v9 =	vadd.f32 v9, v8;
	v11 =	vmul.f32 v11, v11;
	v5 =	vld [tilespmem:s26+$0x400];
	v7 =	vadd.f32 v7, v6  }
0x138: {  	v1 =	vmul.f32 v1, v1;
	v6 =	vld [tilespmem:s26+$0x70]  }
0x139: {  	v3 =	vmul.f32 v3, v3;
	v9 =	vadd.f32 v10, v9;
	v8 =	vld [tilespmem:s26+$0x60];
	v7 =	vadd.f32 v11, v7  }
0x13a: {  	v11 =	vld [tilespmem:s26+$0x50]  }
0x13b: {  	v9 =	vadd.f32 v1, v9;
	v10 =	vld [tilespmem:s26+$0x40];
	v7 =	vadd.f32 v3, v7  }
.Ltmp2:
0x13c: {  	v12 =	vld [tilespmem:s26+$0x30];
	(pc) =	sbr.rel @p0 .LBB2_6-.Ltmp2, $4  }
0x13d: {  	v13 =	vld [tilespmem:s26+$0x20]  }
0x13e: {  	v14 =	vld [tilespmem:s26+$0x10]  }
0x13f: {  	vm2 =	vgt.f32 v18, $5.000000000e-01;
	vm1 =	vgt.f32 v16, $5.000000000e-01;
	v15 =	vld [tilespmem:s26+$0x0]  }
0x140: {  	s29 =	sadd.s32 $0x100, s29;
	vm3 =	vgt.f32 v17, $5.000000000e-01;
	vm4 =	vgt.f32 v20, $5.000000000e-01;
	vm0 =	vgt.f32 v19, $5.000000000e-01;
	v1 =	vld [tilespmem:s26+$0x8470]  }
0x141: {  	v3 =	vld [tilespmem:s26+$0x10470]  }
0x142: {  	v16 =	vld [tilespmem:s26+$0x8020]  }
0x143: {  	v17 =	vld [tilespmem:s26+$0x8000]  }
0x144: {  	v18 =	vld [tilespmem:s26+$0x10000]  }
0x145: {  	v19 =	vld [tilespmem:s26+$0x8010]  }
0x146: {  	v20 =	vld [tilespmem:s26+$0x10010]  }
0x147: {  	v21 =	vld [tilespmem:s26+$0x10020]  }
0x148: {  	v22 =	vld [tilespmem:s26+$0x8030]  }
0x149: {  	v23 =	vld [tilespmem:s26+$0x10030]  }
0x14a: {  	v24 =	vld [tilespmem:s26+$0x8040]  }
0x14b: {  	v25 =	vld [tilespmem:s26+$0x10040]  }
0x14c: {  	v27 =	vld [tilespmem:s26+$0x10050]  }
0x14d: {  	v37 =	vld [tilespmem:s26+$0x8060];
	v54 =	vsel vm3, $0x3F800000, v0;
	vm5 =	vgt.f32 v15, $5.000000000e-01  }
0x14e: {  	v39 =	vld [tilespmem:s26+$0x10060];
	v58 =	vsel vm0, $0x3F800000, v0;
	vm6 =	vgt.f32 v13, $5.000000000e-01;
	v26 =	vsel vm5, $0x3F800000, v0  }
0x14f: {  	v29 =	vld [tilespmem:s26+$0x8070];
	v28 =	vsel vm6, $0x3F800000, v0;
	vm5 =	vgt.f32 v14, $5.000000000e-01;
	v14 =	vsub.f32 v26, v17  }
0x150: {  	v40 =	vld [tilespmem:s26+$0x10070];
	v13 =	vsub.f32 v26, v18;
	v38 =	vsel vm5, $0x3F800000, v0;
	v16 =	vsub.f32 v28, v16  }
0x151: {  	v41 =	vld [tilespmem:s26+$0x8410];
	vm6 =	vgt.f32 v10, $5.000000000e-01;
	v21 =	vsub.f32 v28, v21;
	v19 =	vsub.f32 v38, v19  }
0x152: {  	v42 =	vld [tilespmem:s26+$0x8420];
	v18 =	vsub.f32 v38, v20;
	v14 =	vmul.f32 v14, v14;
	v13 =	vmul.f32 v13, v13  }
0x153: {  	v45 =	vld [tilespmem:s26+$0x10420];
	vm5 =	vgt.f32 v12, $5.000000000e-01;
	v16 =	vmul.f32 v16, v16;
	v43 =	vmul.f32 v21, v21  }
0x154: {  	v15 =	vld [tilespmem:s26+$0x8050];
	v19 =	vmul.f32 v19, v19;
	v18 =	vmul.f32 v18, v18;
	v9 =	vadd.f32 v14, v9  }
0x155: {  	v47 =	vld [tilespmem:s26+$0x8430];
	v14 =	vsel vm5, $0x3F800000, v0;
	v7 =	vadd.f32 v13, v7;
	vm5 =	vgt.f32 v11, $5.000000000e-01  }
0x156: {  	v48 =	vld [tilespmem:s26+$0x10430];
	v11 =	vsel vm6, $0x3F800000, v0;
	v22 =	vsub.f32 v14, v22;
	v14 =	vsub.f32 v14, v23  }
0x157: {  	v50 =	vld [tilespmem:s26+$0x8450];
	vm6 =	vgt.f32 v6, $5.000000000e-01;
	v44 =	vsub.f32 v11, v24;
	v11 =	vsub.f32 v11, v25  }
0x158: {  	v53 =	vld [tilespmem:s26+$0x10460];
	v46 =	vsel vm5, $0x3F800000, v0;
	v9 =	vadd.f32 v19, v9;
	v7 =	vadd.f32 v18, v7  }
0x159: {  	v10 =	vld [tilespmem:s26+$0x10410];
	vm5 =	vgt.f32 v8, $5.000000000e-01;
	v15 =	vsub.f32 v46, v15;
	v25 =	vsub.f32 v46, v27  }
0x15a: {  	v12 =	vld [tilespmem:s26+$0x8400];
	v49 =	vsel vm5, $0x3F800000, v0;
	vm5 =	vgt.f32 v5, $5.000000000e-01;
	v22 =	vmul.f32 v22, v22  }
0x15b: {  	v13 =	vld [tilespmem:s26+$0x10400];
	v14 =	vmul.f32 v14, v14;
	v9 =	vadd.f32 v16, v9;
	v7 =	vadd.f32 v43, v7  }
0x15c: {  	v6 =	vld [tilespmem:s26+$0x10450];
	v21 =	vmul.f32 v44, v44;
	v11 =	vmul.f32 v11, v11;
	v17 =	vsub.f32 v49, v37  }
0x15d: {  	v15 =	vmul.f32 v15, v15;
	v8 =	vadd.f32 v22, v9;
	v9 =	vld [tilespmem:s26+$0x8440];
	v7 =	vadd.f32 v14, v7  }
0x15e: {  	v51 =	vmul.f32 v25, v25;
	v17 =	vmul.f32 v17, v17;
	v14 =	vld [tilespmem:s26+$0x10440];
	v22 =	vsub.f32 v49, v39  }
0x15f: {  	v5 =	vadd.f32 v21, v8;
	v8 =	vsel vm6, $0x3F800000, v0;
	v7 =	vadd.f32 v11, v7;
	v11 =	vld [tilespmem:s26+$0x8460];
	_ =	swait.ge [sflag:s23], $0x4000  }
0x160: {  	vm6 =	vgt.f32 v2, $5.000000000e-01;
	v2 =	vsel vm4, $0x3F800000, v0;
	v52 =	vsub.f32 v8, v29;
	[sflag:s23] =	ssyncset.done $0x0  }
0x161: {  	v8 =	vsub.f32 v8, v40;
	v57 =	vsel vm6, $0x3F800000, v0;
	v5 =	vadd.f32 v15, v5;
	[sflag:s23] =	ssyncadd.s32 $0xFFFFC000  }
0x162: {  	v15 =	vsel vm5, $0x3F800000, v0;
	v7 =	vadd.f32 v51, v7;
	vm5 =	vgt.f32 v4, $5.000000000e-01;
	_ =	swait.ge [sflag:s23], $0x4000  }
0x163: {  	v4 =	vmul.f32 v22, v22;
	v12 =	vsub.f32 v15, v12;
	v13 =	vsub.f32 v15, v13;
	[sflag:s23] =	ssyncset.done $0x0  }
0x164: {  	v56 =	vsel vm5, $0x3F800000, v0;
	v25 =	vmul.f32 v52, v52;
	v5 =	vadd.f32 v17, v5;
	[sflag:s23] =	ssyncadd.s32 $0xFFFFC000  }
0x165: {  	s28 =	simm.s32 $0x0;
	v9 =	vsub.f32 v2, v9;
	v4 =	vadd.f32 v4, v7;
	v7 =	vmul.f32 v8, v8;
	_ =	swait.ge [sflag:s23], $0x4000  }
0x166: {  	s31 =	sand.u32 $0x3800, s28;
	s29 =	sand.u32 $0x380, s28;
	v8 =	vmul.f32 v12, v12;
	v12 =	vsub.f32 v56, v41;
	v5 =	vadd.f32 v25, v5;
	[sflag:s23] =	ssyncset.done $0x0  }
0x167: {  	s26 =	sor.u32 s29, s31;
	v10 =	vsub.f32 v56, v10;
	v4 =	vadd.f32 v7, v4;
	v7 =	vmul.f32 v13, v13;
	[sflag:s23] =	ssyncadd.s32 $0xFFFFC000  }
0x168: {  	v13 =	vsub.f32 v57, v42;
	v12 =	vmul.f32 v12, v12;
	v5 =	vadd.f32 v8, v5;
	v59 =	vld [tilespmem:s26+$0x4470]  }
0x169: {  	v8 =	vsub.f32 v57, v45;
	v4 =	vadd.f32 v7, v4;
	v7 =	vmul.f32 v10, v10;
	v60 =	vld [tilespmem:s26+$0x4460]  }
0x16a: {  	v10 =	vmul.f32 v13, v13;
	v13 =	vsub.f32 v58, v47;
	v61 =	vld [tilespmem:s26+$0x4450];
	v5 =	vadd.f32 v12, v5  }
0x16b: {  	v62 =	vld [tilespmem:s26+$0x4440];
	v12 =	vsub.f32 v58, v48;
	v4 =	vadd.f32 v7, v4;
	v7 =	vmul.f32 v8, v8  }
0x16c: {  	v2 =	vsub.f32 v2, v14;
	v63 =	vld [tilespmem:s26+$0x4430];
	v8 =	vmul.f32 v13, v13;
	v5 =	vadd.f32 v10, v5  }
0x16d: {  	v13 =	vsub.f32 v54, v6;
	v6 =	vld [tilespmem:s26+$0x4070];
	v7 =	vadd.f32 v7, v4;
	v10 =	vmul.f32 v12, v12  }
0x16e: {  	v9 =	vmul.f32 v9, v9;
	v4 =	vld [tilespmem:s26+$0x4420];
	v12 =	vsub.f32 v54, v50;
	v8 =	vadd.f32 v8, v5  }
0x16f: {  	v55 =	vsel vm1, $0x3F800000, v0;
	v5 =	vld [tilespmem:s26+$0x4410];
	v7 =	vadd.f32 v10, v7;
	v10 =	vmul.f32 v2, v2  }
0x170: {  	v11 =	vsub.f32 v55, v11;
	v2 =	vld [tilespmem:s26+$0x4400];
	v12 =	vmul.f32 v12, v12;
	v8 =	vadd.f32 v9, v8  }
0x171: {  	v14 =	vsub.f32 v55, v53;
	v13 =	vmul.f32 v13, v13;
	v7 =	vadd.f32 v10, v7;
	v9 =	vld [tilespmem:s26+$0x4060]  }
0x172: {  	v15 =	vsel vm2, $0x3F800000, v0;
	v11 =	vmul.f32 v11, v11;
	v10 =	vld [tilespmem:s26+$0x4050];
	v8 =	vadd.f32 v12, v8  }
0x173: {  	v12 =	vsub.f32 v15, v3;
	v7 =	vadd.f32 v13, v7;
	v13 =	vmul.f32 v14, v14;
	v3 =	vld [tilespmem:s26+$0x4040]  }
0x174: {  	v1 =	vsub.f32 v15, v1;
	v8 =	vadd.f32 v11, v8;
	v11 =	vld [tilespmem:s26+$0x4030]  }
0x175: {  	v7 =	vadd.f32 v13, v7;
	v14 =	vmul.f32 v12, v12;
	v13 =	vld [tilespmem:s26+$0x4020]  }
0x176: {  	v1 =	vmul.f32 v1, v1;
	vm1 =	vgt.f32 v60, $5.000000000e-01;
	v12 =	vld [tilespmem:s26+$0x4010]  }
0x177: {  	vm2 =	vgt.f32 v59, $5.000000000e-01;
	vm0 =	vgt.f32 v63, $5.000000000e-01;
	v7 =	vadd.f32 v14, v7;
	v14 =	vld [tilespmem:s26+$0x4000]  }
0x178: {  	s29 =	simm.s32 $0x100;
	vm3 =	vgt.f32 v62, $5.000000000e-01;
	vm4 =	vgt.f32 v61, $5.000000000e-01;
	v8 =	vadd.f32 v1, v8;
	v1 =	vld [tilespmem:s26+$0xC470]  }
.LBB2_8:
0x179: {  	p0 =	sne.s32 s29, $0x3F00;
	vm7 =	vgt.f32 v2, $5.000000000e-01;
	vm8 =	vgt.f32 v5, $5.000000000e-01;
	vm9 =	vgt.f32 v4, $5.000000000e-01;
	v2 =	vld [tilespmem:s26+$0x14470]  }
0x17a: {  	vm10 =	vgt.f32 v10, $5.000000000e-01;
	vm11 =	vgt.f32 v9, $5.000000000e-01;
	vm12 =	vgt.f32 v6, $5.000000000e-01;
	v15 =	vld [tilespmem:s26+$0xC020]  }
0x17b: {  	vm6 =	vgt.f32 v11, $5.000000000e-01;
	vm13 =	vgt.f32 v3, $5.000000000e-01;
	vm5 =	vgt.f32 v13, $5.000000000e-01;
	v9 =	vld [tilespmem:s26+$0xC000]  }
0x17c: {  	v3 =	vsel vm2, $0x3F800000, v0;
	vm15 =	vgt.f32 v12, $5.000000000e-01;
	vm14 =	vgt.f32 v14, $5.000000000e-01;
	v10 =	vld [tilespmem:s26+$0x14000]  }
0x17d: {  	v6 =	vsel vm3, $0x3F800000, v0;
	v5 =	vsel vm4, $0x3F800000, v0;
	v4 =	vsel vm1, $0x3F800000, v0;
	v11 =	vld [tilespmem:s26+$0xC010]  }
0x17e: {  	v16 =	vsel vm0, $0x3F800000, v0;
	v13 =	vsel vm8, $0x3F800000, v0;
	v14 =	vsel vm9, $0x3F800000, v0;
	v12 =	vld [tilespmem:s26+$0x14010]  }
0x17f: {  	v18 =	vsel vm11, $0x3F800000, v0;
	v19 =	vsel vm12, $0x3F800000, v0;
	v20 =	vsel vm7, $0x3F800000, v0;
	v17 =	vld [tilespmem:s26+$0x14020]  }
0x180: {  	v23 =	vsel vm13, $0x3F800000, v0;
	v24 =	vsel vm10, $0x3F800000, v0;
	v21 =	vsel vm14, $0x3F800000, v0;
	v22 =	vld [tilespmem:s26+$0xC030]  }
0x181: {  	v9 =	vsub.f32 v21, v9;
	v10 =	vsub.f32 v21, v10;
	v21 =	vsel vm15, $0x3F800000, v0;
	v25 =	vld [tilespmem:s26+$0x14030]  }
0x182: {  	v27 =	vsel vm6, $0x3F800000, v0;
	v26 =	vsel vm5, $0x3F800000, v0;
	v11 =	vsub.f32 v21, v11;
	v28 =	vld [tilespmem:s26+$0xC040]  }
0x183: {  	v9 =	vmul.f32 v9, v9;
	v10 =	vmul.f32 v10, v10;
	v12 =	vsub.f32 v21, v12;
	v21 =	vld [tilespmem:s26+$0x14040]  }
0x184: {  	v15 =	vsub.f32 v26, v15;
	v11 =	vmul.f32 v11, v11;
	v17 =	vsub.f32 v26, v17;
	v26 =	vld [tilespmem:s26+$0xC050]  }
0x185: {  	v8 =	vadd.f32 v9, v8;
	v7 =	vadd.f32 v10, v7;
	v9 =	vmul.f32 v12, v12;
	v10 =	vld [tilespmem:s26+$0x14050]  }
0x186: {  	v12 =	vmul.f32 v15, v15;
	v15 =	vsub.f32 v27, v22;
	v22 =	vsub.f32 v27, v25;
	v25 =	vld [tilespmem:s26+$0xC060]  }
0x187: {  	v8 =	vadd.f32 v11, v8;
	v7 =	vadd.f32 v9, v7;
	v9 =	vmul.f32 v17, v17;
	v11 =	vld [tilespmem:s26+$0x14060]  }
0x188: {  	v15 =	vmul.f32 v15, v15;
	v17 =	vsub.f32 v23, v28;
	v21 =	vsub.f32 v23, v21;
	v23 =	vld [tilespmem:s26+$0xC070]  }
0x189: {  	v8 =	vadd.f32 v12, v8;
	v7 =	vadd.f32 v9, v7;
	v9 =	vmul.f32 v22, v22;
	v12 =	vld [tilespmem:s26+$0x14070]  }
0x18a: {  	v17 =	vmul.f32 v17, v17;
	v22 =	vsub.f32 v24, v26;
	v10 =	vsub.f32 v24, v10;
	v24 =	vld [tilespmem:s26+$0xC400]  }
0x18b: {  	v8 =	vadd.f32 v15, v8;
	v7 =	vadd.f32 v9, v7;
	v9 =	vmul.f32 v21, v21;
	v15 =	vld [tilespmem:s26+$0x14400]  }
0x18c: {  	v21 =	vmul.f32 v22, v22;
	v22 =	vsub.f32 v18, v25;
	v11 =	vsub.f32 v18, v11;
	v18 =	vld [tilespmem:s26+$0xC410]  }
0x18d: {  	v8 =	vadd.f32 v17, v8;
	v7 =	vadd.f32 v9, v7;
	v9 =	vmul.f32 v10, v10;
	v10 =	vld [tilespmem:s26+$0x14410]  }
0x18e: {  	v17 =	vmul.f32 v22, v22;
	v22 =	vsub.f32 v19, v23;
	v12 =	vsub.f32 v19, v12;
	v19 =	vld [tilespmem:s26+$0xC420]  }
0x18f: {  	v8 =	vadd.f32 v21, v8;
	v7 =	vadd.f32 v9, v7;
	v9 =	vmul.f32 v11, v11;
	v11 =	vld [tilespmem:s26+$0x14420]  }
0x190: {  	v21 =	vmul.f32 v22, v22;
	v22 =	vsub.f32 v20, v24;
	v15 =	vsub.f32 v20, v15;
	v20 =	vld [tilespmem:s26+$0xC430]  }
0x191: {  	v8 =	vadd.f32 v17, v8;
	v7 =	vadd.f32 v9, v7;
	v9 =	vmul.f32 v12, v12;
	v12 =	vld [tilespmem:s26+$0x14430]  }
0x192: {  	v17 =	vmul.f32 v22, v22;
	v18 =	vsub.f32 v13, v18;
	v10 =	vsub.f32 v13, v10;
	v13 =	vld [tilespmem:s26+$0xC440]  }
0x193: {  	v8 =	vadd.f32 v21, v8;
	v7 =	vadd.f32 v9, v7;
	v9 =	vmul.f32 v15, v15;
	v15 =	vld [tilespmem:s26+$0x14440]  }
0x194: {  	v18 =	vmul.f32 v18, v18;
	v19 =	vsub.f32 v14, v19;
	v11 =	vsub.f32 v14, v11;
	v14 =	vld [tilespmem:s26+$0xC450]  }
0x195: {  	s28 =	sadd.s32 $0x80, s28;
	v8 =	vadd.f32 v17, v8;
	v7 =	vadd.f32 v9, v7;
	v9 =	vmul.f32 v10, v10;
	v10 =	vld [tilespmem:s26+$0x14450]  }
0x196: {  	s30 =	sand.u32 $0x3800, s29;
	s31 =	sand.u32 $0x380, s28;
	v17 =	vmul.f32 v19, v19;
	v19 =	vsub.f32 v16, v20;
	v12 =	vsub.f32 v16, v12;
	v16 =	vld [tilespmem:s26+$0xC460]  }
0x197: {  	v8 =	vadd.f32 v18, v8;
	v7 =	vadd.f32 v9, v7;
	v9 =	vmul.f32 v11, v11;
	v11 =	vld [tilespmem:s26+$0x14460];
	s26 =	sor.u32 s31, s30  }
0x198: {  	v19 =	vmul.f32 v19, v19;
	v13 =	vsub.f32 v6, v13;
	v18 =	vld [tilespmem:s26+$0x4470];
	v6 =	vsub.f32 v6, v15  }
0x199: {  	v8 =	vadd.f32 v17, v8;
	v15 =	vld [tilespmem:s26+$0x4460];
	v7 =	vadd.f32 v9, v7;
	v9 =	vmul.f32 v12, v12  }
0x19a: {  	v12 =	vmul.f32 v13, v13;
	v13 =	vsub.f32 v5, v14;
	v17 =	vld [tilespmem:s26+$0x4450];
	v5 =	vsub.f32 v5, v10  }
0x19b: {  	v8 =	vadd.f32 v19, v8;
	v6 =	vmul.f32 v6, v6;
	v20 =	vld [tilespmem:s26+$0x4440];
	v7 =	vadd.f32 v9, v7  }
0x19c: {  	v9 =	vmul.f32 v13, v13;
	v10 =	vsub.f32 v4, v16;
	v19 =	vld [tilespmem:s26+$0x4430];
	v11 =	vsub.f32 v4, v11  }
0x19d: {  	v8 =	vadd.f32 v12, v8;
	v4 =	vld [tilespmem:s26+$0x4420];
	v6 =	vadd.f32 v6, v7;
	v7 =	vmul.f32 v5, v5  }
0x19e: {  	v1 =	vsub.f32 v3, v1;
	v3 =	vsub.f32 v3, v2;
	v10 =	vmul.f32 v10, v10;
	v5 =	vld [tilespmem:s26+$0x4410]  }
0x19f: {  	v8 =	vadd.f32 v9, v8;
	v11 =	vmul.f32 v11, v11;
	v2 =	vld [tilespmem:s26+$0x4400];
	v7 =	vadd.f32 v7, v6  }
0x1a0: {  	v1 =	vmul.f32 v1, v1;
	v6 =	vld [tilespmem:s26+$0x4070]  }
0x1a1: {  	v8 =	vadd.f32 v10, v8;
	v9 =	vld [tilespmem:s26+$0x4060];
	v7 =	vadd.f32 v11, v7;
	v11 =	vmul.f32 v3, v3  }
0x1a2: {  	v10 =	vld [tilespmem:s26+$0x4050]  }
0x1a3: {  	v8 =	vadd.f32 v1, v8;
	v3 =	vld [tilespmem:s26+$0x4040];
	v7 =	vadd.f32 v11, v7  }
.Ltmp3:
0x1a4: {  	v11 =	vld [tilespmem:s26+$0x4030];
	(pc) =	sbr.rel @p0 .LBB2_8-.Ltmp3, $4  }
0x1a5: {  	v13 =	vld [tilespmem:s26+$0x4020]  }
0x1a6: {  	v12 =	vld [tilespmem:s26+$0x4010]  }
0x1a7: {  	vm2 =	vgt.f32 v18, $5.000000000e-01;
	vm1 =	vgt.f32 v15, $5.000000000e-01;
	v14 =	vld [tilespmem:s26+$0x4000]  }
0x1a8: {  	s29 =	sadd.s32 $0x100, s29;
	vm4 =	vgt.f32 v17, $5.000000000e-01;
	vm3 =	vgt.f32 v20, $5.000000000e-01;
	vm0 =	vgt.f32 v19, $5.000000000e-01;
	v1 =	vld [tilespmem:s26+$0xC470]  }
0x1a9: {  	vm5 =	vgt.f32 v2, $5.000000000e-01;
	vm6 =	vgt.f32 v5, $5.000000000e-01;
	vm7 =	vgt.f32 v4, $5.000000000e-01  }
0x1aa: {  	vm8 =	vgt.f32 v10, $5.000000000e-01;
	vm9 =	vgt.f32 v9, $5.000000000e-01;
	vm10 =	vgt.f32 v6, $5.000000000e-01  }
0x1ab: {  	v47 =	vld [tilespmem:s26+$0xC000];
	vm12 =	vgt.f32 v11, $5.000000000e-01;
	vm13 =	vgt.f32 v3, $5.000000000e-01;
	v2 =	vsel vm2, $0x3F800000, v0  }
0x1ac: {  	v3 =	vld [tilespmem:s26+$0x14000];
	v6 =	vsel vm3, $0x3F800000, v0;
	v9 =	vsel vm4, $0x3F800000, v0;
	v10 =	vsel vm1, $0x3F800000, v0  }
0x1ad: {  	v48 =	vld [tilespmem:s26+$0xC010];
	v52 =	vsel vm0, $0x3F800000, v0;
	vm11 =	vgt.f32 v13, $5.000000000e-01;
	v50 =	vsel vm6, $0x3F800000, v0  }
0x1ae: {  	v49 =	vld [tilespmem:s26+$0x14010];
	v51 =	vsel vm7, $0x3F800000, v0;
	v16 =	vsel vm9, $0x3F800000, v0;
	vm14 =	vgt.f32 v14, $5.000000000e-01  }
0x1af: {  	v15 =	vld [tilespmem:s26+$0xC020];
	v17 =	vsel vm10, $0x3F800000, v0;
	v20 =	vsel vm5, $0x3F800000, v0;
	v18 =	vsel vm14, $0x3F800000, v0  }
0x1b0: {  	v19 =	vld [tilespmem:s26+$0x14020];
	v21 =	vsel vm13, $0x3F800000, v0;
	vm15 =	vgt.f32 v12, $5.000000000e-01;
	v4 =	vsub.f32 v18, v47  }
0x1b1: {  	v22 =	vld [tilespmem:s26+$0xC030];
	v23 =	vsel vm8, $0x3F800000, v0;
	v53 =	vsel vm15, $0x3F800000, v0;
	v3 =	vsub.f32 v18, v3  }
0x1b2: {  	v24 =	vld [tilespmem:s26+$0x14030];
	v26 =	vsel vm12, $0x3F800000, v0;
	v5 =	vsub.f32 v53, v48;
	v4 =	vmul.f32 v4, v4  }
0x1b3: {  	v27 =	vld [tilespmem:s26+$0xC040];
	v25 =	vsel vm11, $0x3F800000, v0;
	v11 =	vsub.f32 v53, v49;
	v3 =	vmul.f32 v3, v3  }
0x1b4: {  	v54 =	vld [tilespmem:s26+$0x14040];
	v15 =	vsub.f32 v25, v15;
	v5 =	vmul.f32 v5, v5;
	v4 =	vadd.f32 v4, v8  }
0x1b5: {  	v56 =	vld [tilespmem:s26+$0xC050];
	v55 =	vsub.f32 v25, v19;
	v57 =	vmul.f32 v11, v11;
	v3 =	vadd.f32 v3, v7  }
0x1b6: {  	v58 =	vld [tilespmem:s26+$0x14050];
	v22 =	vsub.f32 v26, v22;
	v15 =	vmul.f32 v15, v15;
	v4 =	vadd.f32 v5, v4  }
0x1b7: {  	v60 =	vld [tilespmem:s26+$0xC060];
	v59 =	vsub.f32 v26, v24;
	v61 =	vmul.f32 v55, v55;
	v3 =	vadd.f32 v57, v3  }
0x1b8: {  	v62 =	vld [tilespmem:s26+$0x14060];
	v63 =	vsub.f32 v21, v27;
	v22 =	vmul.f32 v22, v22;
	v4 =	vadd.f32 v15, v4  }
0x1b9: {  	v26 =	vsub.f32 v21, v54;
	v27 =	vld [tilespmem:s26+$0xC070];
	v5 =	vmul.f32 v59, v59;
	v3 =	vadd.f32 v61, v3  }
0x1ba: {  	v28 =	vld [tilespmem:s26+$0x14070];
	v19 =	vsub.f32 v23, v56;
	v29 =	vmul.f32 v63, v63;
	v4 =	vadd.f32 v22, v4  }
0x1bb: {  	v30 =	vld [tilespmem:s26+$0xC400];
	v11 =	vsub.f32 v23, v58;
	v31 =	vmul.f32 v26, v26;
	v3 =	vadd.f32 v5, v3  }
0x1bc: {  	v32 =	vld [tilespmem:s26+$0x14400];
	v33 =	vsub.f32 v16, v60;
	v19 =	vmul.f32 v19, v19;
	v4 =	vadd.f32 v29, v4  }
0x1bd: {  	v34 =	vld [tilespmem:s26+$0xC410];
	v8 =	vsub.f32 v16, v62;
	v35 =	vmul.f32 v11, v11;
	v3 =	vadd.f32 v31, v3  }
0x1be: {  	v36 =	vld [tilespmem:s26+$0x14410];
	v37 =	vmul.f32 v33, v33;
	v18 =	vsub.f32 v17, v27;
	v4 =	vadd.f32 v19, v4  }
0x1bf: {  	v38 =	vld [tilespmem:s26+$0xC420];
	v7 =	vsub.f32 v17, v28;
	v39 =	vmul.f32 v8, v8;
	v3 =	vadd.f32 v35, v3  }
0x1c0: {  	v40 =	vld [tilespmem:s26+$0x14420];
	v41 =	vsub.f32 v20, v30;
	v18 =	vmul.f32 v18, v18;
	v4 =	vadd.f32 v37, v4  }
0x1c1: {  	v42 =	vld [tilespmem:s26+$0xC430];
	v43 =	vmul.f32 v7, v7;
	v15 =	vsub.f32 v20, v32;
	v3 =	vadd.f32 v39, v3  }
0x1c2: {  	v44 =	vld [tilespmem:s26+$0x14430];
	v16 =	vsub.f32 v50, v34;
	v19 =	vmul.f32 v41, v41;
	v4 =	vadd.f32 v18, v4  }
0x1c3: {  	v45 =	vld [tilespmem:s26+$0xC440];
	v11 =	vsub.f32 v50, v36;
	v46 =	vmul.f32 v15, v15;
	v3 =	vadd.f32 v43, v3  }
0x1c4: {  	v47 =	vld [tilespmem:s26+$0x14440];
	v17 =	vsub.f32 v51, v38;
	v16 =	vmul.f32 v16, v16;
	v4 =	vadd.f32 v19, v4  }
0x1c5: {  	v48 =	vld [tilespmem:s26+$0xC450];
	v8 =	vsub.f32 v51, v40;
	v49 =	vmul.f32 v11, v11;
	v3 =	vadd.f32 v46, v3  }
0x1c6: {  	v50 =	vld [tilespmem:s26+$0x14450];
	v51 =	vsub.f32 v52, v42;
	v17 =	vmul.f32 v17, v17;
	v4 =	vadd.f32 v16, v4  }
0x1c7: {  	v7 =	vsub.f32 v52, v44;
	v52 =	vld [tilespmem:s26+$0xC460];
	v53 =	vmul.f32 v8, v8;
	v3 =	vadd.f32 v49, v3  }
0x1c8: {  	v54 =	vld [tilespmem:s26+$0x14460];
	v12 =	vsub.f32 v6, v45;
	v55 =	vmul.f32 v51, v51;
	v4 =	vadd.f32 v17, v4  }
0x1c9: {  	v6 =	vsub.f32 v6, v47;
	v56 =	vmul.f32 v7, v7;
	v3 =	vadd.f32 v53, v3  }
0x1ca: {  	v12 =	vmul.f32 v12, v12;
	v13 =	vsub.f32 v9, v48;
	v57 =	vld [tilespmem:s26+$0x14470];
	v4 =	vadd.f32 v55, v4  }
0x1cb: {  	v58 =	vmul.f32 v6, v6;
	v9 =	vsub.f32 v9, v50;
	v3 =	vadd.f32 v56, v3  }
0x1cc: {  	v59 =	vmul.f32 v13, v13;
	v60 =	vsub.f32 v10, v52;
	v4 =	vadd.f32 v12, v4  }
0x1cd: {  	v8 =	vsub.f32 v10, v54;
	v61 =	vmul.f32 v9, v9;
	v3 =	vadd.f32 v58, v3  }
0x1ce: {  	v1 =	vsub.f32 v2, v1;
	v62 =	vmul.f32 v60, v60;
	v4 =	vadd.f32 v59, v4  }
0x1cf: {  	v63 =	vmul.f32 v8, v8;
	v2 =	vsub.f32 v2, v57;
	v3 =	vadd.f32 v61, v3  }
0x1d0: {  	v1 =	vmul.f32 v1, v1;
	v4 =	vadd.f32 v62, v4  }
0x1d1: {  	v2 =	vmul.f32 v2, v2;
	v3 =	vadd.f32 v63, v3  }
0x1d2: {  	v1 =	vadd.f32 v1, v4  }
0x1d3: {  	v2 =	vadd.f32 v2, v3  }
0x1d4: {  	(v2sf) =	vpush v1, $0x0  }
0x1d5: {  	(v2sf) =	vpush v2, $0x0  }
0x1d6: {  	(v2sf) =	vpush v1, $0x1  }
0x1d7: {  	(v2sf) =	vpush v2, $0x1  }
0x1d8: {  	(v2sf) =	vpush v1, $0x2  }
0x1d9: {  	(v2sf) =	vpush v2, $0x2  }
0x1da: {  	(v2sf) =	vpush v1, $0x3  }
0x1db: {  	(v2sf) =	vpush v2, $0x3  }
0x1dc: {  	(v2sf) =	vpush v1, $0x4  }
0x1dd: {  	(v2sf) =	vpush v2, $0x4  }
0x1de: {  	(v2sf) =	vpush v1, $0x5  }
0x1df: {  	(v2sf) =	vpush v2, $0x5  }
0x1e0: {  	(v2sf) =	vpush v1, $0x6  }
0x1e1: {  	(v2sf) =	vpush v2, $0x6  }
0x1e2: {  	(v2sf) =	vpush v1, $0x7  }
0x1e3: {  	s26 =	spop (v2sf);
	(v2sf) =	vpush v2, $0x7  }
0x1e4: {  	s28 =	spop (v2sf);
	(v2sf) =	vpush v1, $0x8  }
0x1e5: {  	s29 =	spop (v2sf);
	(v2sf) =	vpush v2, $0x8  }
0x1e6: {  	s30 =	spop (v2sf);
	(v2sf) =	vpush v1, $0x9  }
0x1e7: {  	s28 =	sadd.f32 s28, s30;
	s30 =	spop (v2sf);
	(v2sf) =	vpush v2, $0x9  }
0x1e8: {  	s31 =	spop (v2sf);
	(v2sf) =	vpush v1, $0xA  }
0x1e9: {  	s28 =	sadd.f32 s28, s31;
	s31 =	spop (v2sf);
	(v2sf) =	vpush v2, $0xA  }
0x1ea: {  	s26 =	sadd.f32 s26, s29;
	s29 =	spop (v2sf);
	(v2sf) =	vpush v1, $0xB  }
0x1eb: {  	s28 =	sadd.f32 s28, s29;
	s29 =	spop (v2sf);
	(v2sf) =	vpush v2, $0xB  }
0x1ec: {  	s26 =	sadd.f32 s26, s30;
	s30 =	spop (v2sf);
	(v2sf) =	vpush v1, $0xC  }
0x1ed: {  	s28 =	sadd.f32 s28, s30;
	s30 =	spop (v2sf);
	(v2sf) =	vpush v2, $0xC  }
0x1ee: {  	s26 =	sadd.f32 s26, s31;
	s31 =	spop (v2sf);
	(v2sf) =	vpush v1, $0xD  }
0x1ef: {  	s28 =	sadd.f32 s28, s31;
	s31 =	spop (v2sf);
	(v2sf) =	vpush v2, $0xD  }
0x1f0: {  	s26 =	sadd.f32 s26, s29;
	s29 =	spop (v2sf);
	(v2sf) =	vpush v1, $0xE  }
0x1f1: {  	s28 =	sadd.f32 s28, s29;
	s29 =	spop (v2sf);
	(v2sf) =	vpush v2, $0xE  }
0x1f2: {  	s26 =	sadd.f32 s26, s30;
	s30 =	spop (v2sf);
	(v2sf) =	vpush v1, $0xF  }
0x1f3: {  	s28 =	sadd.f32 s28, s30;
	s30 =	spop (v2sf);
	(v2sf) =	vpush v2, $0xF  }
0x1f4: {  	s26 =	sadd.f32 s26, s31;
	s31 =	spop (v2sf)  }
0x1f5: {  	s28 =	sadd.f32 s28, s31;
	s31 =	spop (v2sf)  }
0x1f6: {  	s26 =	sadd.f32 s26, s29;
	s29 =	spop (v2sf)  }
0x1f7: {  	s28 =	sadd.f32 s28, s29;
	s29 =	spop (v2sf)  }
0x1f8: {  	s26 =	sadd.f32 s26, s30;
	s30 =	spop (v2sf)  }
0x1f9: {  	s28 =	sadd.f32 s28, s30;
	s30 =	spop (v2sf)  }
0x1fa: {  	s26 =	sadd.f32 s26, s31;
	s31 =	spop (v2sf)  }
0x1fb: {  	s28 =	sadd.f32 s28, s31;
	s31 =	spop (v2sf)  }
0x1fc: {  	s26 =	sadd.f32 s26, s29;
	s29 =	spop (v2sf)  }
0x1fd: {  	s28 =	sadd.f32 s28, s29;
	s29 =	spop (v2sf)  }
0x1fe: {  	s26 =	sadd.f32 s26, s30;
	s30 =	spop (v2sf)  }
0x1ff: {  	s28 =	sadd.f32 s28, s30;
	s30 =	spop (v2sf)  }
0x200: {  	s26 =	sadd.f32 s26, s31;
	s31 =	spop (v2sf)  }
0x201: {  	s28 =	sadd.f32 s28, s31;
	s31 =	spop (v2sf)  }
0x202: {  	s26 =	sadd.f32 s26, s29;
	s29 =	spop (v2sf)  }
0x203: {  	s28 =	sadd.f32 s28, s29  }
0x204: {  	s26 =	sadd.f32 s26, s30  }
0x205: {  	s28 =	smul.f32 $1.525878910e-05, s28  }
0x206: {  	s26 =	sadd.f32 s26, s31  }
0x207: {  	s28 =	ssub.f32 $1.000000000e+00, s28  }
0x208: {  	s26 =	smul.f32 $1.525878910e-05, s26  }
0x209: {  	s28 =	smax.f32 s28, $0.0e+00  }
0x20a: {  	s26 =	sadd.f32 s28, s26  }
0x20b: {  	s25 =	sadd.s32 $0x1, s25  }
0x20c: {  	p0 =	sne.s32 s25, s16;
	v1 =	vmov s26  }
.Ltmp4:
0x20d: {  	[tilespmem:$0x0] =	vst v1;
	(pc) =	sbr.rel @p0 .LBB2_1-.Ltmp4, $4  }
0x20e: {  	[hbm4b:s15+s2] =	stream.linear.scatter [tilespmem:s2], [sflag:$0x3], $0x10, $0x38;
	[tilespmem:$0x18000] =	vst v63  }
0x20f: {  	_ =	swait.ge [sflag:s24], $0x10  }
0x210: {  	[sflag:s24] =	ssyncset.done $0x0  }
0x211: {  	[sflag:s24] =	ssyncadd.s32 $0xFFFFFFF0  }
0x212: {  	_ =	sfence.sel $0x180000  }
0x213: {  	[bflag:$0x0] =	sbarrier.arrive $0xFFFF  }
0x214: {  	p0 =	sne.s32 s1, $0x0;
	_ =	strace $0x90000047  }
0x215: {  	s0 =	sadd.s32 @!p0 $0x100000, s0;
	[bflag:$0x2] =	sbarrier.arrive $0xFFFF  }
0x216: {  	[sflag:s0] =	ssyncadd.tile.s32 @!p0 $0x1;
	_ =	shalt  }
.Lfunc_end2:
_tile_overlayer_lowered:
.L_overlay_start_2:
0x217: {  	(tag) =	ssettag $0x2  }
0x218: {  	s0 =	rddreg [dreg:$0x0];
	s2 =	stileid.u32  }
0x219: {  	s1 =	rddreg [dreg:$0x1];
	p0 =	sne.s32 s2, $0x0  }
0x21a: {  	s3 =	rddreg [dreg:$0x2];
	[bflag:$0x3] =	sbarrier.arrive $0xFFFF;
	s2 =	simm.s32 @!p0 $0x1C03  }
0x21b: {  	[timem:s3], [sflag:s2] =	dma.local @!p0 [hbm:s0], s1  }
0x21c: {  	s0 =	simm.s32 @!p0 $0x3  }
0x21d: {  	_ =	swait.ge @!p0 [sflag:s0], s1  }
0x21e: {  	s1 =	ssub.s32 @!p0 $0x0, s1;
	[sflag:s0] =	ssyncset.done @!p0 $0x0  }
0x21f: {  	[sflag:s0] =	ssyncadd.s32 @!p0 s1  }
0x220: {  	[bflag:$0x3] =	sbarrier.arrive $0xFFFF  }
0x221: {  	_ =	shalt  }

</sc_bundles>
